<compile_context>
chip_gen: v7x
topology: tpu7x:2x2x1
jax: 0.10.2.dev20260603
libtpu: 0.0.44.dev20260713+nightly
codegen_flags: <defaults>
</compile_context>

<pallas_src>
import functools

import jax
import jax.numpy as jnp
from jax import lax
from jax.experimental import pallas as pl
from jax.experimental.pallas import tpu as pltpu
from jax.experimental.pallas import tpu_sc as plsc

VOCAB = 50304
D = 1024
N = 4 * 2048

_info = plsc.get_sparse_core_info()
NC, NS = _info.num_cores, _info.num_subcores
NW = NC * NS
PER_W = N // NW
CHUNK = 32
NCHUNK = PER_W // CHUNK

NBUF = 3

_mesh = plsc.VectorSubcoreMesh(core_axis_name="c", subcore_axis_name="s")


@functools.partial(
    pl.kernel,
    out_type=tuple(
        jax.ShapeDtypeStruct((N, D), jnp.float32) for _ in range(12)
    ),
    mesh=_mesh,
    scratch_types=[
        pltpu.VMEM((NCHUNK, CHUNK), jnp.int32),
        tuple(pltpu.VMEM((CHUNK, D), jnp.float32) for _ in range(NBUF)),
        tuple(pltpu.SemaphoreType.DMA for _ in range(NBUF)),
        tuple(pltpu.SemaphoreType.DMA for _ in range(NBUF)),
    ],
)
def _gather6(idx_hbm, w0, w1, w2, w3, w4, w5,
             o0, o1, o2, o3, o4, o5, o6, o7, o8, o9, o10, o11,
             idx_v, bufs, gsems, wsems):
    wid = lax.axis_index("s") * NC + lax.axis_index("c")
    base = wid * PER_W
    pltpu.sync_copy(idx_hbm.at[wid], idx_v)
    outs = (o0, o1, o2, o3, o4, o5, o6, o7, o8, o9, o10, o11)
    tasks = [(w, outs[t], outs[11 - t], c)
             for t, w in enumerate((w0, w1, w2, w3, w4, w5))
             for c in range(NCHUNK)]
    nt = len(tasks)
    gdesc = [None] * NBUF
    wdesc = [None] * NBUF
    for i in range(nt + 1):
        if i >= 1:
            k = i - 1
            s = k % NBUF
            _, oa, ob, c = tasks[k]
            gdesc[s].wait()
            dst = pl.ds(base + c * CHUNK, CHUNK)
            wdesc[s] = (
                pltpu.async_copy(bufs[s], oa.at[dst], wsems[s]),
                pltpu.async_copy(bufs[s], ob.at[dst], wsems[s]),
            )
        if i < nt:
            s = i % NBUF
            w, _, _, c = tasks[i]
            if wdesc[s] is not None:
                for d in wdesc[s]:
                    d.wait()
            gdesc[s] = pltpu.async_copy(
                w.at[idx_v.at[c]], bufs[s], gsems[s])
    for pair in wdesc:
        for d in pair:
            d.wait()


def kernel(inputs, W0, W1, W2, W3, W4, W5):
    B, S = inputs.shape
    idx3 = inputs.reshape(NW, NCHUNK, CHUNK)
    outs = _gather6(idx3, W0, W1, W2, W3, W4, W5)
    return tuple(o.reshape(B, S, D) for o in outs)

# --- scband reference (transcript-rebuilt; emitter-appended) ---
"""Pipeline reference for scband-value-embedding-69209103007940 (READ-ONLY COPY).

The authoritative reference and input builder live on the scoring server;
editing this copy changes nothing except your own understanding.
"""

import jax, jax.numpy as jnp
import numpy as np

VOCAB = 50304
D = 1024
B, S = 4, 2048

def setup_inputs(seed: int = 0):
    key = jax.random.key(seed)
    ks = jax.random.split(key, 7)
    inputs = jax.random.randint(ks[0], (B, S), 0, VOCAB).astype(jnp.int32)
    out = {"inputs": inputs}
    for i in range(6):
        out[f"W{i}"] = jax.random.normal(ks[i + 1], (VOCAB, D), dtype=jnp.float32) * 0.02
    return out

def reference(inputs, W0, W1, W2, W3, W4, W5):
    tables = [W0, W1, W2, W3, W4, W5]
    # ve = [emb(inputs) for emb in self.embed]
    ve = [jnp.take(W, inputs, axis=0) for W in tables]
    # ve += reversed(ve)  -> 12 outputs total
    ve = ve + ve[::-1]
    return tuple(ve)

if __name__ == "__main__":
    import jax
    _d = setup_inputs()
    print(jax.jit(kernel)(*tuple(_d.values())))

</pallas_src>

<mosaic_0001>
#map = affine_map<(d0, d1) -> (0, 0, 0)>
#map1 = affine_map<(d0, d1) -> (0, 0)>
module attributes {stable_mosaic.version = 14 : i64} {
  func.func @_gather6(%arg0: i32, %arg1: i32, %arg2: memref<32x8x32xi32, #tpu.memory_space<hbm>>, %arg3: memref<50304x1024xf32, #tpu.memory_space<hbm>>, %arg4: memref<50304x1024xf32, #tpu.memory_space<hbm>>, %arg5: memref<50304x1024xf32, #tpu.memory_space<hbm>>, %arg6: memref<50304x1024xf32, #tpu.memory_space<hbm>>, %arg7: memref<50304x1024xf32, #tpu.memory_space<hbm>>, %arg8: memref<50304x1024xf32, #tpu.memory_space<hbm>>, %arg9: memref<8192x1024xf32, #tpu.memory_space<hbm>>, %arg10: memref<8192x1024xf32, #tpu.memory_space<hbm>>, %arg11: memref<8192x1024xf32, #tpu.memory_space<hbm>>, %arg12: memref<8192x1024xf32, #tpu.memory_space<hbm>>, %arg13: memref<8192x1024xf32, #tpu.memory_space<hbm>>, %arg14: memref<8192x1024xf32, #tpu.memory_space<hbm>>, %arg15: memref<8192x1024xf32, #tpu.memory_space<hbm>>, %arg16: memref<8192x1024xf32, #tpu.memory_space<hbm>>, %arg17: memref<8192x1024xf32, #tpu.memory_space<hbm>>, %arg18: memref<8192x1024xf32, #tpu.memory_space<hbm>>, %arg19: memref<8192x1024xf32, #tpu.memory_space<hbm>>, %arg20: memref<8192x1024xf32, #tpu.memory_space<hbm>>, %arg21: memref<8x32xi32, #tpu.memory_space<vmem>>, %arg22: memref<32x1024xf32, #tpu.memory_space<vmem>>, %arg23: memref<32x1024xf32, #tpu.memory_space<vmem>>, %arg24: memref<32x1024xf32, #tpu.memory_space<vmem>>, %arg25: memref<!tpu.dma_semaphore, #tpu.memory_space<semaphore_mem>>, %arg26: memref<!tpu.dma_semaphore, #tpu.memory_space<semaphore_mem>>, %arg27: memref<!tpu.dma_semaphore, #tpu.memory_space<semaphore_mem>>, %arg28: memref<!tpu.dma_semaphore, #tpu.memory_space<semaphore_mem>>, %arg29: memref<!tpu.dma_semaphore, #tpu.memory_space<semaphore_mem>>, %arg30: memref<!tpu.dma_semaphore, #tpu.memory_space<semaphore_mem>>) attributes {dimension_semantics = [#tpu.dimension_semantics<core_parallel>, #tpu.dimension_semantics<subcore_parallel>], iteration_bounds = array<i64: 2, 16>, scalar_prefetch = 0 : i64, scratch_operands = 10 : i64, tpu.core_type = #tpu.core_type<sc_vector_subcore>, window_params = [{transform_indices = #map}, {transform_indices = #map1}, {transform_indices = #map1}, {transform_indices = #map1}, {transform_indices = #map1}, {transform_indices = #map1}, {transform_indices = #map1}, {transform_indices = #map1}, {transform_indices = #map1}, {transform_indices = #map1}, {transform_indices = #map1}, {transform_indices = #map1}, {transform_indices = #map1}, {transform_indices = #map1}, {transform_indices = #map1}, {transform_indices = #map1}, {transform_indices = #map1}, {transform_indices = #map1}, {transform_indices = #map1}]} {
    %mul3A = arith.constant 2 : i32
    %mul3A_0 = arith.muli %arg1, %mul3A : i32
    %add3A = arith.addi %mul3A_0, %arg0 : i32
    %mul3A_1 = arith.constant 256 : i32
    %mul3A_2 = arith.muli %add3A, %mul3A_1 : i32
    "tpu.region"() ({
      %run_scoped3A = tpu.sem_alloc : memref<!tpu.dma_semaphore, #tpu.memory_space<semaphore_mem>>
      %dma_start3A_1537 = arith.constant 0 : i32
      %dma_start3A_1538 = arith.constant 0 : i32
      %dma_start3A_1539 = tpu.memref_slice %arg2[%add3A, %dma_start3A_1537, %dma_start3A_1538] : memref<32x8x32xi32, #tpu.memory_space<hbm>> -> memref<1x8x32xi32, #tpu.memory_space<hbm>>
      %dma_start3A_1540 = tpu.memref_squeeze %dma_start3A_1539 : memref<1x8x32xi32, #tpu.memory_space<hbm>> -> memref<8x32xi32, #tpu.memory_space<hbm>>
      %dma_start3A_1541 = arith.constant 0 : i32
      %dma_start3A_1542 = arith.constant 0 : i32
      %dma_start3A_1543 = tpu.memref_slice %arg2[%add3A, %dma_start3A_1541, %dma_start3A_1542] : memref<32x8x32xi32, #tpu.memory_space<hbm>> -> memref<1x8x32xi32, #tpu.memory_space<hbm>>
      %dma_start3A_1544 = tpu.memref_squeeze %dma_start3A_1543 : memref<1x8x32xi32, #tpu.memory_space<hbm>> -> memref<8x32xi32, #tpu.memory_space<hbm>>
      tpu.enqueue_dma source(%dma_start3A_1544 : memref<8x32xi32, #tpu.memory_space<hbm>>) target(%arg21 : memref<8x32xi32, #tpu.memory_space<vmem>>) target_semaphore(%run_scoped3A : memref<!tpu.dma_semaphore, #tpu.memory_space<semaphore_mem>>)
      %dma_wait3A_1545 = arith.constant 0 : i32
      %dma_wait3A_1546 = arith.constant 0 : i32
      %dma_wait3A_1547 = tpu.memref_slice %arg2[%add3A, %dma_wait3A_1545, %dma_wait3A_1546] : memref<32x8x32xi32, #tpu.memory_space<hbm>> -> memref<1x8x32xi32, #tpu.memory_space<hbm>>
      %dma_wait3A_1548 = tpu.memref_squeeze %dma_wait3A_1547 : memref<1x8x32xi32, #tpu.memory_space<hbm>> -> memref<8x32xi32, #tpu.memory_space<hbm>>
      %dma_wait3A_1549 = arith.constant 0 : i32
      %dma_wait3A_1550 = arith.constant 0 : i32
      %dma_wait3A_1551 = tpu.memref_slice %arg2[%add3A, %dma_wait3A_1549, %dma_wait3A_1550] : memref<32x8x32xi32, #tpu.memory_space<hbm>> -> memref<1x8x32xi32, #tpu.memory_space<hbm>>
      %dma_wait3A_1552 = tpu.memref_squeeze %dma_wait3A_1551 : memref<1x8x32xi32, #tpu.memory_space<hbm>> -> memref<8x32xi32, #tpu.memory_space<hbm>>
      tpu.wait_dma2 semaphore(%run_scoped3A : memref<!tpu.dma_semaphore, #tpu.memory_space<semaphore_mem>>) src(%dma_wait3A_1552 : memref<8x32xi32, #tpu.memory_space<hbm>>) dst(%arg21 : memref<8x32xi32, #tpu.memory_space<vmem>>)
      tpu.yield
    }) : () -> ()
    %dma_start3A = arith.constant 0 : i32
    %dma_start3A_3 = arith.constant 0 : i32
    %dma_start3A_4 = tpu.memref_slice %arg21[%dma_start3A, %dma_start3A_3] : memref<8x32xi32, #tpu.memory_space<vmem>> -> memref<1x32xi32, #tpu.memory_space<vmem>>
    %dma_start3A_5 = tpu.memref_squeeze %dma_start3A_4 : memref<1x32xi32, #tpu.memory_space<vmem>> -> memref<32xi32, #tpu.memory_space<vmem>>
    %dma_start3A_6 = arith.constant 0 : i32
    %dma_start3A_7 = arith.constant 0 : i32
    %dma_start3A_8 = tpu.memref_slice %arg3[%dma_start3A_6, %dma_start3A_7] : memref<50304x1024xf32, #tpu.memory_space<hbm>> -> memref<50304x1024xf32, #tpu.memory_space<hbm>>
    tpu.enqueue_indirect_dma source(%dma_start3A_8 : memref<50304x1024xf32, #tpu.memory_space<hbm>>) target(%arg22 : memref<32x1024xf32, #tpu.memory_space<vmem>>) offsets(%dma_start3A_5 : memref<32xi32, #tpu.memory_space<vmem>>) semaphore(%arg25 : memref<!tpu.dma_semaphore, #tpu.memory_space<semaphore_mem>>)
    %dma_wait3A = arith.constant 0 : i32
    %dma_wait3A_9 = arith.constant 0 : i32
    %dma_wait3A_10 = tpu.memref_slice %arg21[%dma_wait3A, %dma_wait3A_9] : memref<8x32xi32, #tpu.memory_space<vmem>> -> memref<1x32xi32, #tpu.memory_space<vmem>>
    %dma_wait3A_11 = tpu.memref_squeeze %dma_wait3A_10 : memref<1x32xi32, #tpu.memory_space<vmem>> -> memref<32xi32, #tpu.memory_space<vmem>>
    %dma_wait3A_12 = arith.constant 0 : i32
    %dma_wait3A_13 = arith.constant 0 : i32
    %dma_wait3A_14 = tpu.memref_slice %arg3[%dma_wait3A_12, %dma_wait3A_13] : memref<50304x1024xf32, #tpu.memory_space<hbm>> -> memref<50304x1024xf32, #tpu.memory_space<hbm>>
    tpu.wait_indirect_dma semaphore(%arg25 : memref<!tpu.dma_semaphore, #tpu.memory_space<semaphore_mem>>) src(%dma_wait3A_14 : memref<50304x1024xf32, #tpu.memory_space<hbm>>) dst(%arg22 : memref<32x1024xf32, #tpu.memory_space<vmem>>)
    %add3A_15 = arith.constant 0 : i32
    %add3A_16 = arith.addi %mul3A_2, %add3A_15 : i32
    %dma_start3A_17 = arith.constant 0 : i32
    %dma_start3A_18 = tpu.memref_slice %arg9[%add3A_16, %dma_start3A_17] : memref<8192x1024xf32, #tpu.memory_space<hbm>> -> memref<32x1024xf32, #tpu.memory_space<hbm>>
    %dma_start3A_19 = arith.constant 0 : i32
    %dma_start3A_20 = tpu.memref_slice %arg9[%add3A_16, %dma_start3A_19] : memref<8192x1024xf32, #tpu.memory_space<hbm>> -> memref<32x1024xf32, #tpu.memory_space<hbm>>
    tpu.enqueue_dma source(%arg22 : memref<32x1024xf32, #tpu.memory_space<vmem>>) target(%dma_start3A_20 : memref<32x1024xf32, #tpu.memory_space<hbm>>) target_semaphore(%arg28 : memref<!tpu.dma_semaphore, #tpu.memory_space<semaphore_mem>>)
    %dma_start3A_21 = arith.constant 0 : i32
    %dma_start3A_22 = tpu.memref_slice %arg20[%add3A_16, %dma_start3A_21] : memref<8192x1024xf32, #tpu.memory_space<hbm>> -> memref<32x1024xf32, #tpu.memory_space<hbm>>
    %dma_start3A_23 = arith.constant 0 : i32
    %dma_start3A_24 = tpu.memref_slice %arg20[%add3A_16, %dma_start3A_23] : memref<8192x1024xf32, #tpu.memory_space<hbm>> -> memref<32x1024xf32, #tpu.memory_space<hbm>>
    tpu.enqueue_dma source(%arg22 : memref<32x1024xf32, #tpu.memory_space<vmem>>) target(%dma_start3A_24 : memref<32x1024xf32, #tpu.memory_space<hbm>>) target_semaphore(%arg28 : memref<!tpu.dma_semaphore, #tpu.memory_space<semaphore_mem>>)
    %dma_start3A_25 = arith.constant 1 : i32
    %dma_start3A_26 = arith.constant 0 : i32
    %dma_start3A_27 = tpu.memref_slice %arg21[%dma_start3A_25, %dma_start3A_26] : memref<8x32xi32, #tpu.memory_space<vmem>> -> memref<1x32xi32, #tpu.memory_space<vmem>>
    %dma_start3A_28 = tpu.memref_squeeze %dma_start3A_27 : memref<1x32xi32, #tpu.memory_space<vmem>> -> memref<32xi32, #tpu.memory_space<vmem>>
    %dma_start3A_29 = arith.constant 0 : i32
    %dma_start3A_30 = arith.constant 0 : i32
    %dma_start3A_31 = tpu.memref_slice %arg3[%dma_start3A_29, %dma_start3A_30] : memref<50304x1024xf32, #tpu.memory_space<hbm>> -> memref<50304x1024xf32, #tpu.memory_space<hbm>>
    tpu.enqueue_indirect_dma source(%dma_start3A_31 : memref<50304x1024xf32, #tpu.memory_space<hbm>>) target(%arg23 : memref<32x1024xf32, #tpu.memory_space<vmem>>) offsets(%dma_start3A_28 : memref<32xi32, #tpu.memory_space<vmem>>) semaphore(%arg26 : memref<!tpu.dma_semaphore, #tpu.memory_space<semaphore_mem>>)
    %dma_wait3A_32 = arith.constant 1 : i32
    %dma_wait3A_33 = arith.constant 0 : i32
    %dma_wait3A_34 = tpu.memref_slice %arg21[%dma_wait3A_32, %dma_wait3A_33] : memref<8x32xi32, #tpu.memory_space<vmem>> -> memref<1x32xi32, #tpu.memory_space<vmem>>
    %dma_wait3A_35 = tpu.memref_squeeze %dma_wait3A_34 : memref<1x32xi32, #tpu.memory_space<vmem>> -> memref<32xi32, #tpu.memory_space<vmem>>
    %dma_wait3A_36 = arith.constant 0 : i32
    %dma_wait3A_37 = arith.constant 0 : i32
    %dma_wait3A_38 = tpu.memref_slice %arg3[%dma_wait3A_36, %dma_wait3A_37] : memref<50304x1024xf32, #tpu.memory_space<hbm>> -> memref<50304x1024xf32, #tpu.memory_space<hbm>>
    tpu.wait_indirect_dma semaphore(%arg26 : memref<!tpu.dma_semaphore, #tpu.memory_space<semaphore_mem>>) src(%dma_wait3A_38 : memref<50304x1024xf32, #tpu.memory_space<hbm>>) dst(%arg23 : memref<32x1024xf32, #tpu.memory_space<vmem>>)
    %add3A_39 = arith.constant 32 : i32
    %add3A_40 = arith.addi %mul3A_2, %add3A_39 : i32
    %dma_start3A_41 = arith.constant 0 : i32
    %dma_start3A_42 = tpu.memref_slice %arg9[%add3A_40, %dma_start3A_41] : memref<8192x1024xf32, #tpu.memory_space<hbm>> -> memref<32x1024xf32, #tpu.memory_space<hbm>>
    %dma_start3A_43 = arith.constant 0 : i32
    %dma_start3A_44 = tpu.memref_slice %arg9[%add3A_40, %dma_start3A_43] : memref<8192x1024xf32, #tpu.memory_space<hbm>> -> memref<32x1024xf32, #tpu.memory_space<hbm>>
    tpu.enqueue_dma source(%arg23 : memref<32x1024xf32, #tpu.memory_space<vmem>>) target(%dma_start3A_44 : memref<32x1024xf32, #tpu.memory_space<hbm>>) target_semaphore(%arg29 : memref<!tpu.dma_semaphore, #tpu.memory_space<semaphore_mem>>)
    %dma_start3A_45 = arith.constant 0 : i32
    %dma_start3A_46 = tpu.memref_slice %arg20[%add3A_40, %dma_start3A_45] : memref<8192x1024xf32, #tpu.memory_space<hbm>> -> memref<32x1024xf32, #tpu.memory_space<hbm>>
    %dma_start3A_47 = arith.constant 0 : i32
    %dma_start3A_48 = tpu.memref_slice %arg20[%add3A_40, %dma_start3A_47] : memref<8192x1024xf32, #tpu.memory_space<hbm>> -> memref<32x1024xf32, #tpu.memory_space<hbm>>
    tpu.enqueue_dma source(%arg23 : memref<32x1024xf32, #tpu.memory_space<vmem>>) target(%dma_start3A_48 : memref<32x1024xf32, #tpu.memory_space<hbm>>) target_semaphore(%arg29 : memref<!tpu.dma_semaphore, #tpu.memory_space<semaphore_mem>>)
    %dma_start3A_49 = arith.constant 2 : i32
    %dma_start3A_50 = arith.constant 0 : i32
    %dma_start3A_51 = tpu.memref_slice %arg21[%dma_start3A_49, %dma_start3A_50] : memref<8x32xi32, #tpu.memory_space<vmem>> -> memref<1x32xi32, #tpu.memory_space<vmem>>
    %dma_start3A_52 = tpu.memref_squeeze %dma_start3A_51 : memref<1x32xi32, #tpu.memory_space<vmem>> -> memref<32xi32, #tpu.memory_space<vmem>>
    %dma_start3A_53 = arith.constant 0 : i32
    %dma_start3A_54 = arith.constant 0 : i32
    %dma_start3A_55 = tpu.memref_slice %arg3[%dma_start3A_53, %dma_start3A_54] : memref<50304x1024xf32, #tpu.memory_space<hbm>> -> memref<50304x1024xf32, #tpu.memory_space<hbm>>
    tpu.enqueue_indirect_dma source(%dma_start3A_55 : memref<50304x1024xf32, #tpu.memory_space<hbm>>) target(%arg24 : memref<32x1024xf32, #tpu.memory_space<vmem>>) offsets(%dma_start3A_52 : memref<32xi32, #tpu.memory_space<vmem>>) semaphore(%arg27 : memref<!tpu.dma_semaphore, #tpu.memory_space<semaphore_mem>>)
    %dma_wait3A_56 = arith.constant 2 : i32
    %dma_wait3A_57 = arith.constant 0 : i32
    %dma_wait3A_58 = tpu.memref_slice %arg21[%dma_wait3A_56, %dma_wait3A_57] : memref<8x32xi32, #tpu.memory_space<vmem>> -> memref<1x32xi32, #tpu.memory_space<vmem>>
    %dma_wait3A_59 = tpu.memref_squeeze %dma_wait3A_58 : memref<1x32xi32, #tpu.memory_space<vmem>> -> memref<32xi32, #tpu.memory_space<vmem>>
    %dma_wait3A_60 = arith.constant 0 : i32
    %dma_wait3A_61 = arith.constant 0 : i32
    %dma_wait3A_62 = tpu.memref_slice %arg3[%dma_wait3A_60, %dma_wait3A_61] : memref<50304x1024xf32, #tpu.memory_space<hbm>> -> memref<50304x1024xf32, #tpu.memory_space<hbm>>
    tpu.wait_indirect_dma semaphore(%arg27 : memref<!tpu.dma_semaphore, #tpu.memory_space<semaphore_mem>>) src(%dma_wait3A_62 : memref<50304x1024xf32, #tpu.memory_space<hbm>>) dst(%arg24 : memref<32x1024xf32, #tpu.memory_space<vmem>>)
    %add3A_63 = arith.constant 64 : i32
    %add3A_64 = arith.addi %mul3A_2, %add3A_63 : i32
    %dma_start3A_65 = arith.constant 0 : i32
    %dma_start3A_66 = tpu.memref_slice %arg9[%add3A_64, %dma_start3A_65] : memref<8192x1024xf32, #tpu.memory_space<hbm>> -> memref<32x1024xf32, #tpu.memory_space<hbm>>
    %dma_start3A_67 = arith.constant 0 : i32
    %dma_start3A_68 = tpu.memref_slice %arg9[%add3A_64, %dma_start3A_67] : memref<8192x1024xf32, #tpu.memory_space<hbm>> -> memref<32x1024xf32, #tpu.memory_space<hbm>>
    tpu.enqueue_dma source(%arg24 : memref<32x1024xf32, #tpu.memory_space<vmem>>) target(%dma_start3A_68 : memref<32x1024xf32, #tpu.memory_space<hbm>>) target_semaphore(%arg30 : memref<!tpu.dma_semaphore, #tpu.memory_space<semaphore_mem>>)
    %dma_start3A_69 = arith.constant 0 : i32
    %dma_start3A_70 = tpu.memref_slice %arg20[%add3A_64, %dma_start3A_69] : memref<8192x1024xf32, #tpu.memory_space<hbm>> -> memref<32x1024xf32, #tpu.memory_space<hbm>>
    %dma_start3A_71 = arith.constant 0 : i32
    %dma_start3A_72 = tpu.memref_slice %arg20[%add3A_64, %dma_start3A_71] : memref<8192x1024xf32, #tpu.memory_space<hbm>> -> memref<32x1024xf32, #tpu.memory_space<hbm>>
    tpu.enqueue_dma source(%arg24 : memref<32x1024xf32, #tpu.memory_space<vmem>>) target(%dma_start3A_72 : memref<32x1024xf32, #tpu.memory_space<hbm>>) target_semaphore(%arg30 : memref<!tpu.dma_semaphore, #tpu.memory_space<semaphore_mem>>)
    %dma_wait3A_73 = arith.constant 0 : i32
    %dma_wait3A_74 = tpu.memref_slice %arg9[%add3A_16, %dma_wait3A_73] : memref<8192x1024xf32, #tpu.memory_space<hbm>> -> memref<32x1024xf32, #tpu.memory_space<hbm>>
    %dma_wait3A_75 = arith.constant 0 : i32
    %dma_wait3A_76 = tpu.memref_slice %arg9[%add3A_16, %dma_wait3A_75] : memref<8192x1024xf32, #tpu.memory_space<hbm>> -> memref<32x1024xf32, #tpu.memory_space<hbm>>
    tpu.wait_dma2 semaphore(%arg28 : memref<!tpu.dma_semaphore, #tpu.memory_space<semaphore_mem>>) src(%arg22 : memref<32x1024xf32, #tpu.memory_space<vmem>>) dst(%dma_wait3A_76 : memref<32x1024xf32, #tpu.memory_space<hbm>>)
    %dma_wait3A_77 = arith.constant 0 : i32
    %dma_wait3A_78 = tpu.memref_slice %arg20[%add3A_16, %dma_wait3A_77] : memref<8192x1024xf32, #tpu.memory_space<hbm>> -> memref<32x1024xf32, #tpu.memory_space<hbm>>
    %dma_wait3A_79 = arith.constant 0 : i32
    %dma_wait3A_80 = tpu.memref_slice %arg20[%add3A_16, %dma_wait3A_79] : memref<8192x1024xf32, #tpu.memory_space<hbm>> -> memref<32x1024xf32, #tpu.memory_space<hbm>>
    tpu.wait_dma2 semaphore(%arg28 : memref<!tpu.dma_semaphore, #tpu.memory_space<semaphore_mem>>) src(%arg22 : memref<32x1024xf32, #tpu.memory_space<vmem>>) dst(%dma_wait3A_80 : memref<32x1024xf32, #tpu.memory_space<hbm>>)
    %dma_start3A_81 = arith.constant 3 : i32
    %dma_start3A_82 = arith.constant 0 : i32
    %dma_start3A_83 = tpu.memref_slice %arg21[%dma_start3A_81, %dma_start3A_82] : memref<8x32xi32, #tpu.memory_space<vmem>> -> memref<1x32xi32, #tpu.memory_space<vmem>>
    %dma_start3A_84 = tpu.memref_squeeze %dma_start3A_83 : memref<1x32xi32, #tpu.memory_space<vmem>> -> memref<32xi32, #tpu.memory_space<vmem>>
    %dma_start3A_85 = arith.constant 0 : i32
    %dma_start3A_86 = arith.constant 0 : i32
    %dma_start3A_87 = tpu.memref_slice %arg3[%dma_start3A_85, %dma_start3A_86] : memref<50304x1024xf32, #tpu.memory_space<hbm>> -> memref<50304x1024xf32, #tpu.memory_space<hbm>>
    tpu.enqueue_indirect_dma source(%dma_start3A_87 : memref<50304x1024xf32, #tpu.memory_space<hbm>>) target(%arg22 : memref<32x1024xf32, #tpu.memory_space<vmem>>) offsets(%dma_start3A_84 : memref<32xi32, #tpu.memory_space<vmem>>) semaphore(%arg25 : memref<!tpu.dma_semaphore, #tpu.memory_space<semaphore_mem>>)
    %dma_wait3A_88 = arith.constant 3 : i32
    %dma_wait3A_89 = arith.constant 0 : i32
    %dma_wait3A_90 = tpu.memref_slice %arg21[%dma_wait3A_88, %dma_wait3A_89] : memref<8x32xi32, #tpu.memory_space<vmem>> -> memref<1x32xi32, #tpu.memory_space<vmem>>
    %dma_wait3A_91 = tpu.memref_squeeze %dma_wait3A_90 : memref<1x32xi32, #tpu.memory_space<vmem>> -> memref<32xi32, #tpu.memory_space<vmem>>
    %dma_wait3A_92 = arith.constant 0 : i32
    %dma_wait3A_93 = arith.constant 0 : i32
    %dma_wait3A_94 = tpu.memref_slice %arg3[%dma_wait3A_92, %dma_wait3A_93] : memref<50304x1024xf32, #tpu.memory_space<hbm>> -> memref<50304x1024xf32, #tpu.memory_space<hbm>>
    tpu.wait_indirect_dma semaphore(%arg25 : memref<!tpu.dma_semaphore, #tpu.memory_space<semaphore_mem>>) src(%dma_wait3A_94 : memref<50304x1024xf32, #tpu.memory_space<hbm>>) dst(%arg22 : memref<32x1024xf32, #tpu.memory_space<vmem>>)
    %add3A_95 = arith.constant 96 : i32
    %add3A_96 = arith.addi %mul3A_2, %add3A_95 : i32
    %dma_start3A_97 = arith.constant 0 : i32
    %dma_start3A_98 = tpu.memref_slice %arg9[%add3A_96, %dma_start3A_97] : memref<8192x1024xf32, #tpu.memory_space<hbm>> -> memref<32x1024xf32, #tpu.memory_space<hbm>>
    %dma_start3A_99 = arith.constant 0 : i32
    %dma_start3A_100 = tpu.memref_slice %arg9[%add3A_96, %dma_start3A_99] : memref<8192x1024xf32, #tpu.memory_space<hbm>> -> memref<32x1024xf32, #tpu.memory_space<hbm>>
    tpu.enqueue_dma source(%arg22 : memref<32x1024xf32, #tpu.memory_space<vmem>>) target(%dma_start3A_100 : memref<32x1024xf32, #tpu.memory_space<hbm>>) target_semaphore(%arg28 : memref<!tpu.dma_semaphore, #tpu.memory_space<semaphore_mem>>)
    %dma_start3A_101 = arith.constant 0 : i32
    %dma_start3A_102 = tpu.memref_slice %arg20[%add3A_96, %dma_start3A_101] : memref<8192x1024xf32, #tpu.memory_space<hbm>> -> memref<32x1024xf32, #tpu.memory_space<hbm>>
    %dma_start3A_103 = arith.constant 0 : i32
    %dma_start3A_104 = tpu.memref_slice %arg20[%add3A_96, %dma_start3A_103] : memref<8192x1024xf32, #tpu.memory_space<hbm>> -> memref<32x1024xf32, #tpu.memory_space<hbm>>
    tpu.enqueue_dma source(%arg22 : memref<32x1024xf32, #tpu.memory_space<vmem>>) target(%dma_start3A_104 : memref<32x1024xf32, #tpu.memory_space<hbm>>) target_semaphore(%arg28 : memref<!tpu.dma_semaphore, #tpu.memory_space<semaphore_mem>>)
    %dma_wait3A_105 = arith.constant 0 : i32
    %dma_wait3A_106 = tpu.memref_slice %arg9[%add3A_40, %dma_wait3A_105] : memref<8192x1024xf32, #tpu.memory_space<hbm>> -> memref<32x1024xf32, #tpu.memory_space<hbm>>
    %dma_wait3A_107 = arith.constant 0 : i32
    %dma_wait3A_108 = tpu.memref_slice %arg9[%add3A_40, %dma_wait3A_107] : memref<8192x1024xf32, #tpu.memory_space<hbm>> -> memref<32x1024xf32, #tpu.memory_space<hbm>>
    tpu.wait_dma2 semaphore(%arg29 : memref<!tpu.dma_semaphore, #tpu.memory_space<semaphore_mem>>) src(%arg23 : memref<32x1024xf32, #tpu.memory_space<vmem>>) dst(%dma_wait3A_108 : memref<32x1024xf32, #tpu.memory_space<hbm>>)
    %dma_wait3A_109 = arith.constant 0 : i32
    %dma_wait3A_110 = tpu.memref_slice %arg20[%add3A_40, %dma_wait3A_109] : memref<8192x1024xf32, #tpu.memory_space<hbm>> -> memref<32x1024xf32, #tpu.memory_space<hbm>>
    %dma_wait3A_111 = arith.constant 0 : i32
    %dma_wait3A_112 = tpu.memref_slice %arg20[%add3A_40, %dma_wait3A_111] : memref<8192x1024xf32, #tpu.memory_space<hbm>> -> memref<32x1024xf32, #tpu.memory_space<hbm>>
    tpu.wait_dma2 semaphore(%arg29 : memref<!tpu.dma_semaphore, #tpu.memory_space<semaphore_mem>>) src(%arg23 : memref<32x1024xf32, #tpu.memory_space<vmem>>) dst(%dma_wait3A_112 : memref<32x1024xf32, #tpu.memory_space<hbm>>)
    %dma_start3A_113 = arith.constant 4 : i32
    %dma_start3A_114 = arith.constant 0 : i32
    %dma_start3A_115 = tpu.memref_slice %arg21[%dma_start3A_113, %dma_start3A_114] : memref<8x32xi32, #tpu.memory_space<vmem>> -> memref<1x32xi32, #tpu.memory_space<vmem>>
    %dma_start3A_116 = tpu.memref_squeeze %dma_start3A_115 : memref<1x32xi32, #tpu.memory_space<vmem>> -> memref<32xi32, #tpu.memory_space<vmem>>
    %dma_start3A_117 = arith.constant 0 : i32
    %dma_start3A_118 = arith.constant 0 : i32
    %dma_start3A_119 = tpu.memref_slice %arg3[%dma_start3A_117, %dma_start3A_118] : memref<50304x1024xf32, #tpu.memory_space<hbm>> -> memref<50304x1024xf32, #tpu.memory_space<hbm>>
    tpu.enqueue_indirect_dma source(%dma_start3A_119 : memref<50304x1024xf32, #tpu.memory_space<hbm>>) target(%arg23 : memref<32x1024xf32, #tpu.memory_space<vmem>>) offsets(%dma_start3A_116 : memref<32xi32, #tpu.memory_space<vmem>>) semaphore(%arg26 : memref<!tpu.dma_semaphore, #tpu.memory_space<semaphore_mem>>)
    %dma_wait3A_120 = arith.constant 4 : i32
    %dma_wait3A_121 = arith.constant 0 : i32
    %dma_wait3A_122 = tpu.memref_slice %arg21[%dma_wait3A_120, %dma_wait3A_121] : memref<8x32xi32, #tpu.memory_space<vmem>> -> memref<1x32xi32, #tpu.memory_space<vmem>>
    %dma_wait3A_123 = tpu.memref_squeeze %dma_wait3A_122 : memref<1x32xi32, #tpu.memory_space<vmem>> -> memref<32xi32, #tpu.memory_space<vmem>>
    %dma_wait3A_124 = arith.constant 0 : i32
    %dma_wait3A_125 = arith.constant 0 : i32
    %dma_wait3A_126 = tpu.memref_slice %arg3[%dma_wait3A_124, %dma_wait3A_125] : memref<50304x1024xf32, #tpu.memory_space<hbm>> -> memref<50304x1024xf32, #tpu.memory_space<hbm>>
    tpu.wait_indirect_dma semaphore(%arg26 : memref<!tpu.dma_semaphore, #tpu.memory_space<semaphore_mem>>) src(%dma_wait3A_126 : memref<50304x1024xf32, #tpu.memory_space<hbm>>) dst(%arg23 : memref<32x1024xf32, #tpu.memory_space<vmem>>)
    %add3A_127 = arith.constant 128 : i32
    %add3A_128 = arith.addi %mul3A_2, %add3A_127 : i32
    %dma_start3A_129 = arith.constant 0 : i32
    %dma_start3A_130 = tpu.memref_slice %arg9[%add3A_128, %dma_start3A_129] : memref<8192x1024xf32, #tpu.memory_space<hbm>> -> memref<32x1024xf32, #tpu.memory_space<hbm>>
    %dma_start3A_131 = arith.constant 0 : i32
    %dma_start3A_132 = tpu.memref_slice %arg9[%add3A_128, %dma_start3A_131] : memref<8192x1024xf32, #tpu.memory_space<hbm>> -> memref<32x1024xf32, #tpu.memory_space<hbm>>
    tpu.enqueue_dma source(%arg23 : memref<32x1024xf32, #tpu.memory_space<vmem>>) target(%dma_start3A_132 : memref<32x1024xf32, #tpu.memory_space<hbm>>) target_semaphore(%arg29 : memref<!tpu.dma_semaphore, #tpu.memory_space<semaphore_mem>>)
    %dma_start3A_133 = arith.constant 0 : i32
    %dma_start3A_134 = tpu.memref_slice %arg20[%add3A_128, %dma_start3A_133] : memref<8192x1024xf32, #tpu.memory_space<hbm>> -> memref<32x1024xf32, #tpu.memory_space<hbm>>
    %dma_start3A_135 = arith.constant 0 : i32
    %dma_start3A_136 = tpu.memref_slice %arg20[%add3A_128, %dma_start3A_135] : memref<8192x1024xf32, #tpu.memory_space<hbm>> -> memref<32x1024xf32, #tpu.memory_space<hbm>>
    tpu.enqueue_dma source(%arg23 : memref<32x1024xf32, #tpu.memory_space<vmem>>) target(%dma_start3A_136 : memref<32x1024xf32, #tpu.memory_space<hbm>>) target_semaphore(%arg29 : memref<!tpu.dma_semaphore, #tpu.memory_space<semaphore_mem>>)
    %dma_wait3A_137 = arith.constant 0 : i32
    %dma_wait3A_138 = tpu.memref_slice %arg9[%add3A_64, %dma_wait3A_137] : memref<8192x1024xf32, #tpu.memory_space<hbm>> -> memref<32x1024xf32, #tpu.memory_space<hbm>>
    %dma_wait3A_139 = arith.constant 0 : i32
    %dma_wait3A_140 = tpu.memref_slice %arg9[%add3A_64, %dma_wait3A_139] : memref<8192x1024xf32, #tpu.memory_space<hbm>> -> memref<32x1024xf32, #tpu.memory_space<hbm>>
    tpu.wait_dma2 semaphore(%arg30 : memref<!tpu.dma_semaphore, #tpu.memory_space<semaphore_mem>>) src(%arg24 : memref<32x1024xf32, #tpu.memory_space<vmem>>) dst(%dma_wait3A_140 : memref<32x1024xf32, #tpu.memory_space<hbm>>)
    %dma_wait3A_141 = arith.constant 0 : i32
    %dma_wait3A_142 = tpu.memref_slice %arg20[%add3A_64, %dma_wait3A_141] : memref<8192x1024xf32, #tpu.memory_space<hbm>> -> memref<32x1024xf32, #tpu.memory_space<hbm>>
    %dma_wait3A_143 = arith.constant 0 : i32
    %dma_wait3A_144 = tpu.memref_slice %arg20[%add3A_64, %dma_wait3A_143] : memref<8192x1024xf32, #tpu.memory_space<hbm>> -> memref<32x1024xf32, #tpu.memory_space<hbm>>
    tpu.wait_dma2 semaphore(%arg30 : memref<!tpu.dma_semaphore, #tpu.memory_space<semaphore_mem>>) src(%arg24 : memref<32x1024xf32, #tpu.memory_space<vmem>>) dst(%dma_wait3A_144 : memref<32x1024xf32, #tpu.memory_space<hbm>>)
    %dma_start3A_145 = arith.constant 5 : i32
    %dma_start3A_146 = arith.constant 0 : i32
    %dma_start3A_147 = tpu.memref_slice %arg21[%dma_start3A_145, %dma_start3A_146] : memref<8x32xi32, #tpu.memory_space<vmem>> -> memref<1x32xi32, #tpu.memory_space<vmem>>
    %dma_start3A_148 = tpu.memref_squeeze %dma_start3A_147 : memref<1x32xi32, #tpu.memory_space<vmem>> -> memref<32xi32, #tpu.memory_space<vmem>>
    %dma_start3A_149 = arith.constant 0 : i32
    %dma_start3A_150 = arith.constant 0 : i32
    %dma_start3A_151 = tpu.memref_slice %arg3[%dma_start3A_149, %dma_start3A_150] : memref<50304x1024xf32, #tpu.memory_space<hbm>> -> memref<50304x1024xf32, #tpu.memory_space<hbm>>
    tpu.enqueue_indirect_dma source(%dma_start3A_151 : memref<50304x1024xf32, #tpu.memory_space<hbm>>) target(%arg24 : memref<32x1024xf32, #tpu.memory_space<vmem>>) offsets(%dma_start3A_148 : memref<32xi32, #tpu.memory_space<vmem>>) semaphore(%arg27 : memref<!tpu.dma_semaphore, #tpu.memory_space<semaphore_mem>>)
    %dma_wait3A_152 = arith.constant 5 : i32
    %dma_wait3A_153 = arith.constant 0 : i32
    %dma_wait3A_154 = tpu.memref_slice %arg21[%dma_wait3A_152, %dma_wait3A_153] : memref<8x32xi32, #tpu.memory_space<vmem>> -> memref<1x32xi32, #tpu.memory_space<vmem>>
    %dma_wait3A_155 = tpu.memref_squeeze %dma_wait3A_154 : memref<1x32xi32, #tpu.memory_space<vmem>> -> memref<32xi32, #tpu.memory_space<vmem>>
    %dma_wait3A_156 = arith.constant 0 : i32
    %dma_wait3A_157 = arith.constant 0 : i32
    %dma_wait3A_158 = tpu.memref_slice %arg3[%dma_wait3A_156, %dma_wait3A_157] : memref<50304x1024xf32, #tpu.memory_space<hbm>> -> memref<50304x1024xf32, #tpu.memory_space<hbm>>
    tpu.wait_indirect_dma semaphore(%arg27 : memref<!tpu.dma_semaphore, #tpu.memory_space<semaphore_mem>>) src(%dma_wait3A_158 : memref<50304x1024xf32, #tpu.memory_space<hbm>>) dst(%arg24 : memref<32x1024xf32, #tpu.memory_space<vmem>>)
    %add3A_159 = arith.constant 160 : i32
    %add3A_160 = arith.addi %mul3A_2, %add3A_159 : i32
    %dma_start3A_161 = arith.constant 0 : i32
    %dma_start3A_162 = tpu.memref_slice %arg9[%add3A_160, %dma_start3A_161] : memref<8192x1024xf32, #tpu.memory_space<hbm>> -> memref<32x1024xf32, #tpu.memory_space<hbm>>
    %dma_start3A_163 = arith.constant 0 : i32
    %dma_start3A_164 = tpu.memref_slice %arg9[%add3A_160, %dma_start3A_163] : memref<8192x1024xf32, #tpu.memory_space<hbm>> -> memref<32x1024xf32, #tpu.memory_space<hbm>>
    tpu.enqueue_dma source(%arg24 : memref<32x1024xf32, #tpu.memory_space<vmem>>) target(%dma_start3A_164 : memref<32x1024xf32, #tpu.memory_space<hbm>>) target_semaphore(%arg30 : memref<!tpu.dma_semaphore, #tpu.memory_space<semaphore_mem>>)
    %dma_start3A_165 = arith.constant 0 : i32
    %dma_start3A_166 = tpu.memref_slice %arg20[%add3A_160, %dma_start3A_165] : memref<8192x1024xf32, #tpu.memory_space<hbm>> -> memref<32x1024xf32, #tpu.memory_space<hbm>>
    %dma_start3A_167 = arith.constant 0 : i32
    %dma_start3A_168 = tpu.memref_slice %arg20[%add3A_160, %dma_start3A_167] : memref<8192x1024xf32, #tpu.memory_space<hbm>> -> memref<32x1024xf32, #tpu.memory_space<hbm>>
    tpu.enqueue_dma source(%arg24 : memref<32x1024xf32, #tpu.memory_space<vmem>>) target(%dma_start3A_168 : memref<32x1024xf32, #tpu.memory_space<hbm>>) target_semaphore(%arg30 : memref<!tpu.dma_semaphore, #tpu.memory_space<semaphore_mem>>)
    %dma_wait3A_169 = arith.constant 0 : i32
    %dma_wait3A_170 = tpu.memref_slice %arg9[%add3A_96, %dma_wait3A_169] : memref<8192x1024xf32, #tpu.memory_space<hbm>> -> memref<32x1024xf32, #tpu.memory_space<hbm>>
    %dma_wait3A_171 = arith.constant 0 : i32
    %dma_wait3A_172 = tpu.memref_slice %arg9[%add3A_96, %dma_wait3A_171] : memref<8192x1024xf32, #tpu.memory_space<hbm>> -> memref<32x1024xf32, #tpu.memory_space<hbm>>
    tpu.wait_dma2 semaphore(%arg28 : memref<!tpu.dma_semaphore, #tpu.memory_space<semaphore_mem>>) src(%arg22 : memref<32x1024xf32, #tpu.memory_space<vmem>>) dst(%dma_wait3A_172 : memref<32x1024xf32, #tpu.memory_space<hbm>>)
    %dma_wait3A_173 = arith.constant 0 : i32
    %dma_wait3A_174 = tpu.memref_slice %arg20[%add3A_96, %dma_wait3A_173] : memref<8192x1024xf32, #tpu.memory_space<hbm>> -> memref<32x1024xf32, #tpu.memory_space<hbm>>
    %dma_wait3A_175 = arith.constant 0 : i32
    %dma_wait3A_176 = tpu.memref_slice %arg20[%add3A_96, %dma_wait3A_175] : memref<8192x1024xf32, #tpu.memory_space<hbm>> -> memref<32x1024xf32, #tpu.memory_space<hbm>>
    tpu.wait_dma2 semaphore(%arg28 : memref<!tpu.dma_semaphore, #tpu.memory_space<semaphore_mem>>) src(%arg22 : memref<32x1024xf32, #tpu.memory_space<vmem>>) dst(%dma_wait3A_176 : memref<32x1024xf32, #tpu.memory_space<hbm>>)
    %dma_start3A_177 = arith.constant 6 : i32
    %dma_start3A_178 = arith.constant 0 : i32
    %dma_start3A_179 = tpu.memref_slice %arg21[%dma_start3A_177, %dma_start3A_178] : memref<8x32xi32, #tpu.memory_space<vmem>> -> memref<1x32xi32, #tpu.memory_space<vmem>>
    %dma_start3A_180 = tpu.memref_squeeze %dma_start3A_179 : memref<1x32xi32, #tpu.memory_space<vmem>> -> memref<32xi32, #tpu.memory_space<vmem>>
    %dma_start3A_181 = arith.constant 0 : i32
    %dma_start3A_182 = arith.constant 0 : i32
    %dma_start3A_183 = tpu.memref_slice %arg3[%dma_start3A_181, %dma_start3A_182] : memref<50304x1024xf32, #tpu.memory_space<hbm>> -> memref<50304x1024xf32, #tpu.memory_space<hbm>>
    tpu.enqueue_indirect_dma source(%dma_start3A_183 : memref<50304x1024xf32, #tpu.memory_space<hbm>>) target(%arg22 : memref<32x1024xf32, #tpu.memory_space<vmem>>) offsets(%dma_start3A_180 : memref<32xi32, #tpu.memory_space<vmem>>) semaphore(%arg25 : memref<!tpu.dma_semaphore, #tpu.memory_space<semaphore_mem>>)
    %dma_wait3A_184 = arith.constant 6 : i32
    %dma_wait3A_185 = arith.constant 0 : i32
    %dma_wait3A_186 = tpu.memref_slice %arg21[%dma_wait3A_184, %dma_wait3A_185] : memref<8x32xi32, #tpu.memory_space<vmem>> -> memref<1x32xi32, #tpu.memory_space<vmem>>
    %dma_wait3A_187 = tpu.memref_squeeze %dma_wait3A_186 : memref<1x32xi32, #tpu.memory_space<vmem>> -> memref<32xi32, #tpu.memory_space<vmem>>
    %dma_wait3A_188 = arith.constant 0 : i32
    %dma_wait3A_189 = arith.constant 0 : i32
    %dma_wait3A_190 = tpu.memref_slice %arg3[%dma_wait3A_188, %dma_wait3A_189] : memref<50304x1024xf32, #tpu.memory_space<hbm>> -> memref<50304x1024xf32, #tpu.memory_space<hbm>>
    tpu.wait_indirect_dma semaphore(%arg25 : memref<!tpu.dma_semaphore, #tpu.memory_space<semaphore_mem>>) src(%dma_wait3A_190 : memref<50304x1024xf32, #tpu.memory_space<hbm>>) dst(%arg22 : memref<32x1024xf32, #tpu.memory_space<vmem>>)
    %add3A_191 = arith.constant 192 : i32
    %add3A_192 = arith.addi %mul3A_2, %add3A_191 : i32
    %dma_start3A_193 = arith.constant 0 : i32
    %dma_start3A_194 = tpu.memref_slice %arg9[%add3A_192, %dma_start3A_193] : memref<8192x1024xf32, #tpu.memory_space<hbm>> -> memref<32x1024xf32, #tpu.memory_space<hbm>>
    %dma_start3A_195 = arith.constant 0 : i32
    %dma_start3A_196 = tpu.memref_slice %arg9[%add3A_192, %dma_start3A_195] : memref<8192x1024xf32, #tpu.memory_space<hbm>> -> memref<32x1024xf32, #tpu.memory_space<hbm>>
    tpu.enqueue_dma source(%arg22 : memref<32x1024xf32, #tpu.memory_space<vmem>>) target(%dma_start3A_196 : memref<32x1024xf32, #tpu.memory_space<hbm>>) target_semaphore(%arg28 : memref<!tpu.dma_semaphore, #tpu.memory_space<semaphore_mem>>)
    %dma_start3A_197 = arith.constant 0 : i32
    %dma_start3A_198 = tpu.memref_slice %arg20[%add3A_192, %dma_start3A_197] : memref<8192x1024xf32, #tpu.memory_space<hbm>> -> memref<32x1024xf32, #tpu.memory_space<hbm>>
    %dma_start3A_199 = arith.constant 0 : i32
    %dma_start3A_200 = tpu.memref_slice %arg20[%add3A_192, %dma_start3A_199] : memref<8192x1024xf32, #tpu.memory_space<hbm>> -> memref<32x1024xf32, #tpu.memory_space<hbm>>
    tpu.enqueue_dma source(%arg22 : memref<32x1024xf32, #tpu.memory_space<vmem>>) target(%dma_start3A_200 : memref<32x1024xf32, #tpu.memory_space<hbm>>) target_semaphore(%arg28 : memref<!tpu.dma_semaphore, #tpu.memory_space<semaphore_mem>>)
    %dma_wait3A_201 = arith.constant 0 : i32
    %dma_wait3A_202 = tpu.memref_slice %arg9[%add3A_128, %dma_wait3A_201] : memref<8192x1024xf32, #tpu.memory_space<hbm>> -> memref<32x1024xf32, #tpu.memory_space<hbm>>
    %dma_wait3A_203 = arith.constant 0 : i32
    %dma_wait3A_204 = tpu.memref_slice %arg9[%add3A_128, %dma_wait3A_203] : memref<8192x1024xf32, #tpu.memory_space<hbm>> -> memref<32x1024xf32, #tpu.memory_space<hbm>>
    tpu.wait_dma2 semaphore(%arg29 : memref<!tpu.dma_semaphore, #tpu.memory_space<semaphore_mem>>) src(%arg23 : memref<32x1024xf32, #tpu.memory_space<vmem>>) dst(%dma_wait3A_204 : memref<32x1024xf32, #tpu.memory_space<hbm>>)
    %dma_wait3A_205 = arith.constant 0 : i32
    %dma_wait3A_206 = tpu.memref_slice %arg20[%add3A_128, %dma_wait3A_205] : memref<8192x1024xf32, #tpu.memory_space<hbm>> -> memref<32x1024xf32, #tpu.memory_space<hbm>>
    %dma_wait3A_207 = arith.constant 0 : i32
    %dma_wait3A_208 = tpu.memref_slice %arg20[%add3A_128, %dma_wait3A_207] : memref<8192x1024xf32, #tpu.memory_space<hbm>> -> memref<32x1024xf32, #tpu.memory_space<hbm>>
    tpu.wait_dma2 semaphore(%arg29 : memref<!tpu.dma_semaphore, #tpu.memory_space<semaphore_mem>>) src(%arg23 : memref<32x1024xf32, #tpu.memory_space<vmem>>) dst(%dma_wait3A_208 : memref<32x1024xf32, #tpu.memory_space<hbm>>)
    %dma_start3A_209 = arith.constant 7 : i32
    %dma_start3A_210 = arith.constant 0 : i32
    %dma_start3A_211 = tpu.memref_slice %arg21[%dma_start3A_209, %dma_start3A_210] : memref<8x32xi32, #tpu.memory_space<vmem>> -> memref<1x32xi32, #tpu.memory_space<vmem>>
    %dma_start3A_212 = tpu.memref_squeeze %dma_start3A_211 : memref<1x32xi32, #tpu.memory_space<vmem>> -> memref<32xi32, #tpu.memory_space<vmem>>
    %dma_start3A_213 = arith.constant 0 : i32
    %dma_start3A_214 = arith.constant 0 : i32
    %dma_start3A_215 = tpu.memref_slice %arg3[%dma_start3A_213, %dma_start3A_214] : memref<50304x1024xf32, #tpu.memory_space<hbm>> -> memref<50304x1024xf32, #tpu.memory_space<hbm>>
    tpu.enqueue_indirect_dma source(%dma_start3A_215 : memref<50304x1024xf32, #tpu.memory_space<hbm>>) target(%arg23 : memref<32x1024xf32, #tpu.memory_space<vmem>>) offsets(%dma_start3A_212 : memref<32xi32, #tpu.memory_space<vmem>>) semaphore(%arg26 : memref<!tpu.dma_semaphore, #tpu.memory_space<semaphore_mem>>)
    %dma_wait3A_216 = arith.constant 7 : i32
    %dma_wait3A_217 = arith.constant 0 : i32
    %dma_wait3A_218 = tpu.memref_slice %arg21[%dma_wait3A_216, %dma_wait3A_217] : memref<8x32xi32, #tpu.memory_space<vmem>> -> memref<1x32xi32, #tpu.memory_space<vmem>>
    %dma_wait3A_219 = tpu.memref_squeeze %dma_wait3A_218 : memref<1x32xi32, #tpu.memory_space<vmem>> -> memref<32xi32, #tpu.memory_space<vmem>>
    %dma_wait3A_220 = arith.constant 0 : i32
    %dma_wait3A_221 = arith.constant 0 : i32
    %dma_wait3A_222 = tpu.memref_slice %arg3[%dma_wait3A_220, %dma_wait3A_221] : memref<50304x1024xf32, #tpu.memory_space<hbm>> -> memref<50304x1024xf32, #tpu.memory_space<hbm>>
    tpu.wait_indirect_dma semaphore(%arg26 : memref<!tpu.dma_semaphore, #tpu.memory_space<semaphore_mem>>) src(%dma_wait3A_222 : memref<50304x1024xf32, #tpu.memory_space<hbm>>) dst(%arg23 : memref<32x1024xf32, #tpu.memory_space<vmem>>)
    %add3A_223 = arith.constant 224 : i32
    %add3A_224 = arith.addi %mul3A_2, %add3A_223 : i32
    %dma_start3A_225 = arith.constant 0 : i32
    %dma_start3A_226 = tpu.memref_slice %arg9[%add3A_224, %dma_start3A_225] : memref<8192x1024xf32, #tpu.memory_space<hbm>> -> memref<32x1024xf32, #tpu.memory_space<hbm>>
    %dma_start3A_227 = arith.constant 0 : i32
    %dma_start3A_228 = tpu.memref_slice %arg9[%add3A_224, %dma_start3A_227] : memref<8192x1024xf32, #tpu.memory_space<hbm>> -> memref<32x1024xf32, #tpu.memory_space<hbm>>
    tpu.enqueue_dma source(%arg23 : memref<32x1024xf32, #tpu.memory_space<vmem>>) target(%dma_start3A_228 : memref<32x1024xf32, #tpu.memory_space<hbm>>) target_semaphore(%arg29 : memref<!tpu.dma_semaphore, #tpu.memory_space<semaphore_mem>>)
    %dma_start3A_229 = arith.constant 0 : i32
    %dma_start3A_230 = tpu.memref_slice %arg20[%add3A_224, %dma_start3A_229] : memref<8192x1024xf32, #tpu.memory_space<hbm>> -> memref<32x1024xf32, #tpu.memory_space<hbm>>
    %dma_start3A_231 = arith.constant 0 : i32
    %dma_start3A_232 = tpu.memref_slice %arg20[%add3A_224, %dma_start3A_231] : memref<8192x1024xf32, #tpu.memory_space<hbm>> -> memref<32x1024xf32, #tpu.memory_space<hbm>>
    tpu.enqueue_dma source(%arg23 : memref<32x1024xf32, #tpu.memory_space<vmem>>) target(%dma_start3A_232 : memref<32x1024xf32, #tpu.memory_space<hbm>>) target_semaphore(%arg29 : memref<!tpu.dma_semaphore, #tpu.memory_space<semaphore_mem>>)
    %dma_wait3A_233 = arith.constant 0 : i32
    %dma_wait3A_234 = tpu.memref_slice %arg9[%add3A_160, %dma_wait3A_233] : memref<8192x1024xf32, #tpu.memory_space<hbm>> -> memref<32x1024xf32, #tpu.memory_space<hbm>>
    %dma_wait3A_235 = arith.constant 0 : i32
    %dma_wait3A_236 = tpu.memref_slice %arg9[%add3A_160, %dma_wait3A_235] : memref<8192x1024xf32, #tpu.memory_space<hbm>> -> memref<32x1024xf32, #tpu.memory_space<hbm>>
    tpu.wait_dma2 semaphore(%arg30 : memref<!tpu.dma_semaphore, #tpu.memory_space<semaphore_mem>>) src(%arg24 : memref<32x1024xf32, #tpu.memory_space<vmem>>) dst(%dma_wait3A_236 : memref<32x1024xf32, #tpu.memory_space<hbm>>)
    %dma_wait3A_237 = arith.constant 0 : i32
    %dma_wait3A_238 = tpu.memref_slice %arg20[%add3A_160, %dma_wait3A_237] : memref<8192x1024xf32, #tpu.memory_space<hbm>> -> memref<32x1024xf32, #tpu.memory_space<hbm>>
    %dma_wait3A_239 = arith.constant 0 : i32
    %dma_wait3A_240 = tpu.memref_slice %arg20[%add3A_160, %dma_wait3A_239] : memref<8192x1024xf32, #tpu.memory_space<hbm>> -> memref<32x1024xf32, #tpu.memory_space<hbm>>
    tpu.wait_dma2 semaphore(%arg30 : memref<!tpu.dma_semaphore, #tpu.memory_space<semaphore_mem>>) src(%arg24 : memref<32x1024xf32, #tpu.memory_space<vmem>>) dst(%dma_wait3A_240 : memref<32x1024xf32, #tpu.memory_space<hbm>>)
    %dma_start3A_241 = arith.constant 0 : i32
    %dma_start3A_242 = arith.constant 0 : i32
    %dma_start3A_243 = tpu.memref_slice %arg21[%dma_start3A_241, %dma_start3A_242] : memref<8x32xi32, #tpu.memory_space<vmem>> -> memref<1x32xi32, #tpu.memory_space<vmem>>
    %dma_start3A_244 = tpu.memref_squeeze %dma_start3A_243 : memref<1x32xi32, #tpu.memory_space<vmem>> -> memref<32xi32, #tpu.memory_space<vmem>>
    %dma_start3A_245 = arith.constant 0 : i32
    %dma_start3A_246 = arith.constant 0 : i32
    %dma_start3A_247 = tpu.memref_slice %arg4[%dma_start3A_245, %dma_start3A_246] : memref<50304x1024xf32, #tpu.memory_space<hbm>> -> memref<50304x1024xf32, #tpu.memory_space<hbm>>
    tpu.enqueue_indirect_dma source(%dma_start3A_247 : memref<50304x1024xf32, #tpu.memory_space<hbm>>) target(%arg24 : memref<32x1024xf32, #tpu.memory_space<vmem>>) offsets(%dma_start3A_244 : memref<32xi32, #tpu.memory_space<vmem>>) semaphore(%arg27 : memref<!tpu.dma_semaphore, #tpu.memory_space<semaphore_mem>>)
    %dma_wait3A_248 = arith.constant 0 : i32
    %dma_wait3A_249 = arith.constant 0 : i32
    %dma_wait3A_250 = tpu.memref_slice %arg21[%dma_wait3A_248, %dma_wait3A_249] : memref<8x32xi32, #tpu.memory_space<vmem>> -> memref<1x32xi32, #tpu.memory_space<vmem>>
    %dma_wait3A_251 = tpu.memref_squeeze %dma_wait3A_250 : memref<1x32xi32, #tpu.memory_space<vmem>> -> memref<32xi32, #tpu.memory_space<vmem>>
    %dma_wait3A_252 = arith.constant 0 : i32
    %dma_wait3A_253 = arith.constant 0 : i32
    %dma_wait3A_254 = tpu.memref_slice %arg4[%dma_wait3A_252, %dma_wait3A_253] : memref<50304x1024xf32, #tpu.memory_space<hbm>> -> memref<50304x1024xf32, #tpu.memory_space<hbm>>
    tpu.wait_indirect_dma semaphore(%arg27 : memref<!tpu.dma_semaphore, #tpu.memory_space<semaphore_mem>>) src(%dma_wait3A_254 : memref<50304x1024xf32, #tpu.memory_space<hbm>>) dst(%arg24 : memref<32x1024xf32, #tpu.memory_space<vmem>>)
    %add3A_255 = arith.constant 0 : i32
    %add3A_256 = arith.addi %mul3A_2, %add3A_255 : i32
    %dma_start3A_257 = arith.constant 0 : i32
    %dma_start3A_258 = tpu.memref_slice %arg10[%add3A_256, %dma_start3A_257] : memref<8192x1024xf32, #tpu.memory_space<hbm>> -> memref<32x1024xf32, #tpu.memory_space<hbm>>
    %dma_start3A_259 = arith.constant 0 : i32
    %dma_start3A_260 = tpu.memref_slice %arg10[%add3A_256, %dma_start3A_259] : memref<8192x1024xf32, #tpu.memory_space<hbm>> -> memref<32x1024xf32, #tpu.memory_space<hbm>>
    tpu.enqueue_dma source(%arg24 : memref<32x1024xf32, #tpu.memory_space<vmem>>) target(%dma_start3A_260 : memref<32x1024xf32, #tpu.memory_space<hbm>>) target_semaphore(%arg30 : memref<!tpu.dma_semaphore, #tpu.memory_space<semaphore_mem>>)
    %dma_start3A_261 = arith.constant 0 : i32
    %dma_start3A_262 = tpu.memref_slice %arg19[%add3A_256, %dma_start3A_261] : memref<8192x1024xf32, #tpu.memory_space<hbm>> -> memref<32x1024xf32, #tpu.memory_space<hbm>>
    %dma_start3A_263 = arith.constant 0 : i32
    %dma_start3A_264 = tpu.memref_slice %arg19[%add3A_256, %dma_start3A_263] : memref<8192x1024xf32, #tpu.memory_space<hbm>> -> memref<32x1024xf32, #tpu.memory_space<hbm>>
    tpu.enqueue_dma source(%arg24 : memref<32x1024xf32, #tpu.memory_space<vmem>>) target(%dma_start3A_264 : memref<32x1024xf32, #tpu.memory_space<hbm>>) target_semaphore(%arg30 : memref<!tpu.dma_semaphore, #tpu.memory_space<semaphore_mem>>)
    %dma_wait3A_265 = arith.constant 0 : i32
    %dma_wait3A_266 = tpu.memref_slice %arg9[%add3A_192, %dma_wait3A_265] : memref<8192x1024xf32, #tpu.memory_space<hbm>> -> memref<32x1024xf32, #tpu.memory_space<hbm>>
    %dma_wait3A_267 = arith.constant 0 : i32
    %dma_wait3A_268 = tpu.memref_slice %arg9[%add3A_192, %dma_wait3A_267] : memref<8192x1024xf32, #tpu.memory_space<hbm>> -> memref<32x1024xf32, #tpu.memory_space<hbm>>
    tpu.wait_dma2 semaphore(%arg28 : memref<!tpu.dma_semaphore, #tpu.memory_space<semaphore_mem>>) src(%arg22 : memref<32x1024xf32, #tpu.memory_space<vmem>>) dst(%dma_wait3A_268 : memref<32x1024xf32, #tpu.memory_space<hbm>>)
    %dma_wait3A_269 = arith.constant 0 : i32
    %dma_wait3A_270 = tpu.memref_slice %arg20[%add3A_192, %dma_wait3A_269] : memref<8192x1024xf32, #tpu.memory_space<hbm>> -> memref<32x1024xf32, #tpu.memory_space<hbm>>
    %dma_wait3A_271 = arith.constant 0 : i32
    %dma_wait3A_272 = tpu.memref_slice %arg20[%add3A_192, %dma_wait3A_271] : memref<8192x1024xf32, #tpu.memory_space<hbm>> -> memref<32x1024xf32, #tpu.memory_space<hbm>>
    tpu.wait_dma2 semaphore(%arg28 : memref<!tpu.dma_semaphore, #tpu.memory_space<semaphore_mem>>) src(%arg22 : memref<32x1024xf32, #tpu.memory_space<vmem>>) dst(%dma_wait3A_272 : memref<32x1024xf32, #tpu.memory_space<hbm>>)
    %dma_start3A_273 = arith.constant 1 : i32
    %dma_start3A_274 = arith.constant 0 : i32
    %dma_start3A_275 = tpu.memref_slice %arg21[%dma_start3A_273, %dma_start3A_274] : memref<8x32xi32, #tpu.memory_space<vmem>> -> memref<1x32xi32, #tpu.memory_space<vmem>>
    %dma_start3A_276 = tpu.memref_squeeze %dma_start3A_275 : memref<1x32xi32, #tpu.memory_space<vmem>> -> memref<32xi32, #tpu.memory_space<vmem>>
    %dma_start3A_277 = arith.constant 0 : i32
    %dma_start3A_278 = arith.constant 0 : i32
    %dma_start3A_279 = tpu.memref_slice %arg4[%dma_start3A_277, %dma_start3A_278] : memref<50304x1024xf32, #tpu.memory_space<hbm>> -> memref<50304x1024xf32, #tpu.memory_space<hbm>>
    tpu.enqueue_indirect_dma source(%dma_start3A_279 : memref<50304x1024xf32, #tpu.memory_space<hbm>>) target(%arg22 : memref<32x1024xf32, #tpu.memory_space<vmem>>) offsets(%dma_start3A_276 : memref<32xi32, #tpu.memory_space<vmem>>) semaphore(%arg25 : memref<!tpu.dma_semaphore, #tpu.memory_space<semaphore_mem>>)
    %dma_wait3A_280 = arith.constant 1 : i32
    %dma_wait3A_281 = arith.constant 0 : i32
    %dma_wait3A_282 = tpu.memref_slice %arg21[%dma_wait3A_280, %dma_wait3A_281] : memref<8x32xi32, #tpu.memory_space<vmem>> -> memref<1x32xi32, #tpu.memory_space<vmem>>
    %dma_wait3A_283 = tpu.memref_squeeze %dma_wait3A_282 : memref<1x32xi32, #tpu.memory_space<vmem>> -> memref<32xi32, #tpu.memory_space<vmem>>
    %dma_wait3A_284 = arith.constant 0 : i32
    %dma_wait3A_285 = arith.constant 0 : i32
    %dma_wait3A_286 = tpu.memref_slice %arg4[%dma_wait3A_284, %dma_wait3A_285] : memref<50304x1024xf32, #tpu.memory_space<hbm>> -> memref<50304x1024xf32, #tpu.memory_space<hbm>>
    tpu.wait_indirect_dma semaphore(%arg25 : memref<!tpu.dma_semaphore, #tpu.memory_space<semaphore_mem>>) src(%dma_wait3A_286 : memref<50304x1024xf32, #tpu.memory_space<hbm>>) dst(%arg22 : memref<32x1024xf32, #tpu.memory_space<vmem>>)
    %add3A_287 = arith.constant 32 : i32
    %add3A_288 = arith.addi %mul3A_2, %add3A_287 : i32
    %dma_start3A_289 = arith.constant 0 : i32
    %dma_start3A_290 = tpu.memref_slice %arg10[%add3A_288, %dma_start3A_289] : memref<8192x1024xf32, #tpu.memory_space<hbm>> -> memref<32x1024xf32, #tpu.memory_space<hbm>>
    %dma_start3A_291 = arith.constant 0 : i32
    %dma_start3A_292 = tpu.memref_slice %arg10[%add3A_288, %dma_start3A_291] : memref<8192x1024xf32, #tpu.memory_space<hbm>> -> memref<32x1024xf32, #tpu.memory_space<hbm>>
    tpu.enqueue_dma source(%arg22 : memref<32x1024xf32, #tpu.memory_space<vmem>>) target(%dma_start3A_292 : memref<32x1024xf32, #tpu.memory_space<hbm>>) target_semaphore(%arg28 : memref<!tpu.dma_semaphore, #tpu.memory_space<semaphore_mem>>)
    %dma_start3A_293 = arith.constant 0 : i32
    %dma_start3A_294 = tpu.memref_slice %arg19[%add3A_288, %dma_start3A_293] : memref<8192x1024xf32, #tpu.memory_space<hbm>> -> memref<32x1024xf32, #tpu.memory_space<hbm>>
    %dma_start3A_295 = arith.constant 0 : i32
    %dma_start3A_296 = tpu.memref_slice %arg19[%add3A_288, %dma_start3A_295] : memref<8192x1024xf32, #tpu.memory_space<hbm>> -> memref<32x1024xf32, #tpu.memory_space<hbm>>
    tpu.enqueue_dma source(%arg22 : memref<32x1024xf32, #tpu.memory_space<vmem>>) target(%dma_start3A_296 : memref<32x1024xf32, #tpu.memory_space<hbm>>) target_semaphore(%arg28 : memref<!tpu.dma_semaphore, #tpu.memory_space<semaphore_mem>>)
    %dma_wait3A_297 = arith.constant 0 : i32
    %dma_wait3A_298 = tpu.memref_slice %arg9[%add3A_224, %dma_wait3A_297] : memref<8192x1024xf32, #tpu.memory_space<hbm>> -> memref<32x1024xf32, #tpu.memory_space<hbm>>
    %dma_wait3A_299 = arith.constant 0 : i32
    %dma_wait3A_300 = tpu.memref_slice %arg9[%add3A_224, %dma_wait3A_299] : memref<8192x1024xf32, #tpu.memory_space<hbm>> -> memref<32x1024xf32, #tpu.memory_space<hbm>>
    tpu.wait_dma2 semaphore(%arg29 : memref<!tpu.dma_semaphore, #tpu.memory_space<semaphore_mem>>) src(%arg23 : memref<32x1024xf32, #tpu.memory_space<vmem>>) dst(%dma_wait3A_300 : memref<32x1024xf32, #tpu.memory_space<hbm>>)
    %dma_wait3A_301 = arith.constant 0 : i32
    %dma_wait3A_302 = tpu.memref_slice %arg20[%add3A_224, %dma_wait3A_301] : memref<8192x1024xf32, #tpu.memory_space<hbm>> -> memref<32x1024xf32, #tpu.memory_space<hbm>>
    %dma_wait3A_303 = arith.constant 0 : i32
    %dma_wait3A_304 = tpu.memref_slice %arg20[%add3A_224, %dma_wait3A_303] : memref<8192x1024xf32, #tpu.memory_space<hbm>> -> memref<32x1024xf32, #tpu.memory_space<hbm>>
    tpu.wait_dma2 semaphore(%arg29 : memref<!tpu.dma_semaphore, #tpu.memory_space<semaphore_mem>>) src(%arg23 : memref<32x1024xf32, #tpu.memory_space<vmem>>) dst(%dma_wait3A_304 : memref<32x1024xf32, #tpu.memory_space<hbm>>)
    %dma_start3A_305 = arith.constant 2 : i32
    %dma_start3A_306 = arith.constant 0 : i32
    %dma_start3A_307 = tpu.memref_slice %arg21[%dma_start3A_305, %dma_start3A_306] : memref<8x32xi32, #tpu.memory_space<vmem>> -> memref<1x32xi32, #tpu.memory_space<vmem>>
    %dma_start3A_308 = tpu.memref_squeeze %dma_start3A_307 : memref<1x32xi32, #tpu.memory_space<vmem>> -> memref<32xi32, #tpu.memory_space<vmem>>
    %dma_start3A_309 = arith.constant 0 : i32
    %dma_start3A_310 = arith.constant 0 : i32
    %dma_start3A_311 = tpu.memref_slice %arg4[%dma_start3A_309, %dma_start3A_310] : memref<50304x1024xf32, #tpu.memory_space<hbm>> -> memref<50304x1024xf32, #tpu.memory_space<hbm>>
    tpu.enqueue_indirect_dma source(%dma_start3A_311 : memref<50304x1024xf32, #tpu.memory_space<hbm>>) target(%arg23 : memref<32x1024xf32, #tpu.memory_space<vmem>>) offsets(%dma_start3A_308 : memref<32xi32, #tpu.memory_space<vmem>>) semaphore(%arg26 : memref<!tpu.dma_semaphore, #tpu.memory_space<semaphore_mem>>)
    %dma_wait3A_312 = arith.constant 2 : i32
    %dma_wait3A_313 = arith.constant 0 : i32
    %dma_wait3A_314 = tpu.memref_slice %arg21[%dma_wait3A_312, %dma_wait3A_313] : memref<8x32xi32, #tpu.memory_space<vmem>> -> memref<1x32xi32, #tpu.memory_space<vmem>>
    %dma_wait3A_315 = tpu.memref_squeeze %dma_wait3A_314 : memref<1x32xi32, #tpu.memory_space<vmem>> -> memref<32xi32, #tpu.memory_space<vmem>>
    %dma_wait3A_316 = arith.constant 0 : i32
    %dma_wait3A_317 = arith.constant 0 : i32
    %dma_wait3A_318 = tpu.memref_slice %arg4[%dma_wait3A_316, %dma_wait3A_317] : memref<50304x1024xf32, #tpu.memory_space<hbm>> -> memref<50304x1024xf32, #tpu.memory_space<hbm>>
    tpu.wait_indirect_dma semaphore(%arg26 : memref<!tpu.dma_semaphore, #tpu.memory_space<semaphore_mem>>) src(%dma_wait3A_318 : memref<50304x1024xf32, #tpu.memory_space<hbm>>) dst(%arg23 : memref<32x1024xf32, #tpu.memory_space<vmem>>)
    %add3A_319 = arith.constant 64 : i32
    %add3A_320 = arith.addi %mul3A_2, %add3A_319 : i32
    %dma_start3A_321 = arith.constant 0 : i32
    %dma_start3A_322 = tpu.memref_slice %arg10[%add3A_320, %dma_start3A_321] : memref<8192x1024xf32, #tpu.memory_space<hbm>> -> memref<32x1024xf32, #tpu.memory_space<hbm>>
    %dma_start3A_323 = arith.constant 0 : i32
    %dma_start3A_324 = tpu.memref_slice %arg10[%add3A_320, %dma_start3A_323] : memref<8192x1024xf32, #tpu.memory_space<hbm>> -> memref<32x1024xf32, #tpu.memory_space<hbm>>
    tpu.enqueue_dma source(%arg23 : memref<32x1024xf32, #tpu.memory_space<vmem>>) target(%dma_start3A_324 : memref<32x1024xf32, #tpu.memory_space<hbm>>) target_semaphore(%arg29 : memref<!tpu.dma_semaphore, #tpu.memory_space<semaphore_mem>>)
    %dma_start3A_325 = arith.constant 0 : i32
    %dma_start3A_326 = tpu.memref_slice %arg19[%add3A_320, %dma_start3A_325] : memref<8192x1024xf32, #tpu.memory_space<hbm>> -> memref<32x1024xf32, #tpu.memory_space<hbm>>
    %dma_start3A_327 = arith.constant 0 : i32
    %dma_start3A_328 = tpu.memref_slice %arg19[%add3A_320, %dma_start3A_327] : memref<8192x1024xf32, #tpu.memory_space<hbm>> -> memref<32x1024xf32, #tpu.memory_space<hbm>>
    tpu.enqueue_dma source(%arg23 : memref<32x1024xf32, #tpu.memory_space<vmem>>) target(%dma_start3A_328 : memref<32x1024xf32, #tpu.memory_space<hbm>>) target_semaphore(%arg29 : memref<!tpu.dma_semaphore, #tpu.memory_space<semaphore_mem>>)
    %dma_wait3A_329 = arith.constant 0 : i32
    %dma_wait3A_330 = tpu.memref_slice %arg10[%add3A_256, %dma_wait3A_329] : memref<8192x1024xf32, #tpu.memory_space<hbm>> -> memref<32x1024xf32, #tpu.memory_space<hbm>>
    %dma_wait3A_331 = arith.constant 0 : i32
    %dma_wait3A_332 = tpu.memref_slice %arg10[%add3A_256, %dma_wait3A_331] : memref<8192x1024xf32, #tpu.memory_space<hbm>> -> memref<32x1024xf32, #tpu.memory_space<hbm>>
    tpu.wait_dma2 semaphore(%arg30 : memref<!tpu.dma_semaphore, #tpu.memory_space<semaphore_mem>>) src(%arg24 : memref<32x1024xf32, #tpu.memory_space<vmem>>) dst(%dma_wait3A_332 : memref<32x1024xf32, #tpu.memory_space<hbm>>)
    %dma_wait3A_333 = arith.constant 0 : i32
    %dma_wait3A_334 = tpu.memref_slice %arg19[%add3A_256, %dma_wait3A_333] : memref<8192x1024xf32, #tpu.memory_space<hbm>> -> memref<32x1024xf32, #tpu.memory_space<hbm>>
    %dma_wait3A_335 = arith.constant 0 : i32
    %dma_wait3A_336 = tpu.memref_slice %arg19[%add3A_256, %dma_wait3A_335] : memref<8192x1024xf32, #tpu.memory_space<hbm>> -> memref<32x1024xf32, #tpu.memory_space<hbm>>
    tpu.wait_dma2 semaphore(%arg30 : memref<!tpu.dma_semaphore, #tpu.memory_space<semaphore_mem>>) src(%arg24 : memref<32x1024xf32, #tpu.memory_space<vmem>>) dst(%dma_wait3A_336 : memref<32x1024xf32, #tpu.memory_space<hbm>>)
    %dma_start3A_337 = arith.constant 3 : i32
    %dma_start3A_338 = arith.constant 0 : i32
    %dma_start3A_339 = tpu.memref_slice %arg21[%dma_start3A_337, %dma_start3A_338] : memref<8x32xi32, #tpu.memory_space<vmem>> -> memref<1x32xi32, #tpu.memory_space<vmem>>
    %dma_start3A_340 = tpu.memref_squeeze %dma_start3A_339 : memref<1x32xi32, #tpu.memory_space<vmem>> -> memref<32xi32, #tpu.memory_space<vmem>>
    %dma_start3A_341 = arith.constant 0 : i32
    %dma_start3A_342 = arith.constant 0 : i32
    %dma_start3A_343 = tpu.memref_slice %arg4[%dma_start3A_341, %dma_start3A_342] : memref<50304x1024xf32, #tpu.memory_space<hbm>> -> memref<50304x1024xf32, #tpu.memory_space<hbm>>
    tpu.enqueue_indirect_dma source(%dma_start3A_343 : memref<50304x1024xf32, #tpu.memory_space<hbm>>) target(%arg24 : memref<32x1024xf32, #tpu.memory_space<vmem>>) offsets(%dma_start3A_340 : memref<32xi32, #tpu.memory_space<vmem>>) semaphore(%arg27 : memref<!tpu.dma_semaphore, #tpu.memory_space<semaphore_mem>>)
    %dma_wait3A_344 = arith.constant 3 : i32
    %dma_wait3A_345 = arith.constant 0 : i32
    %dma_wait3A_346 = tpu.memref_slice %arg21[%dma_wait3A_344, %dma_wait3A_345] : memref<8x32xi32, #tpu.memory_space<vmem>> -> memref<1x32xi32, #tpu.memory_space<vmem>>
    %dma_wait3A_347 = tpu.memref_squeeze %dma_wait3A_346 : memref<1x32xi32, #tpu.memory_space<vmem>> -> memref<32xi32, #tpu.memory_space<vmem>>
    %dma_wait3A_348 = arith.constant 0 : i32
    %dma_wait3A_349 = arith.constant 0 : i32
    %dma_wait3A_350 = tpu.memref_slice %arg4[%dma_wait3A_348, %dma_wait3A_349] : memref<50304x1024xf32, #tpu.memory_space<hbm>> -> memref<50304x1024xf32, #tpu.memory_space<hbm>>
    tpu.wait_indirect_dma semaphore(%arg27 : memref<!tpu.dma_semaphore, #tpu.memory_space<semaphore_mem>>) src(%dma_wait3A_350 : memref<50304x1024xf32, #tpu.memory_space<hbm>>) dst(%arg24 : memref<32x1024xf32, #tpu.memory_space<vmem>>)
    %add3A_351 = arith.constant 96 : i32
    %add3A_352 = arith.addi %mul3A_2, %add3A_351 : i32
    %dma_start3A_353 = arith.constant 0 : i32
    %dma_start3A_354 = tpu.memref_slice %arg10[%add3A_352, %dma_start3A_353] : memref<8192x1024xf32, #tpu.memory_space<hbm>> -> memref<32x1024xf32, #tpu.memory_space<hbm>>
    %dma_start3A_355 = arith.constant 0 : i32
    %dma_start3A_356 = tpu.memref_slice %arg10[%add3A_352, %dma_start3A_355] : memref<8192x1024xf32, #tpu.memory_space<hbm>> -> memref<32x1024xf32, #tpu.memory_space<hbm>>
    tpu.enqueue_dma source(%arg24 : memref<32x1024xf32, #tpu.memory_space<vmem>>) target(%dma_start3A_356 : memref<32x1024xf32, #tpu.memory_space<hbm>>) target_semaphore(%arg30 : memref<!tpu.dma_semaphore, #tpu.memory_space<semaphore_mem>>)
    %dma_start3A_357 = arith.constant 0 : i32
    %dma_start3A_358 = tpu.memref_slice %arg19[%add3A_352, %dma_start3A_357] : memref<8192x1024xf32, #tpu.memory_space<hbm>> -> memref<32x1024xf32, #tpu.memory_space<hbm>>
    %dma_start3A_359 = arith.constant 0 : i32
    %dma_start3A_360 = tpu.memref_slice %arg19[%add3A_352, %dma_start3A_359] : memref<8192x1024xf32, #tpu.memory_space<hbm>> -> memref<32x1024xf32, #tpu.memory_space<hbm>>
    tpu.enqueue_dma source(%arg24 : memref<32x1024xf32, #tpu.memory_space<vmem>>) target(%dma_start3A_360 : memref<32x1024xf32, #tpu.memory_space<hbm>>) target_semaphore(%arg30 : memref<!tpu.dma_semaphore, #tpu.memory_space<semaphore_mem>>)
    %dma_wait3A_361 = arith.constant 0 : i32
    %dma_wait3A_362 = tpu.memref_slice %arg10[%add3A_288, %dma_wait3A_361] : memref<8192x1024xf32, #tpu.memory_space<hbm>> -> memref<32x1024xf32, #tpu.memory_space<hbm>>
    %dma_wait3A_363 = arith.constant 0 : i32
    %dma_wait3A_364 = tpu.memref_slice %arg10[%add3A_288, %dma_wait3A_363] : memref<8192x1024xf32, #tpu.memory_space<hbm>> -> memref<32x1024xf32, #tpu.memory_space<hbm>>
    tpu.wait_dma2 semaphore(%arg28 : memref<!tpu.dma_semaphore, #tpu.memory_space<semaphore_mem>>) src(%arg22 : memref<32x1024xf32, #tpu.memory_space<vmem>>) dst(%dma_wait3A_364 : memref<32x1024xf32, #tpu.memory_space<hbm>>)
    %dma_wait3A_365 = arith.constant 0 : i32
    %dma_wait3A_366 = tpu.memref_slice %arg19[%add3A_288, %dma_wait3A_365] : memref<8192x1024xf32, #tpu.memory_space<hbm>> -> memref<32x1024xf32, #tpu.memory_space<hbm>>
    %dma_wait3A_367 = arith.constant 0 : i32
    %dma_wait3A_368 = tpu.memref_slice %arg19[%add3A_288, %dma_wait3A_367] : memref<8192x1024xf32, #tpu.memory_space<hbm>> -> memref<32x1024xf32, #tpu.memory_space<hbm>>
    tpu.wait_dma2 semaphore(%arg28 : memref<!tpu.dma_semaphore, #tpu.memory_space<semaphore_mem>>) src(%arg22 : memref<32x1024xf32, #tpu.memory_space<vmem>>) dst(%dma_wait3A_368 : memref<32x1024xf32, #tpu.memory_space<hbm>>)
    %dma_start3A_369 = arith.constant 4 : i32
    %dma_start3A_370 = arith.constant 0 : i32
    %dma_start3A_371 = tpu.memref_slice %arg21[%dma_start3A_369, %dma_start3A_370] : memref<8x32xi32, #tpu.memory_space<vmem>> -> memref<1x32xi32, #tpu.memory_space<vmem>>
    %dma_start3A_372 = tpu.memref_squeeze %dma_start3A_371 : memref<1x32xi32, #tpu.memory_space<vmem>> -> memref<32xi32, #tpu.memory_space<vmem>>
    %dma_start3A_373 = arith.constant 0 : i32
    %dma_start3A_374 = arith.constant 0 : i32
    %dma_start3A_375 = tpu.memref_slice %arg4[%dma_start3A_373, %dma_start3A_374] : memref<50304x1024xf32, #tpu.memory_space<hbm>> -> memref<50304x1024xf32, #tpu.memory_space<hbm>>
    tpu.enqueue_indirect_dma source(%dma_start3A_375 : memref<50304x1024xf32, #tpu.memory_space<hbm>>) target(%arg22 : memref<32x1024xf32, #tpu.memory_space<vmem>>) offsets(%dma_start3A_372 : memref<32xi32, #tpu.memory_space<vmem>>) semaphore(%arg25 : memref<!tpu.dma_semaphore, #tpu.memory_space<semaphore_mem>>)
    %dma_wait3A_376 = arith.constant 4 : i32
    %dma_wait3A_377 = arith.constant 0 : i32
    %dma_wait3A_378 = tpu.memref_slice %arg21[%dma_wait3A_376, %dma_wait3A_377] : memref<8x32xi32, #tpu.memory_space<vmem>> -> memref<1x32xi32, #tpu.memory_space<vmem>>
    %dma_wait3A_379 = tpu.memref_squeeze %dma_wait3A_378 : memref<1x32xi32, #tpu.memory_space<vmem>> -> memref<32xi32, #tpu.memory_space<vmem>>
    %dma_wait3A_380 = arith.constant 0 : i32
    %dma_wait3A_381 = arith.constant 0 : i32
    %dma_wait3A_382 = tpu.memref_slice %arg4[%dma_wait3A_380, %dma_wait3A_381] : memref<50304x1024xf32, #tpu.memory_space<hbm>> -> memref<50304x1024xf32, #tpu.memory_space<hbm>>
    tpu.wait_indirect_dma semaphore(%arg25 : memref<!tpu.dma_semaphore, #tpu.memory_space<semaphore_mem>>) src(%dma_wait3A_382 : memref<50304x1024xf32, #tpu.memory_space<hbm>>) dst(%arg22 : memref<32x1024xf32, #tpu.memory_space<vmem>>)
    %add3A_383 = arith.constant 128 : i32
    %add3A_384 = arith.addi %mul3A_2, %add3A_383 : i32
    %dma_start3A_385 = arith.constant 0 : i32
    %dma_start3A_386 = tpu.memref_slice %arg10[%add3A_384, %dma_start3A_385] : memref<8192x1024xf32, #tpu.memory_space<hbm>> -> memref<32x1024xf32, #tpu.memory_space<hbm>>
    %dma_start3A_387 = arith.constant 0 : i32
    %dma_start3A_388 = tpu.memref_slice %arg10[%add3A_384, %dma_start3A_387] : memref<8192x1024xf32, #tpu.memory_space<hbm>> -> memref<32x1024xf32, #tpu.memory_space<hbm>>
    tpu.enqueue_dma source(%arg22 : memref<32x1024xf32, #tpu.memory_space<vmem>>) target(%dma_start3A_388 : memref<32x1024xf32, #tpu.memory_space<hbm>>) target_semaphore(%arg28 : memref<!tpu.dma_semaphore, #tpu.memory_space<semaphore_mem>>)
    %dma_start3A_389 = arith.constant 0 : i32
    %dma_start3A_390 = tpu.memref_slice %arg19[%add3A_384, %dma_start3A_389] : memref<8192x1024xf32, #tpu.memory_space<hbm>> -> memref<32x1024xf32, #tpu.memory_space<hbm>>
    %dma_start3A_391 = arith.constant 0 : i32
    %dma_start3A_392 = tpu.memref_slice %arg19[%add3A_384, %dma_start3A_391] : memref<8192x1024xf32, #tpu.memory_space<hbm>> -> memref<32x1024xf32, #tpu.memory_space<hbm>>
    tpu.enqueue_dma source(%arg22 : memref<32x1024xf32, #tpu.memory_space<vmem>>) target(%dma_start3A_392 : memref<32x1024xf32, #tpu.memory_space<hbm>>) target_semaphore(%arg28 : memref<!tpu.dma_semaphore, #tpu.memory_space<semaphore_mem>>)
    %dma_wait3A_393 = arith.constant 0 : i32
    %dma_wait3A_394 = tpu.memref_slice %arg10[%add3A_320, %dma_wait3A_393] : memref<8192x1024xf32, #tpu.memory_space<hbm>> -> memref<32x1024xf32, #tpu.memory_space<hbm>>
    %dma_wait3A_395 = arith.constant 0 : i32
    %dma_wait3A_396 = tpu.memref_slice %arg10[%add3A_320, %dma_wait3A_395] : memref<8192x1024xf32, #tpu.memory_space<hbm>> -> memref<32x1024xf32, #tpu.memory_space<hbm>>
    tpu.wait_dma2 semaphore(%arg29 : memref<!tpu.dma_semaphore, #tpu.memory_space<semaphore_mem>>) src(%arg23 : memref<32x1024xf32, #tpu.memory_space<vmem>>) dst(%dma_wait3A_396 : memref<32x1024xf32, #tpu.memory_space<hbm>>)
    %dma_wait3A_397 = arith.constant 0 : i32
    %dma_wait3A_398 = tpu.memref_slice %arg19[%add3A_320, %dma_wait3A_397] : memref<8192x1024xf32, #tpu.memory_space<hbm>> -> memref<32x1024xf32, #tpu.memory_space<hbm>>
    %dma_wait3A_399 = arith.constant 0 : i32
    %dma_wait3A_400 = tpu.memref_slice %arg19[%add3A_320, %dma_wait3A_399] : memref<8192x1024xf32, #tpu.memory_space<hbm>> -> memref<32x1024xf32, #tpu.memory_space<hbm>>
    tpu.wait_dma2 semaphore(%arg29 : memref<!tpu.dma_semaphore, #tpu.memory_space<semaphore_mem>>) src(%arg23 : memref<32x1024xf32, #tpu.memory_space<vmem>>) dst(%dma_wait3A_400 : memref<32x1024xf32, #tpu.memory_space<hbm>>)
    %dma_start3A_401 = arith.constant 5 : i32
    %dma_start3A_402 = arith.constant 0 : i32
    %dma_start3A_403 = tpu.memref_slice %arg21[%dma_start3A_401, %dma_start3A_402] : memref<8x32xi32, #tpu.memory_space<vmem>> -> memref<1x32xi32, #tpu.memory_space<vmem>>
    %dma_start3A_404 = tpu.memref_squeeze %dma_start3A_403 : memref<1x32xi32, #tpu.memory_space<vmem>> -> memref<32xi32, #tpu.memory_space<vmem>>
    %dma_start3A_405 = arith.constant 0 : i32
    %dma_start3A_406 = arith.constant 0 : i32
    %dma_start3A_407 = tpu.memref_slice %arg4[%dma_start3A_405, %dma_start3A_406] : memref<50304x1024xf32, #tpu.memory_space<hbm>> -> memref<50304x1024xf32, #tpu.memory_space<hbm>>
    tpu.enqueue_indirect_dma source(%dma_start3A_407 : memref<50304x1024xf32, #tpu.memory_space<hbm>>) target(%arg23 : memref<32x1024xf32, #tpu.memory_space<vmem>>) offsets(%dma_start3A_404 : memref<32xi32, #tpu.memory_space<vmem>>) semaphore(%arg26 : memref<!tpu.dma_semaphore, #tpu.memory_space<semaphore_mem>>)
    %dma_wait3A_408 = arith.constant 5 : i32
    %dma_wait3A_409 = arith.constant 0 : i32
    %dma_wait3A_410 = tpu.memref_slice %arg21[%dma_wait3A_408, %dma_wait3A_409] : memref<8x32xi32, #tpu.memory_space<vmem>> -> memref<1x32xi32, #tpu.memory_space<vmem>>
    %dma_wait3A_411 = tpu.memref_squeeze %dma_wait3A_410 : memref<1x32xi32, #tpu.memory_space<vmem>> -> memref<32xi32, #tpu.memory_space<vmem>>
    %dma_wait3A_412 = arith.constant 0 : i32
    %dma_wait3A_413 = arith.constant 0 : i32
    %dma_wait3A_414 = tpu.memref_slice %arg4[%dma_wait3A_412, %dma_wait3A_413] : memref<50304x1024xf32, #tpu.memory_space<hbm>> -> memref<50304x1024xf32, #tpu.memory_space<hbm>>
    tpu.wait_indirect_dma semaphore(%arg26 : memref<!tpu.dma_semaphore, #tpu.memory_space<semaphore_mem>>) src(%dma_wait3A_414 : memref<50304x1024xf32, #tpu.memory_space<hbm>>) dst(%arg23 : memref<32x1024xf32, #tpu.memory_space<vmem>>)
    %add3A_415 = arith.constant 160 : i32
    %add3A_416 = arith.addi %mul3A_2, %add3A_415 : i32
    %dma_start3A_417 = arith.constant 0 : i32
    %dma_start3A_418 = tpu.memref_slice %arg10[%add3A_416, %dma_start3A_417] : memref<8192x1024xf32, #tpu.memory_space<hbm>> -> memref<32x1024xf32, #tpu.memory_space<hbm>>
    %dma_start3A_419 = arith.constant 0 : i32
    %dma_start3A_420 = tpu.memref_slice %arg10[%add3A_416, %dma_start3A_419] : memref<8192x1024xf32, #tpu.memory_space<hbm>> -> memref<32x1024xf32, #tpu.memory_space<hbm>>
    tpu.enqueue_dma source(%arg23 : memref<32x1024xf32, #tpu.memory_space<vmem>>) target(%dma_start3A_420 : memref<32x1024xf32, #tpu.memory_space<hbm>>) target_semaphore(%arg29 : memref<!tpu.dma_semaphore, #tpu.memory_space<semaphore_mem>>)
    %dma_start3A_421 = arith.constant 0 : i32
    %dma_start3A_422 = tpu.memref_slice %arg19[%add3A_416, %dma_start3A_421] : memref<8192x1024xf32, #tpu.memory_space<hbm>> -> memref<32x1024xf32, #tpu.memory_space<hbm>>
    %dma_start3A_423 = arith.constant 0 : i32
    %dma_start3A_424 = tpu.memref_slice %arg19[%add3A_416, %dma_start3A_423] : memref<8192x1024xf32, #tpu.memory_space<hbm>> -> memref<32x1024xf32, #tpu.memory_space<hbm>>
    tpu.enqueue_dma source(%arg23 : memref<32x1024xf32, #tpu.memory_space<vmem>>) target(%dma_start3A_424 : memref<32x1024xf32, #tpu.memory_space<hbm>>) target_semaphore(%arg29 : memref<!tpu.dma_semaphore, #tpu.memory_space<semaphore_mem>>)
    %dma_wait3A_425 = arith.constant 0 : i32
    %dma_wait3A_426 = tpu.memref_slice %arg10[%add3A_352, %dma_wait3A_425] : memref<8192x1024xf32, #tpu.memory_space<hbm>> -> memref<32x1024xf32, #tpu.memory_space<hbm>>
    %dma_wait3A_427 = arith.constant 0 : i32
    %dma_wait3A_428 = tpu.memref_slice %arg10[%add3A_352, %dma_wait3A_427] : memref<8192x1024xf32, #tpu.memory_space<hbm>> -> memref<32x1024xf32, #tpu.memory_space<hbm>>
    tpu.wait_dma2 semaphore(%arg30 : memref<!tpu.dma_semaphore, #tpu.memory_space<semaphore_mem>>) src(%arg24 : memref<32x1024xf32, #tpu.memory_space<vmem>>) dst(%dma_wait3A_428 : memref<32x1024xf32, #tpu.memory_space<hbm>>)
    %dma_wait3A_429 = arith.constant 0 : i32
    %dma_wait3A_430 = tpu.memref_slice %arg19[%add3A_352, %dma_wait3A_429] : memref<8192x1024xf32, #tpu.memory_space<hbm>> -> memref<32x1024xf32, #tpu.memory_space<hbm>>
    %dma_wait3A_431 = arith.constant 0 : i32
    %dma_wait3A_432 = tpu.memref_slice %arg19[%add3A_352, %dma_wait3A_431] : memref<8192x1024xf32, #tpu.memory_space<hbm>> -> memref<32x1024xf32, #tpu.memory_space<hbm>>
    tpu.wait_dma2 semaphore(%arg30 : memref<!tpu.dma_semaphore, #tpu.memory_space<semaphore_mem>>) src(%arg24 : memref<32x1024xf32, #tpu.memory_space<vmem>>) dst(%dma_wait3A_432 : memref<32x1024xf32, #tpu.memory_space<hbm>>)
    %dma_start3A_433 = arith.constant 6 : i32
    %dma_start3A_434 = arith.constant 0 : i32
    %dma_start3A_435 = tpu.memref_slice %arg21[%dma_start3A_433, %dma_start3A_434] : memref<8x32xi32, #tpu.memory_space<vmem>> -> memref<1x32xi32, #tpu.memory_space<vmem>>
    %dma_start3A_436 = tpu.memref_squeeze %dma_start3A_435 : memref<1x32xi32, #tpu.memory_space<vmem>> -> memref<32xi32, #tpu.memory_space<vmem>>
    %dma_start3A_437 = arith.constant 0 : i32
    %dma_start3A_438 = arith.constant 0 : i32
    %dma_start3A_439 = tpu.memref_slice %arg4[%dma_start3A_437, %dma_start3A_438] : memref<50304x1024xf32, #tpu.memory_space<hbm>> -> memref<50304x1024xf32, #tpu.memory_space<hbm>>
    tpu.enqueue_indirect_dma source(%dma_start3A_439 : memref<50304x1024xf32, #tpu.memory_space<hbm>>) target(%arg24 : memref<32x1024xf32, #tpu.memory_space<vmem>>) offsets(%dma_start3A_436 : memref<32xi32, #tpu.memory_space<vmem>>) semaphore(%arg27 : memref<!tpu.dma_semaphore, #tpu.memory_space<semaphore_mem>>)
    %dma_wait3A_440 = arith.constant 6 : i32
    %dma_wait3A_441 = arith.constant 0 : i32
    %dma_wait3A_442 = tpu.memref_slice %arg21[%dma_wait3A_440, %dma_wait3A_441] : memref<8x32xi32, #tpu.memory_space<vmem>> -> memref<1x32xi32, #tpu.memory_space<vmem>>
    %dma_wait3A_443 = tpu.memref_squeeze %dma_wait3A_442 : memref<1x32xi32, #tpu.memory_space<vmem>> -> memref<32xi32, #tpu.memory_space<vmem>>
    %dma_wait3A_444 = arith.constant 0 : i32
    %dma_wait3A_445 = arith.constant 0 : i32
    %dma_wait3A_446 = tpu.memref_slice %arg4[%dma_wait3A_444, %dma_wait3A_445] : memref<50304x1024xf32, #tpu.memory_space<hbm>> -> memref<50304x1024xf32, #tpu.memory_space<hbm>>
    tpu.wait_indirect_dma semaphore(%arg27 : memref<!tpu.dma_semaphore, #tpu.memory_space<semaphore_mem>>) src(%dma_wait3A_446 : memref<50304x1024xf32, #tpu.memory_space<hbm>>) dst(%arg24 : memref<32x1024xf32, #tpu.memory_space<vmem>>)
    %add3A_447 = arith.constant 192 : i32
    %add3A_448 = arith.addi %mul3A_2, %add3A_447 : i32
    %dma_start3A_449 = arith.constant 0 : i32
    %dma_start3A_450 = tpu.memref_slice %arg10[%add3A_448, %dma_start3A_449] : memref<8192x1024xf32, #tpu.memory_space<hbm>> -> memref<32x1024xf32, #tpu.memory_space<hbm>>
    %dma_start3A_451 = arith.constant 0 : i32
    %dma_start3A_452 = tpu.memref_slice %arg10[%add3A_448, %dma_start3A_451] : memref<8192x1024xf32, #tpu.memory_space<hbm>> -> memref<32x1024xf32, #tpu.memory_space<hbm>>
    tpu.enqueue_dma source(%arg24 : memref<32x1024xf32, #tpu.memory_space<vmem>>) target(%dma_start3A_452 : memref<32x1024xf32, #tpu.memory_space<hbm>>) target_semaphore(%arg30 : memref<!tpu.dma_semaphore, #tpu.memory_space<semaphore_mem>>)
    %dma_start3A_453 = arith.constant 0 : i32
    %dma_start3A_454 = tpu.memref_slice %arg19[%add3A_448, %dma_start3A_453] : memref<8192x1024xf32, #tpu.memory_space<hbm>> -> memref<32x1024xf32, #tpu.memory_space<hbm>>
    %dma_start3A_455 = arith.constant 0 : i32
    %dma_start3A_456 = tpu.memref_slice %arg19[%add3A_448, %dma_start3A_455] : memref<8192x1024xf32, #tpu.memory_space<hbm>> -> memref<32x1024xf32, #tpu.memory_space<hbm>>
    tpu.enqueue_dma source(%arg24 : memref<32x1024xf32, #tpu.memory_space<vmem>>) target(%dma_start3A_456 : memref<32x1024xf32, #tpu.memory_space<hbm>>) target_semaphore(%arg30 : memref<!tpu.dma_semaphore, #tpu.memory_space<semaphore_mem>>)
    %dma_wait3A_457 = arith.constant 0 : i32
    %dma_wait3A_458 = tpu.memref_slice %arg10[%add3A_384, %dma_wait3A_457] : memref<8192x1024xf32, #tpu.memory_space<hbm>> -> memref<32x1024xf32, #tpu.memory_space<hbm>>
    %dma_wait3A_459 = arith.constant 0 : i32
    %dma_wait3A_460 = tpu.memref_slice %arg10[%add3A_384, %dma_wait3A_459] : memref<8192x1024xf32, #tpu.memory_space<hbm>> -> memref<32x1024xf32, #tpu.memory_space<hbm>>
    tpu.wait_dma2 semaphore(%arg28 : memref<!tpu.dma_semaphore, #tpu.memory_space<semaphore_mem>>) src(%arg22 : memref<32x1024xf32, #tpu.memory_space<vmem>>) dst(%dma_wait3A_460 : memref<32x1024xf32, #tpu.memory_space<hbm>>)
    %dma_wait3A_461 = arith.constant 0 : i32
    %dma_wait3A_462 = tpu.memref_slice %arg19[%add3A_384, %dma_wait3A_461] : memref<8192x1024xf32, #tpu.memory_space<hbm>> -> memref<32x1024xf32, #tpu.memory_space<hbm>>
    %dma_wait3A_463 = arith.constant 0 : i32
    %dma_wait3A_464 = tpu.memref_slice %arg19[%add3A_384, %dma_wait3A_463] : memref<8192x1024xf32, #tpu.memory_space<hbm>> -> memref<32x1024xf32, #tpu.memory_space<hbm>>
    tpu.wait_dma2 semaphore(%arg28 : memref<!tpu.dma_semaphore, #tpu.memory_space<semaphore_mem>>) src(%arg22 : memref<32x1024xf32, #tpu.memory_space<vmem>>) dst(%dma_wait3A_464 : memref<32x1024xf32, #tpu.memory_space<hbm>>)
    %dma_start3A_465 = arith.constant 7 : i32
    %dma_start3A_466 = arith.constant 0 : i32
    %dma_start3A_467 = tpu.memref_slice %arg21[%dma_start3A_465, %dma_start3A_466] : memref<8x32xi32, #tpu.memory_space<vmem>> -> memref<1x32xi32, #tpu.memory_space<vmem>>
    %dma_start3A_468 = tpu.memref_squeeze %dma_start3A_467 : memref<1x32xi32, #tpu.memory_space<vmem>> -> memref<32xi32, #tpu.memory_space<vmem>>
    %dma_start3A_469 = arith.constant 0 : i32
    %dma_start3A_470 = arith.constant 0 : i32
    %dma_start3A_471 = tpu.memref_slice %arg4[%dma_start3A_469, %dma_start3A_470] : memref<50304x1024xf32, #tpu.memory_space<hbm>> -> memref<50304x1024xf32, #tpu.memory_space<hbm>>
    tpu.enqueue_indirect_dma source(%dma_start3A_471 : memref<50304x1024xf32, #tpu.memory_space<hbm>>) target(%arg22 : memref<32x1024xf32, #tpu.memory_space<vmem>>) offsets(%dma_start3A_468 : memref<32xi32, #tpu.memory_space<vmem>>) semaphore(%arg25 : memref<!tpu.dma_semaphore, #tpu.memory_space<semaphore_mem>>)
    %dma_wait3A_472 = arith.constant 7 : i32
    %dma_wait3A_473 = arith.constant 0 : i32
    %dma_wait3A_474 = tpu.memref_slice %arg21[%dma_wait3A_472, %dma_wait3A_473] : memref<8x32xi32, #tpu.memory_space<vmem>> -> memref<1x32xi32, #tpu.memory_space<vmem>>
    %dma_wait3A_475 = tpu.memref_squeeze %dma_wait3A_474 : memref<1x32xi32, #tpu.memory_space<vmem>> -> memref<32xi32, #tpu.memory_space<vmem>>
    %dma_wait3A_476 = arith.constant 0 : i32
    %dma_wait3A_477 = arith.constant 0 : i32
    %dma_wait3A_478 = tpu.memref_slice %arg4[%dma_wait3A_476, %dma_wait3A_477] : memref<50304x1024xf32, #tpu.memory_space<hbm>> -> memref<50304x1024xf32, #tpu.memory_space<hbm>>
    tpu.wait_indirect_dma semaphore(%arg25 : memref<!tpu.dma_semaphore, #tpu.memory_space<semaphore_mem>>) src(%dma_wait3A_478 : memref<50304x1024xf32, #tpu.memory_space<hbm>>) dst(%arg22 : memref<32x1024xf32, #tpu.memory_space<vmem>>)
    %add3A_479 = arith.constant 224 : i32
    %add3A_480 = arith.addi %mul3A_2, %add3A_479 : i32
    %dma_start3A_481 = arith.constant 0 : i32
    %dma_start3A_482 = tpu.memref_slice %arg10[%add3A_480, %dma_start3A_481] : memref<8192x1024xf32, #tpu.memory_space<hbm>> -> memref<32x1024xf32, #tpu.memory_space<hbm>>
    %dma_start3A_483 = arith.constant 0 : i32
    %dma_start3A_484 = tpu.memref_slice %arg10[%add3A_480, %dma_start3A_483] : memref<8192x1024xf32, #tpu.memory_space<hbm>> -> memref<32x1024xf32, #tpu.memory_space<hbm>>
    tpu.enqueue_dma source(%arg22 : memref<32x1024xf32, #tpu.memory_space<vmem>>) target(%dma_start3A_484 : memref<32x1024xf32, #tpu.memory_space<hbm>>) target_semaphore(%arg28 : memref<!tpu.dma_semaphore, #tpu.memory_space<semaphore_mem>>)
    %dma_start3A_485 = arith.constant 0 : i32
    %dma_start3A_486 = tpu.memref_slice %arg19[%add3A_480, %dma_start3A_485] : memref<8192x1024xf32, #tpu.memory_space<hbm>> -> memref<32x1024xf32, #tpu.memory_space<hbm>>
    %dma_start3A_487 = arith.constant 0 : i32
    %dma_start3A_488 = tpu.memref_slice %arg19[%add3A_480, %dma_start3A_487] : memref<8192x1024xf32, #tpu.memory_space<hbm>> -> memref<32x1024xf32, #tpu.memory_space<hbm>>
    tpu.enqueue_dma source(%arg22 : memref<32x1024xf32, #tpu.memory_space<vmem>>) target(%dma_start3A_488 : memref<32x1024xf32, #tpu.memory_space<hbm>>) target_semaphore(%arg28 : memref<!tpu.dma_semaphore, #tpu.memory_space<semaphore_mem>>)
    %dma_wait3A_489 = arith.constant 0 : i32
    %dma_wait3A_490 = tpu.memref_slice %arg10[%add3A_416, %dma_wait3A_489] : memref<8192x1024xf32, #tpu.memory_space<hbm>> -> memref<32x1024xf32, #tpu.memory_space<hbm>>
    %dma_wait3A_491 = arith.constant 0 : i32
    %dma_wait3A_492 = tpu.memref_slice %arg10[%add3A_416, %dma_wait3A_491] : memref<8192x1024xf32, #tpu.memory_space<hbm>> -> memref<32x1024xf32, #tpu.memory_space<hbm>>
    tpu.wait_dma2 semaphore(%arg29 : memref<!tpu.dma_semaphore, #tpu.memory_space<semaphore_mem>>) src(%arg23 : memref<32x1024xf32, #tpu.memory_space<vmem>>) dst(%dma_wait3A_492 : memref<32x1024xf32, #tpu.memory_space<hbm>>)
    %dma_wait3A_493 = arith.constant 0 : i32
    %dma_wait3A_494 = tpu.memref_slice %arg19[%add3A_416, %dma_wait3A_493] : memref<8192x1024xf32, #tpu.memory_space<hbm>> -> memref<32x1024xf32, #tpu.memory_space<hbm>>
    %dma_wait3A_495 = arith.constant 0 : i32
    %dma_wait3A_496 = tpu.memref_slice %arg19[%add3A_416, %dma_wait3A_495] : memref<8192x1024xf32, #tpu.memory_space<hbm>> -> memref<32x1024xf32, #tpu.memory_space<hbm>>
    tpu.wait_dma2 semaphore(%arg29 : memref<!tpu.dma_semaphore, #tpu.memory_space<semaphore_mem>>) src(%arg23 : memref<32x1024xf32, #tpu.memory_space<vmem>>) dst(%dma_wait3A_496 : memref<32x1024xf32, #tpu.memory_space<hbm>>)
    %dma_start3A_497 = arith.constant 0 : i32
    %dma_start3A_498 = arith.constant 0 : i32
    %dma_start3A_499 = tpu.memref_slice %arg21[%dma_start3A_497, %dma_start3A_498] : memref<8x32xi32, #tpu.memory_space<vmem>> -> memref<1x32xi32, #tpu.memory_space<vmem>>
    %dma_start3A_500 = tpu.memref_squeeze %dma_start3A_499 : memref<1x32xi32, #tpu.memory_space<vmem>> -> memref<32xi32, #tpu.memory_space<vmem>>
    %dma_start3A_501 = arith.constant 0 : i32
    %dma_start3A_502 = arith.constant 0 : i32
    %dma_start3A_503 = tpu.memref_slice %arg5[%dma_start3A_501, %dma_start3A_502] : memref<50304x1024xf32, #tpu.memory_space<hbm>> -> memref<50304x1024xf32, #tpu.memory_space<hbm>>
    tpu.enqueue_indirect_dma source(%dma_start3A_503 : memref<50304x1024xf32, #tpu.memory_space<hbm>>) target(%arg23 : memref<32x1024xf32, #tpu.memory_space<vmem>>) offsets(%dma_start3A_500 : memref<32xi32, #tpu.memory_space<vmem>>) semaphore(%arg26 : memref<!tpu.dma_semaphore, #tpu.memory_space<semaphore_mem>>)
    %dma_wait3A_504 = arith.constant 0 : i32
    %dma_wait3A_505 = arith.constant 0 : i32
    %dma_wait3A_506 = tpu.memref_slice %arg21[%dma_wait3A_504, %dma_wait3A_505] : memref<8x32xi32, #tpu.memory_space<vmem>> -> memref<1x32xi32, #tpu.memory_space<vmem>>
    %dma_wait3A_507 = tpu.memref_squeeze %dma_wait3A_506 : memref<1x32xi32, #tpu.memory_space<vmem>> -> memref<32xi32, #tpu.memory_space<vmem>>
    %dma_wait3A_508 = arith.constant 0 : i32
    %dma_wait3A_509 = arith.constant 0 : i32
    %dma_wait3A_510 = tpu.memref_slice %arg5[%dma_wait3A_508, %dma_wait3A_509] : memref<50304x1024xf32, #tpu.memory_space<hbm>> -> memref<50304x1024xf32, #tpu.memory_space<hbm>>
    tpu.wait_indirect_dma semaphore(%arg26 : memref<!tpu.dma_semaphore, #tpu.memory_space<semaphore_mem>>) src(%dma_wait3A_510 : memref<50304x1024xf32, #tpu.memory_space<hbm>>) dst(%arg23 : memref<32x1024xf32, #tpu.memory_space<vmem>>)
    %add3A_511 = arith.constant 0 : i32
    %add3A_512 = arith.addi %mul3A_2, %add3A_511 : i32
    %dma_start3A_513 = arith.constant 0 : i32
    %dma_start3A_514 = tpu.memref_slice %arg11[%add3A_512, %dma_start3A_513] : memref<8192x1024xf32, #tpu.memory_space<hbm>> -> memref<32x1024xf32, #tpu.memory_space<hbm>>
    %dma_start3A_515 = arith.constant 0 : i32
    %dma_start3A_516 = tpu.memref_slice %arg11[%add3A_512, %dma_start3A_515] : memref<8192x1024xf32, #tpu.memory_space<hbm>> -> memref<32x1024xf32, #tpu.memory_space<hbm>>
    tpu.enqueue_dma source(%arg23 : memref<32x1024xf32, #tpu.memory_space<vmem>>) target(%dma_start3A_516 : memref<32x1024xf32, #tpu.memory_space<hbm>>) target_semaphore(%arg29 : memref<!tpu.dma_semaphore, #tpu.memory_space<semaphore_mem>>)
    %dma_start3A_517 = arith.constant 0 : i32
    %dma_start3A_518 = tpu.memref_slice %arg18[%add3A_512, %dma_start3A_517] : memref<8192x1024xf32, #tpu.memory_space<hbm>> -> memref<32x1024xf32, #tpu.memory_space<hbm>>
    %dma_start3A_519 = arith.constant 0 : i32
    %dma_start3A_520 = tpu.memref_slice %arg18[%add3A_512, %dma_start3A_519] : memref<8192x1024xf32, #tpu.memory_space<hbm>> -> memref<32x1024xf32, #tpu.memory_space<hbm>>
    tpu.enqueue_dma source(%arg23 : memref<32x1024xf32, #tpu.memory_space<vmem>>) target(%dma_start3A_520 : memref<32x1024xf32, #tpu.memory_space<hbm>>) target_semaphore(%arg29 : memref<!tpu.dma_semaphore, #tpu.memory_space<semaphore_mem>>)
    %dma_wait3A_521 = arith.constant 0 : i32
    %dma_wait3A_522 = tpu.memref_slice %arg10[%add3A_448, %dma_wait3A_521] : memref<8192x1024xf32, #tpu.memory_space<hbm>> -> memref<32x1024xf32, #tpu.memory_space<hbm>>
    %dma_wait3A_523 = arith.constant 0 : i32
    %dma_wait3A_524 = tpu.memref_slice %arg10[%add3A_448, %dma_wait3A_523] : memref<8192x1024xf32, #tpu.memory_space<hbm>> -> memref<32x1024xf32, #tpu.memory_space<hbm>>
    tpu.wait_dma2 semaphore(%arg30 : memref<!tpu.dma_semaphore, #tpu.memory_space<semaphore_mem>>) src(%arg24 : memref<32x1024xf32, #tpu.memory_space<vmem>>) dst(%dma_wait3A_524 : memref<32x1024xf32, #tpu.memory_space<hbm>>)
    %dma_wait3A_525 = arith.constant 0 : i32
    %dma_wait3A_526 = tpu.memref_slice %arg19[%add3A_448, %dma_wait3A_525] : memref<8192x1024xf32, #tpu.memory_space<hbm>> -> memref<32x1024xf32, #tpu.memory_space<hbm>>
    %dma_wait3A_527 = arith.constant 0 : i32
    %dma_wait3A_528 = tpu.memref_slice %arg19[%add3A_448, %dma_wait3A_527] : memref<8192x1024xf32, #tpu.memory_space<hbm>> -> memref<32x1024xf32, #tpu.memory_space<hbm>>
    tpu.wait_dma2 semaphore(%arg30 : memref<!tpu.dma_semaphore, #tpu.memory_space<semaphore_mem>>) src(%arg24 : memref<32x1024xf32, #tpu.memory_space<vmem>>) dst(%dma_wait3A_528 : memref<32x1024xf32, #tpu.memory_space<hbm>>)
    %dma_start3A_529 = arith.constant 1 : i32
    %dma_start3A_530 = arith.constant 0 : i32
    %dma_start3A_531 = tpu.memref_slice %arg21[%dma_start3A_529, %dma_start3A_530] : memref<8x32xi32, #tpu.memory_space<vmem>> -> memref<1x32xi32, #tpu.memory_space<vmem>>
    %dma_start3A_532 = tpu.memref_squeeze %dma_start3A_531 : memref<1x32xi32, #tpu.memory_space<vmem>> -> memref<32xi32, #tpu.memory_space<vmem>>
    %dma_start3A_533 = arith.constant 0 : i32
    %dma_start3A_534 = arith.constant 0 : i32
    %dma_start3A_535 = tpu.memref_slice %arg5[%dma_start3A_533, %dma_start3A_534] : memref<50304x1024xf32, #tpu.memory_space<hbm>> -> memref<50304x1024xf32, #tpu.memory_space<hbm>>
    tpu.enqueue_indirect_dma source(%dma_start3A_535 : memref<50304x1024xf32, #tpu.memory_space<hbm>>) target(%arg24 : memref<32x1024xf32, #tpu.memory_space<vmem>>) offsets(%dma_start3A_532 : memref<32xi32, #tpu.memory_space<vmem>>) semaphore(%arg27 : memref<!tpu.dma_semaphore, #tpu.memory_space<semaphore_mem>>)
    %dma_wait3A_536 = arith.constant 1 : i32
    %dma_wait3A_537 = arith.constant 0 : i32
    %dma_wait3A_538 = tpu.memref_slice %arg21[%dma_wait3A_536, %dma_wait3A_537] : memref<8x32xi32, #tpu.memory_space<vmem>> -> memref<1x32xi32, #tpu.memory_space<vmem>>
    %dma_wait3A_539 = tpu.memref_squeeze %dma_wait3A_538 : memref<1x32xi32, #tpu.memory_space<vmem>> -> memref<32xi32, #tpu.memory_space<vmem>>
    %dma_wait3A_540 = arith.constant 0 : i32
    %dma_wait3A_541 = arith.constant 0 : i32
    %dma_wait3A_542 = tpu.memref_slice %arg5[%dma_wait3A_540, %dma_wait3A_541] : memref<50304x1024xf32, #tpu.memory_space<hbm>> -> memref<50304x1024xf32, #tpu.memory_space<hbm>>
    tpu.wait_indirect_dma semaphore(%arg27 : memref<!tpu.dma_semaphore, #tpu.memory_space<semaphore_mem>>) src(%dma_wait3A_542 : memref<50304x1024xf32, #tpu.memory_space<hbm>>) dst(%arg24 : memref<32x1024xf32, #tpu.memory_space<vmem>>)
    %add3A_543 = arith.constant 32 : i32
    %add3A_544 = arith.addi %mul3A_2, %add3A_543 : i32
    %dma_start3A_545 = arith.constant 0 : i32
    %dma_start3A_546 = tpu.memref_slice %arg11[%add3A_544, %dma_start3A_545] : memref<8192x1024xf32, #tpu.memory_space<hbm>> -> memref<32x1024xf32, #tpu.memory_space<hbm>>
    %dma_start3A_547 = arith.constant 0 : i32
    %dma_start3A_548 = tpu.memref_slice %arg11[%add3A_544, %dma_start3A_547] : memref<8192x1024xf32, #tpu.memory_space<hbm>> -> memref<32x1024xf32, #tpu.memory_space<hbm>>
    tpu.enqueue_dma source(%arg24 : memref<32x1024xf32, #tpu.memory_space<vmem>>) target(%dma_start3A_548 : memref<32x1024xf32, #tpu.memory_space<hbm>>) target_semaphore(%arg30 : memref<!tpu.dma_semaphore, #tpu.memory_space<semaphore_mem>>)
    %dma_start3A_549 = arith.constant 0 : i32
    %dma_start3A_550 = tpu.memref_slice %arg18[%add3A_544, %dma_start3A_549] : memref<8192x1024xf32, #tpu.memory_space<hbm>> -> memref<32x1024xf32, #tpu.memory_space<hbm>>
    %dma_start3A_551 = arith.constant 0 : i32
    %dma_start3A_552 = tpu.memref_slice %arg18[%add3A_544, %dma_start3A_551] : memref<8192x1024xf32, #tpu.memory_space<hbm>> -> memref<32x1024xf32, #tpu.memory_space<hbm>>
    tpu.enqueue_dma source(%arg24 : memref<32x1024xf32, #tpu.memory_space<vmem>>) target(%dma_start3A_552 : memref<32x1024xf32, #tpu.memory_space<hbm>>) target_semaphore(%arg30 : memref<!tpu.dma_semaphore, #tpu.memory_space<semaphore_mem>>)
    %dma_wait3A_553 = arith.constant 0 : i32
    %dma_wait3A_554 = tpu.memref_slice %arg10[%add3A_480, %dma_wait3A_553] : memref<8192x1024xf32, #tpu.memory_space<hbm>> -> memref<32x1024xf32, #tpu.memory_space<hbm>>
    %dma_wait3A_555 = arith.constant 0 : i32
    %dma_wait3A_556 = tpu.memref_slice %arg10[%add3A_480, %dma_wait3A_555] : memref<8192x1024xf32, #tpu.memory_space<hbm>> -> memref<32x1024xf32, #tpu.memory_space<hbm>>
    tpu.wait_dma2 semaphore(%arg28 : memref<!tpu.dma_semaphore, #tpu.memory_space<semaphore_mem>>) src(%arg22 : memref<32x1024xf32, #tpu.memory_space<vmem>>) dst(%dma_wait3A_556 : memref<32x1024xf32, #tpu.memory_space<hbm>>)
    %dma_wait3A_557 = arith.constant 0 : i32
    %dma_wait3A_558 = tpu.memref_slice %arg19[%add3A_480, %dma_wait3A_557] : memref<8192x1024xf32, #tpu.memory_space<hbm>> -> memref<32x1024xf32, #tpu.memory_space<hbm>>
    %dma_wait3A_559 = arith.constant 0 : i32
    %dma_wait3A_560 = tpu.memref_slice %arg19[%add3A_480, %dma_wait3A_559] : memref<8192x1024xf32, #tpu.memory_space<hbm>> -> memref<32x1024xf32, #tpu.memory_space<hbm>>
    tpu.wait_dma2 semaphore(%arg28 : memref<!tpu.dma_semaphore, #tpu.memory_space<semaphore_mem>>) src(%arg22 : memref<32x1024xf32, #tpu.memory_space<vmem>>) dst(%dma_wait3A_560 : memref<32x1024xf32, #tpu.memory_space<hbm>>)
    %dma_start3A_561 = arith.constant 2 : i32
    %dma_start3A_562 = arith.constant 0 : i32
    %dma_start3A_563 = tpu.memref_slice %arg21[%dma_start3A_561, %dma_start3A_562] : memref<8x32xi32, #tpu.memory_space<vmem>> -> memref<1x32xi32, #tpu.memory_space<vmem>>
    %dma_start3A_564 = tpu.memref_squeeze %dma_start3A_563 : memref<1x32xi32, #tpu.memory_space<vmem>> -> memref<32xi32, #tpu.memory_space<vmem>>
    %dma_start3A_565 = arith.constant 0 : i32
    %dma_start3A_566 = arith.constant 0 : i32
    %dma_start3A_567 = tpu.memref_slice %arg5[%dma_start3A_565, %dma_start3A_566] : memref<50304x1024xf32, #tpu.memory_space<hbm>> -> memref<50304x1024xf32, #tpu.memory_space<hbm>>
    tpu.enqueue_indirect_dma source(%dma_start3A_567 : memref<50304x1024xf32, #tpu.memory_space<hbm>>) target(%arg22 : memref<32x1024xf32, #tpu.memory_space<vmem>>) offsets(%dma_start3A_564 : memref<32xi32, #tpu.memory_space<vmem>>) semaphore(%arg25 : memref<!tpu.dma_semaphore, #tpu.memory_space<semaphore_mem>>)
    %dma_wait3A_568 = arith.constant 2 : i32
    %dma_wait3A_569 = arith.constant 0 : i32
    %dma_wait3A_570 = tpu.memref_slice %arg21[%dma_wait3A_568, %dma_wait3A_569] : memref<8x32xi32, #tpu.memory_space<vmem>> -> memref<1x32xi32, #tpu.memory_space<vmem>>
    %dma_wait3A_571 = tpu.memref_squeeze %dma_wait3A_570 : memref<1x32xi32, #tpu.memory_space<vmem>> -> memref<32xi32, #tpu.memory_space<vmem>>
    %dma_wait3A_572 = arith.constant 0 : i32
    %dma_wait3A_573 = arith.constant 0 : i32
    %dma_wait3A_574 = tpu.memref_slice %arg5[%dma_wait3A_572, %dma_wait3A_573] : memref<50304x1024xf32, #tpu.memory_space<hbm>> -> memref<50304x1024xf32, #tpu.memory_space<hbm>>
    tpu.wait_indirect_dma semaphore(%arg25 : memref<!tpu.dma_semaphore, #tpu.memory_space<semaphore_mem>>) src(%dma_wait3A_574 : memref<50304x1024xf32, #tpu.memory_space<hbm>>) dst(%arg22 : memref<32x1024xf32, #tpu.memory_space<vmem>>)
    %add3A_575 = arith.constant 64 : i32
    %add3A_576 = arith.addi %mul3A_2, %add3A_575 : i32
    %dma_start3A_577 = arith.constant 0 : i32
    %dma_start3A_578 = tpu.memref_slice %arg11[%add3A_576, %dma_start3A_577] : memref<8192x1024xf32, #tpu.memory_space<hbm>> -> memref<32x1024xf32, #tpu.memory_space<hbm>>
    %dma_start3A_579 = arith.constant 0 : i32
    %dma_start3A_580 = tpu.memref_slice %arg11[%add3A_576, %dma_start3A_579] : memref<8192x1024xf32, #tpu.memory_space<hbm>> -> memref<32x1024xf32, #tpu.memory_space<hbm>>
    tpu.enqueue_dma source(%arg22 : memref<32x1024xf32, #tpu.memory_space<vmem>>) target(%dma_start3A_580 : memref<32x1024xf32, #tpu.memory_space<hbm>>) target_semaphore(%arg28 : memref<!tpu.dma_semaphore, #tpu.memory_space<semaphore_mem>>)
    %dma_start3A_581 = arith.constant 0 : i32
    %dma_start3A_582 = tpu.memref_slice %arg18[%add3A_576, %dma_start3A_581] : memref<8192x1024xf32, #tpu.memory_space<hbm>> -> memref<32x1024xf32, #tpu.memory_space<hbm>>
    %dma_start3A_583 = arith.constant 0 : i32
    %dma_start3A_584 = tpu.memref_slice %arg18[%add3A_576, %dma_start3A_583] : memref<8192x1024xf32, #tpu.memory_space<hbm>> -> memref<32x1024xf32, #tpu.memory_space<hbm>>
    tpu.enqueue_dma source(%arg22 : memref<32x1024xf32, #tpu.memory_space<vmem>>) target(%dma_start3A_584 : memref<32x1024xf32, #tpu.memory_space<hbm>>) target_semaphore(%arg28 : memref<!tpu.dma_semaphore, #tpu.memory_space<semaphore_mem>>)
    %dma_wait3A_585 = arith.constant 0 : i32
    %dma_wait3A_586 = tpu.memref_slice %arg11[%add3A_512, %dma_wait3A_585] : memref<8192x1024xf32, #tpu.memory_space<hbm>> -> memref<32x1024xf32, #tpu.memory_space<hbm>>
    %dma_wait3A_587 = arith.constant 0 : i32
    %dma_wait3A_588 = tpu.memref_slice %arg11[%add3A_512, %dma_wait3A_587] : memref<8192x1024xf32, #tpu.memory_space<hbm>> -> memref<32x1024xf32, #tpu.memory_space<hbm>>
    tpu.wait_dma2 semaphore(%arg29 : memref<!tpu.dma_semaphore, #tpu.memory_space<semaphore_mem>>) src(%arg23 : memref<32x1024xf32, #tpu.memory_space<vmem>>) dst(%dma_wait3A_588 : memref<32x1024xf32, #tpu.memory_space<hbm>>)
    %dma_wait3A_589 = arith.constant 0 : i32
    %dma_wait3A_590 = tpu.memref_slice %arg18[%add3A_512, %dma_wait3A_589] : memref<8192x1024xf32, #tpu.memory_space<hbm>> -> memref<32x1024xf32, #tpu.memory_space<hbm>>
    %dma_wait3A_591 = arith.constant 0 : i32
    %dma_wait3A_592 = tpu.memref_slice %arg18[%add3A_512, %dma_wait3A_591] : memref<8192x1024xf32, #tpu.memory_space<hbm>> -> memref<32x1024xf32, #tpu.memory_space<hbm>>
    tpu.wait_dma2 semaphore(%arg29 : memref<!tpu.dma_semaphore, #tpu.memory_space<semaphore_mem>>) src(%arg23 : memref<32x1024xf32, #tpu.memory_space<vmem>>) dst(%dma_wait3A_592 : memref<32x1024xf32, #tpu.memory_space<hbm>>)
    %dma_start3A_593 = arith.constant 3 : i32
    %dma_start3A_594 = arith.constant 0 : i32
    %dma_start3A_595 = tpu.memref_slice %arg21[%dma_start3A_593, %dma_start3A_594] : memref<8x32xi32, #tpu.memory_space<vmem>> -> memref<1x32xi32, #tpu.memory_space<vmem>>
    %dma_start3A_596 = tpu.memref_squeeze %dma_start3A_595 : memref<1x32xi32, #tpu.memory_space<vmem>> -> memref<32xi32, #tpu.memory_space<vmem>>
    %dma_start3A_597 = arith.constant 0 : i32
    %dma_start3A_598 = arith.constant 0 : i32
    %dma_start3A_599 = tpu.memref_slice %arg5[%dma_start3A_597, %dma_start3A_598] : memref<50304x1024xf32, #tpu.memory_space<hbm>> -> memref<50304x1024xf32, #tpu.memory_space<hbm>>
    tpu.enqueue_indirect_dma source(%dma_start3A_599 : memref<50304x1024xf32, #tpu.memory_space<hbm>>) target(%arg23 : memref<32x1024xf32, #tpu.memory_space<vmem>>) offsets(%dma_start3A_596 : memref<32xi32, #tpu.memory_space<vmem>>) semaphore(%arg26 : memref<!tpu.dma_semaphore, #tpu.memory_space<semaphore_mem>>)
    %dma_wait3A_600 = arith.constant 3 : i32
    %dma_wait3A_601 = arith.constant 0 : i32
    %dma_wait3A_602 = tpu.memref_slice %arg21[%dma_wait3A_600, %dma_wait3A_601] : memref<8x32xi32, #tpu.memory_space<vmem>> -> memref<1x32xi32, #tpu.memory_space<vmem>>
    %dma_wait3A_603 = tpu.memref_squeeze %dma_wait3A_602 : memref<1x32xi32, #tpu.memory_space<vmem>> -> memref<32xi32, #tpu.memory_space<vmem>>
    %dma_wait3A_604 = arith.constant 0 : i32
    %dma_wait3A_605 = arith.constant 0 : i32
    %dma_wait3A_606 = tpu.memref_slice %arg5[%dma_wait3A_604, %dma_wait3A_605] : memref<50304x1024xf32, #tpu.memory_space<hbm>> -> memref<50304x1024xf32, #tpu.memory_space<hbm>>
    tpu.wait_indirect_dma semaphore(%arg26 : memref<!tpu.dma_semaphore, #tpu.memory_space<semaphore_mem>>) src(%dma_wait3A_606 : memref<50304x1024xf32, #tpu.memory_space<hbm>>) dst(%arg23 : memref<32x1024xf32, #tpu.memory_space<vmem>>)
    %add3A_607 = arith.constant 96 : i32
    %add3A_608 = arith.addi %mul3A_2, %add3A_607 : i32
    %dma_start3A_609 = arith.constant 0 : i32
    %dma_start3A_610 = tpu.memref_slice %arg11[%add3A_608, %dma_start3A_609] : memref<8192x1024xf32, #tpu.memory_space<hbm>> -> memref<32x1024xf32, #tpu.memory_space<hbm>>
    %dma_start3A_611 = arith.constant 0 : i32
    %dma_start3A_612 = tpu.memref_slice %arg11[%add3A_608, %dma_start3A_611] : memref<8192x1024xf32, #tpu.memory_space<hbm>> -> memref<32x1024xf32, #tpu.memory_space<hbm>>
    tpu.enqueue_dma source(%arg23 : memref<32x1024xf32, #tpu.memory_space<vmem>>) target(%dma_start3A_612 : memref<32x1024xf32, #tpu.memory_space<hbm>>) target_semaphore(%arg29 : memref<!tpu.dma_semaphore, #tpu.memory_space<semaphore_mem>>)
    %dma_start3A_613 = arith.constant 0 : i32
    %dma_start3A_614 = tpu.memref_slice %arg18[%add3A_608, %dma_start3A_613] : memref<8192x1024xf32, #tpu.memory_space<hbm>> -> memref<32x1024xf32, #tpu.memory_space<hbm>>
    %dma_start3A_615 = arith.constant 0 : i32
    %dma_start3A_616 = tpu.memref_slice %arg18[%add3A_608, %dma_start3A_615] : memref<8192x1024xf32, #tpu.memory_space<hbm>> -> memref<32x1024xf32, #tpu.memory_space<hbm>>
    tpu.enqueue_dma source(%arg23 : memref<32x1024xf32, #tpu.memory_space<vmem>>) target(%dma_start3A_616 : memref<32x1024xf32, #tpu.memory_space<hbm>>) target_semaphore(%arg29 : memref<!tpu.dma_semaphore, #tpu.memory_space<semaphore_mem>>)
    %dma_wait3A_617 = arith.constant 0 : i32
    %dma_wait3A_618 = tpu.memref_slice %arg11[%add3A_544, %dma_wait3A_617] : memref<8192x1024xf32, #tpu.memory_space<hbm>> -> memref<32x1024xf32, #tpu.memory_space<hbm>>
    %dma_wait3A_619 = arith.constant 0 : i32
    %dma_wait3A_620 = tpu.memref_slice %arg11[%add3A_544, %dma_wait3A_619] : memref<8192x1024xf32, #tpu.memory_space<hbm>> -> memref<32x1024xf32, #tpu.memory_space<hbm>>
    tpu.wait_dma2 semaphore(%arg30 : memref<!tpu.dma_semaphore, #tpu.memory_space<semaphore_mem>>) src(%arg24 : memref<32x1024xf32, #tpu.memory_space<vmem>>) dst(%dma_wait3A_620 : memref<32x1024xf32, #tpu.memory_space<hbm>>)
    %dma_wait3A_621 = arith.constant 0 : i32
    %dma_wait3A_622 = tpu.memref_slice %arg18[%add3A_544, %dma_wait3A_621] : memref<8192x1024xf32, #tpu.memory_space<hbm>> -> memref<32x1024xf32, #tpu.memory_space<hbm>>
    %dma_wait3A_623 = arith.constant 0 : i32
    %dma_wait3A_624 = tpu.memref_slice %arg18[%add3A_544, %dma_wait3A_623] : memref<8192x1024xf32, #tpu.memory_space<hbm>> -> memref<32x1024xf32, #tpu.memory_space<hbm>>
    tpu.wait_dma2 semaphore(%arg30 : memref<!tpu.dma_semaphore, #tpu.memory_space<semaphore_mem>>) src(%arg24 : memref<32x1024xf32, #tpu.memory_space<vmem>>) dst(%dma_wait3A_624 : memref<32x1024xf32, #tpu.memory_space<hbm>>)
    %dma_start3A_625 = arith.constant 4 : i32
    %dma_start3A_626 = arith.constant 0 : i32
    %dma_start3A_627 = tpu.memref_slice %arg21[%dma_start3A_625, %dma_start3A_626] : memref<8x32xi32, #tpu.memory_space<vmem>> -> memref<1x32xi32, #tpu.memory_space<vmem>>
    %dma_start3A_628 = tpu.memref_squeeze %dma_start3A_627 : memref<1x32xi32, #tpu.memory_space<vmem>> -> memref<32xi32, #tpu.memory_space<vmem>>
    %dma_start3A_629 = arith.constant 0 : i32
    %dma_start3A_630 = arith.constant 0 : i32
    %dma_start3A_631 = tpu.memref_slice %arg5[%dma_start3A_629, %dma_start3A_630] : memref<50304x1024xf32, #tpu.memory_space<hbm>> -> memref<50304x1024xf32, #tpu.memory_space<hbm>>
    tpu.enqueue_indirect_dma source(%dma_start3A_631 : memref<50304x1024xf32, #tpu.memory_space<hbm>>) target(%arg24 : memref<32x1024xf32, #tpu.memory_space<vmem>>) offsets(%dma_start3A_628 : memref<32xi32, #tpu.memory_space<vmem>>) semaphore(%arg27 : memref<!tpu.dma_semaphore, #tpu.memory_space<semaphore_mem>>)
    %dma_wait3A_632 = arith.constant 4 : i32
    %dma_wait3A_633 = arith.constant 0 : i32
    %dma_wait3A_634 = tpu.memref_slice %arg21[%dma_wait3A_632, %dma_wait3A_633] : memref<8x32xi32, #tpu.memory_space<vmem>> -> memref<1x32xi32, #tpu.memory_space<vmem>>
    %dma_wait3A_635 = tpu.memref_squeeze %dma_wait3A_634 : memref<1x32xi32, #tpu.memory_space<vmem>> -> memref<32xi32, #tpu.memory_space<vmem>>
    %dma_wait3A_636 = arith.constant 0 : i32
    %dma_wait3A_637 = arith.constant 0 : i32
    %dma_wait3A_638 = tpu.memref_slice %arg5[%dma_wait3A_636, %dma_wait3A_637] : memref<50304x1024xf32, #tpu.memory_space<hbm>> -> memref<50304x1024xf32, #tpu.memory_space<hbm>>
    tpu.wait_indirect_dma semaphore(%arg27 : memref<!tpu.dma_semaphore, #tpu.memory_space<semaphore_mem>>) src(%dma_wait3A_638 : memref<50304x1024xf32, #tpu.memory_space<hbm>>) dst(%arg24 : memref<32x1024xf32, #tpu.memory_space<vmem>>)
    %add3A_639 = arith.constant 128 : i32
    %add3A_640 = arith.addi %mul3A_2, %add3A_639 : i32
    %dma_start3A_641 = arith.constant 0 : i32
    %dma_start3A_642 = tpu.memref_slice %arg11[%add3A_640, %dma_start3A_641] : memref<8192x1024xf32, #tpu.memory_space<hbm>> -> memref<32x1024xf32, #tpu.memory_space<hbm>>
    %dma_start3A_643 = arith.constant 0 : i32
    %dma_start3A_644 = tpu.memref_slice %arg11[%add3A_640, %dma_start3A_643] : memref<8192x1024xf32, #tpu.memory_space<hbm>> -> memref<32x1024xf32, #tpu.memory_space<hbm>>
    tpu.enqueue_dma source(%arg24 : memref<32x1024xf32, #tpu.memory_space<vmem>>) target(%dma_start3A_644 : memref<32x1024xf32, #tpu.memory_space<hbm>>) target_semaphore(%arg30 : memref<!tpu.dma_semaphore, #tpu.memory_space<semaphore_mem>>)
    %dma_start3A_645 = arith.constant 0 : i32
    %dma_start3A_646 = tpu.memref_slice %arg18[%add3A_640, %dma_start3A_645] : memref<8192x1024xf32, #tpu.memory_space<hbm>> -> memref<32x1024xf32, #tpu.memory_space<hbm>>
    %dma_start3A_647 = arith.constant 0 : i32
    %dma_start3A_648 = tpu.memref_slice %arg18[%add3A_640, %dma_start3A_647] : memref<8192x1024xf32, #tpu.memory_space<hbm>> -> memref<32x1024xf32, #tpu.memory_space<hbm>>
    tpu.enqueue_dma source(%arg24 : memref<32x1024xf32, #tpu.memory_space<vmem>>) target(%dma_start3A_648 : memref<32x1024xf32, #tpu.memory_space<hbm>>) target_semaphore(%arg30 : memref<!tpu.dma_semaphore, #tpu.memory_space<semaphore_mem>>)
    %dma_wait3A_649 = arith.constant 0 : i32
    %dma_wait3A_650 = tpu.memref_slice %arg11[%add3A_576, %dma_wait3A_649] : memref<8192x1024xf32, #tpu.memory_space<hbm>> -> memref<32x1024xf32, #tpu.memory_space<hbm>>
    %dma_wait3A_651 = arith.constant 0 : i32
    %dma_wait3A_652 = tpu.memref_slice %arg11[%add3A_576, %dma_wait3A_651] : memref<8192x1024xf32, #tpu.memory_space<hbm>> -> memref<32x1024xf32, #tpu.memory_space<hbm>>
    tpu.wait_dma2 semaphore(%arg28 : memref<!tpu.dma_semaphore, #tpu.memory_space<semaphore_mem>>) src(%arg22 : memref<32x1024xf32, #tpu.memory_space<vmem>>) dst(%dma_wait3A_652 : memref<32x1024xf32, #tpu.memory_space<hbm>>)
    %dma_wait3A_653 = arith.constant 0 : i32
    %dma_wait3A_654 = tpu.memref_slice %arg18[%add3A_576, %dma_wait3A_653] : memref<8192x1024xf32, #tpu.memory_space<hbm>> -> memref<32x1024xf32, #tpu.memory_space<hbm>>
    %dma_wait3A_655 = arith.constant 0 : i32
    %dma_wait3A_656 = tpu.memref_slice %arg18[%add3A_576, %dma_wait3A_655] : memref<8192x1024xf32, #tpu.memory_space<hbm>> -> memref<32x1024xf32, #tpu.memory_space<hbm>>
    tpu.wait_dma2 semaphore(%arg28 : memref<!tpu.dma_semaphore, #tpu.memory_space<semaphore_mem>>) src(%arg22 : memref<32x1024xf32, #tpu.memory_space<vmem>>) dst(%dma_wait3A_656 : memref<32x1024xf32, #tpu.memory_space<hbm>>)
    %dma_start3A_657 = arith.constant 5 : i32
    %dma_start3A_658 = arith.constant 0 : i32
    %dma_start3A_659 = tpu.memref_slice %arg21[%dma_start3A_657, %dma_start3A_658] : memref<8x32xi32, #tpu.memory_space<vmem>> -> memref<1x32xi32, #tpu.memory_space<vmem>>
    %dma_start3A_660 = tpu.memref_squeeze %dma_start3A_659 : memref<1x32xi32, #tpu.memory_space<vmem>> -> memref<32xi32, #tpu.memory_space<vmem>>
    %dma_start3A_661 = arith.constant 0 : i32
    %dma_start3A_662 = arith.constant 0 : i32
    %dma_start3A_663 = tpu.memref_slice %arg5[%dma_start3A_661, %dma_start3A_662] : memref<50304x1024xf32, #tpu.memory_space<hbm>> -> memref<50304x1024xf32, #tpu.memory_space<hbm>>
    tpu.enqueue_indirect_dma source(%dma_start3A_663 : memref<50304x1024xf32, #tpu.memory_space<hbm>>) target(%arg22 : memref<32x1024xf32, #tpu.memory_space<vmem>>) offsets(%dma_start3A_660 : memref<32xi32, #tpu.memory_space<vmem>>) semaphore(%arg25 : memref<!tpu.dma_semaphore, #tpu.memory_space<semaphore_mem>>)
    %dma_wait3A_664 = arith.constant 5 : i32
    %dma_wait3A_665 = arith.constant 0 : i32
    %dma_wait3A_666 = tpu.memref_slice %arg21[%dma_wait3A_664, %dma_wait3A_665] : memref<8x32xi32, #tpu.memory_space<vmem>> -> memref<1x32xi32, #tpu.memory_space<vmem>>
    %dma_wait3A_667 = tpu.memref_squeeze %dma_wait3A_666 : memref<1x32xi32, #tpu.memory_space<vmem>> -> memref<32xi32, #tpu.memory_space<vmem>>
    %dma_wait3A_668 = arith.constant 0 : i32
    %dma_wait3A_669 = arith.constant 0 : i32
    %dma_wait3A_670 = tpu.memref_slice %arg5[%dma_wait3A_668, %dma_wait3A_669] : memref<50304x1024xf32, #tpu.memory_space<hbm>> -> memref<50304x1024xf32, #tpu.memory_space<hbm>>
    tpu.wait_indirect_dma semaphore(%arg25 : memref<!tpu.dma_semaphore, #tpu.memory_space<semaphore_mem>>) src(%dma_wait3A_670 : memref<50304x1024xf32, #tpu.memory_space<hbm>>) dst(%arg22 : memref<32x1024xf32, #tpu.memory_space<vmem>>)
    %add3A_671 = arith.constant 160 : i32
    %add3A_672 = arith.addi %mul3A_2, %add3A_671 : i32
    %dma_start3A_673 = arith.constant 0 : i32
    %dma_start3A_674 = tpu.memref_slice %arg11[%add3A_672, %dma_start3A_673] : memref<8192x1024xf32, #tpu.memory_space<hbm>> -> memref<32x1024xf32, #tpu.memory_space<hbm>>
    %dma_start3A_675 = arith.constant 0 : i32
    %dma_start3A_676 = tpu.memref_slice %arg11[%add3A_672, %dma_start3A_675] : memref<8192x1024xf32, #tpu.memory_space<hbm>> -> memref<32x1024xf32, #tpu.memory_space<hbm>>
    tpu.enqueue_dma source(%arg22 : memref<32x1024xf32, #tpu.memory_space<vmem>>) target(%dma_start3A_676 : memref<32x1024xf32, #tpu.memory_space<hbm>>) target_semaphore(%arg28 : memref<!tpu.dma_semaphore, #tpu.memory_space<semaphore_mem>>)
    %dma_start3A_677 = arith.constant 0 : i32
    %dma_start3A_678 = tpu.memref_slice %arg18[%add3A_672, %dma_start3A_677] : memref<8192x1024xf32, #tpu.memory_space<hbm>> -> memref<32x1024xf32, #tpu.memory_space<hbm>>
    %dma_start3A_679 = arith.constant 0 : i32
    %dma_start3A_680 = tpu.memref_slice %arg18[%add3A_672, %dma_start3A_679] : memref<8192x1024xf32, #tpu.memory_space<hbm>> -> memref<32x1024xf32, #tpu.memory_space<hbm>>
    tpu.enqueue_dma source(%arg22 : memref<32x1024xf32, #tpu.memory_space<vmem>>) target(%dma_start3A_680 : memref<32x1024xf32, #tpu.memory_space<hbm>>) target_semaphore(%arg28 : memref<!tpu.dma_semaphore, #tpu.memory_space<semaphore_mem>>)
    %dma_wait3A_681 = arith.constant 0 : i32
    %dma_wait3A_682 = tpu.memref_slice %arg11[%add3A_608, %dma_wait3A_681] : memref<8192x1024xf32, #tpu.memory_space<hbm>> -> memref<32x1024xf32, #tpu.memory_space<hbm>>
    %dma_wait3A_683 = arith.constant 0 : i32
    %dma_wait3A_684 = tpu.memref_slice %arg11[%add3A_608, %dma_wait3A_683] : memref<8192x1024xf32, #tpu.memory_space<hbm>> -> memref<32x1024xf32, #tpu.memory_space<hbm>>
    tpu.wait_dma2 semaphore(%arg29 : memref<!tpu.dma_semaphore, #tpu.memory_space<semaphore_mem>>) src(%arg23 : memref<32x1024xf32, #tpu.memory_space<vmem>>) dst(%dma_wait3A_684 : memref<32x1024xf32, #tpu.memory_space<hbm>>)
    %dma_wait3A_685 = arith.constant 0 : i32
    %dma_wait3A_686 = tpu.memref_slice %arg18[%add3A_608, %dma_wait3A_685] : memref<8192x1024xf32, #tpu.memory_space<hbm>> -> memref<32x1024xf32, #tpu.memory_space<hbm>>
    %dma_wait3A_687 = arith.constant 0 : i32
    %dma_wait3A_688 = tpu.memref_slice %arg18[%add3A_608, %dma_wait3A_687] : memref<8192x1024xf32, #tpu.memory_space<hbm>> -> memref<32x1024xf32, #tpu.memory_space<hbm>>
    tpu.wait_dma2 semaphore(%arg29 : memref<!tpu.dma_semaphore, #tpu.memory_space<semaphore_mem>>) src(%arg23 : memref<32x1024xf32, #tpu.memory_space<vmem>>) dst(%dma_wait3A_688 : memref<32x1024xf32, #tpu.memory_space<hbm>>)
    %dma_start3A_689 = arith.constant 6 : i32
    %dma_start3A_690 = arith.constant 0 : i32
    %dma_start3A_691 = tpu.memref_slice %arg21[%dma_start3A_689, %dma_start3A_690] : memref<8x32xi32, #tpu.memory_space<vmem>> -> memref<1x32xi32, #tpu.memory_space<vmem>>
    %dma_start3A_692 = tpu.memref_squeeze %dma_start3A_691 : memref<1x32xi32, #tpu.memory_space<vmem>> -> memref<32xi32, #tpu.memory_space<vmem>>
    %dma_start3A_693 = arith.constant 0 : i32
    %dma_start3A_694 = arith.constant 0 : i32
    %dma_start3A_695 = tpu.memref_slice %arg5[%dma_start3A_693, %dma_start3A_694] : memref<50304x1024xf32, #tpu.memory_space<hbm>> -> memref<50304x1024xf32, #tpu.memory_space<hbm>>
    tpu.enqueue_indirect_dma source(%dma_start3A_695 : memref<50304x1024xf32, #tpu.memory_space<hbm>>) target(%arg23 : memref<32x1024xf32, #tpu.memory_space<vmem>>) offsets(%dma_start3A_692 : memref<32xi32, #tpu.memory_space<vmem>>) semaphore(%arg26 : memref<!tpu.dma_semaphore, #tpu.memory_space<semaphore_mem>>)
    %dma_wait3A_696 = arith.constant 6 : i32
    %dma_wait3A_697 = arith.constant 0 : i32
    %dma_wait3A_698 = tpu.memref_slice %arg21[%dma_wait3A_696, %dma_wait3A_697] : memref<8x32xi32, #tpu.memory_space<vmem>> -> memref<1x32xi32, #tpu.memory_space<vmem>>
    %dma_wait3A_699 = tpu.memref_squeeze %dma_wait3A_698 : memref<1x32xi32, #tpu.memory_space<vmem>> -> memref<32xi32, #tpu.memory_space<vmem>>
    %dma_wait3A_700 = arith.constant 0 : i32
    %dma_wait3A_701 = arith.constant 0 : i32
    %dma_wait3A_702 = tpu.memref_slice %arg5[%dma_wait3A_700, %dma_wait3A_701] : memref<50304x1024xf32, #tpu.memory_space<hbm>> -> memref<50304x1024xf32, #tpu.memory_space<hbm>>
    tpu.wait_indirect_dma semaphore(%arg26 : memref<!tpu.dma_semaphore, #tpu.memory_space<semaphore_mem>>) src(%dma_wait3A_702 : memref<50304x1024xf32, #tpu.memory_space<hbm>>) dst(%arg23 : memref<32x1024xf32, #tpu.memory_space<vmem>>)
    %add3A_703 = arith.constant 192 : i32
    %add3A_704 = arith.addi %mul3A_2, %add3A_703 : i32
    %dma_start3A_705 = arith.constant 0 : i32
    %dma_start3A_706 = tpu.memref_slice %arg11[%add3A_704, %dma_start3A_705] : memref<8192x1024xf32, #tpu.memory_space<hbm>> -> memref<32x1024xf32, #tpu.memory_space<hbm>>
    %dma_start3A_707 = arith.constant 0 : i32
    %dma_start3A_708 = tpu.memref_slice %arg11[%add3A_704, %dma_start3A_707] : memref<8192x1024xf32, #tpu.memory_space<hbm>> -> memref<32x1024xf32, #tpu.memory_space<hbm>>
    tpu.enqueue_dma source(%arg23 : memref<32x1024xf32, #tpu.memory_space<vmem>>) target(%dma_start3A_708 : memref<32x1024xf32, #tpu.memory_space<hbm>>) target_semaphore(%arg29 : memref<!tpu.dma_semaphore, #tpu.memory_space<semaphore_mem>>)
    %dma_start3A_709 = arith.constant 0 : i32
    %dma_start3A_710 = tpu.memref_slice %arg18[%add3A_704, %dma_start3A_709] : memref<8192x1024xf32, #tpu.memory_space<hbm>> -> memref<32x1024xf32, #tpu.memory_space<hbm>>
    %dma_start3A_711 = arith.constant 0 : i32
    %dma_start3A_712 = tpu.memref_slice %arg18[%add3A_704, %dma_start3A_711] : memref<8192x1024xf32, #tpu.memory_space<hbm>> -> memref<32x1024xf32, #tpu.memory_space<hbm>>
    tpu.enqueue_dma source(%arg23 : memref<32x1024xf32, #tpu.memory_space<vmem>>) target(%dma_start3A_712 : memref<32x1024xf32, #tpu.memory_space<hbm>>) target_semaphore(%arg29 : memref<!tpu.dma_semaphore, #tpu.memory_space<semaphore_mem>>)
    %dma_wait3A_713 = arith.constant 0 : i32
    %dma_wait3A_714 = tpu.memref_slice %arg11[%add3A_640, %dma_wait3A_713] : memref<8192x1024xf32, #tpu.memory_space<hbm>> -> memref<32x1024xf32, #tpu.memory_space<hbm>>
    %dma_wait3A_715 = arith.constant 0 : i32
    %dma_wait3A_716 = tpu.memref_slice %arg11[%add3A_640, %dma_wait3A_715] : memref<8192x1024xf32, #tpu.memory_space<hbm>> -> memref<32x1024xf32, #tpu.memory_space<hbm>>
    tpu.wait_dma2 semaphore(%arg30 : memref<!tpu.dma_semaphore, #tpu.memory_space<semaphore_mem>>) src(%arg24 : memref<32x1024xf32, #tpu.memory_space<vmem>>) dst(%dma_wait3A_716 : memref<32x1024xf32, #tpu.memory_space<hbm>>)
    %dma_wait3A_717 = arith.constant 0 : i32
    %dma_wait3A_718 = tpu.memref_slice %arg18[%add3A_640, %dma_wait3A_717] : memref<8192x1024xf32, #tpu.memory_space<hbm>> -> memref<32x1024xf32, #tpu.memory_space<hbm>>
    %dma_wait3A_719 = arith.constant 0 : i32
    %dma_wait3A_720 = tpu.memref_slice %arg18[%add3A_640, %dma_wait3A_719] : memref<8192x1024xf32, #tpu.memory_space<hbm>> -> memref<32x1024xf32, #tpu.memory_space<hbm>>
    tpu.wait_dma2 semaphore(%arg30 : memref<!tpu.dma_semaphore, #tpu.memory_space<semaphore_mem>>) src(%arg24 : memref<32x1024xf32, #tpu.memory_space<vmem>>) dst(%dma_wait3A_720 : memref<32x1024xf32, #tpu.memory_space<hbm>>)
    %dma_start3A_721 = arith.constant 7 : i32
    %dma_start3A_722 = arith.constant 0 : i32
    %dma_start3A_723 = tpu.memref_slice %arg21[%dma_start3A_721, %dma_start3A_722] : memref<8x32xi32, #tpu.memory_space<vmem>> -> memref<1x32xi32, #tpu.memory_space<vmem>>
    %dma_start3A_724 = tpu.memref_squeeze %dma_start3A_723 : memref<1x32xi32, #tpu.memory_space<vmem>> -> memref<32xi32, #tpu.memory_space<vmem>>
    %dma_start3A_725 = arith.constant 0 : i32
    %dma_start3A_726 = arith.constant 0 : i32
    %dma_start3A_727 = tpu.memref_slice %arg5[%dma_start3A_725, %dma_start3A_726] : memref<50304x1024xf32, #tpu.memory_space<hbm>> -> memref<50304x1024xf32, #tpu.memory_space<hbm>>
    tpu.enqueue_indirect_dma source(%dma_start3A_727 : memref<50304x1024xf32, #tpu.memory_space<hbm>>) target(%arg24 : memref<32x1024xf32, #tpu.memory_space<vmem>>) offsets(%dma_start3A_724 : memref<32xi32, #tpu.memory_space<vmem>>) semaphore(%arg27 : memref<!tpu.dma_semaphore, #tpu.memory_space<semaphore_mem>>)
    %dma_wait3A_728 = arith.constant 7 : i32
    %dma_wait3A_729 = arith.constant 0 : i32
    %dma_wait3A_730 = tpu.memref_slice %arg21[%dma_wait3A_728, %dma_wait3A_729] : memref<8x32xi32, #tpu.memory_space<vmem>> -> memref<1x32xi32, #tpu.memory_space<vmem>>
    %dma_wait3A_731 = tpu.memref_squeeze %dma_wait3A_730 : memref<1x32xi32, #tpu.memory_space<vmem>> -> memref<32xi32, #tpu.memory_space<vmem>>
    %dma_wait3A_732 = arith.constant 0 : i32
    %dma_wait3A_733 = arith.constant 0 : i32
    %dma_wait3A_734 = tpu.memref_slice %arg5[%dma_wait3A_732, %dma_wait3A_733] : memref<50304x1024xf32, #tpu.memory_space<hbm>> -> memref<50304x1024xf32, #tpu.memory_space<hbm>>
    tpu.wait_indirect_dma semaphore(%arg27 : memref<!tpu.dma_semaphore, #tpu.memory_space<semaphore_mem>>) src(%dma_wait3A_734 : memref<50304x1024xf32, #tpu.memory_space<hbm>>) dst(%arg24 : memref<32x1024xf32, #tpu.memory_space<vmem>>)
    %add3A_735 = arith.constant 224 : i32
    %add3A_736 = arith.addi %mul3A_2, %add3A_735 : i32
    %dma_start3A_737 = arith.constant 0 : i32
    %dma_start3A_738 = tpu.memref_slice %arg11[%add3A_736, %dma_start3A_737] : memref<8192x1024xf32, #tpu.memory_space<hbm>> -> memref<32x1024xf32, #tpu.memory_space<hbm>>
    %dma_start3A_739 = arith.constant 0 : i32
    %dma_start3A_740 = tpu.memref_slice %arg11[%add3A_736, %dma_start3A_739] : memref<8192x1024xf32, #tpu.memory_space<hbm>> -> memref<32x1024xf32, #tpu.memory_space<hbm>>
    tpu.enqueue_dma source(%arg24 : memref<32x1024xf32, #tpu.memory_space<vmem>>) target(%dma_start3A_740 : memref<32x1024xf32, #tpu.memory_space<hbm>>) target_semaphore(%arg30 : memref<!tpu.dma_semaphore, #tpu.memory_space<semaphore_mem>>)
    %dma_start3A_741 = arith.constant 0 : i32
    %dma_start3A_742 = tpu.memref_slice %arg18[%add3A_736, %dma_start3A_741] : memref<8192x1024xf32, #tpu.memory_space<hbm>> -> memref<32x1024xf32, #tpu.memory_space<hbm>>
    %dma_start3A_743 = arith.constant 0 : i32
    %dma_start3A_744 = tpu.memref_slice %arg18[%add3A_736, %dma_start3A_743] : memref<8192x1024xf32, #tpu.memory_space<hbm>> -> memref<32x1024xf32, #tpu.memory_space<hbm>>
    tpu.enqueue_dma source(%arg24 : memref<32x1024xf32, #tpu.memory_space<vmem>>) target(%dma_start3A_744 : memref<32x1024xf32, #tpu.memory_space<hbm>>) target_semaphore(%arg30 : memref<!tpu.dma_semaphore, #tpu.memory_space<semaphore_mem>>)
    %dma_wait3A_745 = arith.constant 0 : i32
    %dma_wait3A_746 = tpu.memref_slice %arg11[%add3A_672, %dma_wait3A_745] : memref<8192x1024xf32, #tpu.memory_space<hbm>> -> memref<32x1024xf32, #tpu.memory_space<hbm>>
    %dma_wait3A_747 = arith.constant 0 : i32
    %dma_wait3A_748 = tpu.memref_slice %arg11[%add3A_672, %dma_wait3A_747] : memref<8192x1024xf32, #tpu.memory_space<hbm>> -> memref<32x1024xf32, #tpu.memory_space<hbm>>
    tpu.wait_dma2 semaphore(%arg28 : memref<!tpu.dma_semaphore, #tpu.memory_space<semaphore_mem>>) src(%arg22 : memref<32x1024xf32, #tpu.memory_space<vmem>>) dst(%dma_wait3A_748 : memref<32x1024xf32, #tpu.memory_space<hbm>>)
    %dma_wait3A_749 = arith.constant 0 : i32
    %dma_wait3A_750 = tpu.memref_slice %arg18[%add3A_672, %dma_wait3A_749] : memref<8192x1024xf32, #tpu.memory_space<hbm>> -> memref<32x1024xf32, #tpu.memory_space<hbm>>
    %dma_wait3A_751 = arith.constant 0 : i32
    %dma_wait3A_752 = tpu.memref_slice %arg18[%add3A_672, %dma_wait3A_751] : memref<8192x1024xf32, #tpu.memory_space<hbm>> -> memref<32x1024xf32, #tpu.memory_space<hbm>>
    tpu.wait_dma2 semaphore(%arg28 : memref<!tpu.dma_semaphore, #tpu.memory_space<semaphore_mem>>) src(%arg22 : memref<32x1024xf32, #tpu.memory_space<vmem>>) dst(%dma_wait3A_752 : memref<32x1024xf32, #tpu.memory_space<hbm>>)
    %dma_start3A_753 = arith.constant 0 : i32
    %dma_start3A_754 = arith.constant 0 : i32
    %dma_start3A_755 = tpu.memref_slice %arg21[%dma_start3A_753, %dma_start3A_754] : memref<8x32xi32, #tpu.memory_space<vmem>> -> memref<1x32xi32, #tpu.memory_space<vmem>>
    %dma_start3A_756 = tpu.memref_squeeze %dma_start3A_755 : memref<1x32xi32, #tpu.memory_space<vmem>> -> memref<32xi32, #tpu.memory_space<vmem>>
    %dma_start3A_757 = arith.constant 0 : i32
    %dma_start3A_758 = arith.constant 0 : i32
    %dma_start3A_759 = tpu.memref_slice %arg6[%dma_start3A_757, %dma_start3A_758] : memref<50304x1024xf32, #tpu.memory_space<hbm>> -> memref<50304x1024xf32, #tpu.memory_space<hbm>>
    tpu.enqueue_indirect_dma source(%dma_start3A_759 : memref<50304x1024xf32, #tpu.memory_space<hbm>>) target(%arg22 : memref<32x1024xf32, #tpu.memory_space<vmem>>) offsets(%dma_start3A_756 : memref<32xi32, #tpu.memory_space<vmem>>) semaphore(%arg25 : memref<!tpu.dma_semaphore, #tpu.memory_space<semaphore_mem>>)
    %dma_wait3A_760 = arith.constant 0 : i32
    %dma_wait3A_761 = arith.constant 0 : i32
    %dma_wait3A_762 = tpu.memref_slice %arg21[%dma_wait3A_760, %dma_wait3A_761] : memref<8x32xi32, #tpu.memory_space<vmem>> -> memref<1x32xi32, #tpu.memory_space<vmem>>
    %dma_wait3A_763 = tpu.memref_squeeze %dma_wait3A_762 : memref<1x32xi32, #tpu.memory_space<vmem>> -> memref<32xi32, #tpu.memory_space<vmem>>
    %dma_wait3A_764 = arith.constant 0 : i32
    %dma_wait3A_765 = arith.constant 0 : i32
    %dma_wait3A_766 = tpu.memref_slice %arg6[%dma_wait3A_764, %dma_wait3A_765] : memref<50304x1024xf32, #tpu.memory_space<hbm>> -> memref<50304x1024xf32, #tpu.memory_space<hbm>>
    tpu.wait_indirect_dma semaphore(%arg25 : memref<!tpu.dma_semaphore, #tpu.memory_space<semaphore_mem>>) src(%dma_wait3A_766 : memref<50304x1024xf32, #tpu.memory_space<hbm>>) dst(%arg22 : memref<32x1024xf32, #tpu.memory_space<vmem>>)
    %add3A_767 = arith.constant 0 : i32
    %add3A_768 = arith.addi %mul3A_2, %add3A_767 : i32
    %dma_start3A_769 = arith.constant 0 : i32
    %dma_start3A_770 = tpu.memref_slice %arg12[%add3A_768, %dma_start3A_769] : memref<8192x1024xf32, #tpu.memory_space<hbm>> -> memref<32x1024xf32, #tpu.memory_space<hbm>>
    %dma_start3A_771 = arith.constant 0 : i32
    %dma_start3A_772 = tpu.memref_slice %arg12[%add3A_768, %dma_start3A_771] : memref<8192x1024xf32, #tpu.memory_space<hbm>> -> memref<32x1024xf32, #tpu.memory_space<hbm>>
    tpu.enqueue_dma source(%arg22 : memref<32x1024xf32, #tpu.memory_space<vmem>>) target(%dma_start3A_772 : memref<32x1024xf32, #tpu.memory_space<hbm>>) target_semaphore(%arg28 : memref<!tpu.dma_semaphore, #tpu.memory_space<semaphore_mem>>)
    %dma_start3A_773 = arith.constant 0 : i32
    %dma_start3A_774 = tpu.memref_slice %arg17[%add3A_768, %dma_start3A_773] : memref<8192x1024xf32, #tpu.memory_space<hbm>> -> memref<32x1024xf32, #tpu.memory_space<hbm>>
    %dma_start3A_775 = arith.constant 0 : i32
    %dma_start3A_776 = tpu.memref_slice %arg17[%add3A_768, %dma_start3A_775] : memref<8192x1024xf32, #tpu.memory_space<hbm>> -> memref<32x1024xf32, #tpu.memory_space<hbm>>
    tpu.enqueue_dma source(%arg22 : memref<32x1024xf32, #tpu.memory_space<vmem>>) target(%dma_start3A_776 : memref<32x1024xf32, #tpu.memory_space<hbm>>) target_semaphore(%arg28 : memref<!tpu.dma_semaphore, #tpu.memory_space<semaphore_mem>>)
    %dma_wait3A_777 = arith.constant 0 : i32
    %dma_wait3A_778 = tpu.memref_slice %arg11[%add3A_704, %dma_wait3A_777] : memref<8192x1024xf32, #tpu.memory_space<hbm>> -> memref<32x1024xf32, #tpu.memory_space<hbm>>
    %dma_wait3A_779 = arith.constant 0 : i32
    %dma_wait3A_780 = tpu.memref_slice %arg11[%add3A_704, %dma_wait3A_779] : memref<8192x1024xf32, #tpu.memory_space<hbm>> -> memref<32x1024xf32, #tpu.memory_space<hbm>>
    tpu.wait_dma2 semaphore(%arg29 : memref<!tpu.dma_semaphore, #tpu.memory_space<semaphore_mem>>) src(%arg23 : memref<32x1024xf32, #tpu.memory_space<vmem>>) dst(%dma_wait3A_780 : memref<32x1024xf32, #tpu.memory_space<hbm>>)
    %dma_wait3A_781 = arith.constant 0 : i32
    %dma_wait3A_782 = tpu.memref_slice %arg18[%add3A_704, %dma_wait3A_781] : memref<8192x1024xf32, #tpu.memory_space<hbm>> -> memref<32x1024xf32, #tpu.memory_space<hbm>>
    %dma_wait3A_783 = arith.constant 0 : i32
    %dma_wait3A_784 = tpu.memref_slice %arg18[%add3A_704, %dma_wait3A_783] : memref<8192x1024xf32, #tpu.memory_space<hbm>> -> memref<32x1024xf32, #tpu.memory_space<hbm>>
    tpu.wait_dma2 semaphore(%arg29 : memref<!tpu.dma_semaphore, #tpu.memory_space<semaphore_mem>>) src(%arg23 : memref<32x1024xf32, #tpu.memory_space<vmem>>) dst(%dma_wait3A_784 : memref<32x1024xf32, #tpu.memory_space<hbm>>)
    %dma_start3A_785 = arith.constant 1 : i32
    %dma_start3A_786 = arith.constant 0 : i32
    %dma_start3A_787 = tpu.memref_slice %arg21[%dma_start3A_785, %dma_start3A_786] : memref<8x32xi32, #tpu.memory_space<vmem>> -> memref<1x32xi32, #tpu.memory_space<vmem>>
    %dma_start3A_788 = tpu.memref_squeeze %dma_start3A_787 : memref<1x32xi32, #tpu.memory_space<vmem>> -> memref<32xi32, #tpu.memory_space<vmem>>
    %dma_start3A_789 = arith.constant 0 : i32
    %dma_start3A_790 = arith.constant 0 : i32
    %dma_start3A_791 = tpu.memref_slice %arg6[%dma_start3A_789, %dma_start3A_790] : memref<50304x1024xf32, #tpu.memory_space<hbm>> -> memref<50304x1024xf32, #tpu.memory_space<hbm>>
    tpu.enqueue_indirect_dma source(%dma_start3A_791 : memref<50304x1024xf32, #tpu.memory_space<hbm>>) target(%arg23 : memref<32x1024xf32, #tpu.memory_space<vmem>>) offsets(%dma_start3A_788 : memref<32xi32, #tpu.memory_space<vmem>>) semaphore(%arg26 : memref<!tpu.dma_semaphore, #tpu.memory_space<semaphore_mem>>)
    %dma_wait3A_792 = arith.constant 1 : i32
    %dma_wait3A_793 = arith.constant 0 : i32
    %dma_wait3A_794 = tpu.memref_slice %arg21[%dma_wait3A_792, %dma_wait3A_793] : memref<8x32xi32, #tpu.memory_space<vmem>> -> memref<1x32xi32, #tpu.memory_space<vmem>>
    %dma_wait3A_795 = tpu.memref_squeeze %dma_wait3A_794 : memref<1x32xi32, #tpu.memory_space<vmem>> -> memref<32xi32, #tpu.memory_space<vmem>>
    %dma_wait3A_796 = arith.constant 0 : i32
    %dma_wait3A_797 = arith.constant 0 : i32
    %dma_wait3A_798 = tpu.memref_slice %arg6[%dma_wait3A_796, %dma_wait3A_797] : memref<50304x1024xf32, #tpu.memory_space<hbm>> -> memref<50304x1024xf32, #tpu.memory_space<hbm>>
    tpu.wait_indirect_dma semaphore(%arg26 : memref<!tpu.dma_semaphore, #tpu.memory_space<semaphore_mem>>) src(%dma_wait3A_798 : memref<50304x1024xf32, #tpu.memory_space<hbm>>) dst(%arg23 : memref<32x1024xf32, #tpu.memory_space<vmem>>)
    %add3A_799 = arith.constant 32 : i32
    %add3A_800 = arith.addi %mul3A_2, %add3A_799 : i32
    %dma_start3A_801 = arith.constant 0 : i32
    %dma_start3A_802 = tpu.memref_slice %arg12[%add3A_800, %dma_start3A_801] : memref<8192x1024xf32, #tpu.memory_space<hbm>> -> memref<32x1024xf32, #tpu.memory_space<hbm>>
    %dma_start3A_803 = arith.constant 0 : i32
    %dma_start3A_804 = tpu.memref_slice %arg12[%add3A_800, %dma_start3A_803] : memref<8192x1024xf32, #tpu.memory_space<hbm>> -> memref<32x1024xf32, #tpu.memory_space<hbm>>
    tpu.enqueue_dma source(%arg23 : memref<32x1024xf32, #tpu.memory_space<vmem>>) target(%dma_start3A_804 : memref<32x1024xf32, #tpu.memory_space<hbm>>) target_semaphore(%arg29 : memref<!tpu.dma_semaphore, #tpu.memory_space<semaphore_mem>>)
    %dma_start3A_805 = arith.constant 0 : i32
    %dma_start3A_806 = tpu.memref_slice %arg17[%add3A_800, %dma_start3A_805] : memref<8192x1024xf32, #tpu.memory_space<hbm>> -> memref<32x1024xf32, #tpu.memory_space<hbm>>
    %dma_start3A_807 = arith.constant 0 : i32
    %dma_start3A_808 = tpu.memref_slice %arg17[%add3A_800, %dma_start3A_807] : memref<8192x1024xf32, #tpu.memory_space<hbm>> -> memref<32x1024xf32, #tpu.memory_space<hbm>>
    tpu.enqueue_dma source(%arg23 : memref<32x1024xf32, #tpu.memory_space<vmem>>) target(%dma_start3A_808 : memref<32x1024xf32, #tpu.memory_space<hbm>>) target_semaphore(%arg29 : memref<!tpu.dma_semaphore, #tpu.memory_space<semaphore_mem>>)
    %dma_wait3A_809 = arith.constant 0 : i32
    %dma_wait3A_810 = tpu.memref_slice %arg11[%add3A_736, %dma_wait3A_809] : memref<8192x1024xf32, #tpu.memory_space<hbm>> -> memref<32x1024xf32, #tpu.memory_space<hbm>>
    %dma_wait3A_811 = arith.constant 0 : i32
    %dma_wait3A_812 = tpu.memref_slice %arg11[%add3A_736, %dma_wait3A_811] : memref<8192x1024xf32, #tpu.memory_space<hbm>> -> memref<32x1024xf32, #tpu.memory_space<hbm>>
    tpu.wait_dma2 semaphore(%arg30 : memref<!tpu.dma_semaphore, #tpu.memory_space<semaphore_mem>>) src(%arg24 : memref<32x1024xf32, #tpu.memory_space<vmem>>) dst(%dma_wait3A_812 : memref<32x1024xf32, #tpu.memory_space<hbm>>)
    %dma_wait3A_813 = arith.constant 0 : i32
    %dma_wait3A_814 = tpu.memref_slice %arg18[%add3A_736, %dma_wait3A_813] : memref<8192x1024xf32, #tpu.memory_space<hbm>> -> memref<32x1024xf32, #tpu.memory_space<hbm>>
    %dma_wait3A_815 = arith.constant 0 : i32
    %dma_wait3A_816 = tpu.memref_slice %arg18[%add3A_736, %dma_wait3A_815] : memref<8192x1024xf32, #tpu.memory_space<hbm>> -> memref<32x1024xf32, #tpu.memory_space<hbm>>
    tpu.wait_dma2 semaphore(%arg30 : memref<!tpu.dma_semaphore, #tpu.memory_space<semaphore_mem>>) src(%arg24 : memref<32x1024xf32, #tpu.memory_space<vmem>>) dst(%dma_wait3A_816 : memref<32x1024xf32, #tpu.memory_space<hbm>>)
    %dma_start3A_817 = arith.constant 2 : i32
    %dma_start3A_818 = arith.constant 0 : i32
    %dma_start3A_819 = tpu.memref_slice %arg21[%dma_start3A_817, %dma_start3A_818] : memref<8x32xi32, #tpu.memory_space<vmem>> -> memref<1x32xi32, #tpu.memory_space<vmem>>
    %dma_start3A_820 = tpu.memref_squeeze %dma_start3A_819 : memref<1x32xi32, #tpu.memory_space<vmem>> -> memref<32xi32, #tpu.memory_space<vmem>>
    %dma_start3A_821 = arith.constant 0 : i32
    %dma_start3A_822 = arith.constant 0 : i32
    %dma_start3A_823 = tpu.memref_slice %arg6[%dma_start3A_821, %dma_start3A_822] : memref<50304x1024xf32, #tpu.memory_space<hbm>> -> memref<50304x1024xf32, #tpu.memory_space<hbm>>
    tpu.enqueue_indirect_dma source(%dma_start3A_823 : memref<50304x1024xf32, #tpu.memory_space<hbm>>) target(%arg24 : memref<32x1024xf32, #tpu.memory_space<vmem>>) offsets(%dma_start3A_820 : memref<32xi32, #tpu.memory_space<vmem>>) semaphore(%arg27 : memref<!tpu.dma_semaphore, #tpu.memory_space<semaphore_mem>>)
    %dma_wait3A_824 = arith.constant 2 : i32
    %dma_wait3A_825 = arith.constant 0 : i32
    %dma_wait3A_826 = tpu.memref_slice %arg21[%dma_wait3A_824, %dma_wait3A_825] : memref<8x32xi32, #tpu.memory_space<vmem>> -> memref<1x32xi32, #tpu.memory_space<vmem>>
    %dma_wait3A_827 = tpu.memref_squeeze %dma_wait3A_826 : memref<1x32xi32, #tpu.memory_space<vmem>> -> memref<32xi32, #tpu.memory_space<vmem>>
    %dma_wait3A_828 = arith.constant 0 : i32
    %dma_wait3A_829 = arith.constant 0 : i32
    %dma_wait3A_830 = tpu.memref_slice %arg6[%dma_wait3A_828, %dma_wait3A_829] : memref<50304x1024xf32, #tpu.memory_space<hbm>> -> memref<50304x1024xf32, #tpu.memory_space<hbm>>
    tpu.wait_indirect_dma semaphore(%arg27 : memref<!tpu.dma_semaphore, #tpu.memory_space<semaphore_mem>>) src(%dma_wait3A_830 : memref<50304x1024xf32, #tpu.memory_space<hbm>>) dst(%arg24 : memref<32x1024xf32, #tpu.memory_space<vmem>>)
    %add3A_831 = arith.constant 64 : i32
    %add3A_832 = arith.addi %mul3A_2, %add3A_831 : i32
    %dma_start3A_833 = arith.constant 0 : i32
    %dma_start3A_834 = tpu.memref_slice %arg12[%add3A_832, %dma_start3A_833] : memref<8192x1024xf32, #tpu.memory_space<hbm>> -> memref<32x1024xf32, #tpu.memory_space<hbm>>
    %dma_start3A_835 = arith.constant 0 : i32
    %dma_start3A_836 = tpu.memref_slice %arg12[%add3A_832, %dma_start3A_835] : memref<8192x1024xf32, #tpu.memory_space<hbm>> -> memref<32x1024xf32, #tpu.memory_space<hbm>>
    tpu.enqueue_dma source(%arg24 : memref<32x1024xf32, #tpu.memory_space<vmem>>) target(%dma_start3A_836 : memref<32x1024xf32, #tpu.memory_space<hbm>>) target_semaphore(%arg30 : memref<!tpu.dma_semaphore, #tpu.memory_space<semaphore_mem>>)
    %dma_start3A_837 = arith.constant 0 : i32
    %dma_start3A_838 = tpu.memref_slice %arg17[%add3A_832, %dma_start3A_837] : memref<8192x1024xf32, #tpu.memory_space<hbm>> -> memref<32x1024xf32, #tpu.memory_space<hbm>>
    %dma_start3A_839 = arith.constant 0 : i32
    %dma_start3A_840 = tpu.memref_slice %arg17[%add3A_832, %dma_start3A_839] : memref<8192x1024xf32, #tpu.memory_space<hbm>> -> memref<32x1024xf32, #tpu.memory_space<hbm>>
    tpu.enqueue_dma source(%arg24 : memref<32x1024xf32, #tpu.memory_space<vmem>>) target(%dma_start3A_840 : memref<32x1024xf32, #tpu.memory_space<hbm>>) target_semaphore(%arg30 : memref<!tpu.dma_semaphore, #tpu.memory_space<semaphore_mem>>)
    %dma_wait3A_841 = arith.constant 0 : i32
    %dma_wait3A_842 = tpu.memref_slice %arg12[%add3A_768, %dma_wait3A_841] : memref<8192x1024xf32, #tpu.memory_space<hbm>> -> memref<32x1024xf32, #tpu.memory_space<hbm>>
    %dma_wait3A_843 = arith.constant 0 : i32
    %dma_wait3A_844 = tpu.memref_slice %arg12[%add3A_768, %dma_wait3A_843] : memref<8192x1024xf32, #tpu.memory_space<hbm>> -> memref<32x1024xf32, #tpu.memory_space<hbm>>
    tpu.wait_dma2 semaphore(%arg28 : memref<!tpu.dma_semaphore, #tpu.memory_space<semaphore_mem>>) src(%arg22 : memref<32x1024xf32, #tpu.memory_space<vmem>>) dst(%dma_wait3A_844 : memref<32x1024xf32, #tpu.memory_space<hbm>>)
    %dma_wait3A_845 = arith.constant 0 : i32
    %dma_wait3A_846 = tpu.memref_slice %arg17[%add3A_768, %dma_wait3A_845] : memref<8192x1024xf32, #tpu.memory_space<hbm>> -> memref<32x1024xf32, #tpu.memory_space<hbm>>
    %dma_wait3A_847 = arith.constant 0 : i32
    %dma_wait3A_848 = tpu.memref_slice %arg17[%add3A_768, %dma_wait3A_847] : memref<8192x1024xf32, #tpu.memory_space<hbm>> -> memref<32x1024xf32, #tpu.memory_space<hbm>>
    tpu.wait_dma2 semaphore(%arg28 : memref<!tpu.dma_semaphore, #tpu.memory_space<semaphore_mem>>) src(%arg22 : memref<32x1024xf32, #tpu.memory_space<vmem>>) dst(%dma_wait3A_848 : memref<32x1024xf32, #tpu.memory_space<hbm>>)
    %dma_start3A_849 = arith.constant 3 : i32
    %dma_start3A_850 = arith.constant 0 : i32
    %dma_start3A_851 = tpu.memref_slice %arg21[%dma_start3A_849, %dma_start3A_850] : memref<8x32xi32, #tpu.memory_space<vmem>> -> memref<1x32xi32, #tpu.memory_space<vmem>>
    %dma_start3A_852 = tpu.memref_squeeze %dma_start3A_851 : memref<1x32xi32, #tpu.memory_space<vmem>> -> memref<32xi32, #tpu.memory_space<vmem>>
    %dma_start3A_853 = arith.constant 0 : i32
    %dma_start3A_854 = arith.constant 0 : i32
    %dma_start3A_855 = tpu.memref_slice %arg6[%dma_start3A_853, %dma_start3A_854] : memref<50304x1024xf32, #tpu.memory_space<hbm>> -> memref<50304x1024xf32, #tpu.memory_space<hbm>>
    tpu.enqueue_indirect_dma source(%dma_start3A_855 : memref<50304x1024xf32, #tpu.memory_space<hbm>>) target(%arg22 : memref<32x1024xf32, #tpu.memory_space<vmem>>) offsets(%dma_start3A_852 : memref<32xi32, #tpu.memory_space<vmem>>) semaphore(%arg25 : memref<!tpu.dma_semaphore, #tpu.memory_space<semaphore_mem>>)
    %dma_wait3A_856 = arith.constant 3 : i32
    %dma_wait3A_857 = arith.constant 0 : i32
    %dma_wait3A_858 = tpu.memref_slice %arg21[%dma_wait3A_856, %dma_wait3A_857] : memref<8x32xi32, #tpu.memory_space<vmem>> -> memref<1x32xi32, #tpu.memory_space<vmem>>
    %dma_wait3A_859 = tpu.memref_squeeze %dma_wait3A_858 : memref<1x32xi32, #tpu.memory_space<vmem>> -> memref<32xi32, #tpu.memory_space<vmem>>
    %dma_wait3A_860 = arith.constant 0 : i32
    %dma_wait3A_861 = arith.constant 0 : i32
    %dma_wait3A_862 = tpu.memref_slice %arg6[%dma_wait3A_860, %dma_wait3A_861] : memref<50304x1024xf32, #tpu.memory_space<hbm>> -> memref<50304x1024xf32, #tpu.memory_space<hbm>>
    tpu.wait_indirect_dma semaphore(%arg25 : memref<!tpu.dma_semaphore, #tpu.memory_space<semaphore_mem>>) src(%dma_wait3A_862 : memref<50304x1024xf32, #tpu.memory_space<hbm>>) dst(%arg22 : memref<32x1024xf32, #tpu.memory_space<vmem>>)
    %add3A_863 = arith.constant 96 : i32
    %add3A_864 = arith.addi %mul3A_2, %add3A_863 : i32
    %dma_start3A_865 = arith.constant 0 : i32
    %dma_start3A_866 = tpu.memref_slice %arg12[%add3A_864, %dma_start3A_865] : memref<8192x1024xf32, #tpu.memory_space<hbm>> -> memref<32x1024xf32, #tpu.memory_space<hbm>>
    %dma_start3A_867 = arith.constant 0 : i32
    %dma_start3A_868 = tpu.memref_slice %arg12[%add3A_864, %dma_start3A_867] : memref<8192x1024xf32, #tpu.memory_space<hbm>> -> memref<32x1024xf32, #tpu.memory_space<hbm>>
    tpu.enqueue_dma source(%arg22 : memref<32x1024xf32, #tpu.memory_space<vmem>>) target(%dma_start3A_868 : memref<32x1024xf32, #tpu.memory_space<hbm>>) target_semaphore(%arg28 : memref<!tpu.dma_semaphore, #tpu.memory_space<semaphore_mem>>)
    %dma_start3A_869 = arith.constant 0 : i32
    %dma_start3A_870 = tpu.memref_slice %arg17[%add3A_864, %dma_start3A_869] : memref<8192x1024xf32, #tpu.memory_space<hbm>> -> memref<32x1024xf32, #tpu.memory_space<hbm>>
    %dma_start3A_871 = arith.constant 0 : i32
    %dma_start3A_872 = tpu.memref_slice %arg17[%add3A_864, %dma_start3A_871] : memref<8192x1024xf32, #tpu.memory_space<hbm>> -> memref<32x1024xf32, #tpu.memory_space<hbm>>
    tpu.enqueue_dma source(%arg22 : memref<32x1024xf32, #tpu.memory_space<vmem>>) target(%dma_start3A_872 : memref<32x1024xf32, #tpu.memory_space<hbm>>) target_semaphore(%arg28 : memref<!tpu.dma_semaphore, #tpu.memory_space<semaphore_mem>>)
    %dma_wait3A_873 = arith.constant 0 : i32
    %dma_wait3A_874 = tpu.memref_slice %arg12[%add3A_800, %dma_wait3A_873] : memref<8192x1024xf32, #tpu.memory_space<hbm>> -> memref<32x1024xf32, #tpu.memory_space<hbm>>
    %dma_wait3A_875 = arith.constant 0 : i32
    %dma_wait3A_876 = tpu.memref_slice %arg12[%add3A_800, %dma_wait3A_875] : memref<8192x1024xf32, #tpu.memory_space<hbm>> -> memref<32x1024xf32, #tpu.memory_space<hbm>>
    tpu.wait_dma2 semaphore(%arg29 : memref<!tpu.dma_semaphore, #tpu.memory_space<semaphore_mem>>) src(%arg23 : memref<32x1024xf32, #tpu.memory_space<vmem>>) dst(%dma_wait3A_876 : memref<32x1024xf32, #tpu.memory_space<hbm>>)
    %dma_wait3A_877 = arith.constant 0 : i32
    %dma_wait3A_878 = tpu.memref_slice %arg17[%add3A_800, %dma_wait3A_877] : memref<8192x1024xf32, #tpu.memory_space<hbm>> -> memref<32x1024xf32, #tpu.memory_space<hbm>>
    %dma_wait3A_879 = arith.constant 0 : i32
    %dma_wait3A_880 = tpu.memref_slice %arg17[%add3A_800, %dma_wait3A_879] : memref<8192x1024xf32, #tpu.memory_space<hbm>> -> memref<32x1024xf32, #tpu.memory_space<hbm>>
    tpu.wait_dma2 semaphore(%arg29 : memref<!tpu.dma_semaphore, #tpu.memory_space<semaphore_mem>>) src(%arg23 : memref<32x1024xf32, #tpu.memory_space<vmem>>) dst(%dma_wait3A_880 : memref<32x1024xf32, #tpu.memory_space<hbm>>)
    %dma_start3A_881 = arith.constant 4 : i32
    %dma_start3A_882 = arith.constant 0 : i32
    %dma_start3A_883 = tpu.memref_slice %arg21[%dma_start3A_881, %dma_start3A_882] : memref<8x32xi32, #tpu.memory_space<vmem>> -> memref<1x32xi32, #tpu.memory_space<vmem>>
    %dma_start3A_884 = tpu.memref_squeeze %dma_start3A_883 : memref<1x32xi32, #tpu.memory_space<vmem>> -> memref<32xi32, #tpu.memory_space<vmem>>
    %dma_start3A_885 = arith.constant 0 : i32
    %dma_start3A_886 = arith.constant 0 : i32
    %dma_start3A_887 = tpu.memref_slice %arg6[%dma_start3A_885, %dma_start3A_886] : memref<50304x1024xf32, #tpu.memory_space<hbm>> -> memref<50304x1024xf32, #tpu.memory_space<hbm>>
    tpu.enqueue_indirect_dma source(%dma_start3A_887 : memref<50304x1024xf32, #tpu.memory_space<hbm>>) target(%arg23 : memref<32x1024xf32, #tpu.memory_space<vmem>>) offsets(%dma_start3A_884 : memref<32xi32, #tpu.memory_space<vmem>>) semaphore(%arg26 : memref<!tpu.dma_semaphore, #tpu.memory_space<semaphore_mem>>)
    %dma_wait3A_888 = arith.constant 4 : i32
    %dma_wait3A_889 = arith.constant 0 : i32
    %dma_wait3A_890 = tpu.memref_slice %arg21[%dma_wait3A_888, %dma_wait3A_889] : memref<8x32xi32, #tpu.memory_space<vmem>> -> memref<1x32xi32, #tpu.memory_space<vmem>>
    %dma_wait3A_891 = tpu.memref_squeeze %dma_wait3A_890 : memref<1x32xi32, #tpu.memory_space<vmem>> -> memref<32xi32, #tpu.memory_space<vmem>>
    %dma_wait3A_892 = arith.constant 0 : i32
    %dma_wait3A_893 = arith.constant 0 : i32
    %dma_wait3A_894 = tpu.memref_slice %arg6[%dma_wait3A_892, %dma_wait3A_893] : memref<50304x1024xf32, #tpu.memory_space<hbm>> -> memref<50304x1024xf32, #tpu.memory_space<hbm>>
    tpu.wait_indirect_dma semaphore(%arg26 : memref<!tpu.dma_semaphore, #tpu.memory_space<semaphore_mem>>) src(%dma_wait3A_894 : memref<50304x1024xf32, #tpu.memory_space<hbm>>) dst(%arg23 : memref<32x1024xf32, #tpu.memory_space<vmem>>)
    %add3A_895 = arith.constant 128 : i32
    %add3A_896 = arith.addi %mul3A_2, %add3A_895 : i32
    %dma_start3A_897 = arith.constant 0 : i32
    %dma_start3A_898 = tpu.memref_slice %arg12[%add3A_896, %dma_start3A_897] : memref<8192x1024xf32, #tpu.memory_space<hbm>> -> memref<32x1024xf32, #tpu.memory_space<hbm>>
    %dma_start3A_899 = arith.constant 0 : i32
    %dma_start3A_900 = tpu.memref_slice %arg12[%add3A_896, %dma_start3A_899] : memref<8192x1024xf32, #tpu.memory_space<hbm>> -> memref<32x1024xf32, #tpu.memory_space<hbm>>
    tpu.enqueue_dma source(%arg23 : memref<32x1024xf32, #tpu.memory_space<vmem>>) target(%dma_start3A_900 : memref<32x1024xf32, #tpu.memory_space<hbm>>) target_semaphore(%arg29 : memref<!tpu.dma_semaphore, #tpu.memory_space<semaphore_mem>>)
    %dma_start3A_901 = arith.constant 0 : i32
    %dma_start3A_902 = tpu.memref_slice %arg17[%add3A_896, %dma_start3A_901] : memref<8192x1024xf32, #tpu.memory_space<hbm>> -> memref<32x1024xf32, #tpu.memory_space<hbm>>
    %dma_start3A_903 = arith.constant 0 : i32
    %dma_start3A_904 = tpu.memref_slice %arg17[%add3A_896, %dma_start3A_903] : memref<8192x1024xf32, #tpu.memory_space<hbm>> -> memref<32x1024xf32, #tpu.memory_space<hbm>>
    tpu.enqueue_dma source(%arg23 : memref<32x1024xf32, #tpu.memory_space<vmem>>) target(%dma_start3A_904 : memref<32x1024xf32, #tpu.memory_space<hbm>>) target_semaphore(%arg29 : memref<!tpu.dma_semaphore, #tpu.memory_space<semaphore_mem>>)
    %dma_wait3A_905 = arith.constant 0 : i32
    %dma_wait3A_906 = tpu.memref_slice %arg12[%add3A_832, %dma_wait3A_905] : memref<8192x1024xf32, #tpu.memory_space<hbm>> -> memref<32x1024xf32, #tpu.memory_space<hbm>>
    %dma_wait3A_907 = arith.constant 0 : i32
    %dma_wait3A_908 = tpu.memref_slice %arg12[%add3A_832, %dma_wait3A_907] : memref<8192x1024xf32, #tpu.memory_space<hbm>> -> memref<32x1024xf32, #tpu.memory_space<hbm>>
    tpu.wait_dma2 semaphore(%arg30 : memref<!tpu.dma_semaphore, #tpu.memory_space<semaphore_mem>>) src(%arg24 : memref<32x1024xf32, #tpu.memory_space<vmem>>) dst(%dma_wait3A_908 : memref<32x1024xf32, #tpu.memory_space<hbm>>)
    %dma_wait3A_909 = arith.constant 0 : i32
    %dma_wait3A_910 = tpu.memref_slice %arg17[%add3A_832, %dma_wait3A_909] : memref<8192x1024xf32, #tpu.memory_space<hbm>> -> memref<32x1024xf32, #tpu.memory_space<hbm>>
    %dma_wait3A_911 = arith.constant 0 : i32
    %dma_wait3A_912 = tpu.memref_slice %arg17[%add3A_832, %dma_wait3A_911] : memref<8192x1024xf32, #tpu.memory_space<hbm>> -> memref<32x1024xf32, #tpu.memory_space<hbm>>
    tpu.wait_dma2 semaphore(%arg30 : memref<!tpu.dma_semaphore, #tpu.memory_space<semaphore_mem>>) src(%arg24 : memref<32x1024xf32, #tpu.memory_space<vmem>>) dst(%dma_wait3A_912 : memref<32x1024xf32, #tpu.memory_space<hbm>>)
    %dma_start3A_913 = arith.constant 5 : i32
    %dma_start3A_914 = arith.constant 0 : i32
    %dma_start3A_915 = tpu.memref_slice %arg21[%dma_start3A_913, %dma_start3A_914] : memref<8x32xi32, #tpu.memory_space<vmem>> -> memref<1x32xi32, #tpu.memory_space<vmem>>
    %dma_start3A_916 = tpu.memref_squeeze %dma_start3A_915 : memref<1x32xi32, #tpu.memory_space<vmem>> -> memref<32xi32, #tpu.memory_space<vmem>>
    %dma_start3A_917 = arith.constant 0 : i32
    %dma_start3A_918 = arith.constant 0 : i32
    %dma_start3A_919 = tpu.memref_slice %arg6[%dma_start3A_917, %dma_start3A_918] : memref<50304x1024xf32, #tpu.memory_space<hbm>> -> memref<50304x1024xf32, #tpu.memory_space<hbm>>
    tpu.enqueue_indirect_dma source(%dma_start3A_919 : memref<50304x1024xf32, #tpu.memory_space<hbm>>) target(%arg24 : memref<32x1024xf32, #tpu.memory_space<vmem>>) offsets(%dma_start3A_916 : memref<32xi32, #tpu.memory_space<vmem>>) semaphore(%arg27 : memref<!tpu.dma_semaphore, #tpu.memory_space<semaphore_mem>>)
    %dma_wait3A_920 = arith.constant 5 : i32
    %dma_wait3A_921 = arith.constant 0 : i32
    %dma_wait3A_922 = tpu.memref_slice %arg21[%dma_wait3A_920, %dma_wait3A_921] : memref<8x32xi32, #tpu.memory_space<vmem>> -> memref<1x32xi32, #tpu.memory_space<vmem>>
    %dma_wait3A_923 = tpu.memref_squeeze %dma_wait3A_922 : memref<1x32xi32, #tpu.memory_space<vmem>> -> memref<32xi32, #tpu.memory_space<vmem>>
    %dma_wait3A_924 = arith.constant 0 : i32
    %dma_wait3A_925 = arith.constant 0 : i32
    %dma_wait3A_926 = tpu.memref_slice %arg6[%dma_wait3A_924, %dma_wait3A_925] : memref<50304x1024xf32, #tpu.memory_space<hbm>> -> memref<50304x1024xf32, #tpu.memory_space<hbm>>
    tpu.wait_indirect_dma semaphore(%arg27 : memref<!tpu.dma_semaphore, #tpu.memory_space<semaphore_mem>>) src(%dma_wait3A_926 : memref<50304x1024xf32, #tpu.memory_space<hbm>>) dst(%arg24 : memref<32x1024xf32, #tpu.memory_space<vmem>>)
    %add3A_927 = arith.constant 160 : i32
    %add3A_928 = arith.addi %mul3A_2, %add3A_927 : i32
    %dma_start3A_929 = arith.constant 0 : i32
    %dma_start3A_930 = tpu.memref_slice %arg12[%add3A_928, %dma_start3A_929] : memref<8192x1024xf32, #tpu.memory_space<hbm>> -> memref<32x1024xf32, #tpu.memory_space<hbm>>
    %dma_start3A_931 = arith.constant 0 : i32
    %dma_start3A_932 = tpu.memref_slice %arg12[%add3A_928, %dma_start3A_931] : memref<8192x1024xf32, #tpu.memory_space<hbm>> -> memref<32x1024xf32, #tpu.memory_space<hbm>>
    tpu.enqueue_dma source(%arg24 : memref<32x1024xf32, #tpu.memory_space<vmem>>) target(%dma_start3A_932 : memref<32x1024xf32, #tpu.memory_space<hbm>>) target_semaphore(%arg30 : memref<!tpu.dma_semaphore, #tpu.memory_space<semaphore_mem>>)
    %dma_start3A_933 = arith.constant 0 : i32
    %dma_start3A_934 = tpu.memref_slice %arg17[%add3A_928, %dma_start3A_933] : memref<8192x1024xf32, #tpu.memory_space<hbm>> -> memref<32x1024xf32, #tpu.memory_space<hbm>>
    %dma_start3A_935 = arith.constant 0 : i32
    %dma_start3A_936 = tpu.memref_slice %arg17[%add3A_928, %dma_start3A_935] : memref<8192x1024xf32, #tpu.memory_space<hbm>> -> memref<32x1024xf32, #tpu.memory_space<hbm>>
    tpu.enqueue_dma source(%arg24 : memref<32x1024xf32, #tpu.memory_space<vmem>>) target(%dma_start3A_936 : memref<32x1024xf32, #tpu.memory_space<hbm>>) target_semaphore(%arg30 : memref<!tpu.dma_semaphore, #tpu.memory_space<semaphore_mem>>)
    %dma_wait3A_937 = arith.constant 0 : i32
    %dma_wait3A_938 = tpu.memref_slice %arg12[%add3A_864, %dma_wait3A_937] : memref<8192x1024xf32, #tpu.memory_space<hbm>> -> memref<32x1024xf32, #tpu.memory_space<hbm>>
    %dma_wait3A_939 = arith.constant 0 : i32
    %dma_wait3A_940 = tpu.memref_slice %arg12[%add3A_864, %dma_wait3A_939] : memref<8192x1024xf32, #tpu.memory_space<hbm>> -> memref<32x1024xf32, #tpu.memory_space<hbm>>
    tpu.wait_dma2 semaphore(%arg28 : memref<!tpu.dma_semaphore, #tpu.memory_space<semaphore_mem>>) src(%arg22 : memref<32x1024xf32, #tpu.memory_space<vmem>>) dst(%dma_wait3A_940 : memref<32x1024xf32, #tpu.memory_space<hbm>>)
    %dma_wait3A_941 = arith.constant 0 : i32
    %dma_wait3A_942 = tpu.memref_slice %arg17[%add3A_864, %dma_wait3A_941] : memref<8192x1024xf32, #tpu.memory_space<hbm>> -> memref<32x1024xf32, #tpu.memory_space<hbm>>
    %dma_wait3A_943 = arith.constant 0 : i32
    %dma_wait3A_944 = tpu.memref_slice %arg17[%add3A_864, %dma_wait3A_943] : memref<8192x1024xf32, #tpu.memory_space<hbm>> -> memref<32x1024xf32, #tpu.memory_space<hbm>>
    tpu.wait_dma2 semaphore(%arg28 : memref<!tpu.dma_semaphore, #tpu.memory_space<semaphore_mem>>) src(%arg22 : memref<32x1024xf32, #tpu.memory_space<vmem>>) dst(%dma_wait3A_944 : memref<32x1024xf32, #tpu.memory_space<hbm>>)
    %dma_start3A_945 = arith.constant 6 : i32
    %dma_start3A_946 = arith.constant 0 : i32
    %dma_start3A_947 = tpu.memref_slice %arg21[%dma_start3A_945, %dma_start3A_946] : memref<8x32xi32, #tpu.memory_space<vmem>> -> memref<1x32xi32, #tpu.memory_space<vmem>>
    %dma_start3A_948 = tpu.memref_squeeze %dma_start3A_947 : memref<1x32xi32, #tpu.memory_space<vmem>> -> memref<32xi32, #tpu.memory_space<vmem>>
    %dma_start3A_949 = arith.constant 0 : i32
    %dma_start3A_950 = arith.constant 0 : i32
    %dma_start3A_951 = tpu.memref_slice %arg6[%dma_start3A_949, %dma_start3A_950] : memref<50304x1024xf32, #tpu.memory_space<hbm>> -> memref<50304x1024xf32, #tpu.memory_space<hbm>>
    tpu.enqueue_indirect_dma source(%dma_start3A_951 : memref<50304x1024xf32, #tpu.memory_space<hbm>>) target(%arg22 : memref<32x1024xf32, #tpu.memory_space<vmem>>) offsets(%dma_start3A_948 : memref<32xi32, #tpu.memory_space<vmem>>) semaphore(%arg25 : memref<!tpu.dma_semaphore, #tpu.memory_space<semaphore_mem>>)
    %dma_wait3A_952 = arith.constant 6 : i32
    %dma_wait3A_953 = arith.constant 0 : i32
    %dma_wait3A_954 = tpu.memref_slice %arg21[%dma_wait3A_952, %dma_wait3A_953] : memref<8x32xi32, #tpu.memory_space<vmem>> -> memref<1x32xi32, #tpu.memory_space<vmem>>
    %dma_wait3A_955 = tpu.memref_squeeze %dma_wait3A_954 : memref<1x32xi32, #tpu.memory_space<vmem>> -> memref<32xi32, #tpu.memory_space<vmem>>
    %dma_wait3A_956 = arith.constant 0 : i32
    %dma_wait3A_957 = arith.constant 0 : i32
    %dma_wait3A_958 = tpu.memref_slice %arg6[%dma_wait3A_956, %dma_wait3A_957] : memref<50304x1024xf32, #tpu.memory_space<hbm>> -> memref<50304x1024xf32, #tpu.memory_space<hbm>>
    tpu.wait_indirect_dma semaphore(%arg25 : memref<!tpu.dma_semaphore, #tpu.memory_space<semaphore_mem>>) src(%dma_wait3A_958 : memref<50304x1024xf32, #tpu.memory_space<hbm>>) dst(%arg22 : memref<32x1024xf32, #tpu.memory_space<vmem>>)
    %add3A_959 = arith.constant 192 : i32
    %add3A_960 = arith.addi %mul3A_2, %add3A_959 : i32
    %dma_start3A_961 = arith.constant 0 : i32
    %dma_start3A_962 = tpu.memref_slice %arg12[%add3A_960, %dma_start3A_961] : memref<8192x1024xf32, #tpu.memory_space<hbm>> -> memref<32x1024xf32, #tpu.memory_space<hbm>>
    %dma_start3A_963 = arith.constant 0 : i32
    %dma_start3A_964 = tpu.memref_slice %arg12[%add3A_960, %dma_start3A_963] : memref<8192x1024xf32, #tpu.memory_space<hbm>> -> memref<32x1024xf32, #tpu.memory_space<hbm>>
    tpu.enqueue_dma source(%arg22 : memref<32x1024xf32, #tpu.memory_space<vmem>>) target(%dma_start3A_964 : memref<32x1024xf32, #tpu.memory_space<hbm>>) target_semaphore(%arg28 : memref<!tpu.dma_semaphore, #tpu.memory_space<semaphore_mem>>)
    %dma_start3A_965 = arith.constant 0 : i32
    %dma_start3A_966 = tpu.memref_slice %arg17[%add3A_960, %dma_start3A_965] : memref<8192x1024xf32, #tpu.memory_space<hbm>> -> memref<32x1024xf32, #tpu.memory_space<hbm>>
    %dma_start3A_967 = arith.constant 0 : i32
    %dma_start3A_968 = tpu.memref_slice %arg17[%add3A_960, %dma_start3A_967] : memref<8192x1024xf32, #tpu.memory_space<hbm>> -> memref<32x1024xf32, #tpu.memory_space<hbm>>
    tpu.enqueue_dma source(%arg22 : memref<32x1024xf32, #tpu.memory_space<vmem>>) target(%dma_start3A_968 : memref<32x1024xf32, #tpu.memory_space<hbm>>) target_semaphore(%arg28 : memref<!tpu.dma_semaphore, #tpu.memory_space<semaphore_mem>>)
    %dma_wait3A_969 = arith.constant 0 : i32
    %dma_wait3A_970 = tpu.memref_slice %arg12[%add3A_896, %dma_wait3A_969] : memref<8192x1024xf32, #tpu.memory_space<hbm>> -> memref<32x1024xf32, #tpu.memory_space<hbm>>
    %dma_wait3A_971 = arith.constant 0 : i32
    %dma_wait3A_972 = tpu.memref_slice %arg12[%add3A_896, %dma_wait3A_971] : memref<8192x1024xf32, #tpu.memory_space<hbm>> -> memref<32x1024xf32, #tpu.memory_space<hbm>>
    tpu.wait_dma2 semaphore(%arg29 : memref<!tpu.dma_semaphore, #tpu.memory_space<semaphore_mem>>) src(%arg23 : memref<32x1024xf32, #tpu.memory_space<vmem>>) dst(%dma_wait3A_972 : memref<32x1024xf32, #tpu.memory_space<hbm>>)
    %dma_wait3A_973 = arith.constant 0 : i32
    %dma_wait3A_974 = tpu.memref_slice %arg17[%add3A_896, %dma_wait3A_973] : memref<8192x1024xf32, #tpu.memory_space<hbm>> -> memref<32x1024xf32, #tpu.memory_space<hbm>>
    %dma_wait3A_975 = arith.constant 0 : i32
    %dma_wait3A_976 = tpu.memref_slice %arg17[%add3A_896, %dma_wait3A_975] : memref<8192x1024xf32, #tpu.memory_space<hbm>> -> memref<32x1024xf32, #tpu.memory_space<hbm>>
    tpu.wait_dma2 semaphore(%arg29 : memref<!tpu.dma_semaphore, #tpu.memory_space<semaphore_mem>>) src(%arg23 : memref<32x1024xf32, #tpu.memory_space<vmem>>) dst(%dma_wait3A_976 : memref<32x1024xf32, #tpu.memory_space<hbm>>)
    %dma_start3A_977 = arith.constant 7 : i32
    %dma_start3A_978 = arith.constant 0 : i32
    %dma_start3A_979 = tpu.memref_slice %arg21[%dma_start3A_977, %dma_start3A_978] : memref<8x32xi32, #tpu.memory_space<vmem>> -> memref<1x32xi32, #tpu.memory_space<vmem>>
    %dma_start3A_980 = tpu.memref_squeeze %dma_start3A_979 : memref<1x32xi32, #tpu.memory_space<vmem>> -> memref<32xi32, #tpu.memory_space<vmem>>
    %dma_start3A_981 = arith.constant 0 : i32
    %dma_start3A_982 = arith.constant 0 : i32
    %dma_start3A_983 = tpu.memref_slice %arg6[%dma_start3A_981, %dma_start3A_982] : memref<50304x1024xf32, #tpu.memory_space<hbm>> -> memref<50304x1024xf32, #tpu.memory_space<hbm>>
    tpu.enqueue_indirect_dma source(%dma_start3A_983 : memref<50304x1024xf32, #tpu.memory_space<hbm>>) target(%arg23 : memref<32x1024xf32, #tpu.memory_space<vmem>>) offsets(%dma_start3A_980 : memref<32xi32, #tpu.memory_space<vmem>>) semaphore(%arg26 : memref<!tpu.dma_semaphore, #tpu.memory_space<semaphore_mem>>)
    %dma_wait3A_984 = arith.constant 7 : i32
    %dma_wait3A_985 = arith.constant 0 : i32
    %dma_wait3A_986 = tpu.memref_slice %arg21[%dma_wait3A_984, %dma_wait3A_985] : memref<8x32xi32, #tpu.memory_space<vmem>> -> memref<1x32xi32, #tpu.memory_space<vmem>>
    %dma_wait3A_987 = tpu.memref_squeeze %dma_wait3A_986 : memref<1x32xi32, #tpu.memory_space<vmem>> -> memref<32xi32, #tpu.memory_space<vmem>>
    %dma_wait3A_988 = arith.constant 0 : i32
    %dma_wait3A_989 = arith.constant 0 : i32
    %dma_wait3A_990 = tpu.memref_slice %arg6[%dma_wait3A_988, %dma_wait3A_989] : memref<50304x1024xf32, #tpu.memory_space<hbm>> -> memref<50304x1024xf32, #tpu.memory_space<hbm>>
    tpu.wait_indirect_dma semaphore(%arg26 : memref<!tpu.dma_semaphore, #tpu.memory_space<semaphore_mem>>) src(%dma_wait3A_990 : memref<50304x1024xf32, #tpu.memory_space<hbm>>) dst(%arg23 : memref<32x1024xf32, #tpu.memory_space<vmem>>)
    %add3A_991 = arith.constant 224 : i32
    %add3A_992 = arith.addi %mul3A_2, %add3A_991 : i32
    %dma_start3A_993 = arith.constant 0 : i32
    %dma_start3A_994 = tpu.memref_slice %arg12[%add3A_992, %dma_start3A_993] : memref<8192x1024xf32, #tpu.memory_space<hbm>> -> memref<32x1024xf32, #tpu.memory_space<hbm>>
    %dma_start3A_995 = arith.constant 0 : i32
    %dma_start3A_996 = tpu.memref_slice %arg12[%add3A_992, %dma_start3A_995] : memref<8192x1024xf32, #tpu.memory_space<hbm>> -> memref<32x1024xf32, #tpu.memory_space<hbm>>
    tpu.enqueue_dma source(%arg23 : memref<32x1024xf32, #tpu.memory_space<vmem>>) target(%dma_start3A_996 : memref<32x1024xf32, #tpu.memory_space<hbm>>) target_semaphore(%arg29 : memref<!tpu.dma_semaphore, #tpu.memory_space<semaphore_mem>>)
    %dma_start3A_997 = arith.constant 0 : i32
    %dma_start3A_998 = tpu.memref_slice %arg17[%add3A_992, %dma_start3A_997] : memref<8192x1024xf32, #tpu.memory_space<hbm>> -> memref<32x1024xf32, #tpu.memory_space<hbm>>
    %dma_start3A_999 = arith.constant 0 : i32
    %dma_start3A_1000 = tpu.memref_slice %arg17[%add3A_992, %dma_start3A_999] : memref<8192x1024xf32, #tpu.memory_space<hbm>> -> memref<32x1024xf32, #tpu.memory_space<hbm>>
    tpu.enqueue_dma source(%arg23 : memref<32x1024xf32, #tpu.memory_space<vmem>>) target(%dma_start3A_1000 : memref<32x1024xf32, #tpu.memory_space<hbm>>) target_semaphore(%arg29 : memref<!tpu.dma_semaphore, #tpu.memory_space<semaphore_mem>>)
    %dma_wait3A_1001 = arith.constant 0 : i32
    %dma_wait3A_1002 = tpu.memref_slice %arg12[%add3A_928, %dma_wait3A_1001] : memref<8192x1024xf32, #tpu.memory_space<hbm>> -> memref<32x1024xf32, #tpu.memory_space<hbm>>
    %dma_wait3A_1003 = arith.constant 0 : i32
    %dma_wait3A_1004 = tpu.memref_slice %arg12[%add3A_928, %dma_wait3A_1003] : memref<8192x1024xf32, #tpu.memory_space<hbm>> -> memref<32x1024xf32, #tpu.memory_space<hbm>>
    tpu.wait_dma2 semaphore(%arg30 : memref<!tpu.dma_semaphore, #tpu.memory_space<semaphore_mem>>) src(%arg24 : memref<32x1024xf32, #tpu.memory_space<vmem>>) dst(%dma_wait3A_1004 : memref<32x1024xf32, #tpu.memory_space<hbm>>)
    %dma_wait3A_1005 = arith.constant 0 : i32
    %dma_wait3A_1006 = tpu.memref_slice %arg17[%add3A_928, %dma_wait3A_1005] : memref<8192x1024xf32, #tpu.memory_space<hbm>> -> memref<32x1024xf32, #tpu.memory_space<hbm>>
    %dma_wait3A_1007 = arith.constant 0 : i32
    %dma_wait3A_1008 = tpu.memref_slice %arg17[%add3A_928, %dma_wait3A_1007] : memref<8192x1024xf32, #tpu.memory_space<hbm>> -> memref<32x1024xf32, #tpu.memory_space<hbm>>
    tpu.wait_dma2 semaphore(%arg30 : memref<!tpu.dma_semaphore, #tpu.memory_space<semaphore_mem>>) src(%arg24 : memref<32x1024xf32, #tpu.memory_space<vmem>>) dst(%dma_wait3A_1008 : memref<32x1024xf32, #tpu.memory_space<hbm>>)
    %dma_start3A_1009 = arith.constant 0 : i32
    %dma_start3A_1010 = arith.constant 0 : i32
    %dma_start3A_1011 = tpu.memref_slice %arg21[%dma_start3A_1009, %dma_start3A_1010] : memref<8x32xi32, #tpu.memory_space<vmem>> -> memref<1x32xi32, #tpu.memory_space<vmem>>
    %dma_start3A_1012 = tpu.memref_squeeze %dma_start3A_1011 : memref<1x32xi32, #tpu.memory_space<vmem>> -> memref<32xi32, #tpu.memory_space<vmem>>
    %dma_start3A_1013 = arith.constant 0 : i32
    %dma_start3A_1014 = arith.constant 0 : i32
    %dma_start3A_1015 = tpu.memref_slice %arg7[%dma_start3A_1013, %dma_start3A_1014] : memref<50304x1024xf32, #tpu.memory_space<hbm>> -> memref<50304x1024xf32, #tpu.memory_space<hbm>>
    tpu.enqueue_indirect_dma source(%dma_start3A_1015 : memref<50304x1024xf32, #tpu.memory_space<hbm>>) target(%arg24 : memref<32x1024xf32, #tpu.memory_space<vmem>>) offsets(%dma_start3A_1012 : memref<32xi32, #tpu.memory_space<vmem>>) semaphore(%arg27 : memref<!tpu.dma_semaphore, #tpu.memory_space<semaphore_mem>>)
    %dma_wait3A_1016 = arith.constant 0 : i32
    %dma_wait3A_1017 = arith.constant 0 : i32
    %dma_wait3A_1018 = tpu.memref_slice %arg21[%dma_wait3A_1016, %dma_wait3A_1017] : memref<8x32xi32, #tpu.memory_space<vmem>> -> memref<1x32xi32, #tpu.memory_space<vmem>>
    %dma_wait3A_1019 = tpu.memref_squeeze %dma_wait3A_1018 : memref<1x32xi32, #tpu.memory_space<vmem>> -> memref<32xi32, #tpu.memory_space<vmem>>
    %dma_wait3A_1020 = arith.constant 0 : i32
    %dma_wait3A_1021 = arith.constant 0 : i32
    %dma_wait3A_1022 = tpu.memref_slice %arg7[%dma_wait3A_1020, %dma_wait3A_1021] : memref<50304x1024xf32, #tpu.memory_space<hbm>> -> memref<50304x1024xf32, #tpu.memory_space<hbm>>
    tpu.wait_indirect_dma semaphore(%arg27 : memref<!tpu.dma_semaphore, #tpu.memory_space<semaphore_mem>>) src(%dma_wait3A_1022 : memref<50304x1024xf32, #tpu.memory_space<hbm>>) dst(%arg24 : memref<32x1024xf32, #tpu.memory_space<vmem>>)
    %add3A_1023 = arith.constant 0 : i32
    %add3A_1024 = arith.addi %mul3A_2, %add3A_1023 : i32
    %dma_start3A_1025 = arith.constant 0 : i32
    %dma_start3A_1026 = tpu.memref_slice %arg13[%add3A_1024, %dma_start3A_1025] : memref<8192x1024xf32, #tpu.memory_space<hbm>> -> memref<32x1024xf32, #tpu.memory_space<hbm>>
    %dma_start3A_1027 = arith.constant 0 : i32
    %dma_start3A_1028 = tpu.memref_slice %arg13[%add3A_1024, %dma_start3A_1027] : memref<8192x1024xf32, #tpu.memory_space<hbm>> -> memref<32x1024xf32, #tpu.memory_space<hbm>>
    tpu.enqueue_dma source(%arg24 : memref<32x1024xf32, #tpu.memory_space<vmem>>) target(%dma_start3A_1028 : memref<32x1024xf32, #tpu.memory_space<hbm>>) target_semaphore(%arg30 : memref<!tpu.dma_semaphore, #tpu.memory_space<semaphore_mem>>)
    %dma_start3A_1029 = arith.constant 0 : i32
    %dma_start3A_1030 = tpu.memref_slice %arg16[%add3A_1024, %dma_start3A_1029] : memref<8192x1024xf32, #tpu.memory_space<hbm>> -> memref<32x1024xf32, #tpu.memory_space<hbm>>
    %dma_start3A_1031 = arith.constant 0 : i32
    %dma_start3A_1032 = tpu.memref_slice %arg16[%add3A_1024, %dma_start3A_1031] : memref<8192x1024xf32, #tpu.memory_space<hbm>> -> memref<32x1024xf32, #tpu.memory_space<hbm>>
    tpu.enqueue_dma source(%arg24 : memref<32x1024xf32, #tpu.memory_space<vmem>>) target(%dma_start3A_1032 : memref<32x1024xf32, #tpu.memory_space<hbm>>) target_semaphore(%arg30 : memref<!tpu.dma_semaphore, #tpu.memory_space<semaphore_mem>>)
    %dma_wait3A_1033 = arith.constant 0 : i32
    %dma_wait3A_1034 = tpu.memref_slice %arg12[%add3A_960, %dma_wait3A_1033] : memref<8192x1024xf32, #tpu.memory_space<hbm>> -> memref<32x1024xf32, #tpu.memory_space<hbm>>
    %dma_wait3A_1035 = arith.constant 0 : i32
    %dma_wait3A_1036 = tpu.memref_slice %arg12[%add3A_960, %dma_wait3A_1035] : memref<8192x1024xf32, #tpu.memory_space<hbm>> -> memref<32x1024xf32, #tpu.memory_space<hbm>>
    tpu.wait_dma2 semaphore(%arg28 : memref<!tpu.dma_semaphore, #tpu.memory_space<semaphore_mem>>) src(%arg22 : memref<32x1024xf32, #tpu.memory_space<vmem>>) dst(%dma_wait3A_1036 : memref<32x1024xf32, #tpu.memory_space<hbm>>)
    %dma_wait3A_1037 = arith.constant 0 : i32
    %dma_wait3A_1038 = tpu.memref_slice %arg17[%add3A_960, %dma_wait3A_1037] : memref<8192x1024xf32, #tpu.memory_space<hbm>> -> memref<32x1024xf32, #tpu.memory_space<hbm>>
    %dma_wait3A_1039 = arith.constant 0 : i32
    %dma_wait3A_1040 = tpu.memref_slice %arg17[%add3A_960, %dma_wait3A_1039] : memref<8192x1024xf32, #tpu.memory_space<hbm>> -> memref<32x1024xf32, #tpu.memory_space<hbm>>
    tpu.wait_dma2 semaphore(%arg28 : memref<!tpu.dma_semaphore, #tpu.memory_space<semaphore_mem>>) src(%arg22 : memref<32x1024xf32, #tpu.memory_space<vmem>>) dst(%dma_wait3A_1040 : memref<32x1024xf32, #tpu.memory_space<hbm>>)
    %dma_start3A_1041 = arith.constant 1 : i32
    %dma_start3A_1042 = arith.constant 0 : i32
    %dma_start3A_1043 = tpu.memref_slice %arg21[%dma_start3A_1041, %dma_start3A_1042] : memref<8x32xi32, #tpu.memory_space<vmem>> -> memref<1x32xi32, #tpu.memory_space<vmem>>
    %dma_start3A_1044 = tpu.memref_squeeze %dma_start3A_1043 : memref<1x32xi32, #tpu.memory_space<vmem>> -> memref<32xi32, #tpu.memory_space<vmem>>
    %dma_start3A_1045 = arith.constant 0 : i32
    %dma_start3A_1046 = arith.constant 0 : i32
    %dma_start3A_1047 = tpu.memref_slice %arg7[%dma_start3A_1045, %dma_start3A_1046] : memref<50304x1024xf32, #tpu.memory_space<hbm>> -> memref<50304x1024xf32, #tpu.memory_space<hbm>>
    tpu.enqueue_indirect_dma source(%dma_start3A_1047 : memref<50304x1024xf32, #tpu.memory_space<hbm>>) target(%arg22 : memref<32x1024xf32, #tpu.memory_space<vmem>>) offsets(%dma_start3A_1044 : memref<32xi32, #tpu.memory_space<vmem>>) semaphore(%arg25 : memref<!tpu.dma_semaphore, #tpu.memory_space<semaphore_mem>>)
    %dma_wait3A_1048 = arith.constant 1 : i32
    %dma_wait3A_1049 = arith.constant 0 : i32
    %dma_wait3A_1050 = tpu.memref_slice %arg21[%dma_wait3A_1048, %dma_wait3A_1049] : memref<8x32xi32, #tpu.memory_space<vmem>> -> memref<1x32xi32, #tpu.memory_space<vmem>>
    %dma_wait3A_1051 = tpu.memref_squeeze %dma_wait3A_1050 : memref<1x32xi32, #tpu.memory_space<vmem>> -> memref<32xi32, #tpu.memory_space<vmem>>
    %dma_wait3A_1052 = arith.constant 0 : i32
    %dma_wait3A_1053 = arith.constant 0 : i32
    %dma_wait3A_1054 = tpu.memref_slice %arg7[%dma_wait3A_1052, %dma_wait3A_1053] : memref<50304x1024xf32, #tpu.memory_space<hbm>> -> memref<50304x1024xf32, #tpu.memory_space<hbm>>
    tpu.wait_indirect_dma semaphore(%arg25 : memref<!tpu.dma_semaphore, #tpu.memory_space<semaphore_mem>>) src(%dma_wait3A_1054 : memref<50304x1024xf32, #tpu.memory_space<hbm>>) dst(%arg22 : memref<32x1024xf32, #tpu.memory_space<vmem>>)
    %add3A_1055 = arith.constant 32 : i32
    %add3A_1056 = arith.addi %mul3A_2, %add3A_1055 : i32
    %dma_start3A_1057 = arith.constant 0 : i32
    %dma_start3A_1058 = tpu.memref_slice %arg13[%add3A_1056, %dma_start3A_1057] : memref<8192x1024xf32, #tpu.memory_space<hbm>> -> memref<32x1024xf32, #tpu.memory_space<hbm>>
    %dma_start3A_1059 = arith.constant 0 : i32
    %dma_start3A_1060 = tpu.memref_slice %arg13[%add3A_1056, %dma_start3A_1059] : memref<8192x1024xf32, #tpu.memory_space<hbm>> -> memref<32x1024xf32, #tpu.memory_space<hbm>>
    tpu.enqueue_dma source(%arg22 : memref<32x1024xf32, #tpu.memory_space<vmem>>) target(%dma_start3A_1060 : memref<32x1024xf32, #tpu.memory_space<hbm>>) target_semaphore(%arg28 : memref<!tpu.dma_semaphore, #tpu.memory_space<semaphore_mem>>)
    %dma_start3A_1061 = arith.constant 0 : i32
    %dma_start3A_1062 = tpu.memref_slice %arg16[%add3A_1056, %dma_start3A_1061] : memref<8192x1024xf32, #tpu.memory_space<hbm>> -> memref<32x1024xf32, #tpu.memory_space<hbm>>
    %dma_start3A_1063 = arith.constant 0 : i32
    %dma_start3A_1064 = tpu.memref_slice %arg16[%add3A_1056, %dma_start3A_1063] : memref<8192x1024xf32, #tpu.memory_space<hbm>> -> memref<32x1024xf32, #tpu.memory_space<hbm>>
    tpu.enqueue_dma source(%arg22 : memref<32x1024xf32, #tpu.memory_space<vmem>>) target(%dma_start3A_1064 : memref<32x1024xf32, #tpu.memory_space<hbm>>) target_semaphore(%arg28 : memref<!tpu.dma_semaphore, #tpu.memory_space<semaphore_mem>>)
    %dma_wait3A_1065 = arith.constant 0 : i32
    %dma_wait3A_1066 = tpu.memref_slice %arg12[%add3A_992, %dma_wait3A_1065] : memref<8192x1024xf32, #tpu.memory_space<hbm>> -> memref<32x1024xf32, #tpu.memory_space<hbm>>
    %dma_wait3A_1067 = arith.constant 0 : i32
    %dma_wait3A_1068 = tpu.memref_slice %arg12[%add3A_992, %dma_wait3A_1067] : memref<8192x1024xf32, #tpu.memory_space<hbm>> -> memref<32x1024xf32, #tpu.memory_space<hbm>>
    tpu.wait_dma2 semaphore(%arg29 : memref<!tpu.dma_semaphore, #tpu.memory_space<semaphore_mem>>) src(%arg23 : memref<32x1024xf32, #tpu.memory_space<vmem>>) dst(%dma_wait3A_1068 : memref<32x1024xf32, #tpu.memory_space<hbm>>)
    %dma_wait3A_1069 = arith.constant 0 : i32
    %dma_wait3A_1070 = tpu.memref_slice %arg17[%add3A_992, %dma_wait3A_1069] : memref<8192x1024xf32, #tpu.memory_space<hbm>> -> memref<32x1024xf32, #tpu.memory_space<hbm>>
    %dma_wait3A_1071 = arith.constant 0 : i32
    %dma_wait3A_1072 = tpu.memref_slice %arg17[%add3A_992, %dma_wait3A_1071] : memref<8192x1024xf32, #tpu.memory_space<hbm>> -> memref<32x1024xf32, #tpu.memory_space<hbm>>
    tpu.wait_dma2 semaphore(%arg29 : memref<!tpu.dma_semaphore, #tpu.memory_space<semaphore_mem>>) src(%arg23 : memref<32x1024xf32, #tpu.memory_space<vmem>>) dst(%dma_wait3A_1072 : memref<32x1024xf32, #tpu.memory_space<hbm>>)
    %dma_start3A_1073 = arith.constant 2 : i32
    %dma_start3A_1074 = arith.constant 0 : i32
    %dma_start3A_1075 = tpu.memref_slice %arg21[%dma_start3A_1073, %dma_start3A_1074] : memref<8x32xi32, #tpu.memory_space<vmem>> -> memref<1x32xi32, #tpu.memory_space<vmem>>
    %dma_start3A_1076 = tpu.memref_squeeze %dma_start3A_1075 : memref<1x32xi32, #tpu.memory_space<vmem>> -> memref<32xi32, #tpu.memory_space<vmem>>
    %dma_start3A_1077 = arith.constant 0 : i32
    %dma_start3A_1078 = arith.constant 0 : i32
    %dma_start3A_1079 = tpu.memref_slice %arg7[%dma_start3A_1077, %dma_start3A_1078] : memref<50304x1024xf32, #tpu.memory_space<hbm>> -> memref<50304x1024xf32, #tpu.memory_space<hbm>>
    tpu.enqueue_indirect_dma source(%dma_start3A_1079 : memref<50304x1024xf32, #tpu.memory_space<hbm>>) target(%arg23 : memref<32x1024xf32, #tpu.memory_space<vmem>>) offsets(%dma_start3A_1076 : memref<32xi32, #tpu.memory_space<vmem>>) semaphore(%arg26 : memref<!tpu.dma_semaphore, #tpu.memory_space<semaphore_mem>>)
    %dma_wait3A_1080 = arith.constant 2 : i32
    %dma_wait3A_1081 = arith.constant 0 : i32
    %dma_wait3A_1082 = tpu.memref_slice %arg21[%dma_wait3A_1080, %dma_wait3A_1081] : memref<8x32xi32, #tpu.memory_space<vmem>> -> memref<1x32xi32, #tpu.memory_space<vmem>>
    %dma_wait3A_1083 = tpu.memref_squeeze %dma_wait3A_1082 : memref<1x32xi32, #tpu.memory_space<vmem>> -> memref<32xi32, #tpu.memory_space<vmem>>
    %dma_wait3A_1084 = arith.constant 0 : i32
    %dma_wait3A_1085 = arith.constant 0 : i32
    %dma_wait3A_1086 = tpu.memref_slice %arg7[%dma_wait3A_1084, %dma_wait3A_1085] : memref<50304x1024xf32, #tpu.memory_space<hbm>> -> memref<50304x1024xf32, #tpu.memory_space<hbm>>
    tpu.wait_indirect_dma semaphore(%arg26 : memref<!tpu.dma_semaphore, #tpu.memory_space<semaphore_mem>>) src(%dma_wait3A_1086 : memref<50304x1024xf32, #tpu.memory_space<hbm>>) dst(%arg23 : memref<32x1024xf32, #tpu.memory_space<vmem>>)
    %add3A_1087 = arith.constant 64 : i32
    %add3A_1088 = arith.addi %mul3A_2, %add3A_1087 : i32
    %dma_start3A_1089 = arith.constant 0 : i32
    %dma_start3A_1090 = tpu.memref_slice %arg13[%add3A_1088, %dma_start3A_1089] : memref<8192x1024xf32, #tpu.memory_space<hbm>> -> memref<32x1024xf32, #tpu.memory_space<hbm>>
    %dma_start3A_1091 = arith.constant 0 : i32
    %dma_start3A_1092 = tpu.memref_slice %arg13[%add3A_1088, %dma_start3A_1091] : memref<8192x1024xf32, #tpu.memory_space<hbm>> -> memref<32x1024xf32, #tpu.memory_space<hbm>>
    tpu.enqueue_dma source(%arg23 : memref<32x1024xf32, #tpu.memory_space<vmem>>) target(%dma_start3A_1092 : memref<32x1024xf32, #tpu.memory_space<hbm>>) target_semaphore(%arg29 : memref<!tpu.dma_semaphore, #tpu.memory_space<semaphore_mem>>)
    %dma_start3A_1093 = arith.constant 0 : i32
    %dma_start3A_1094 = tpu.memref_slice %arg16[%add3A_1088, %dma_start3A_1093] : memref<8192x1024xf32, #tpu.memory_space<hbm>> -> memref<32x1024xf32, #tpu.memory_space<hbm>>
    %dma_start3A_1095 = arith.constant 0 : i32
    %dma_start3A_1096 = tpu.memref_slice %arg16[%add3A_1088, %dma_start3A_1095] : memref<8192x1024xf32, #tpu.memory_space<hbm>> -> memref<32x1024xf32, #tpu.memory_space<hbm>>
    tpu.enqueue_dma source(%arg23 : memref<32x1024xf32, #tpu.memory_space<vmem>>) target(%dma_start3A_1096 : memref<32x1024xf32, #tpu.memory_space<hbm>>) target_semaphore(%arg29 : memref<!tpu.dma_semaphore, #tpu.memory_space<semaphore_mem>>)
    %dma_wait3A_1097 = arith.constant 0 : i32
    %dma_wait3A_1098 = tpu.memref_slice %arg13[%add3A_1024, %dma_wait3A_1097] : memref<8192x1024xf32, #tpu.memory_space<hbm>> -> memref<32x1024xf32, #tpu.memory_space<hbm>>
    %dma_wait3A_1099 = arith.constant 0 : i32
    %dma_wait3A_1100 = tpu.memref_slice %arg13[%add3A_1024, %dma_wait3A_1099] : memref<8192x1024xf32, #tpu.memory_space<hbm>> -> memref<32x1024xf32, #tpu.memory_space<hbm>>
    tpu.wait_dma2 semaphore(%arg30 : memref<!tpu.dma_semaphore, #tpu.memory_space<semaphore_mem>>) src(%arg24 : memref<32x1024xf32, #tpu.memory_space<vmem>>) dst(%dma_wait3A_1100 : memref<32x1024xf32, #tpu.memory_space<hbm>>)
    %dma_wait3A_1101 = arith.constant 0 : i32
    %dma_wait3A_1102 = tpu.memref_slice %arg16[%add3A_1024, %dma_wait3A_1101] : memref<8192x1024xf32, #tpu.memory_space<hbm>> -> memref<32x1024xf32, #tpu.memory_space<hbm>>
    %dma_wait3A_1103 = arith.constant 0 : i32
    %dma_wait3A_1104 = tpu.memref_slice %arg16[%add3A_1024, %dma_wait3A_1103] : memref<8192x1024xf32, #tpu.memory_space<hbm>> -> memref<32x1024xf32, #tpu.memory_space<hbm>>
    tpu.wait_dma2 semaphore(%arg30 : memref<!tpu.dma_semaphore, #tpu.memory_space<semaphore_mem>>) src(%arg24 : memref<32x1024xf32, #tpu.memory_space<vmem>>) dst(%dma_wait3A_1104 : memref<32x1024xf32, #tpu.memory_space<hbm>>)
    %dma_start3A_1105 = arith.constant 3 : i32
    %dma_start3A_1106 = arith.constant 0 : i32
    %dma_start3A_1107 = tpu.memref_slice %arg21[%dma_start3A_1105, %dma_start3A_1106] : memref<8x32xi32, #tpu.memory_space<vmem>> -> memref<1x32xi32, #tpu.memory_space<vmem>>
    %dma_start3A_1108 = tpu.memref_squeeze %dma_start3A_1107 : memref<1x32xi32, #tpu.memory_space<vmem>> -> memref<32xi32, #tpu.memory_space<vmem>>
    %dma_start3A_1109 = arith.constant 0 : i32
    %dma_start3A_1110 = arith.constant 0 : i32
    %dma_start3A_1111 = tpu.memref_slice %arg7[%dma_start3A_1109, %dma_start3A_1110] : memref<50304x1024xf32, #tpu.memory_space<hbm>> -> memref<50304x1024xf32, #tpu.memory_space<hbm>>
    tpu.enqueue_indirect_dma source(%dma_start3A_1111 : memref<50304x1024xf32, #tpu.memory_space<hbm>>) target(%arg24 : memref<32x1024xf32, #tpu.memory_space<vmem>>) offsets(%dma_start3A_1108 : memref<32xi32, #tpu.memory_space<vmem>>) semaphore(%arg27 : memref<!tpu.dma_semaphore, #tpu.memory_space<semaphore_mem>>)
    %dma_wait3A_1112 = arith.constant 3 : i32
    %dma_wait3A_1113 = arith.constant 0 : i32
    %dma_wait3A_1114 = tpu.memref_slice %arg21[%dma_wait3A_1112, %dma_wait3A_1113] : memref<8x32xi32, #tpu.memory_space<vmem>> -> memref<1x32xi32, #tpu.memory_space<vmem>>
    %dma_wait3A_1115 = tpu.memref_squeeze %dma_wait3A_1114 : memref<1x32xi32, #tpu.memory_space<vmem>> -> memref<32xi32, #tpu.memory_space<vmem>>
    %dma_wait3A_1116 = arith.constant 0 : i32
    %dma_wait3A_1117 = arith.constant 0 : i32
    %dma_wait3A_1118 = tpu.memref_slice %arg7[%dma_wait3A_1116, %dma_wait3A_1117] : memref<50304x1024xf32, #tpu.memory_space<hbm>> -> memref<50304x1024xf32, #tpu.memory_space<hbm>>
    tpu.wait_indirect_dma semaphore(%arg27 : memref<!tpu.dma_semaphore, #tpu.memory_space<semaphore_mem>>) src(%dma_wait3A_1118 : memref<50304x1024xf32, #tpu.memory_space<hbm>>) dst(%arg24 : memref<32x1024xf32, #tpu.memory_space<vmem>>)
    %add3A_1119 = arith.constant 96 : i32
    %add3A_1120 = arith.addi %mul3A_2, %add3A_1119 : i32
    %dma_start3A_1121 = arith.constant 0 : i32
    %dma_start3A_1122 = tpu.memref_slice %arg13[%add3A_1120, %dma_start3A_1121] : memref<8192x1024xf32, #tpu.memory_space<hbm>> -> memref<32x1024xf32, #tpu.memory_space<hbm>>
    %dma_start3A_1123 = arith.constant 0 : i32
    %dma_start3A_1124 = tpu.memref_slice %arg13[%add3A_1120, %dma_start3A_1123] : memref<8192x1024xf32, #tpu.memory_space<hbm>> -> memref<32x1024xf32, #tpu.memory_space<hbm>>
    tpu.enqueue_dma source(%arg24 : memref<32x1024xf32, #tpu.memory_space<vmem>>) target(%dma_start3A_1124 : memref<32x1024xf32, #tpu.memory_space<hbm>>) target_semaphore(%arg30 : memref<!tpu.dma_semaphore, #tpu.memory_space<semaphore_mem>>)
    %dma_start3A_1125 = arith.constant 0 : i32
    %dma_start3A_1126 = tpu.memref_slice %arg16[%add3A_1120, %dma_start3A_1125] : memref<8192x1024xf32, #tpu.memory_space<hbm>> -> memref<32x1024xf32, #tpu.memory_space<hbm>>
    %dma_start3A_1127 = arith.constant 0 : i32
    %dma_start3A_1128 = tpu.memref_slice %arg16[%add3A_1120, %dma_start3A_1127] : memref<8192x1024xf32, #tpu.memory_space<hbm>> -> memref<32x1024xf32, #tpu.memory_space<hbm>>
    tpu.enqueue_dma source(%arg24 : memref<32x1024xf32, #tpu.memory_space<vmem>>) target(%dma_start3A_1128 : memref<32x1024xf32, #tpu.memory_space<hbm>>) target_semaphore(%arg30 : memref<!tpu.dma_semaphore, #tpu.memory_space<semaphore_mem>>)
    %dma_wait3A_1129 = arith.constant 0 : i32
    %dma_wait3A_1130 = tpu.memref_slice %arg13[%add3A_1056, %dma_wait3A_1129] : memref<8192x1024xf32, #tpu.memory_space<hbm>> -> memref<32x1024xf32, #tpu.memory_space<hbm>>
    %dma_wait3A_1131 = arith.constant 0 : i32
    %dma_wait3A_1132 = tpu.memref_slice %arg13[%add3A_1056, %dma_wait3A_1131] : memref<8192x1024xf32, #tpu.memory_space<hbm>> -> memref<32x1024xf32, #tpu.memory_space<hbm>>
    tpu.wait_dma2 semaphore(%arg28 : memref<!tpu.dma_semaphore, #tpu.memory_space<semaphore_mem>>) src(%arg22 : memref<32x1024xf32, #tpu.memory_space<vmem>>) dst(%dma_wait3A_1132 : memref<32x1024xf32, #tpu.memory_space<hbm>>)
    %dma_wait3A_1133 = arith.constant 0 : i32
    %dma_wait3A_1134 = tpu.memref_slice %arg16[%add3A_1056, %dma_wait3A_1133] : memref<8192x1024xf32, #tpu.memory_space<hbm>> -> memref<32x1024xf32, #tpu.memory_space<hbm>>
    %dma_wait3A_1135 = arith.constant 0 : i32
    %dma_wait3A_1136 = tpu.memref_slice %arg16[%add3A_1056, %dma_wait3A_1135] : memref<8192x1024xf32, #tpu.memory_space<hbm>> -> memref<32x1024xf32, #tpu.memory_space<hbm>>
    tpu.wait_dma2 semaphore(%arg28 : memref<!tpu.dma_semaphore, #tpu.memory_space<semaphore_mem>>) src(%arg22 : memref<32x1024xf32, #tpu.memory_space<vmem>>) dst(%dma_wait3A_1136 : memref<32x1024xf32, #tpu.memory_space<hbm>>)
    %dma_start3A_1137 = arith.constant 4 : i32
    %dma_start3A_1138 = arith.constant 0 : i32
    %dma_start3A_1139 = tpu.memref_slice %arg21[%dma_start3A_1137, %dma_start3A_1138] : memref<8x32xi32, #tpu.memory_space<vmem>> -> memref<1x32xi32, #tpu.memory_space<vmem>>
    %dma_start3A_1140 = tpu.memref_squeeze %dma_start3A_1139 : memref<1x32xi32, #tpu.memory_space<vmem>> -> memref<32xi32, #tpu.memory_space<vmem>>
    %dma_start3A_1141 = arith.constant 0 : i32
    %dma_start3A_1142 = arith.constant 0 : i32
    %dma_start3A_1143 = tpu.memref_slice %arg7[%dma_start3A_1141, %dma_start3A_1142] : memref<50304x1024xf32, #tpu.memory_space<hbm>> -> memref<50304x1024xf32, #tpu.memory_space<hbm>>
    tpu.enqueue_indirect_dma source(%dma_start3A_1143 : memref<50304x1024xf32, #tpu.memory_space<hbm>>) target(%arg22 : memref<32x1024xf32, #tpu.memory_space<vmem>>) offsets(%dma_start3A_1140 : memref<32xi32, #tpu.memory_space<vmem>>) semaphore(%arg25 : memref<!tpu.dma_semaphore, #tpu.memory_space<semaphore_mem>>)
    %dma_wait3A_1144 = arith.constant 4 : i32
    %dma_wait3A_1145 = arith.constant 0 : i32
    %dma_wait3A_1146 = tpu.memref_slice %arg21[%dma_wait3A_1144, %dma_wait3A_1145] : memref<8x32xi32, #tpu.memory_space<vmem>> -> memref<1x32xi32, #tpu.memory_space<vmem>>
    %dma_wait3A_1147 = tpu.memref_squeeze %dma_wait3A_1146 : memref<1x32xi32, #tpu.memory_space<vmem>> -> memref<32xi32, #tpu.memory_space<vmem>>
    %dma_wait3A_1148 = arith.constant 0 : i32
    %dma_wait3A_1149 = arith.constant 0 : i32
    %dma_wait3A_1150 = tpu.memref_slice %arg7[%dma_wait3A_1148, %dma_wait3A_1149] : memref<50304x1024xf32, #tpu.memory_space<hbm>> -> memref<50304x1024xf32, #tpu.memory_space<hbm>>
    tpu.wait_indirect_dma semaphore(%arg25 : memref<!tpu.dma_semaphore, #tpu.memory_space<semaphore_mem>>) src(%dma_wait3A_1150 : memref<50304x1024xf32, #tpu.memory_space<hbm>>) dst(%arg22 : memref<32x1024xf32, #tpu.memory_space<vmem>>)
    %add3A_1151 = arith.constant 128 : i32
    %add3A_1152 = arith.addi %mul3A_2, %add3A_1151 : i32
    %dma_start3A_1153 = arith.constant 0 : i32
    %dma_start3A_1154 = tpu.memref_slice %arg13[%add3A_1152, %dma_start3A_1153] : memref<8192x1024xf32, #tpu.memory_space<hbm>> -> memref<32x1024xf32, #tpu.memory_space<hbm>>
    %dma_start3A_1155 = arith.constant 0 : i32
    %dma_start3A_1156 = tpu.memref_slice %arg13[%add3A_1152, %dma_start3A_1155] : memref<8192x1024xf32, #tpu.memory_space<hbm>> -> memref<32x1024xf32, #tpu.memory_space<hbm>>
    tpu.enqueue_dma source(%arg22 : memref<32x1024xf32, #tpu.memory_space<vmem>>) target(%dma_start3A_1156 : memref<32x1024xf32, #tpu.memory_space<hbm>>) target_semaphore(%arg28 : memref<!tpu.dma_semaphore, #tpu.memory_space<semaphore_mem>>)
    %dma_start3A_1157 = arith.constant 0 : i32
    %dma_start3A_1158 = tpu.memref_slice %arg16[%add3A_1152, %dma_start3A_1157] : memref<8192x1024xf32, #tpu.memory_space<hbm>> -> memref<32x1024xf32, #tpu.memory_space<hbm>>
    %dma_start3A_1159 = arith.constant 0 : i32
    %dma_start3A_1160 = tpu.memref_slice %arg16[%add3A_1152, %dma_start3A_1159] : memref<8192x1024xf32, #tpu.memory_space<hbm>> -> memref<32x1024xf32, #tpu.memory_space<hbm>>
    tpu.enqueue_dma source(%arg22 : memref<32x1024xf32, #tpu.memory_space<vmem>>) target(%dma_start3A_1160 : memref<32x1024xf32, #tpu.memory_space<hbm>>) target_semaphore(%arg28 : memref<!tpu.dma_semaphore, #tpu.memory_space<semaphore_mem>>)
    %dma_wait3A_1161 = arith.constant 0 : i32
    %dma_wait3A_1162 = tpu.memref_slice %arg13[%add3A_1088, %dma_wait3A_1161] : memref<8192x1024xf32, #tpu.memory_space<hbm>> -> memref<32x1024xf32, #tpu.memory_space<hbm>>
    %dma_wait3A_1163 = arith.constant 0 : i32
    %dma_wait3A_1164 = tpu.memref_slice %arg13[%add3A_1088, %dma_wait3A_1163] : memref<8192x1024xf32, #tpu.memory_space<hbm>> -> memref<32x1024xf32, #tpu.memory_space<hbm>>
    tpu.wait_dma2 semaphore(%arg29 : memref<!tpu.dma_semaphore, #tpu.memory_space<semaphore_mem>>) src(%arg23 : memref<32x1024xf32, #tpu.memory_space<vmem>>) dst(%dma_wait3A_1164 : memref<32x1024xf32, #tpu.memory_space<hbm>>)
    %dma_wait3A_1165 = arith.constant 0 : i32
    %dma_wait3A_1166 = tpu.memref_slice %arg16[%add3A_1088, %dma_wait3A_1165] : memref<8192x1024xf32, #tpu.memory_space<hbm>> -> memref<32x1024xf32, #tpu.memory_space<hbm>>
    %dma_wait3A_1167 = arith.constant 0 : i32
    %dma_wait3A_1168 = tpu.memref_slice %arg16[%add3A_1088, %dma_wait3A_1167] : memref<8192x1024xf32, #tpu.memory_space<hbm>> -> memref<32x1024xf32, #tpu.memory_space<hbm>>
    tpu.wait_dma2 semaphore(%arg29 : memref<!tpu.dma_semaphore, #tpu.memory_space<semaphore_mem>>) src(%arg23 : memref<32x1024xf32, #tpu.memory_space<vmem>>) dst(%dma_wait3A_1168 : memref<32x1024xf32, #tpu.memory_space<hbm>>)
    %dma_start3A_1169 = arith.constant 5 : i32
    %dma_start3A_1170 = arith.constant 0 : i32
    %dma_start3A_1171 = tpu.memref_slice %arg21[%dma_start3A_1169, %dma_start3A_1170] : memref<8x32xi32, #tpu.memory_space<vmem>> -> memref<1x32xi32, #tpu.memory_space<vmem>>
    %dma_start3A_1172 = tpu.memref_squeeze %dma_start3A_1171 : memref<1x32xi32, #tpu.memory_space<vmem>> -> memref<32xi32, #tpu.memory_space<vmem>>
    %dma_start3A_1173 = arith.constant 0 : i32
    %dma_start3A_1174 = arith.constant 0 : i32
    %dma_start3A_1175 = tpu.memref_slice %arg7[%dma_start3A_1173, %dma_start3A_1174] : memref<50304x1024xf32, #tpu.memory_space<hbm>> -> memref<50304x1024xf32, #tpu.memory_space<hbm>>
    tpu.enqueue_indirect_dma source(%dma_start3A_1175 : memref<50304x1024xf32, #tpu.memory_space<hbm>>) target(%arg23 : memref<32x1024xf32, #tpu.memory_space<vmem>>) offsets(%dma_start3A_1172 : memref<32xi32, #tpu.memory_space<vmem>>) semaphore(%arg26 : memref<!tpu.dma_semaphore, #tpu.memory_space<semaphore_mem>>)
    %dma_wait3A_1176 = arith.constant 5 : i32
    %dma_wait3A_1177 = arith.constant 0 : i32
    %dma_wait3A_1178 = tpu.memref_slice %arg21[%dma_wait3A_1176, %dma_wait3A_1177] : memref<8x32xi32, #tpu.memory_space<vmem>> -> memref<1x32xi32, #tpu.memory_space<vmem>>
    %dma_wait3A_1179 = tpu.memref_squeeze %dma_wait3A_1178 : memref<1x32xi32, #tpu.memory_space<vmem>> -> memref<32xi32, #tpu.memory_space<vmem>>
    %dma_wait3A_1180 = arith.constant 0 : i32
    %dma_wait3A_1181 = arith.constant 0 : i32
    %dma_wait3A_1182 = tpu.memref_slice %arg7[%dma_wait3A_1180, %dma_wait3A_1181] : memref<50304x1024xf32, #tpu.memory_space<hbm>> -> memref<50304x1024xf32, #tpu.memory_space<hbm>>
    tpu.wait_indirect_dma semaphore(%arg26 : memref<!tpu.dma_semaphore, #tpu.memory_space<semaphore_mem>>) src(%dma_wait3A_1182 : memref<50304x1024xf32, #tpu.memory_space<hbm>>) dst(%arg23 : memref<32x1024xf32, #tpu.memory_space<vmem>>)
    %add3A_1183 = arith.constant 160 : i32
    %add3A_1184 = arith.addi %mul3A_2, %add3A_1183 : i32
    %dma_start3A_1185 = arith.constant 0 : i32
    %dma_start3A_1186 = tpu.memref_slice %arg13[%add3A_1184, %dma_start3A_1185] : memref<8192x1024xf32, #tpu.memory_space<hbm>> -> memref<32x1024xf32, #tpu.memory_space<hbm>>
    %dma_start3A_1187 = arith.constant 0 : i32
    %dma_start3A_1188 = tpu.memref_slice %arg13[%add3A_1184, %dma_start3A_1187] : memref<8192x1024xf32, #tpu.memory_space<hbm>> -> memref<32x1024xf32, #tpu.memory_space<hbm>>
    tpu.enqueue_dma source(%arg23 : memref<32x1024xf32, #tpu.memory_space<vmem>>) target(%dma_start3A_1188 : memref<32x1024xf32, #tpu.memory_space<hbm>>) target_semaphore(%arg29 : memref<!tpu.dma_semaphore, #tpu.memory_space<semaphore_mem>>)
    %dma_start3A_1189 = arith.constant 0 : i32
    %dma_start3A_1190 = tpu.memref_slice %arg16[%add3A_1184, %dma_start3A_1189] : memref<8192x1024xf32, #tpu.memory_space<hbm>> -> memref<32x1024xf32, #tpu.memory_space<hbm>>
    %dma_start3A_1191 = arith.constant 0 : i32
    %dma_start3A_1192 = tpu.memref_slice %arg16[%add3A_1184, %dma_start3A_1191] : memref<8192x1024xf32, #tpu.memory_space<hbm>> -> memref<32x1024xf32, #tpu.memory_space<hbm>>
    tpu.enqueue_dma source(%arg23 : memref<32x1024xf32, #tpu.memory_space<vmem>>) target(%dma_start3A_1192 : memref<32x1024xf32, #tpu.memory_space<hbm>>) target_semaphore(%arg29 : memref<!tpu.dma_semaphore, #tpu.memory_space<semaphore_mem>>)
    %dma_wait3A_1193 = arith.constant 0 : i32
    %dma_wait3A_1194 = tpu.memref_slice %arg13[%add3A_1120, %dma_wait3A_1193] : memref<8192x1024xf32, #tpu.memory_space<hbm>> -> memref<32x1024xf32, #tpu.memory_space<hbm>>
    %dma_wait3A_1195 = arith.constant 0 : i32
    %dma_wait3A_1196 = tpu.memref_slice %arg13[%add3A_1120, %dma_wait3A_1195] : memref<8192x1024xf32, #tpu.memory_space<hbm>> -> memref<32x1024xf32, #tpu.memory_space<hbm>>
    tpu.wait_dma2 semaphore(%arg30 : memref<!tpu.dma_semaphore, #tpu.memory_space<semaphore_mem>>) src(%arg24 : memref<32x1024xf32, #tpu.memory_space<vmem>>) dst(%dma_wait3A_1196 : memref<32x1024xf32, #tpu.memory_space<hbm>>)
    %dma_wait3A_1197 = arith.constant 0 : i32
    %dma_wait3A_1198 = tpu.memref_slice %arg16[%add3A_1120, %dma_wait3A_1197] : memref<8192x1024xf32, #tpu.memory_space<hbm>> -> memref<32x1024xf32, #tpu.memory_space<hbm>>
    %dma_wait3A_1199 = arith.constant 0 : i32
    %dma_wait3A_1200 = tpu.memref_slice %arg16[%add3A_1120, %dma_wait3A_1199] : memref<8192x1024xf32, #tpu.memory_space<hbm>> -> memref<32x1024xf32, #tpu.memory_space<hbm>>
    tpu.wait_dma2 semaphore(%arg30 : memref<!tpu.dma_semaphore, #tpu.memory_space<semaphore_mem>>) src(%arg24 : memref<32x1024xf32, #tpu.memory_space<vmem>>) dst(%dma_wait3A_1200 : memref<32x1024xf32, #tpu.memory_space<hbm>>)
    %dma_start3A_1201 = arith.constant 6 : i32
    %dma_start3A_1202 = arith.constant 0 : i32
    %dma_start3A_1203 = tpu.memref_slice %arg21[%dma_start3A_1201, %dma_start3A_1202] : memref<8x32xi32, #tpu.memory_space<vmem>> -> memref<1x32xi32, #tpu.memory_space<vmem>>
    %dma_start3A_1204 = tpu.memref_squeeze %dma_start3A_1203 : memref<1x32xi32, #tpu.memory_space<vmem>> -> memref<32xi32, #tpu.memory_space<vmem>>
    %dma_start3A_1205 = arith.constant 0 : i32
    %dma_start3A_1206 = arith.constant 0 : i32
    %dma_start3A_1207 = tpu.memref_slice %arg7[%dma_start3A_1205, %dma_start3A_1206] : memref<50304x1024xf32, #tpu.memory_space<hbm>> -> memref<50304x1024xf32, #tpu.memory_space<hbm>>
    tpu.enqueue_indirect_dma source(%dma_start3A_1207 : memref<50304x1024xf32, #tpu.memory_space<hbm>>) target(%arg24 : memref<32x1024xf32, #tpu.memory_space<vmem>>) offsets(%dma_start3A_1204 : memref<32xi32, #tpu.memory_space<vmem>>) semaphore(%arg27 : memref<!tpu.dma_semaphore, #tpu.memory_space<semaphore_mem>>)
    %dma_wait3A_1208 = arith.constant 6 : i32
    %dma_wait3A_1209 = arith.constant 0 : i32
    %dma_wait3A_1210 = tpu.memref_slice %arg21[%dma_wait3A_1208, %dma_wait3A_1209] : memref<8x32xi32, #tpu.memory_space<vmem>> -> memref<1x32xi32, #tpu.memory_space<vmem>>
    %dma_wait3A_1211 = tpu.memref_squeeze %dma_wait3A_1210 : memref<1x32xi32, #tpu.memory_space<vmem>> -> memref<32xi32, #tpu.memory_space<vmem>>
    %dma_wait3A_1212 = arith.constant 0 : i32
    %dma_wait3A_1213 = arith.constant 0 : i32
    %dma_wait3A_1214 = tpu.memref_slice %arg7[%dma_wait3A_1212, %dma_wait3A_1213] : memref<50304x1024xf32, #tpu.memory_space<hbm>> -> memref<50304x1024xf32, #tpu.memory_space<hbm>>
    tpu.wait_indirect_dma semaphore(%arg27 : memref<!tpu.dma_semaphore, #tpu.memory_space<semaphore_mem>>) src(%dma_wait3A_1214 : memref<50304x1024xf32, #tpu.memory_space<hbm>>) dst(%arg24 : memref<32x1024xf32, #tpu.memory_space<vmem>>)
    %add3A_1215 = arith.constant 192 : i32
    %add3A_1216 = arith.addi %mul3A_2, %add3A_1215 : i32
    %dma_start3A_1217 = arith.constant 0 : i32
    %dma_start3A_1218 = tpu.memref_slice %arg13[%add3A_1216, %dma_start3A_1217] : memref<8192x1024xf32, #tpu.memory_space<hbm>> -> memref<32x1024xf32, #tpu.memory_space<hbm>>
    %dma_start3A_1219 = arith.constant 0 : i32
    %dma_start3A_1220 = tpu.memref_slice %arg13[%add3A_1216, %dma_start3A_1219] : memref<8192x1024xf32, #tpu.memory_space<hbm>> -> memref<32x1024xf32, #tpu.memory_space<hbm>>
    tpu.enqueue_dma source(%arg24 : memref<32x1024xf32, #tpu.memory_space<vmem>>) target(%dma_start3A_1220 : memref<32x1024xf32, #tpu.memory_space<hbm>>) target_semaphore(%arg30 : memref<!tpu.dma_semaphore, #tpu.memory_space<semaphore_mem>>)
    %dma_start3A_1221 = arith.constant 0 : i32
    %dma_start3A_1222 = tpu.memref_slice %arg16[%add3A_1216, %dma_start3A_1221] : memref<8192x1024xf32, #tpu.memory_space<hbm>> -> memref<32x1024xf32, #tpu.memory_space<hbm>>
    %dma_start3A_1223 = arith.constant 0 : i32
    %dma_start3A_1224 = tpu.memref_slice %arg16[%add3A_1216, %dma_start3A_1223] : memref<8192x1024xf32, #tpu.memory_space<hbm>> -> memref<32x1024xf32, #tpu.memory_space<hbm>>
    tpu.enqueue_dma source(%arg24 : memref<32x1024xf32, #tpu.memory_space<vmem>>) target(%dma_start3A_1224 : memref<32x1024xf32, #tpu.memory_space<hbm>>) target_semaphore(%arg30 : memref<!tpu.dma_semaphore, #tpu.memory_space<semaphore_mem>>)
    %dma_wait3A_1225 = arith.constant 0 : i32
    %dma_wait3A_1226 = tpu.memref_slice %arg13[%add3A_1152, %dma_wait3A_1225] : memref<8192x1024xf32, #tpu.memory_space<hbm>> -> memref<32x1024xf32, #tpu.memory_space<hbm>>
    %dma_wait3A_1227 = arith.constant 0 : i32
    %dma_wait3A_1228 = tpu.memref_slice %arg13[%add3A_1152, %dma_wait3A_1227] : memref<8192x1024xf32, #tpu.memory_space<hbm>> -> memref<32x1024xf32, #tpu.memory_space<hbm>>
    tpu.wait_dma2 semaphore(%arg28 : memref<!tpu.dma_semaphore, #tpu.memory_space<semaphore_mem>>) src(%arg22 : memref<32x1024xf32, #tpu.memory_space<vmem>>) dst(%dma_wait3A_1228 : memref<32x1024xf32, #tpu.memory_space<hbm>>)
    %dma_wait3A_1229 = arith.constant 0 : i32
    %dma_wait3A_1230 = tpu.memref_slice %arg16[%add3A_1152, %dma_wait3A_1229] : memref<8192x1024xf32, #tpu.memory_space<hbm>> -> memref<32x1024xf32, #tpu.memory_space<hbm>>
    %dma_wait3A_1231 = arith.constant 0 : i32
    %dma_wait3A_1232 = tpu.memref_slice %arg16[%add3A_1152, %dma_wait3A_1231] : memref<8192x1024xf32, #tpu.memory_space<hbm>> -> memref<32x1024xf32, #tpu.memory_space<hbm>>
    tpu.wait_dma2 semaphore(%arg28 : memref<!tpu.dma_semaphore, #tpu.memory_space<semaphore_mem>>) src(%arg22 : memref<32x1024xf32, #tpu.memory_space<vmem>>) dst(%dma_wait3A_1232 : memref<32x1024xf32, #tpu.memory_space<hbm>>)
    %dma_start3A_1233 = arith.constant 7 : i32
    %dma_start3A_1234 = arith.constant 0 : i32
    %dma_start3A_1235 = tpu.memref_slice %arg21[%dma_start3A_1233, %dma_start3A_1234] : memref<8x32xi32, #tpu.memory_space<vmem>> -> memref<1x32xi32, #tpu.memory_space<vmem>>
    %dma_start3A_1236 = tpu.memref_squeeze %dma_start3A_1235 : memref<1x32xi32, #tpu.memory_space<vmem>> -> memref<32xi32, #tpu.memory_space<vmem>>
    %dma_start3A_1237 = arith.constant 0 : i32
    %dma_start3A_1238 = arith.constant 0 : i32
    %dma_start3A_1239 = tpu.memref_slice %arg7[%dma_start3A_1237, %dma_start3A_1238] : memref<50304x1024xf32, #tpu.memory_space<hbm>> -> memref<50304x1024xf32, #tpu.memory_space<hbm>>
    tpu.enqueue_indirect_dma source(%dma_start3A_1239 : memref<50304x1024xf32, #tpu.memory_space<hbm>>) target(%arg22 : memref<32x1024xf32, #tpu.memory_space<vmem>>) offsets(%dma_start3A_1236 : memref<32xi32, #tpu.memory_space<vmem>>) semaphore(%arg25 : memref<!tpu.dma_semaphore, #tpu.memory_space<semaphore_mem>>)
    %dma_wait3A_1240 = arith.constant 7 : i32
    %dma_wait3A_1241 = arith.constant 0 : i32
    %dma_wait3A_1242 = tpu.memref_slice %arg21[%dma_wait3A_1240, %dma_wait3A_1241] : memref<8x32xi32, #tpu.memory_space<vmem>> -> memref<1x32xi32, #tpu.memory_space<vmem>>
    %dma_wait3A_1243 = tpu.memref_squeeze %dma_wait3A_1242 : memref<1x32xi32, #tpu.memory_space<vmem>> -> memref<32xi32, #tpu.memory_space<vmem>>
    %dma_wait3A_1244 = arith.constant 0 : i32
    %dma_wait3A_1245 = arith.constant 0 : i32
    %dma_wait3A_1246 = tpu.memref_slice %arg7[%dma_wait3A_1244, %dma_wait3A_1245] : memref<50304x1024xf32, #tpu.memory_space<hbm>> -> memref<50304x1024xf32, #tpu.memory_space<hbm>>
    tpu.wait_indirect_dma semaphore(%arg25 : memref<!tpu.dma_semaphore, #tpu.memory_space<semaphore_mem>>) src(%dma_wait3A_1246 : memref<50304x1024xf32, #tpu.memory_space<hbm>>) dst(%arg22 : memref<32x1024xf32, #tpu.memory_space<vmem>>)
    %add3A_1247 = arith.constant 224 : i32
    %add3A_1248 = arith.addi %mul3A_2, %add3A_1247 : i32
    %dma_start3A_1249 = arith.constant 0 : i32
    %dma_start3A_1250 = tpu.memref_slice %arg13[%add3A_1248, %dma_start3A_1249] : memref<8192x1024xf32, #tpu.memory_space<hbm>> -> memref<32x1024xf32, #tpu.memory_space<hbm>>
    %dma_start3A_1251 = arith.constant 0 : i32
    %dma_start3A_1252 = tpu.memref_slice %arg13[%add3A_1248, %dma_start3A_1251] : memref<8192x1024xf32, #tpu.memory_space<hbm>> -> memref<32x1024xf32, #tpu.memory_space<hbm>>
    tpu.enqueue_dma source(%arg22 : memref<32x1024xf32, #tpu.memory_space<vmem>>) target(%dma_start3A_1252 : memref<32x1024xf32, #tpu.memory_space<hbm>>) target_semaphore(%arg28 : memref<!tpu.dma_semaphore, #tpu.memory_space<semaphore_mem>>)
    %dma_start3A_1253 = arith.constant 0 : i32
    %dma_start3A_1254 = tpu.memref_slice %arg16[%add3A_1248, %dma_start3A_1253] : memref<8192x1024xf32, #tpu.memory_space<hbm>> -> memref<32x1024xf32, #tpu.memory_space<hbm>>
    %dma_start3A_1255 = arith.constant 0 : i32
    %dma_start3A_1256 = tpu.memref_slice %arg16[%add3A_1248, %dma_start3A_1255] : memref<8192x1024xf32, #tpu.memory_space<hbm>> -> memref<32x1024xf32, #tpu.memory_space<hbm>>
    tpu.enqueue_dma source(%arg22 : memref<32x1024xf32, #tpu.memory_space<vmem>>) target(%dma_start3A_1256 : memref<32x1024xf32, #tpu.memory_space<hbm>>) target_semaphore(%arg28 : memref<!tpu.dma_semaphore, #tpu.memory_space<semaphore_mem>>)
    %dma_wait3A_1257 = arith.constant 0 : i32
    %dma_wait3A_1258 = tpu.memref_slice %arg13[%add3A_1184, %dma_wait3A_1257] : memref<8192x1024xf32, #tpu.memory_space<hbm>> -> memref<32x1024xf32, #tpu.memory_space<hbm>>
    %dma_wait3A_1259 = arith.constant 0 : i32
    %dma_wait3A_1260 = tpu.memref_slice %arg13[%add3A_1184, %dma_wait3A_1259] : memref<8192x1024xf32, #tpu.memory_space<hbm>> -> memref<32x1024xf32, #tpu.memory_space<hbm>>
    tpu.wait_dma2 semaphore(%arg29 : memref<!tpu.dma_semaphore, #tpu.memory_space<semaphore_mem>>) src(%arg23 : memref<32x1024xf32, #tpu.memory_space<vmem>>) dst(%dma_wait3A_1260 : memref<32x1024xf32, #tpu.memory_space<hbm>>)
    %dma_wait3A_1261 = arith.constant 0 : i32
    %dma_wait3A_1262 = tpu.memref_slice %arg16[%add3A_1184, %dma_wait3A_1261] : memref<8192x1024xf32, #tpu.memory_space<hbm>> -> memref<32x1024xf32, #tpu.memory_space<hbm>>
    %dma_wait3A_1263 = arith.constant 0 : i32
    %dma_wait3A_1264 = tpu.memref_slice %arg16[%add3A_1184, %dma_wait3A_1263] : memref<8192x1024xf32, #tpu.memory_space<hbm>> -> memref<32x1024xf32, #tpu.memory_space<hbm>>
    tpu.wait_dma2 semaphore(%arg29 : memref<!tpu.dma_semaphore, #tpu.memory_space<semaphore_mem>>) src(%arg23 : memref<32x1024xf32, #tpu.memory_space<vmem>>) dst(%dma_wait3A_1264 : memref<32x1024xf32, #tpu.memory_space<hbm>>)
    %dma_start3A_1265 = arith.constant 0 : i32
    %dma_start3A_1266 = arith.constant 0 : i32
    %dma_start3A_1267 = tpu.memref_slice %arg21[%dma_start3A_1265, %dma_start3A_1266] : memref<8x32xi32, #tpu.memory_space<vmem>> -> memref<1x32xi32, #tpu.memory_space<vmem>>
    %dma_start3A_1268 = tpu.memref_squeeze %dma_start3A_1267 : memref<1x32xi32, #tpu.memory_space<vmem>> -> memref<32xi32, #tpu.memory_space<vmem>>
    %dma_start3A_1269 = arith.constant 0 : i32
    %dma_start3A_1270 = arith.constant 0 : i32
    %dma_start3A_1271 = tpu.memref_slice %arg8[%dma_start3A_1269, %dma_start3A_1270] : memref<50304x1024xf32, #tpu.memory_space<hbm>> -> memref<50304x1024xf32, #tpu.memory_space<hbm>>
    tpu.enqueue_indirect_dma source(%dma_start3A_1271 : memref<50304x1024xf32, #tpu.memory_space<hbm>>) target(%arg23 : memref<32x1024xf32, #tpu.memory_space<vmem>>) offsets(%dma_start3A_1268 : memref<32xi32, #tpu.memory_space<vmem>>) semaphore(%arg26 : memref<!tpu.dma_semaphore, #tpu.memory_space<semaphore_mem>>)
    %dma_wait3A_1272 = arith.constant 0 : i32
    %dma_wait3A_1273 = arith.constant 0 : i32
    %dma_wait3A_1274 = tpu.memref_slice %arg21[%dma_wait3A_1272, %dma_wait3A_1273] : memref<8x32xi32, #tpu.memory_space<vmem>> -> memref<1x32xi32, #tpu.memory_space<vmem>>
    %dma_wait3A_1275 = tpu.memref_squeeze %dma_wait3A_1274 : memref<1x32xi32, #tpu.memory_space<vmem>> -> memref<32xi32, #tpu.memory_space<vmem>>
    %dma_wait3A_1276 = arith.constant 0 : i32
    %dma_wait3A_1277 = arith.constant 0 : i32
    %dma_wait3A_1278 = tpu.memref_slice %arg8[%dma_wait3A_1276, %dma_wait3A_1277] : memref<50304x1024xf32, #tpu.memory_space<hbm>> -> memref<50304x1024xf32, #tpu.memory_space<hbm>>
    tpu.wait_indirect_dma semaphore(%arg26 : memref<!tpu.dma_semaphore, #tpu.memory_space<semaphore_mem>>) src(%dma_wait3A_1278 : memref<50304x1024xf32, #tpu.memory_space<hbm>>) dst(%arg23 : memref<32x1024xf32, #tpu.memory_space<vmem>>)
    %add3A_1279 = arith.constant 0 : i32
    %add3A_1280 = arith.addi %mul3A_2, %add3A_1279 : i32
    %dma_start3A_1281 = arith.constant 0 : i32
    %dma_start3A_1282 = tpu.memref_slice %arg14[%add3A_1280, %dma_start3A_1281] : memref<8192x1024xf32, #tpu.memory_space<hbm>> -> memref<32x1024xf32, #tpu.memory_space<hbm>>
    %dma_start3A_1283 = arith.constant 0 : i32
    %dma_start3A_1284 = tpu.memref_slice %arg14[%add3A_1280, %dma_start3A_1283] : memref<8192x1024xf32, #tpu.memory_space<hbm>> -> memref<32x1024xf32, #tpu.memory_space<hbm>>
    tpu.enqueue_dma source(%arg23 : memref<32x1024xf32, #tpu.memory_space<vmem>>) target(%dma_start3A_1284 : memref<32x1024xf32, #tpu.memory_space<hbm>>) target_semaphore(%arg29 : memref<!tpu.dma_semaphore, #tpu.memory_space<semaphore_mem>>)
    %dma_start3A_1285 = arith.constant 0 : i32
    %dma_start3A_1286 = tpu.memref_slice %arg15[%add3A_1280, %dma_start3A_1285] : memref<8192x1024xf32, #tpu.memory_space<hbm>> -> memref<32x1024xf32, #tpu.memory_space<hbm>>
    %dma_start3A_1287 = arith.constant 0 : i32
    %dma_start3A_1288 = tpu.memref_slice %arg15[%add3A_1280, %dma_start3A_1287] : memref<8192x1024xf32, #tpu.memory_space<hbm>> -> memref<32x1024xf32, #tpu.memory_space<hbm>>
    tpu.enqueue_dma source(%arg23 : memref<32x1024xf32, #tpu.memory_space<vmem>>) target(%dma_start3A_1288 : memref<32x1024xf32, #tpu.memory_space<hbm>>) target_semaphore(%arg29 : memref<!tpu.dma_semaphore, #tpu.memory_space<semaphore_mem>>)
    %dma_wait3A_1289 = arith.constant 0 : i32
    %dma_wait3A_1290 = tpu.memref_slice %arg13[%add3A_1216, %dma_wait3A_1289] : memref<8192x1024xf32, #tpu.memory_space<hbm>> -> memref<32x1024xf32, #tpu.memory_space<hbm>>
    %dma_wait3A_1291 = arith.constant 0 : i32
    %dma_wait3A_1292 = tpu.memref_slice %arg13[%add3A_1216, %dma_wait3A_1291] : memref<8192x1024xf32, #tpu.memory_space<hbm>> -> memref<32x1024xf32, #tpu.memory_space<hbm>>
    tpu.wait_dma2 semaphore(%arg30 : memref<!tpu.dma_semaphore, #tpu.memory_space<semaphore_mem>>) src(%arg24 : memref<32x1024xf32, #tpu.memory_space<vmem>>) dst(%dma_wait3A_1292 : memref<32x1024xf32, #tpu.memory_space<hbm>>)
    %dma_wait3A_1293 = arith.constant 0 : i32
    %dma_wait3A_1294 = tpu.memref_slice %arg16[%add3A_1216, %dma_wait3A_1293] : memref<8192x1024xf32, #tpu.memory_space<hbm>> -> memref<32x1024xf32, #tpu.memory_space<hbm>>
    %dma_wait3A_1295 = arith.constant 0 : i32
    %dma_wait3A_1296 = tpu.memref_slice %arg16[%add3A_1216, %dma_wait3A_1295] : memref<8192x1024xf32, #tpu.memory_space<hbm>> -> memref<32x1024xf32, #tpu.memory_space<hbm>>
    tpu.wait_dma2 semaphore(%arg30 : memref<!tpu.dma_semaphore, #tpu.memory_space<semaphore_mem>>) src(%arg24 : memref<32x1024xf32, #tpu.memory_space<vmem>>) dst(%dma_wait3A_1296 : memref<32x1024xf32, #tpu.memory_space<hbm>>)
    %dma_start3A_1297 = arith.constant 1 : i32
    %dma_start3A_1298 = arith.constant 0 : i32
    %dma_start3A_1299 = tpu.memref_slice %arg21[%dma_start3A_1297, %dma_start3A_1298] : memref<8x32xi32, #tpu.memory_space<vmem>> -> memref<1x32xi32, #tpu.memory_space<vmem>>
    %dma_start3A_1300 = tpu.memref_squeeze %dma_start3A_1299 : memref<1x32xi32, #tpu.memory_space<vmem>> -> memref<32xi32, #tpu.memory_space<vmem>>
    %dma_start3A_1301 = arith.constant 0 : i32
    %dma_start3A_1302 = arith.constant 0 : i32
    %dma_start3A_1303 = tpu.memref_slice %arg8[%dma_start3A_1301, %dma_start3A_1302] : memref<50304x1024xf32, #tpu.memory_space<hbm>> -> memref<50304x1024xf32, #tpu.memory_space<hbm>>
    tpu.enqueue_indirect_dma source(%dma_start3A_1303 : memref<50304x1024xf32, #tpu.memory_space<hbm>>) target(%arg24 : memref<32x1024xf32, #tpu.memory_space<vmem>>) offsets(%dma_start3A_1300 : memref<32xi32, #tpu.memory_space<vmem>>) semaphore(%arg27 : memref<!tpu.dma_semaphore, #tpu.memory_space<semaphore_mem>>)
    %dma_wait3A_1304 = arith.constant 1 : i32
    %dma_wait3A_1305 = arith.constant 0 : i32
    %dma_wait3A_1306 = tpu.memref_slice %arg21[%dma_wait3A_1304, %dma_wait3A_1305] : memref<8x32xi32, #tpu.memory_space<vmem>> -> memref<1x32xi32, #tpu.memory_space<vmem>>
    %dma_wait3A_1307 = tpu.memref_squeeze %dma_wait3A_1306 : memref<1x32xi32, #tpu.memory_space<vmem>> -> memref<32xi32, #tpu.memory_space<vmem>>
    %dma_wait3A_1308 = arith.constant 0 : i32
    %dma_wait3A_1309 = arith.constant 0 : i32
    %dma_wait3A_1310 = tpu.memref_slice %arg8[%dma_wait3A_1308, %dma_wait3A_1309] : memref<50304x1024xf32, #tpu.memory_space<hbm>> -> memref<50304x1024xf32, #tpu.memory_space<hbm>>
    tpu.wait_indirect_dma semaphore(%arg27 : memref<!tpu.dma_semaphore, #tpu.memory_space<semaphore_mem>>) src(%dma_wait3A_1310 : memref<50304x1024xf32, #tpu.memory_space<hbm>>) dst(%arg24 : memref<32x1024xf32, #tpu.memory_space<vmem>>)
    %add3A_1311 = arith.constant 32 : i32
    %add3A_1312 = arith.addi %mul3A_2, %add3A_1311 : i32
    %dma_start3A_1313 = arith.constant 0 : i32
    %dma_start3A_1314 = tpu.memref_slice %arg14[%add3A_1312, %dma_start3A_1313] : memref<8192x1024xf32, #tpu.memory_space<hbm>> -> memref<32x1024xf32, #tpu.memory_space<hbm>>
    %dma_start3A_1315 = arith.constant 0 : i32
    %dma_start3A_1316 = tpu.memref_slice %arg14[%add3A_1312, %dma_start3A_1315] : memref<8192x1024xf32, #tpu.memory_space<hbm>> -> memref<32x1024xf32, #tpu.memory_space<hbm>>
    tpu.enqueue_dma source(%arg24 : memref<32x1024xf32, #tpu.memory_space<vmem>>) target(%dma_start3A_1316 : memref<32x1024xf32, #tpu.memory_space<hbm>>) target_semaphore(%arg30 : memref<!tpu.dma_semaphore, #tpu.memory_space<semaphore_mem>>)
    %dma_start3A_1317 = arith.constant 0 : i32
    %dma_start3A_1318 = tpu.memref_slice %arg15[%add3A_1312, %dma_start3A_1317] : memref<8192x1024xf32, #tpu.memory_space<hbm>> -> memref<32x1024xf32, #tpu.memory_space<hbm>>
    %dma_start3A_1319 = arith.constant 0 : i32
    %dma_start3A_1320 = tpu.memref_slice %arg15[%add3A_1312, %dma_start3A_1319] : memref<8192x1024xf32, #tpu.memory_space<hbm>> -> memref<32x1024xf32, #tpu.memory_space<hbm>>
    tpu.enqueue_dma source(%arg24 : memref<32x1024xf32, #tpu.memory_space<vmem>>) target(%dma_start3A_1320 : memref<32x1024xf32, #tpu.memory_space<hbm>>) target_semaphore(%arg30 : memref<!tpu.dma_semaphore, #tpu.memory_space<semaphore_mem>>)
    %dma_wait3A_1321 = arith.constant 0 : i32
    %dma_wait3A_1322 = tpu.memref_slice %arg13[%add3A_1248, %dma_wait3A_1321] : memref<8192x1024xf32, #tpu.memory_space<hbm>> -> memref<32x1024xf32, #tpu.memory_space<hbm>>
    %dma_wait3A_1323 = arith.constant 0 : i32
    %dma_wait3A_1324 = tpu.memref_slice %arg13[%add3A_1248, %dma_wait3A_1323] : memref<8192x1024xf32, #tpu.memory_space<hbm>> -> memref<32x1024xf32, #tpu.memory_space<hbm>>
    tpu.wait_dma2 semaphore(%arg28 : memref<!tpu.dma_semaphore, #tpu.memory_space<semaphore_mem>>) src(%arg22 : memref<32x1024xf32, #tpu.memory_space<vmem>>) dst(%dma_wait3A_1324 : memref<32x1024xf32, #tpu.memory_space<hbm>>)
    %dma_wait3A_1325 = arith.constant 0 : i32
    %dma_wait3A_1326 = tpu.memref_slice %arg16[%add3A_1248, %dma_wait3A_1325] : memref<8192x1024xf32, #tpu.memory_space<hbm>> -> memref<32x1024xf32, #tpu.memory_space<hbm>>
    %dma_wait3A_1327 = arith.constant 0 : i32
    %dma_wait3A_1328 = tpu.memref_slice %arg16[%add3A_1248, %dma_wait3A_1327] : memref<8192x1024xf32, #tpu.memory_space<hbm>> -> memref<32x1024xf32, #tpu.memory_space<hbm>>
    tpu.wait_dma2 semaphore(%arg28 : memref<!tpu.dma_semaphore, #tpu.memory_space<semaphore_mem>>) src(%arg22 : memref<32x1024xf32, #tpu.memory_space<vmem>>) dst(%dma_wait3A_1328 : memref<32x1024xf32, #tpu.memory_space<hbm>>)
    %dma_start3A_1329 = arith.constant 2 : i32
    %dma_start3A_1330 = arith.constant 0 : i32
    %dma_start3A_1331 = tpu.memref_slice %arg21[%dma_start3A_1329, %dma_start3A_1330] : memref<8x32xi32, #tpu.memory_space<vmem>> -> memref<1x32xi32, #tpu.memory_space<vmem>>
    %dma_start3A_1332 = tpu.memref_squeeze %dma_start3A_1331 : memref<1x32xi32, #tpu.memory_space<vmem>> -> memref<32xi32, #tpu.memory_space<vmem>>
    %dma_start3A_1333 = arith.constant 0 : i32
    %dma_start3A_1334 = arith.constant 0 : i32
    %dma_start3A_1335 = tpu.memref_slice %arg8[%dma_start3A_1333, %dma_start3A_1334] : memref<50304x1024xf32, #tpu.memory_space<hbm>> -> memref<50304x1024xf32, #tpu.memory_space<hbm>>
    tpu.enqueue_indirect_dma source(%dma_start3A_1335 : memref<50304x1024xf32, #tpu.memory_space<hbm>>) target(%arg22 : memref<32x1024xf32, #tpu.memory_space<vmem>>) offsets(%dma_start3A_1332 : memref<32xi32, #tpu.memory_space<vmem>>) semaphore(%arg25 : memref<!tpu.dma_semaphore, #tpu.memory_space<semaphore_mem>>)
    %dma_wait3A_1336 = arith.constant 2 : i32
    %dma_wait3A_1337 = arith.constant 0 : i32
    %dma_wait3A_1338 = tpu.memref_slice %arg21[%dma_wait3A_1336, %dma_wait3A_1337] : memref<8x32xi32, #tpu.memory_space<vmem>> -> memref<1x32xi32, #tpu.memory_space<vmem>>
    %dma_wait3A_1339 = tpu.memref_squeeze %dma_wait3A_1338 : memref<1x32xi32, #tpu.memory_space<vmem>> -> memref<32xi32, #tpu.memory_space<vmem>>
    %dma_wait3A_1340 = arith.constant 0 : i32
    %dma_wait3A_1341 = arith.constant 0 : i32
    %dma_wait3A_1342 = tpu.memref_slice %arg8[%dma_wait3A_1340, %dma_wait3A_1341] : memref<50304x1024xf32, #tpu.memory_space<hbm>> -> memref<50304x1024xf32, #tpu.memory_space<hbm>>
    tpu.wait_indirect_dma semaphore(%arg25 : memref<!tpu.dma_semaphore, #tpu.memory_space<semaphore_mem>>) src(%dma_wait3A_1342 : memref<50304x1024xf32, #tpu.memory_space<hbm>>) dst(%arg22 : memref<32x1024xf32, #tpu.memory_space<vmem>>)
    %add3A_1343 = arith.constant 64 : i32
    %add3A_1344 = arith.addi %mul3A_2, %add3A_1343 : i32
    %dma_start3A_1345 = arith.constant 0 : i32
    %dma_start3A_1346 = tpu.memref_slice %arg14[%add3A_1344, %dma_start3A_1345] : memref<8192x1024xf32, #tpu.memory_space<hbm>> -> memref<32x1024xf32, #tpu.memory_space<hbm>>
    %dma_start3A_1347 = arith.constant 0 : i32
    %dma_start3A_1348 = tpu.memref_slice %arg14[%add3A_1344, %dma_start3A_1347] : memref<8192x1024xf32, #tpu.memory_space<hbm>> -> memref<32x1024xf32, #tpu.memory_space<hbm>>
    tpu.enqueue_dma source(%arg22 : memref<32x1024xf32, #tpu.memory_space<vmem>>) target(%dma_start3A_1348 : memref<32x1024xf32, #tpu.memory_space<hbm>>) target_semaphore(%arg28 : memref<!tpu.dma_semaphore, #tpu.memory_space<semaphore_mem>>)
    %dma_start3A_1349 = arith.constant 0 : i32
    %dma_start3A_1350 = tpu.memref_slice %arg15[%add3A_1344, %dma_start3A_1349] : memref<8192x1024xf32, #tpu.memory_space<hbm>> -> memref<32x1024xf32, #tpu.memory_space<hbm>>
    %dma_start3A_1351 = arith.constant 0 : i32
    %dma_start3A_1352 = tpu.memref_slice %arg15[%add3A_1344, %dma_start3A_1351] : memref<8192x1024xf32, #tpu.memory_space<hbm>> -> memref<32x1024xf32, #tpu.memory_space<hbm>>
    tpu.enqueue_dma source(%arg22 : memref<32x1024xf32, #tpu.memory_space<vmem>>) target(%dma_start3A_1352 : memref<32x1024xf32, #tpu.memory_space<hbm>>) target_semaphore(%arg28 : memref<!tpu.dma_semaphore, #tpu.memory_space<semaphore_mem>>)
    %dma_wait3A_1353 = arith.constant 0 : i32
    %dma_wait3A_1354 = tpu.memref_slice %arg14[%add3A_1280, %dma_wait3A_1353] : memref<8192x1024xf32, #tpu.memory_space<hbm>> -> memref<32x1024xf32, #tpu.memory_space<hbm>>
    %dma_wait3A_1355 = arith.constant 0 : i32
    %dma_wait3A_1356 = tpu.memref_slice %arg14[%add3A_1280, %dma_wait3A_1355] : memref<8192x1024xf32, #tpu.memory_space<hbm>> -> memref<32x1024xf32, #tpu.memory_space<hbm>>
    tpu.wait_dma2 semaphore(%arg29 : memref<!tpu.dma_semaphore, #tpu.memory_space<semaphore_mem>>) src(%arg23 : memref<32x1024xf32, #tpu.memory_space<vmem>>) dst(%dma_wait3A_1356 : memref<32x1024xf32, #tpu.memory_space<hbm>>)
    %dma_wait3A_1357 = arith.constant 0 : i32
    %dma_wait3A_1358 = tpu.memref_slice %arg15[%add3A_1280, %dma_wait3A_1357] : memref<8192x1024xf32, #tpu.memory_space<hbm>> -> memref<32x1024xf32, #tpu.memory_space<hbm>>
    %dma_wait3A_1359 = arith.constant 0 : i32
    %dma_wait3A_1360 = tpu.memref_slice %arg15[%add3A_1280, %dma_wait3A_1359] : memref<8192x1024xf32, #tpu.memory_space<hbm>> -> memref<32x1024xf32, #tpu.memory_space<hbm>>
    tpu.wait_dma2 semaphore(%arg29 : memref<!tpu.dma_semaphore, #tpu.memory_space<semaphore_mem>>) src(%arg23 : memref<32x1024xf32, #tpu.memory_space<vmem>>) dst(%dma_wait3A_1360 : memref<32x1024xf32, #tpu.memory_space<hbm>>)
    %dma_start3A_1361 = arith.constant 3 : i32
    %dma_start3A_1362 = arith.constant 0 : i32
    %dma_start3A_1363 = tpu.memref_slice %arg21[%dma_start3A_1361, %dma_start3A_1362] : memref<8x32xi32, #tpu.memory_space<vmem>> -> memref<1x32xi32, #tpu.memory_space<vmem>>
    %dma_start3A_1364 = tpu.memref_squeeze %dma_start3A_1363 : memref<1x32xi32, #tpu.memory_space<vmem>> -> memref<32xi32, #tpu.memory_space<vmem>>
    %dma_start3A_1365 = arith.constant 0 : i32
    %dma_start3A_1366 = arith.constant 0 : i32
    %dma_start3A_1367 = tpu.memref_slice %arg8[%dma_start3A_1365, %dma_start3A_1366] : memref<50304x1024xf32, #tpu.memory_space<hbm>> -> memref<50304x1024xf32, #tpu.memory_space<hbm>>
    tpu.enqueue_indirect_dma source(%dma_start3A_1367 : memref<50304x1024xf32, #tpu.memory_space<hbm>>) target(%arg23 : memref<32x1024xf32, #tpu.memory_space<vmem>>) offsets(%dma_start3A_1364 : memref<32xi32, #tpu.memory_space<vmem>>) semaphore(%arg26 : memref<!tpu.dma_semaphore, #tpu.memory_space<semaphore_mem>>)
    %dma_wait3A_1368 = arith.constant 3 : i32
    %dma_wait3A_1369 = arith.constant 0 : i32
    %dma_wait3A_1370 = tpu.memref_slice %arg21[%dma_wait3A_1368, %dma_wait3A_1369] : memref<8x32xi32, #tpu.memory_space<vmem>> -> memref<1x32xi32, #tpu.memory_space<vmem>>
    %dma_wait3A_1371 = tpu.memref_squeeze %dma_wait3A_1370 : memref<1x32xi32, #tpu.memory_space<vmem>> -> memref<32xi32, #tpu.memory_space<vmem>>
    %dma_wait3A_1372 = arith.constant 0 : i32
    %dma_wait3A_1373 = arith.constant 0 : i32
    %dma_wait3A_1374 = tpu.memref_slice %arg8[%dma_wait3A_1372, %dma_wait3A_1373] : memref<50304x1024xf32, #tpu.memory_space<hbm>> -> memref<50304x1024xf32, #tpu.memory_space<hbm>>
    tpu.wait_indirect_dma semaphore(%arg26 : memref<!tpu.dma_semaphore, #tpu.memory_space<semaphore_mem>>) src(%dma_wait3A_1374 : memref<50304x1024xf32, #tpu.memory_space<hbm>>) dst(%arg23 : memref<32x1024xf32, #tpu.memory_space<vmem>>)
    %add3A_1375 = arith.constant 96 : i32
    %add3A_1376 = arith.addi %mul3A_2, %add3A_1375 : i32
    %dma_start3A_1377 = arith.constant 0 : i32
    %dma_start3A_1378 = tpu.memref_slice %arg14[%add3A_1376, %dma_start3A_1377] : memref<8192x1024xf32, #tpu.memory_space<hbm>> -> memref<32x1024xf32, #tpu.memory_space<hbm>>
    %dma_start3A_1379 = arith.constant 0 : i32
    %dma_start3A_1380 = tpu.memref_slice %arg14[%add3A_1376, %dma_start3A_1379] : memref<8192x1024xf32, #tpu.memory_space<hbm>> -> memref<32x1024xf32, #tpu.memory_space<hbm>>
    tpu.enqueue_dma source(%arg23 : memref<32x1024xf32, #tpu.memory_space<vmem>>) target(%dma_start3A_1380 : memref<32x1024xf32, #tpu.memory_space<hbm>>) target_semaphore(%arg29 : memref<!tpu.dma_semaphore, #tpu.memory_space<semaphore_mem>>)
    %dma_start3A_1381 = arith.constant 0 : i32
    %dma_start3A_1382 = tpu.memref_slice %arg15[%add3A_1376, %dma_start3A_1381] : memref<8192x1024xf32, #tpu.memory_space<hbm>> -> memref<32x1024xf32, #tpu.memory_space<hbm>>
    %dma_start3A_1383 = arith.constant 0 : i32
    %dma_start3A_1384 = tpu.memref_slice %arg15[%add3A_1376, %dma_start3A_1383] : memref<8192x1024xf32, #tpu.memory_space<hbm>> -> memref<32x1024xf32, #tpu.memory_space<hbm>>
    tpu.enqueue_dma source(%arg23 : memref<32x1024xf32, #tpu.memory_space<vmem>>) target(%dma_start3A_1384 : memref<32x1024xf32, #tpu.memory_space<hbm>>) target_semaphore(%arg29 : memref<!tpu.dma_semaphore, #tpu.memory_space<semaphore_mem>>)
    %dma_wait3A_1385 = arith.constant 0 : i32
    %dma_wait3A_1386 = tpu.memref_slice %arg14[%add3A_1312, %dma_wait3A_1385] : memref<8192x1024xf32, #tpu.memory_space<hbm>> -> memref<32x1024xf32, #tpu.memory_space<hbm>>
    %dma_wait3A_1387 = arith.constant 0 : i32
    %dma_wait3A_1388 = tpu.memref_slice %arg14[%add3A_1312, %dma_wait3A_1387] : memref<8192x1024xf32, #tpu.memory_space<hbm>> -> memref<32x1024xf32, #tpu.memory_space<hbm>>
    tpu.wait_dma2 semaphore(%arg30 : memref<!tpu.dma_semaphore, #tpu.memory_space<semaphore_mem>>) src(%arg24 : memref<32x1024xf32, #tpu.memory_space<vmem>>) dst(%dma_wait3A_1388 : memref<32x1024xf32, #tpu.memory_space<hbm>>)
    %dma_wait3A_1389 = arith.constant 0 : i32
    %dma_wait3A_1390 = tpu.memref_slice %arg15[%add3A_1312, %dma_wait3A_1389] : memref<8192x1024xf32, #tpu.memory_space<hbm>> -> memref<32x1024xf32, #tpu.memory_space<hbm>>
    %dma_wait3A_1391 = arith.constant 0 : i32
    %dma_wait3A_1392 = tpu.memref_slice %arg15[%add3A_1312, %dma_wait3A_1391] : memref<8192x1024xf32, #tpu.memory_space<hbm>> -> memref<32x1024xf32, #tpu.memory_space<hbm>>
    tpu.wait_dma2 semaphore(%arg30 : memref<!tpu.dma_semaphore, #tpu.memory_space<semaphore_mem>>) src(%arg24 : memref<32x1024xf32, #tpu.memory_space<vmem>>) dst(%dma_wait3A_1392 : memref<32x1024xf32, #tpu.memory_space<hbm>>)
    %dma_start3A_1393 = arith.constant 4 : i32
    %dma_start3A_1394 = arith.constant 0 : i32
    %dma_start3A_1395 = tpu.memref_slice %arg21[%dma_start3A_1393, %dma_start3A_1394] : memref<8x32xi32, #tpu.memory_space<vmem>> -> memref<1x32xi32, #tpu.memory_space<vmem>>
    %dma_start3A_1396 = tpu.memref_squeeze %dma_start3A_1395 : memref<1x32xi32, #tpu.memory_space<vmem>> -> memref<32xi32, #tpu.memory_space<vmem>>
    %dma_start3A_1397 = arith.constant 0 : i32
    %dma_start3A_1398 = arith.constant 0 : i32
    %dma_start3A_1399 = tpu.memref_slice %arg8[%dma_start3A_1397, %dma_start3A_1398] : memref<50304x1024xf32, #tpu.memory_space<hbm>> -> memref<50304x1024xf32, #tpu.memory_space<hbm>>
    tpu.enqueue_indirect_dma source(%dma_start3A_1399 : memref<50304x1024xf32, #tpu.memory_space<hbm>>) target(%arg24 : memref<32x1024xf32, #tpu.memory_space<vmem>>) offsets(%dma_start3A_1396 : memref<32xi32, #tpu.memory_space<vmem>>) semaphore(%arg27 : memref<!tpu.dma_semaphore, #tpu.memory_space<semaphore_mem>>)
    %dma_wait3A_1400 = arith.constant 4 : i32
    %dma_wait3A_1401 = arith.constant 0 : i32
    %dma_wait3A_1402 = tpu.memref_slice %arg21[%dma_wait3A_1400, %dma_wait3A_1401] : memref<8x32xi32, #tpu.memory_space<vmem>> -> memref<1x32xi32, #tpu.memory_space<vmem>>
    %dma_wait3A_1403 = tpu.memref_squeeze %dma_wait3A_1402 : memref<1x32xi32, #tpu.memory_space<vmem>> -> memref<32xi32, #tpu.memory_space<vmem>>
    %dma_wait3A_1404 = arith.constant 0 : i32
    %dma_wait3A_1405 = arith.constant 0 : i32
    %dma_wait3A_1406 = tpu.memref_slice %arg8[%dma_wait3A_1404, %dma_wait3A_1405] : memref<50304x1024xf32, #tpu.memory_space<hbm>> -> memref<50304x1024xf32, #tpu.memory_space<hbm>>
    tpu.wait_indirect_dma semaphore(%arg27 : memref<!tpu.dma_semaphore, #tpu.memory_space<semaphore_mem>>) src(%dma_wait3A_1406 : memref<50304x1024xf32, #tpu.memory_space<hbm>>) dst(%arg24 : memref<32x1024xf32, #tpu.memory_space<vmem>>)
    %add3A_1407 = arith.constant 128 : i32
    %add3A_1408 = arith.addi %mul3A_2, %add3A_1407 : i32
    %dma_start3A_1409 = arith.constant 0 : i32
    %dma_start3A_1410 = tpu.memref_slice %arg14[%add3A_1408, %dma_start3A_1409] : memref<8192x1024xf32, #tpu.memory_space<hbm>> -> memref<32x1024xf32, #tpu.memory_space<hbm>>
    %dma_start3A_1411 = arith.constant 0 : i32
    %dma_start3A_1412 = tpu.memref_slice %arg14[%add3A_1408, %dma_start3A_1411] : memref<8192x1024xf32, #tpu.memory_space<hbm>> -> memref<32x1024xf32, #tpu.memory_space<hbm>>
    tpu.enqueue_dma source(%arg24 : memref<32x1024xf32, #tpu.memory_space<vmem>>) target(%dma_start3A_1412 : memref<32x1024xf32, #tpu.memory_space<hbm>>) target_semaphore(%arg30 : memref<!tpu.dma_semaphore, #tpu.memory_space<semaphore_mem>>)
    %dma_start3A_1413 = arith.constant 0 : i32
    %dma_start3A_1414 = tpu.memref_slice %arg15[%add3A_1408, %dma_start3A_1413] : memref<8192x1024xf32, #tpu.memory_space<hbm>> -> memref<32x1024xf32, #tpu.memory_space<hbm>>
    %dma_start3A_1415 = arith.constant 0 : i32
    %dma_start3A_1416 = tpu.memref_slice %arg15[%add3A_1408, %dma_start3A_1415] : memref<8192x1024xf32, #tpu.memory_space<hbm>> -> memref<32x1024xf32, #tpu.memory_space<hbm>>
    tpu.enqueue_dma source(%arg24 : memref<32x1024xf32, #tpu.memory_space<vmem>>) target(%dma_start3A_1416 : memref<32x1024xf32, #tpu.memory_space<hbm>>) target_semaphore(%arg30 : memref<!tpu.dma_semaphore, #tpu.memory_space<semaphore_mem>>)
    %dma_wait3A_1417 = arith.constant 0 : i32
    %dma_wait3A_1418 = tpu.memref_slice %arg14[%add3A_1344, %dma_wait3A_1417] : memref<8192x1024xf32, #tpu.memory_space<hbm>> -> memref<32x1024xf32, #tpu.memory_space<hbm>>
    %dma_wait3A_1419 = arith.constant 0 : i32
    %dma_wait3A_1420 = tpu.memref_slice %arg14[%add3A_1344, %dma_wait3A_1419] : memref<8192x1024xf32, #tpu.memory_space<hbm>> -> memref<32x1024xf32, #tpu.memory_space<hbm>>
    tpu.wait_dma2 semaphore(%arg28 : memref<!tpu.dma_semaphore, #tpu.memory_space<semaphore_mem>>) src(%arg22 : memref<32x1024xf32, #tpu.memory_space<vmem>>) dst(%dma_wait3A_1420 : memref<32x1024xf32, #tpu.memory_space<hbm>>)
    %dma_wait3A_1421 = arith.constant 0 : i32
    %dma_wait3A_1422 = tpu.memref_slice %arg15[%add3A_1344, %dma_wait3A_1421] : memref<8192x1024xf32, #tpu.memory_space<hbm>> -> memref<32x1024xf32, #tpu.memory_space<hbm>>
    %dma_wait3A_1423 = arith.constant 0 : i32
    %dma_wait3A_1424 = tpu.memref_slice %arg15[%add3A_1344, %dma_wait3A_1423] : memref<8192x1024xf32, #tpu.memory_space<hbm>> -> memref<32x1024xf32, #tpu.memory_space<hbm>>
    tpu.wait_dma2 semaphore(%arg28 : memref<!tpu.dma_semaphore, #tpu.memory_space<semaphore_mem>>) src(%arg22 : memref<32x1024xf32, #tpu.memory_space<vmem>>) dst(%dma_wait3A_1424 : memref<32x1024xf32, #tpu.memory_space<hbm>>)
    %dma_start3A_1425 = arith.constant 5 : i32
    %dma_start3A_1426 = arith.constant 0 : i32
    %dma_start3A_1427 = tpu.memref_slice %arg21[%dma_start3A_1425, %dma_start3A_1426] : memref<8x32xi32, #tpu.memory_space<vmem>> -> memref<1x32xi32, #tpu.memory_space<vmem>>
    %dma_start3A_1428 = tpu.memref_squeeze %dma_start3A_1427 : memref<1x32xi32, #tpu.memory_space<vmem>> -> memref<32xi32, #tpu.memory_space<vmem>>
    %dma_start3A_1429 = arith.constant 0 : i32
    %dma_start3A_1430 = arith.constant 0 : i32
    %dma_start3A_1431 = tpu.memref_slice %arg8[%dma_start3A_1429, %dma_start3A_1430] : memref<50304x1024xf32, #tpu.memory_space<hbm>> -> memref<50304x1024xf32, #tpu.memory_space<hbm>>
    tpu.enqueue_indirect_dma source(%dma_start3A_1431 : memref<50304x1024xf32, #tpu.memory_space<hbm>>) target(%arg22 : memref<32x1024xf32, #tpu.memory_space<vmem>>) offsets(%dma_start3A_1428 : memref<32xi32, #tpu.memory_space<vmem>>) semaphore(%arg25 : memref<!tpu.dma_semaphore, #tpu.memory_space<semaphore_mem>>)
    %dma_wait3A_1432 = arith.constant 5 : i32
    %dma_wait3A_1433 = arith.constant 0 : i32
    %dma_wait3A_1434 = tpu.memref_slice %arg21[%dma_wait3A_1432, %dma_wait3A_1433] : memref<8x32xi32, #tpu.memory_space<vmem>> -> memref<1x32xi32, #tpu.memory_space<vmem>>
    %dma_wait3A_1435 = tpu.memref_squeeze %dma_wait3A_1434 : memref<1x32xi32, #tpu.memory_space<vmem>> -> memref<32xi32, #tpu.memory_space<vmem>>
    %dma_wait3A_1436 = arith.constant 0 : i32
    %dma_wait3A_1437 = arith.constant 0 : i32
    %dma_wait3A_1438 = tpu.memref_slice %arg8[%dma_wait3A_1436, %dma_wait3A_1437] : memref<50304x1024xf32, #tpu.memory_space<hbm>> -> memref<50304x1024xf32, #tpu.memory_space<hbm>>
    tpu.wait_indirect_dma semaphore(%arg25 : memref<!tpu.dma_semaphore, #tpu.memory_space<semaphore_mem>>) src(%dma_wait3A_1438 : memref<50304x1024xf32, #tpu.memory_space<hbm>>) dst(%arg22 : memref<32x1024xf32, #tpu.memory_space<vmem>>)
    %add3A_1439 = arith.constant 160 : i32
    %add3A_1440 = arith.addi %mul3A_2, %add3A_1439 : i32
    %dma_start3A_1441 = arith.constant 0 : i32
    %dma_start3A_1442 = tpu.memref_slice %arg14[%add3A_1440, %dma_start3A_1441] : memref<8192x1024xf32, #tpu.memory_space<hbm>> -> memref<32x1024xf32, #tpu.memory_space<hbm>>
    %dma_start3A_1443 = arith.constant 0 : i32
    %dma_start3A_1444 = tpu.memref_slice %arg14[%add3A_1440, %dma_start3A_1443] : memref<8192x1024xf32, #tpu.memory_space<hbm>> -> memref<32x1024xf32, #tpu.memory_space<hbm>>
    tpu.enqueue_dma source(%arg22 : memref<32x1024xf32, #tpu.memory_space<vmem>>) target(%dma_start3A_1444 : memref<32x1024xf32, #tpu.memory_space<hbm>>) target_semaphore(%arg28 : memref<!tpu.dma_semaphore, #tpu.memory_space<semaphore_mem>>)
    %dma_start3A_1445 = arith.constant 0 : i32
    %dma_start3A_1446 = tpu.memref_slice %arg15[%add3A_1440, %dma_start3A_1445] : memref<8192x1024xf32, #tpu.memory_space<hbm>> -> memref<32x1024xf32, #tpu.memory_space<hbm>>
    %dma_start3A_1447 = arith.constant 0 : i32
    %dma_start3A_1448 = tpu.memref_slice %arg15[%add3A_1440, %dma_start3A_1447] : memref<8192x1024xf32, #tpu.memory_space<hbm>> -> memref<32x1024xf32, #tpu.memory_space<hbm>>
    tpu.enqueue_dma source(%arg22 : memref<32x1024xf32, #tpu.memory_space<vmem>>) target(%dma_start3A_1448 : memref<32x1024xf32, #tpu.memory_space<hbm>>) target_semaphore(%arg28 : memref<!tpu.dma_semaphore, #tpu.memory_space<semaphore_mem>>)
    %dma_wait3A_1449 = arith.constant 0 : i32
    %dma_wait3A_1450 = tpu.memref_slice %arg14[%add3A_1376, %dma_wait3A_1449] : memref<8192x1024xf32, #tpu.memory_space<hbm>> -> memref<32x1024xf32, #tpu.memory_space<hbm>>
    %dma_wait3A_1451 = arith.constant 0 : i32
    %dma_wait3A_1452 = tpu.memref_slice %arg14[%add3A_1376, %dma_wait3A_1451] : memref<8192x1024xf32, #tpu.memory_space<hbm>> -> memref<32x1024xf32, #tpu.memory_space<hbm>>
    tpu.wait_dma2 semaphore(%arg29 : memref<!tpu.dma_semaphore, #tpu.memory_space<semaphore_mem>>) src(%arg23 : memref<32x1024xf32, #tpu.memory_space<vmem>>) dst(%dma_wait3A_1452 : memref<32x1024xf32, #tpu.memory_space<hbm>>)
    %dma_wait3A_1453 = arith.constant 0 : i32
    %dma_wait3A_1454 = tpu.memref_slice %arg15[%add3A_1376, %dma_wait3A_1453] : memref<8192x1024xf32, #tpu.memory_space<hbm>> -> memref<32x1024xf32, #tpu.memory_space<hbm>>
    %dma_wait3A_1455 = arith.constant 0 : i32
    %dma_wait3A_1456 = tpu.memref_slice %arg15[%add3A_1376, %dma_wait3A_1455] : memref<8192x1024xf32, #tpu.memory_space<hbm>> -> memref<32x1024xf32, #tpu.memory_space<hbm>>
    tpu.wait_dma2 semaphore(%arg29 : memref<!tpu.dma_semaphore, #tpu.memory_space<semaphore_mem>>) src(%arg23 : memref<32x1024xf32, #tpu.memory_space<vmem>>) dst(%dma_wait3A_1456 : memref<32x1024xf32, #tpu.memory_space<hbm>>)
    %dma_start3A_1457 = arith.constant 6 : i32
    %dma_start3A_1458 = arith.constant 0 : i32
    %dma_start3A_1459 = tpu.memref_slice %arg21[%dma_start3A_1457, %dma_start3A_1458] : memref<8x32xi32, #tpu.memory_space<vmem>> -> memref<1x32xi32, #tpu.memory_space<vmem>>
    %dma_start3A_1460 = tpu.memref_squeeze %dma_start3A_1459 : memref<1x32xi32, #tpu.memory_space<vmem>> -> memref<32xi32, #tpu.memory_space<vmem>>
    %dma_start3A_1461 = arith.constant 0 : i32
    %dma_start3A_1462 = arith.constant 0 : i32
    %dma_start3A_1463 = tpu.memref_slice %arg8[%dma_start3A_1461, %dma_start3A_1462] : memref<50304x1024xf32, #tpu.memory_space<hbm>> -> memref<50304x1024xf32, #tpu.memory_space<hbm>>
    tpu.enqueue_indirect_dma source(%dma_start3A_1463 : memref<50304x1024xf32, #tpu.memory_space<hbm>>) target(%arg23 : memref<32x1024xf32, #tpu.memory_space<vmem>>) offsets(%dma_start3A_1460 : memref<32xi32, #tpu.memory_space<vmem>>) semaphore(%arg26 : memref<!tpu.dma_semaphore, #tpu.memory_space<semaphore_mem>>)
    %dma_wait3A_1464 = arith.constant 6 : i32
    %dma_wait3A_1465 = arith.constant 0 : i32
    %dma_wait3A_1466 = tpu.memref_slice %arg21[%dma_wait3A_1464, %dma_wait3A_1465] : memref<8x32xi32, #tpu.memory_space<vmem>> -> memref<1x32xi32, #tpu.memory_space<vmem>>
    %dma_wait3A_1467 = tpu.memref_squeeze %dma_wait3A_1466 : memref<1x32xi32, #tpu.memory_space<vmem>> -> memref<32xi32, #tpu.memory_space<vmem>>
    %dma_wait3A_1468 = arith.constant 0 : i32
    %dma_wait3A_1469 = arith.constant 0 : i32
    %dma_wait3A_1470 = tpu.memref_slice %arg8[%dma_wait3A_1468, %dma_wait3A_1469] : memref<50304x1024xf32, #tpu.memory_space<hbm>> -> memref<50304x1024xf32, #tpu.memory_space<hbm>>
    tpu.wait_indirect_dma semaphore(%arg26 : memref<!tpu.dma_semaphore, #tpu.memory_space<semaphore_mem>>) src(%dma_wait3A_1470 : memref<50304x1024xf32, #tpu.memory_space<hbm>>) dst(%arg23 : memref<32x1024xf32, #tpu.memory_space<vmem>>)
    %add3A_1471 = arith.constant 192 : i32
    %add3A_1472 = arith.addi %mul3A_2, %add3A_1471 : i32
    %dma_start3A_1473 = arith.constant 0 : i32
    %dma_start3A_1474 = tpu.memref_slice %arg14[%add3A_1472, %dma_start3A_1473] : memref<8192x1024xf32, #tpu.memory_space<hbm>> -> memref<32x1024xf32, #tpu.memory_space<hbm>>
    %dma_start3A_1475 = arith.constant 0 : i32
    %dma_start3A_1476 = tpu.memref_slice %arg14[%add3A_1472, %dma_start3A_1475] : memref<8192x1024xf32, #tpu.memory_space<hbm>> -> memref<32x1024xf32, #tpu.memory_space<hbm>>
    tpu.enqueue_dma source(%arg23 : memref<32x1024xf32, #tpu.memory_space<vmem>>) target(%dma_start3A_1476 : memref<32x1024xf32, #tpu.memory_space<hbm>>) target_semaphore(%arg29 : memref<!tpu.dma_semaphore, #tpu.memory_space<semaphore_mem>>)
    %dma_start3A_1477 = arith.constant 0 : i32
    %dma_start3A_1478 = tpu.memref_slice %arg15[%add3A_1472, %dma_start3A_1477] : memref<8192x1024xf32, #tpu.memory_space<hbm>> -> memref<32x1024xf32, #tpu.memory_space<hbm>>
    %dma_start3A_1479 = arith.constant 0 : i32
    %dma_start3A_1480 = tpu.memref_slice %arg15[%add3A_1472, %dma_start3A_1479] : memref<8192x1024xf32, #tpu.memory_space<hbm>> -> memref<32x1024xf32, #tpu.memory_space<hbm>>
    tpu.enqueue_dma source(%arg23 : memref<32x1024xf32, #tpu.memory_space<vmem>>) target(%dma_start3A_1480 : memref<32x1024xf32, #tpu.memory_space<hbm>>) target_semaphore(%arg29 : memref<!tpu.dma_semaphore, #tpu.memory_space<semaphore_mem>>)
    %dma_wait3A_1481 = arith.constant 0 : i32
    %dma_wait3A_1482 = tpu.memref_slice %arg14[%add3A_1408, %dma_wait3A_1481] : memref<8192x1024xf32, #tpu.memory_space<hbm>> -> memref<32x1024xf32, #tpu.memory_space<hbm>>
    %dma_wait3A_1483 = arith.constant 0 : i32
    %dma_wait3A_1484 = tpu.memref_slice %arg14[%add3A_1408, %dma_wait3A_1483] : memref<8192x1024xf32, #tpu.memory_space<hbm>> -> memref<32x1024xf32, #tpu.memory_space<hbm>>
    tpu.wait_dma2 semaphore(%arg30 : memref<!tpu.dma_semaphore, #tpu.memory_space<semaphore_mem>>) src(%arg24 : memref<32x1024xf32, #tpu.memory_space<vmem>>) dst(%dma_wait3A_1484 : memref<32x1024xf32, #tpu.memory_space<hbm>>)
    %dma_wait3A_1485 = arith.constant 0 : i32
    %dma_wait3A_1486 = tpu.memref_slice %arg15[%add3A_1408, %dma_wait3A_1485] : memref<8192x1024xf32, #tpu.memory_space<hbm>> -> memref<32x1024xf32, #tpu.memory_space<hbm>>
    %dma_wait3A_1487 = arith.constant 0 : i32
    %dma_wait3A_1488 = tpu.memref_slice %arg15[%add3A_1408, %dma_wait3A_1487] : memref<8192x1024xf32, #tpu.memory_space<hbm>> -> memref<32x1024xf32, #tpu.memory_space<hbm>>
    tpu.wait_dma2 semaphore(%arg30 : memref<!tpu.dma_semaphore, #tpu.memory_space<semaphore_mem>>) src(%arg24 : memref<32x1024xf32, #tpu.memory_space<vmem>>) dst(%dma_wait3A_1488 : memref<32x1024xf32, #tpu.memory_space<hbm>>)
    %dma_start3A_1489 = arith.constant 7 : i32
    %dma_start3A_1490 = arith.constant 0 : i32
    %dma_start3A_1491 = tpu.memref_slice %arg21[%dma_start3A_1489, %dma_start3A_1490] : memref<8x32xi32, #tpu.memory_space<vmem>> -> memref<1x32xi32, #tpu.memory_space<vmem>>
    %dma_start3A_1492 = tpu.memref_squeeze %dma_start3A_1491 : memref<1x32xi32, #tpu.memory_space<vmem>> -> memref<32xi32, #tpu.memory_space<vmem>>
    %dma_start3A_1493 = arith.constant 0 : i32
    %dma_start3A_1494 = arith.constant 0 : i32
    %dma_start3A_1495 = tpu.memref_slice %arg8[%dma_start3A_1493, %dma_start3A_1494] : memref<50304x1024xf32, #tpu.memory_space<hbm>> -> memref<50304x1024xf32, #tpu.memory_space<hbm>>
    tpu.enqueue_indirect_dma source(%dma_start3A_1495 : memref<50304x1024xf32, #tpu.memory_space<hbm>>) target(%arg24 : memref<32x1024xf32, #tpu.memory_space<vmem>>) offsets(%dma_start3A_1492 : memref<32xi32, #tpu.memory_space<vmem>>) semaphore(%arg27 : memref<!tpu.dma_semaphore, #tpu.memory_space<semaphore_mem>>)
    %dma_wait3A_1496 = arith.constant 7 : i32
    %dma_wait3A_1497 = arith.constant 0 : i32
    %dma_wait3A_1498 = tpu.memref_slice %arg21[%dma_wait3A_1496, %dma_wait3A_1497] : memref<8x32xi32, #tpu.memory_space<vmem>> -> memref<1x32xi32, #tpu.memory_space<vmem>>
    %dma_wait3A_1499 = tpu.memref_squeeze %dma_wait3A_1498 : memref<1x32xi32, #tpu.memory_space<vmem>> -> memref<32xi32, #tpu.memory_space<vmem>>
    %dma_wait3A_1500 = arith.constant 0 : i32
    %dma_wait3A_1501 = arith.constant 0 : i32
    %dma_wait3A_1502 = tpu.memref_slice %arg8[%dma_wait3A_1500, %dma_wait3A_1501] : memref<50304x1024xf32, #tpu.memory_space<hbm>> -> memref<50304x1024xf32, #tpu.memory_space<hbm>>
    tpu.wait_indirect_dma semaphore(%arg27 : memref<!tpu.dma_semaphore, #tpu.memory_space<semaphore_mem>>) src(%dma_wait3A_1502 : memref<50304x1024xf32, #tpu.memory_space<hbm>>) dst(%arg24 : memref<32x1024xf32, #tpu.memory_space<vmem>>)
    %add3A_1503 = arith.constant 224 : i32
    %add3A_1504 = arith.addi %mul3A_2, %add3A_1503 : i32
    %dma_start3A_1505 = arith.constant 0 : i32
    %dma_start3A_1506 = tpu.memref_slice %arg14[%add3A_1504, %dma_start3A_1505] : memref<8192x1024xf32, #tpu.memory_space<hbm>> -> memref<32x1024xf32, #tpu.memory_space<hbm>>
    %dma_start3A_1507 = arith.constant 0 : i32
    %dma_start3A_1508 = tpu.memref_slice %arg14[%add3A_1504, %dma_start3A_1507] : memref<8192x1024xf32, #tpu.memory_space<hbm>> -> memref<32x1024xf32, #tpu.memory_space<hbm>>
    tpu.enqueue_dma source(%arg24 : memref<32x1024xf32, #tpu.memory_space<vmem>>) target(%dma_start3A_1508 : memref<32x1024xf32, #tpu.memory_space<hbm>>) target_semaphore(%arg30 : memref<!tpu.dma_semaphore, #tpu.memory_space<semaphore_mem>>)
    %dma_start3A_1509 = arith.constant 0 : i32
    %dma_start3A_1510 = tpu.memref_slice %arg15[%add3A_1504, %dma_start3A_1509] : memref<8192x1024xf32, #tpu.memory_space<hbm>> -> memref<32x1024xf32, #tpu.memory_space<hbm>>
    %dma_start3A_1511 = arith.constant 0 : i32
    %dma_start3A_1512 = tpu.memref_slice %arg15[%add3A_1504, %dma_start3A_1511] : memref<8192x1024xf32, #tpu.memory_space<hbm>> -> memref<32x1024xf32, #tpu.memory_space<hbm>>
    tpu.enqueue_dma source(%arg24 : memref<32x1024xf32, #tpu.memory_space<vmem>>) target(%dma_start3A_1512 : memref<32x1024xf32, #tpu.memory_space<hbm>>) target_semaphore(%arg30 : memref<!tpu.dma_semaphore, #tpu.memory_space<semaphore_mem>>)
    %dma_wait3A_1513 = arith.constant 0 : i32
    %dma_wait3A_1514 = tpu.memref_slice %arg14[%add3A_1440, %dma_wait3A_1513] : memref<8192x1024xf32, #tpu.memory_space<hbm>> -> memref<32x1024xf32, #tpu.memory_space<hbm>>
    %dma_wait3A_1515 = arith.constant 0 : i32
    %dma_wait3A_1516 = tpu.memref_slice %arg14[%add3A_1440, %dma_wait3A_1515] : memref<8192x1024xf32, #tpu.memory_space<hbm>> -> memref<32x1024xf32, #tpu.memory_space<hbm>>
    tpu.wait_dma2 semaphore(%arg28 : memref<!tpu.dma_semaphore, #tpu.memory_space<semaphore_mem>>) src(%arg22 : memref<32x1024xf32, #tpu.memory_space<vmem>>) dst(%dma_wait3A_1516 : memref<32x1024xf32, #tpu.memory_space<hbm>>)
    %dma_wait3A_1517 = arith.constant 0 : i32
    %dma_wait3A_1518 = tpu.memref_slice %arg15[%add3A_1440, %dma_wait3A_1517] : memref<8192x1024xf32, #tpu.memory_space<hbm>> -> memref<32x1024xf32, #tpu.memory_space<hbm>>
    %dma_wait3A_1519 = arith.constant 0 : i32
    %dma_wait3A_1520 = tpu.memref_slice %arg15[%add3A_1440, %dma_wait3A_1519] : memref<8192x1024xf32, #tpu.memory_space<hbm>> -> memref<32x1024xf32, #tpu.memory_space<hbm>>
    tpu.wait_dma2 semaphore(%arg28 : memref<!tpu.dma_semaphore, #tpu.memory_space<semaphore_mem>>) src(%arg22 : memref<32x1024xf32, #tpu.memory_space<vmem>>) dst(%dma_wait3A_1520 : memref<32x1024xf32, #tpu.memory_space<hbm>>)
    %dma_wait3A_1521 = arith.constant 0 : i32
    %dma_wait3A_1522 = tpu.memref_slice %arg14[%add3A_1472, %dma_wait3A_1521] : memref<8192x1024xf32, #tpu.memory_space<hbm>> -> memref<32x1024xf32, #tpu.memory_space<hbm>>
    %dma_wait3A_1523 = arith.constant 0 : i32
    %dma_wait3A_1524 = tpu.memref_slice %arg14[%add3A_1472, %dma_wait3A_1523] : memref<8192x1024xf32, #tpu.memory_space<hbm>> -> memref<32x1024xf32, #tpu.memory_space<hbm>>
    tpu.wait_dma2 semaphore(%arg29 : memref<!tpu.dma_semaphore, #tpu.memory_space<semaphore_mem>>) src(%arg23 : memref<32x1024xf32, #tpu.memory_space<vmem>>) dst(%dma_wait3A_1524 : memref<32x1024xf32, #tpu.memory_space<hbm>>)
    %dma_wait3A_1525 = arith.constant 0 : i32
    %dma_wait3A_1526 = tpu.memref_slice %arg15[%add3A_1472, %dma_wait3A_1525] : memref<8192x1024xf32, #tpu.memory_space<hbm>> -> memref<32x1024xf32, #tpu.memory_space<hbm>>
    %dma_wait3A_1527 = arith.constant 0 : i32
    %dma_wait3A_1528 = tpu.memref_slice %arg15[%add3A_1472, %dma_wait3A_1527] : memref<8192x1024xf32, #tpu.memory_space<hbm>> -> memref<32x1024xf32, #tpu.memory_space<hbm>>
    tpu.wait_dma2 semaphore(%arg29 : memref<!tpu.dma_semaphore, #tpu.memory_space<semaphore_mem>>) src(%arg23 : memref<32x1024xf32, #tpu.memory_space<vmem>>) dst(%dma_wait3A_1528 : memref<32x1024xf32, #tpu.memory_space<hbm>>)
    %dma_wait3A_1529 = arith.constant 0 : i32
    %dma_wait3A_1530 = tpu.memref_slice %arg14[%add3A_1504, %dma_wait3A_1529] : memref<8192x1024xf32, #tpu.memory_space<hbm>> -> memref<32x1024xf32, #tpu.memory_space<hbm>>
    %dma_wait3A_1531 = arith.constant 0 : i32
    %dma_wait3A_1532 = tpu.memref_slice %arg14[%add3A_1504, %dma_wait3A_1531] : memref<8192x1024xf32, #tpu.memory_space<hbm>> -> memref<32x1024xf32, #tpu.memory_space<hbm>>
    tpu.wait_dma2 semaphore(%arg30 : memref<!tpu.dma_semaphore, #tpu.memory_space<semaphore_mem>>) src(%arg24 : memref<32x1024xf32, #tpu.memory_space<vmem>>) dst(%dma_wait3A_1532 : memref<32x1024xf32, #tpu.memory_space<hbm>>)
    %dma_wait3A_1533 = arith.constant 0 : i32
    %dma_wait3A_1534 = tpu.memref_slice %arg15[%add3A_1504, %dma_wait3A_1533] : memref<8192x1024xf32, #tpu.memory_space<hbm>> -> memref<32x1024xf32, #tpu.memory_space<hbm>>
    %dma_wait3A_1535 = arith.constant 0 : i32
    %dma_wait3A_1536 = tpu.memref_slice %arg15[%add3A_1504, %dma_wait3A_1535] : memref<8192x1024xf32, #tpu.memory_space<hbm>> -> memref<32x1024xf32, #tpu.memory_space<hbm>>
    tpu.wait_dma2 semaphore(%arg30 : memref<!tpu.dma_semaphore, #tpu.memory_space<semaphore_mem>>) src(%arg24 : memref<32x1024xf32, #tpu.memory_space<vmem>>) dst(%dma_wait3A_1536 : memref<32x1024xf32, #tpu.memory_space<hbm>>)
    return
  }
}

</mosaic_0001>

<sc_bundles>
// kernel: kernel.3.cloned.1.call-start
scs
__scs_entry_jumppad:
0x0: {  	(pc) =	sbr.rel $0x88, $3  }
0x1: {  	(tag) =	ssettag $0x0;
	lr =	simm.s32 $0x1  }
0x2: {  	[smem:$0x3F9A] =	sst lr;
	_ =	strace $0xD0000000  }
0x3: {  	_ = 	snop  }
0x4: {  	_ = 	snop  }
0x5: {  	_ = 	snop  }
0x6: {  	_ = 	snop  }
0x7: {  	_ = 	snop  }
__scs_overlays_trampoline_lowered:
0x8: {  	[smem:$0x3FA9] =	sst s0  }
0x9: {  	[smem:$0x3FAA] =	sst s1  }
0xa: {  	[smem:$0x3FAB] =	sst s2  }
0xb: {  	[smem:$0x3FAC] =	sst s3  }
0xc: {  	[smem:$0x3FAD] =	sst s4  }
0xd: {  	[smem:$0x3FAE] =	sst s5  }
0xe: {  	[smem:$0x3FAF] =	sst s6  }
0xf: {  	[smem:$0x3FB0] =	sst s7  }
0x10: {  	[smem:$0x3FB1] =	sst s8  }
0x11: {  	[smem:$0x3FB2] =	sst s9;
	s0 =	simm.s32 @!p0 $0x0  }
0x12: {  	s1 =	sld [smem:$0x3F98];
	s0 =	simm.s32 @p0 $0x1  }
0x13: {  	[smem:$0x3FB3] =	sst s0;
	s0 =	simm.s32 @!p1 $0x0  }
0x14: {  	s2 =	sld [smem:$0x3F97];
	s0 =	simm.s32 @p1 $0x1  }
0x15: {  	[smem:$0x3FB4] =	sst s0;
	s0 =	simm.s32 @!p2 $0x0  }
0x16: {  	s3 =	sld [smem:$0x3FDB];
	s0 =	simm.s32 @p2 $0x1  }
0x17: {  	s4 =	simm.s32 $0x1BF5;
	[smem:$0x3FB6] =	sst s0  }
0x18: {  	s0 =	sld [smem:$0x3F99];
	_ =	swait.ge [sflag:s4], $0x0  }
0x19: {  	s7 =	sld [smem:$0x3F9A]  }
0x1a: {  	s8 =	sadd.s32 $0xFFFFE003, lr  }
0x1b: {  	s9 =	sadd.s32 $0xFFFFFEF7, lr;
	s5 =	simm.s32 $0xFFFFFFFF;
	p2 =	slt.u32 s8, $0xFFFFF086  }
0x1c: {  	p1 =	slt.u32 s9, $0xF7A;
	s5 =	simm.s32 @!p2 $0x0  }
0x1d: {  	s5 =	simm.s32 @p1 $0x1;
	p0 =	seq.s32 s7, s2  }
0x1e: {  	s7 =	smul.u32 @!p0 $0xF7A, s2;
	p2 =	seq.s32 @!p0 s5, $0x0  }
0x1f: {  	s9 =	smul.u32 $0xF7A, s1;
	s8 =	simm.s32 @!p0 $0x1BF5;
	p2 =	por !p2, p0  }
0x20: {  	[sflag:s8] =	ssyncset.s32 @!p0 $0xFFFFF086;
	s6 =	sadd.s32 @!p0 s3, s7;
	s7 =	simm.s32 @!p0 $0x108  }
0x21: {  	s3 =	sadd.s32 s3, s9;
	s6 =	sadd.s32 @!p0 $0x88, s6;
	s7 =	simm.s32 @p2 $0x1082  }
0x22: {  	[simem:s7], [sflag:s8] =	dma.local @!p0 [hbm:s6], $0xF7A  }
0x23: {  	s9 =	sor.u32 $0xD0000000, s2;
	s6 =	simm.s32 $0x108;
	_ =	swait.ge @!p0 [sflag:s8], $0x0  }
0x24: {  	s3 =	sadd.s32 $0x88, s3;
	s6 =	simm.s32 @!p1 $0x1082;
	[sflag:s4] =	ssyncset.s32 $0xFFFFF086  }
0x25: {  	[simem:s6], [sflag:s4] =	dma.local [hbm:s3], $0xF7A  }
0x26: {  	[smem:$0x3F9A] =	sst s1;
	(tag) =	ssettag s2;
	_ =	strace s9  }
0x27: {  	s1 =	sld [smem:$0x3FAA]  }
0x28: {  	s2 =	sld [smem:$0x3FAB]  }
0x29: {  	s4 =	sld [smem:$0x3FAD]  }
0x2a: {  	p0 =	seq.s32 s5, $0x0;
	s5 =	sld [smem:$0x3FAE]  }
0x2b: {  	s6 =	sld [smem:$0x3FAF]  }
0x2c: {  	s7 =	sld [smem:$0x3FB0]  }
0x2d: {  	s3 =	simm.s32 $0x108;
	s8 =	sld [smem:$0x3FB1]  }
0x2e: {  	s3 =	simm.s32 @!p0 $0x1082;
	s9 =	sld [smem:$0x3FB2]  }
0x2f: {  	lr =	sadd.s32 s0, s3;
	s0 =	sld [smem:$0x3FA9]  }
0x30: {  	s3 =	sld [smem:$0x3FAC]  }
0x31: {  	[smem:$0x3FB5] =	sst s10  }
0x32: {  	s10 =	sld [smem:$0x3FB3];
	_ =	sdelay $0x3  }
0x33: {  	p0 =	seq.s32 s10, $0x1;
	s10 =	sld [smem:$0x3FB5];
	_ =	sdelay $0x3  }
0x34: {  	[smem:$0x3FB5] =	sst s10  }
0x35: {  	s10 =	sld [smem:$0x3FB4];
	_ =	sdelay $0x3  }
0x36: {  	p1 =	seq.s32 s10, $0x1;
	s10 =	sld [smem:$0x3FB5];
	_ =	sdelay $0x3  }
0x37: {  	[smem:$0x3FB5] =	sst s10  }
0x38: {  	s10 =	sld [smem:$0x3FB6]  }
0x39: {  	_ = 	snop;
	(pc) =	sbr.ind lr, $3  }
0x3a: {  	_ = 	snop  }
0x3b: {  	_ = 	snop  }
0x3c: {  	p2 =	seq.s32 s10, $0x1;
	s10 =	sld [smem:$0x3FB5]  }
0x3d: {  	_ =	shalt  }
0x3e: {  	_ =	shalt  }
0x3f: {  	_ =	shalt  }
0x40: {  	_ =	shalt  }
0x41: {  	_ =	shalt  }
0x42: {  	_ =	shalt  }
0x43: {  	_ =	shalt  }
0x44: {  	_ =	shalt  }
0x45: {  	_ =	shalt  }
0x46: {  	_ =	shalt  }
0x47: {  	_ =	shalt  }
0x48: {  	_ =	shalt  }
0x49: {  	_ =	shalt  }
0x4a: {  	_ =	shalt  }
0x4b: {  	_ =	shalt  }
0x4c: {  	_ =	shalt  }
0x4d: {  	_ =	shalt  }
0x4e: {  	_ =	shalt  }
0x4f: {  	_ =	shalt  }
0x50: {  	_ =	shalt  }
0x51: {  	_ =	shalt  }
0x52: {  	_ =	shalt  }
0x53: {  	_ =	shalt  }
0x54: {  	_ =	shalt  }
0x55: {  	_ =	shalt  }
0x56: {  	_ =	shalt  }
0x57: {  	_ =	shalt  }
0x58: {  	_ =	shalt  }
0x59: {  	_ =	shalt  }
0x5a: {  	_ =	shalt  }
0x5b: {  	_ =	shalt  }
0x5c: {  	_ =	shalt  }
0x5d: {  	_ =	shalt  }
0x5e: {  	_ =	shalt  }
0x5f: {  	_ =	shalt  }
0x60: {  	_ =	shalt  }
0x61: {  	_ =	shalt  }
0x62: {  	_ =	shalt  }
0x63: {  	_ =	shalt  }
0x64: {  	_ =	shalt  }
0x65: {  	_ =	shalt  }
0x66: {  	_ =	shalt  }
0x67: {  	_ =	shalt  }
0x68: {  	_ =	shalt  }
0x69: {  	_ =	shalt  }
0x6a: {  	_ =	shalt  }
0x6b: {  	_ =	shalt  }
0x6c: {  	_ =	shalt  }
0x6d: {  	_ =	shalt  }
0x6e: {  	_ =	shalt  }
0x6f: {  	_ =	shalt  }
0x70: {  	_ =	shalt  }
0x71: {  	_ =	shalt  }
0x72: {  	_ =	shalt  }
0x73: {  	_ =	shalt  }
0x74: {  	_ =	shalt  }
0x75: {  	_ =	shalt  }
0x76: {  	_ =	shalt  }
0x77: {  	_ =	shalt  }
0x78: {  	_ =	shalt  }
0x79: {  	_ =	shalt  }
0x7a: {  	_ =	shalt  }
0x7b: {  	_ =	shalt  }
0x7c: {  	_ =	shalt  }
0x7d: {  	_ =	shalt  }
0x7e: {  	_ =	shalt  }
0x7f: {  	_ =	shalt  }
0x80: {  	_ =	shalt  }
0x81: {  	_ =	shalt  }
0x82: {  	_ =	shalt  }
0x83: {  	_ =	shalt  }
0x84: {  	_ =	shalt  }
0x85: {  	_ =	shalt  }
0x86: {  	_ =	shalt  }
0x87: {  	_ =	shalt  }
.Lfunc_end0:
.L_simem_size_0:
called_computation_lowered:
.L_overlay_start_0:
0x88: {  	s2 =	sld [smem:$0x3FD9]  }
0x89: {  	s3 =	sld [smem:$0x3FFE];
	_ =	sdelay $0x1  }
0x8a: {  	s1 =	srdreg.scid  }
0x8b: {  	s0 =	sand.u32 $0x1, s1  }
0x8c: {  	s28 =	sshll.u32 s0, $0xA;
	s2 =	sadd.s32 s3, s2  }
0x8d: {  	s2 =	sadd.s32 s2, s28  }
0x8e: {  	[smem:$0x3FC1] =	sst s2  }
0x8f: {  	_ = 	snop  }
0x90: {  	s2 =	sld [smem:$0x3FC8]  }
0x91: {  	s3 =	sld [smem:$0x3FC7]  }
0x92: {  	s4 =	sld [smem:$0x3FC6]  }
0x93: {  	s15 =	sld [smem:$0x3FD0]  }
0x94: {  	s5 =	sld [smem:$0x3FC5]  }
0x95: {  	s6 =	sld [smem:$0x3FC4]  }
0x96: {  	s19 =	simm.s32 $0xA;
	s17 =	simm.s32 $0x10;
	s7 =	sld [smem:$0x3FC3]  }
0x97: {  	[smem:s17], [sflag:s19] =	dma.local [hbm:s15], $0x1  }
0x98: {  	_ =	swait.eq [sflag:s19], $0x1  }
0x99: {  	s8 =	sld [smem:$0x10]  }
0x9a: {  	s9 =	sld [smem:$0x11]  }
0x9b: {  	s10 =	sld [smem:$0x12]  }
0x9c: {  	s11 =	sld [smem:$0x13]  }
0x9d: {  	s12 =	sld [smem:$0x14]  }
0x9e: {  	s13 =	sld [smem:$0x15];
	[sflag:s19] =	ssyncset.done $0x0  }
0x9f: {  	s14 =	sld [smem:$0x16];
	[sflag:s19] =	ssyncadd.s32 $0xFFFFFFFF  }
0xa0: {  	s15 =	sadd.s32 $0x1, s15;
	s16 =	sld [smem:$0x17]  }
0xa1: {  	[smem:s17], [sflag:s19] =	dma.local [hbm:s15], $0x1  }
0xa2: {  	_ =	swait.eq [sflag:s19], $0x1  }
0xa3: {  	s17 =	sld [smem:$0x10]  }
0xa4: {  	s18 =	sld [smem:$0x11];
	[sflag:s19] =	ssyncset.done $0x0  }
0xa5: {  	s20 =	sld [smem:$0x12];
	[sflag:s19] =	ssyncadd.s32 $0xFFFFFFFF  }
0xa6: {  	s19 =	sld [smem:$0x13];
	(tm) =	ssettm $0x1  }
0xa7: {  	s29 =	sld [smem:$0x3FFB];
	_ =	sdelay $0x3  }
0xa8: {  	_ =	strace s29  }
0xa9: {  	s15 =	sld [smem:$0x3FFC];
	_ =	sdelay $0x3  }
0xaa: {  	_ =	strace s15  }
0xab: {  	s15 =	sld [smem:$0x3FFD];
	_ =	sdelay $0x3  }
0xac: {  	_ =	strace s15  }
0xad: {  	_ =	strace $0x8FFFFFFF  }
0xae: {  	s30 =	sld [smem:$0x3FDB];
	_ =	sdelay $0x1  }
0xaf: {  	s21 =	simm.s32 $_scs_section_size  }
0xb0: {  	s22 =	simm.s32 $_size__tile_task_arg_handler_lowered;
	s23 =	simm.s32 $_tile_task_arg_handler_lowered  }
0xb1: {  	s26 =	simm.s32 $0x1BFF;
	s25 =	sshll.u32 s23, $0x1;
	s21 =	sadd.s32 s21, s30  }
0xb2: {  	s24 =	simm.s32 $0x60;
	s31 =	sshll.u32 s22, $0x1;
	s22 =	sadd.s32 s25, s21  }
0xb3: {  	[timem:s24], [sflag:s26] =	dma.local [hbm:s22], s31  }
0xb4: {  	_ =	swait.ge [sflag:s26], s31  }
0xb5: {  	s28 =	simm.s32 $_tile_overlayer_lowered;
	s15 =	ssub.s32 $0x0, s31;
	[sflag:s26] =	ssyncset.done $0x0  }
0xb6: {  	s29 =	simm.s32 $_size__tile_overlayer_lowered;
	s22 =	sshll.u32 s28, $0x1;
	[sflag:s26] =	ssyncadd.s32 s15  }
0xb7: {  	s30 =	sshll.u32 s29, $0x1;
	s22 =	sadd.s32 s22, s21;
	s15 =	simm.s32 $0x0  }
0xb8: {  	[timem:s15], [sflag:s26] =	dma.local [hbm:s22], s30  }
0xb9: {  	_ =	swait.ge [sflag:s26], s30  }
0xba: {  	s31 =	ssub.s32 $0x0, s30;
	[sflag:s26] =	ssyncset.done $0x0  }
0xbb: {  	[sflag:s26] =	ssyncadd.s32 s31;
	_ =	sdelay $0x1  }
0xbc: {  	s23 =	simm.s32 $0x1B8B  }
0xbd: {  	_ =	swait.ge [sflag:s23], $0x1  }
0xbe: {  	[sflag:s23] =	ssyncset.done $0x0  }
0xbf: {  	s25 =	simm.s32 $0x1B8E;
	s24 =	sld [smem:$0x3FFE];
	[sflag:s23] =	ssyncadd.s32 $0xFFFFFFFF  }
0xc0: {  	s26 =	simm.s32 $execute0_lowered;
	[smem:$0x3FD2] =	sst s25  }
0xc1: {  	s23 =	sshll.u32 s26, $0x1;
	_ =	strace $0x80000046;
	[dreg:$0x1] =	wrdreg $0xFFFFFFFF  }
0xc2: {  	s28 =	simm.s32 $_size_execute0_lowered;
	s21 =	sadd.s32 s21, s23;
	[dreg:$0x0] =	wrdreg $0x0  }
0xc3: {  	s23 =	sshll.u32 s28, $0x1;
	[dreg:$0x2] =	wrdreg s21  }
0xc4: {  	[dreg:$0x3] =	wrdreg s23  }
0xc5: {  	[dreg:$0x4] =	wrdreg $0xC0  }
0xc6: {  	_ =	task [dreg:s15], $0x5FFFF  }
0xc7: {  	[dreg:$0x1] =	wrdreg $0xFFFFFFFF  }
0xc8: {  	[dreg:$0x0] =	wrdreg $0x30  }
0xc9: {  	[dreg:$0x2] =	wrdreg $0x0  }
0xca: {  	[dreg:$0x3] =	wrdreg s16  }
0xcb: {  	[dreg:$0x4] =	wrdreg s17  }
0xcc: {  	[dreg:$0x5] =	wrdreg s18  }
0xcd: {  	[dreg:$0x6] =	wrdreg s20  }
0xce: {  	[dreg:$0x7] =	wrdreg s19  }
0xcf: {  	[dreg:$0x8] =	wrdreg $0x9  }
0xd0: {  	_ =	task [dreg:s15], $0x9FFFF  }
0xd1: {  	[dreg:$0x1] =	wrdreg $0xFFFFFFFF  }
0xd2: {  	[dreg:$0x0] =	wrdreg $0x60  }
0xd3: {  	[dreg:$0x2] =	wrdreg s24  }
0xd4: {  	[dreg:$0x3] =	wrdreg s2  }
0xd5: {  	[dreg:$0x4] =	wrdreg s3  }
0xd6: {  	[dreg:$0x5] =	wrdreg s4  }
0xd7: {  	[dreg:$0x6] =	wrdreg s5  }
0xd8: {  	[dreg:$0x7] =	wrdreg s6  }
0xd9: {  	[dreg:$0x8] =	wrdreg s7  }
0xda: {  	[dreg:$0x9] =	wrdreg s8  }
0xdb: {  	[dreg:$0xa] =	wrdreg s9  }
0xdc: {  	[dreg:$0xb] =	wrdreg s10  }
0xdd: {  	[dreg:$0xc] =	wrdreg s11  }
0xde: {  	[dreg:$0xd] =	wrdreg s12  }
0xdf: {  	[dreg:$0xe] =	wrdreg s13  }
0xe0: {  	[dreg:$0xf] =	wrdreg s14  }
0xe1: {  	_ =	task.clear_ibuf [dreg:s15], $0x10FFFF;
	_ =	strace $0x90000046  }
0xe2: {  	s29 =	simm.s32 $0x9;
	_ =	strace $0x80000048  }
0xe3: {  	_ =	swait.ge [sflag:s29], $0x1  }
0xe4: {  	[sflag:s29] =	ssyncadd.s32 $0xFFFFFFFF  }
0xe5: {  	_ =	strace $0x90000048  }
0xe6: {  	_ =	sfence  }
0xe7: {  	s30 =	sld [smem:$0x0];
	_ =	sdelay $0x2  }
0xe8: {  	s31 =	sshll.u32 s1, $0xD;
	s1 =	sshrl.u32 s1, $0x2  }
0xe9: {  	s3 =	sand.u32 $0x4000, s31;
	s1 =	sadd.s32 s1, s30  }
0xea: {  	s0 =	sor.u32 s3, s0;
	s1 =	sshll.u32 s1, $0x11  }
0xeb: {  	s0 =	sor.u32 s1, s0  }
0xec: {  	s0 =	sadd.s32 $0x8F2B, s0  }
0xed: {  	[sflag:s0] =	ssyncadd.remote.s32 $0x1  }
0xee: {  	_ =	sfence.sel $0xFFFF  }
0xef: {  	[dreg:$0x0] =	wrdreg $0xFFFFFFFF;
	(pc) =	sbr.abs _section_cstart, $3  }
0xf0: {  	[dreg:$0x1] =	wrdreg $0xFFFFFFFF  }
0xf1: {  	_ =	task.clear_ibuf [dreg:s15], $0x2FFFF;
	_ =	strace $0x9FFFFFFF  }
0xf2: {  	(tm) =	ssettm $0x7FFFFFFF  }
0xf3: {  	_ =	shalt  }
tec
_tile_task_arg_handler_lowered:
.L_overlay_start_1:
0x0: {  	(tag) =	ssettag $0x1  }
0x1: {  	s0 =	rddreg [dreg:$0x0]  }
0x2: {  	s1 =	rddreg [dreg:$0x1]  }
0x3: {  	s2 =	rddreg [dreg:$0x2]  }
0x4: {  	s3 =	rddreg [dreg:$0x3]  }
0x5: {  	s4 =	rddreg [dreg:$0x4]  }
0x6: {  	s5 =	rddreg [dreg:$0x5]  }
0x7: {  	s6 =	rddreg [dreg:$0x6]  }
0x8: {  	s7 =	rddreg [dreg:$0x7]  }
0x9: {  	s8 =	rddreg [dreg:$0x8]  }
0xa: {  	s9 =	rddreg [dreg:$0x9]  }
0xb: {  	s10 =	rddreg [dreg:$0xa]  }
0xc: {  	s11 =	rddreg [dreg:$0xb]  }
0xd: {  	s12 =	rddreg [dreg:$0xc]  }
0xe: {  	s13 =	rddreg [dreg:$0xd]  }
0xf: {  	[smem:s0] =	sst s1  }
0x10: {  	[smem:s0+$0x1] =	sst s2  }
0x11: {  	[smem:s0+$0x2] =	sst s3  }
0x12: {  	[smem:s0+$0x3] =	sst s4  }
0x13: {  	[smem:s0+$0x4] =	sst s5  }
0x14: {  	[smem:s0+$0x5] =	sst s6  }
0x15: {  	[smem:s0+$0x6] =	sst s7  }
0x16: {  	[smem:s0+$0x7] =	sst s8  }
0x17: {  	[smem:s0+$0x8] =	sst s9  }
0x18: {  	[smem:s0+$0x9] =	sst s10  }
0x19: {  	[smem:s0+$0xA] =	sst s11  }
0x1a: {  	[smem:s0+$0xB] =	sst s12  }
0x1b: {  	[smem:s0+$0xC] =	sst s13;
	_ =	shalt  }
.Lfunc_end2:
execute0_lowered:
.L_overlay_start_2:
0x1c: {  	(tag) =	ssettag $0x2  }
0x1d: {  	s8 =	rddreg [dreg:$0x0]  }
0x1e: {  	s3 =	rddreg [dreg:$0x1]  }
0x1f: {  	s4 =	rddreg [dreg:$0x2]  }
0x20: {  	s5 =	rddreg [dreg:$0x3]  }
0x21: {  	s26 =	rddreg [dreg:$0x4]  }
0x22: {  	s28 =	rddreg [dreg:$0x5]  }
0x23: {  	s29 =	rddreg [dreg:$0x6]  }
0x24: {  	s23 =	rddreg [dreg:$0x7]  }
0x25: {  	s21 =	rddreg [dreg:$0x8]  }
0x26: {  	s18 =	rddreg [dreg:$0x9]  }
0x27: {  	s14 =	rddreg [dreg:$0xa]  }
0x28: {  	s2 =	rddreg [dreg:$0xb]  }
0x29: {  	s1 =	rddreg [dreg:$0xc]  }
0x2a: {  	s0 =	rddreg [dreg:$0xd];
	s6 =	simm.s32 $0x0  }
0x2b: {  	[smem:$0x7FF] =	sst s6  }
0x2c: {  	s9 =	srdreg.scid;
	s7 =	sld [smem:$0x0]  }
0x2d: {  	s10 =	stileid.u32;
	s16 =	sld [smem:$0x1]  }
0x2e: {  	s9 =	sand.u32 $0x1, s9;
	s10 =	sshll.u32 s10, $0x1;
	s20 =	sld [smem:$0x2]  }
0x2f: {  	s10 =	sor.u32 s9, s10;
	s12 =	sld [smem:$0x5]  }
0x30: {  	s22 =	sld [smem:$0x3];
	s11 =	sshll.u32 s10, $0x7  }
0x31: {  	s24 =	sld [smem:$0x4];
	s8 =	sadd.s32 s11, s8  }
0x32: {  	[smem:$0x7AE] =	sst s12;
	s8 =	sadd.s32 $0x800, s8;
	s12 =	sshll.u32 s10, $0xF  }
0x33: {  	_ =	strace $0x80000047;
	[dreg:$0xe] =	wrdreg s8;
	s11 =	sadd.s32 s23, s12  }
0x34: {  	s13 =	sadd.s32 s24, s12;
	s10 =	sor.u32 $0x1000, s12;
	[dreg:$0xf] =	wrdreg s11  }
0x35: {  	[dreg:$0x10] =	wrdreg s13;
	s15 =	sadd.s32 s23, s10  }
0x36: {  	s17 =	sadd.s32 s24, s10;
	s11 =	sor.u32 $0x2000, s12;
	[dreg:$0x11] =	wrdreg s15  }
0x37: {  	[dreg:$0x12] =	wrdreg s17;
	s19 =	sadd.s32 s23, s11  }
0x38: {  	s13 =	sor.u32 $0x3000, s12;
	s25 =	sadd.s32 s24, s11;
	[dreg:$0x13] =	wrdreg s19  }
0x39: {  	s15 =	sadd.s32 s23, s13;
	[dreg:$0x14] =	wrdreg s25  }
0x3a: {  	s17 =	sadd.s32 s24, s13;
	[dreg:$0x15] =	wrdreg s15;
	s15 =	sor.u32 $0x4000, s12  }
0x3b: {  	[dreg:$0x16] =	wrdreg s17;
	s19 =	sadd.s32 s23, s15  }
0x3c: {  	s17 =	sor.u32 $0x5000, s12;
	s25 =	sadd.s32 s24, s15;
	[dreg:$0x17] =	wrdreg s19  }
0x3d: {  	[dreg:$0x18] =	wrdreg s25;
	s19 =	sadd.s32 s23, s17  }
0x3e: {  	s25 =	sadd.s32 s24, s17;
	[dreg:$0x19] =	wrdreg s19;
	s19 =	sor.u32 $0x6000, s12  }
0x3f: {  	s8 =	sor.u32 $0x7000, s12;
	[dreg:$0x1a] =	wrdreg s25;
	s25 =	sadd.s32 s23, s19  }
0x40: {  	s23 =	sadd.s32 s23, s8;
	[dreg:$0x1b] =	wrdreg s25  }
0x41: {  	s25 =	sadd.s32 s24, s19;
	[dreg:$0x1d] =	wrdreg s23  }
0x42: {  	s23 =	sadd.s32 s18, s12;
	[dreg:$0x1c] =	wrdreg s25  }
0x43: {  	s25 =	sadd.s32 s24, s8;
	[smem:$0x7BE] =	sst s23  }
0x44: {  	s24 =	sadd.s32 s21, s12;
	[dreg:$0x1e] =	wrdreg s25  }
0x45: {  	s23 =	sadd.s32 s18, s11;
	[dreg:$0x1f] =	wrdreg s24  }
0x46: {  	s25 =	sadd.s32 s22, s12;
	[smem:$0x7C2] =	sst s23  }
0x47: {  	s24 =	sadd.s32 s21, s10;
	[smem:$0x7AF] =	sst s25  }
0x48: {  	s23 =	sadd.s32 s18, s15;
	[smem:$0x7B0] =	sst s24  }
0x49: {  	s25 =	sadd.s32 s22, s10;
	[smem:$0x7C6] =	sst s23  }
0x4a: {  	s24 =	sadd.s32 s21, s11;
	[smem:$0x7B1] =	sst s25  }
0x4b: {  	s23 =	sadd.s32 s18, s19;
	[smem:$0x7B2] =	sst s24  }
0x4c: {  	s25 =	sadd.s32 s22, s11;
	[smem:$0x7CA] =	sst s23  }
0x4d: {  	s24 =	sadd.s32 s21, s13;
	[smem:$0x7B3] =	sst s25  }
0x4e: {  	s23 =	sadd.s32 s16, s10;
	[smem:$0x7B4] =	sst s24  }
0x4f: {  	s25 =	sadd.s32 s22, s13;
	[smem:$0x7D1] =	sst s23  }
0x50: {  	s24 =	sadd.s32 s21, s15;
	[smem:$0x7B5] =	sst s25  }
0x51: {  	s23 =	sadd.s32 s16, s15;
	[smem:$0x7B6] =	sst s24  }
0x52: {  	s25 =	sadd.s32 s22, s15;
	[smem:$0x7D7] =	sst s23  }
0x53: {  	s24 =	sadd.s32 s21, s17;
	[smem:$0x7B7] =	sst s25  }
0x54: {  	s23 =	sadd.s32 s2, s12;
	[smem:$0x7B8] =	sst s24  }
0x55: {  	s25 =	sadd.s32 s22, s17;
	[smem:$0x7DE] =	sst s23  }
0x56: {  	s24 =	sadd.s32 s21, s19;
	[smem:$0x7B9] =	sst s25  }
0x57: {  	s21 =	sadd.s32 s21, s8;
	[smem:$0x7BA] =	sst s24  }
0x58: {  	s23 =	sadd.s32 s2, s15;
	[smem:$0x7BC] =	sst s21  }
0x59: {  	s25 =	sadd.s32 s22, s19;
	[smem:$0x7E6] =	sst s23  }
0x5a: {  	s22 =	sadd.s32 s22, s8;
	[smem:$0x7BB] =	sst s25  }
0x5b: {  	s24 =	sadd.s32 s20, s12;
	[smem:$0x7BD] =	sst s22  }
0x5c: {  	s21 =	sadd.s32 s16, s12;
	[smem:$0x7BF] =	sst s24  }
0x5d: {  	s25 =	sadd.s32 s18, s10;
	[smem:$0x7CF] =	sst s21  }
0x5e: {  	s22 =	sadd.s32 s20, s10;
	[smem:$0x7C0] =	sst s25  }
0x5f: {  	s24 =	sadd.s32 s20, s11;
	[smem:$0x7C1] =	sst s22  }
0x60: {  	s21 =	sadd.s32 s16, s13;
	[smem:$0x7C3] =	sst s24  }
0x61: {  	s25 =	sadd.s32 s18, s13;
	[smem:$0x7D5] =	sst s21  }
0x62: {  	s22 =	sadd.s32 s20, s13;
	[smem:$0x7C4] =	sst s25  }
0x63: {  	s24 =	sadd.s32 s20, s15;
	[smem:$0x7C5] =	sst s22  }
0x64: {  	s21 =	sadd.s32 s16, s19;
	[smem:$0x7C7] =	sst s24  }
0x65: {  	s25 =	sadd.s32 s18, s17;
	[smem:$0x7DB] =	sst s21  }
0x66: {  	s22 =	sadd.s32 s20, s17;
	[smem:$0x7C8] =	sst s25  }
0x67: {  	s24 =	sadd.s32 s20, s19;
	[smem:$0x7C9] =	sst s22  }
0x68: {  	s18 =	sadd.s32 s18, s8;
	[smem:$0x7CB] =	sst s24  }
0x69: {  	s21 =	sadd.s32 s2, s13;
	[smem:$0x7CC] =	sst s18  }
0x6a: {  	s25 =	sadd.s32 s20, s8;
	[smem:$0x7E4] =	sst s21  }
0x6b: {  	s20 =	sadd.s32 s14, s12;
	[smem:$0x7CD] =	sst s25  }
0x6c: {  	s22 =	sadd.s32 s14, s10;
	[smem:$0x7CE] =	sst s20  }
0x6d: {  	s24 =	sadd.s32 s14, s11;
	[smem:$0x7D0] =	sst s22  }
0x6e: {  	s18 =	sadd.s32 s2, s11;
	[smem:$0x7D2] =	sst s24  }
0x6f: {  	s21 =	sadd.s32 s7, s8;
	[smem:$0x7E2] =	sst s18  }
0x70: {  	s25 =	sadd.s32 s16, s11;
	[smem:$0x7ED] =	sst s21  }
0x71: {  	s20 =	sadd.s32 s14, s13;
	[smem:$0x7D3] =	sst s25  }
0x72: {  	s22 =	sadd.s32 s14, s15;
	[smem:$0x7D4] =	sst s20  }
0x73: {  	s24 =	sadd.s32 s14, s17;
	[smem:$0x7D6] =	sst s22  }
0x74: {  	s18 =	sadd.s32 s2, s19;
	[smem:$0x7D8] =	sst s24  }
0x75: {  	s21 =	sadd.s32 s0, s15;
	[smem:$0x7EA] =	sst s18  }
0x76: {  	s25 =	sadd.s32 s16, s17;
	[smem:$0x7F7] =	sst s21  }
0x77: {  	s20 =	sadd.s32 s14, s19;
	[smem:$0x7D9] =	sst s25  }
0x78: {  	s14 =	sadd.s32 s14, s8;
	[smem:$0x7DA] =	sst s20  }
0x79: {  	s22 =	sadd.s32 s16, s8;
	[smem:$0x7DC] =	sst s14  }
0x7a: {  	s24 =	sadd.s32 s7, s12;
	[smem:$0x7DD] =	sst s22  }
0x7b: {  	s16 =	sadd.s32 s7, s10;
	[smem:$0x7DF] =	sst s24  }
0x7c: {  	s18 =	sadd.s32 s0, s13;
	[smem:$0x7E1] =	sst s16  }
0x7d: {  	s25 =	sadd.s32 s2, s10;
	[smem:$0x7F5] =	sst s18  }
0x7e: {  	s20 =	sadd.s32 s7, s11;
	[smem:$0x7E0] =	sst s25  }
0x7f: {  	s30 =	simm.s32 $0x400;
	s22 =	sadd.s32 s7, s13;
	[smem:$0x7E3] =	sst s20  }
0x80: {  	s31 =	simm.s32 $0x1;
	s24 =	sadd.s32 s7, s15;
	[smem:$0x7E5] =	sst s22  }
0x81: {  	s23 =	ssub.s32 $0x2, s9;
	s16 =	sadd.s32 s7, s17;
	[smem:$0x7E7] =	sst s24  }
0x82: {  	s9 =	sshrl.u32 s23, $0x1;
	s14 =	sadd.s32 s0, s11;
	[smem:$0x7E9] =	sst s16  }
0x83: {  	s21 =	sadd.s32 $0x100, s28;
	s25 =	sadd.s32 s2, s17;
	[smem:$0x7F3] =	sst s14  }
0x84: {  	s18 =	sadd.s32 $0x100, s26;
	s20 =	sadd.s32 s7, s19;
	[smem:$0x7E8] =	sst s25  }
0x85: {  	s2 =	sadd.s32 s2, s8;
	s22 =	sadd.s32 s1, s12;
	[smem:$0x7EB] =	sst s20  }
0x86: {  	s24 =	sadd.s32 s0, s12;
	s7 =	ssub.s32 s23, s9;
	[smem:$0x7EC] =	sst s2  }
0x87: {  	s9 =	sadd.s32 $0x100, s3;
	s12 =	sadd.s32 s1, s11;
	[smem:$0x7EE] =	sst s22  }
0x88: {  	s11 =	sadd.s32 $0x300, s3;
	s16 =	sadd.s32 s1, s13;
	[smem:$0x7EF] =	sst s24  }
0x89: {  	s13 =	sadd.s32 $0x200, s4;
	s14 =	sadd.s32 $0x300, s4;
	[smem:$0x7F2] =	sst s12  }
0x8a: {  	s23 =	sadd.s32 s0, s17;
	s25 =	sadd.s32 s1, s10;
	[smem:$0x7F4] =	sst s16  }
0x8b: {  	s10 =	sadd.s32 s0, s10;
	s12 =	sadd.s32 $0x100, s4;
	[smem:$0x7F9] =	sst s23  }
0x8c: {  	s20 =	sadd.s32 s1, s15;
	s15 =	sadd.s32 $0x100, s5;
	[smem:$0x7F0] =	sst s25  }
0x8d: {  	s22 =	sadd.s32 s1, s17;
	s16 =	sadd.s32 $0x200, s5;
	[smem:$0x7F1] =	sst s10  }
0x8e: {  	s17 =	sadd.s32 $0x300, s5;
	s24 =	sadd.s32 s1, s19;
	[smem:$0x7F6] =	sst s20  }
0x8f: {  	s1 =	sadd.s32 s1, s8;
	s23 =	sadd.s32 $0x300, s28;
	[smem:$0x7F8] =	sst s22  }
0x90: {  	s2 =	simm.s32 $0x6;
	s10 =	sadd.s32 $0x200, s3;
	[smem:$0x7FA] =	sst s24  }
0x91: {  	s25 =	sadd.s32 s0, s19;
	s19 =	sadd.s32 $0x200, s26;
	s20 =	sadd.s32 $0x300, s26  }
0x92: {  	[smem:$0x7FC] =	sst s1;
	s22 =	sadd.s32 $0x200, s28;
	s0 =	sadd.s32 s0, s8  }
0x93: {  	s24 =	sadd.s32 $0x100, s29;
	s3 =	smax.u32 s7, $0x1;
	s26 =	sadd.s32 $0x200, s29  }
0x94: {  	v2 =	vlaneseq.u32;
	s28 =	sadd.s32 $0x300, s29;
	s7 =	simm.s32 $0x8400;
	s8 =	simm.s32 $0x2  }
0x95: {  	vm0 =	vmmov $0xffff;
	v1 =	vshrl.u32 v2, $0x3;
	s29 =	simm.s32 $0x10400;
	s1 =	simm.s32 $0x5;
	[smem:$0x7FB] =	sst s25  }
0x96: {  	v0 =	vand.u32 $0x7, v2;
	v2 =	vor.u32 $0x8, v2;
	v1 =	vmul.u32 $0x8, v1;
	[smem:$0x7FD] =	sst s0;
	s25 =	simm.s32 $0x3;
	s0 =	simm.s32 $0x4  }
.LBB3_1:
0x97: {  	[smem:$0x7AD] =	sst s3  }
0x98: {  	s4 =	rddreg [dreg:$0xe];
	s5 =	simm.s32 $0x7  }
0x99: {  	[tilespmem:s6], [sflag:$0x7] =	stream.linear.gather [hbm4b:s4+s6], $0x400, $0x38;
	[tilespmem:$0x18400] =	vst v63  }
0x9a: {  	_ =	swait.ge [sflag:s5], $0x400  }
0x9b: {  	[sflag:s5] =	ssyncset.done $0x0  }
0x9c: {  	[sflag:s5] =	ssyncadd.s32 $0xFFFFFC00  }
0x9d: {  	v3 =	vld [tilespmem:$0x0];
	_ =	sdelay $0x4  }
0x9e: {  	v4 =	vshll.u32 v3, $0x3  }
0x9f: {  	v3 =	vand.u32 $0x7, v3;
	v4 =	vand.u32 $0xFFFFFFC0, v4  }
0xa0: {  	v3 =	vor.u32 v3, v4  }
0xa1: {  	v4 =	vperm.xlane v3, v0;
	_ =	sdelay $0x1  }
0xa2: {  	v4 =	vadd.s32 v1, v4;
	_ =	sdelay $0x3  }
0xa3: {  	s5 =	rddreg [dreg:$0x1]  }
0xa4: {  	[tilespmem:s30], [sflag:$0x1] =	stream.indirect_vreg.gather [hbm4b:s5+s6], $0x80, v4, vm0, $0xb8;
	[tilespmem:$0x18400] =	vst v63  }
0xa5: {  	s4 =	simm.s32 $0xC00;
	v3 =	vperm.xlane v3, v2  }
0xa6: {  	[tilespmem:s4], [sflag:$0x1] =	stream.indirect_vreg.gather [hbm4b:s9+s6], $0x80, v4, vm0, $0xb8;
	[tilespmem:$0x18400] =	vst v63  }
0xa7: {  	v3 =	vadd.s32 v1, v3;
	s4 =	simm.s32 $0x1400  }
0xa8: {  	[tilespmem:s4], [sflag:$0x1] =	stream.indirect_vreg.gather [hbm4b:s10+s6], $0x80, v4, vm0, $0xb8;
	[tilespmem:$0x18400] =	vst v63  }
0xa9: {  	s4 =	simm.s32 $0x1C00  }
0xaa: {  	[tilespmem:s4], [sflag:$0x1] =	stream.indirect_vreg.gather [hbm4b:s11+s6], $0x80, v4, vm0, $0xb8;
	[tilespmem:$0x18400] =	vst v63  }
0xab: {  	s4 =	simm.s32 $0x2400  }
0xac: {  	[tilespmem:s4], [sflag:$0x1] =	stream.indirect_vreg.gather [hbm4b:s5+s6], $0x80, v3, vm0, $0xb8;
	[tilespmem:$0x18400] =	vst v63  }
0xad: {  	s4 =	simm.s32 $0x2C00  }
0xae: {  	[tilespmem:s4], [sflag:$0x1] =	stream.indirect_vreg.gather [hbm4b:s9+s6], $0x80, v3, vm0, $0xb8;
	[tilespmem:$0x18400] =	vst v63  }
0xaf: {  	s4 =	simm.s32 $0x3400  }
0xb0: {  	[tilespmem:s4], [sflag:$0x1] =	stream.indirect_vreg.gather [hbm4b:s10+s6], $0x80, v3, vm0, $0xb8;
	[tilespmem:$0x18400] =	vst v63  }
0xb1: {  	s4 =	simm.s32 $0x3C00  }
0xb2: {  	[tilespmem:s4], [sflag:$0x1] =	stream.indirect_vreg.gather [hbm4b:s11+s6], $0x80, v3, vm0, $0xb8;
	[tilespmem:$0x18400] =	vst v63  }
0xb3: {  	v3 =	vld [tilespmem:$0x10];
	_ =	sdelay $0x4  }
0xb4: {  	v25 =	vshll.u32 v3, $0x3  }
0xb5: {  	v3 =	vand.u32 $0x7, v3;
	v4 =	vand.u32 $0xFFFFFFC0, v25  }
0xb6: {  	v3 =	vor.u32 v3, v4  }
0xb7: {  	v4 =	vperm.xlane v3, v0;
	_ =	sdelay $0x1  }
0xb8: {  	v4 =	vadd.s32 v1, v4;
	_ =	sdelay $0x3  }
0xb9: {  	s4 =	simm.s32 $0x4400  }
0xba: {  	[tilespmem:s4], [sflag:$0x1] =	stream.indirect_vreg.gather [hbm4b:s5+s6], $0x80, v4, vm0, $0xb8;
	[tilespmem:$0x18400] =	vst v63  }
0xbb: {  	v3 =	vperm.xlane v3, v2;
	s4 =	simm.s32 $0x4C00  }
0xbc: {  	[tilespmem:s4], [sflag:$0x1] =	stream.indirect_vreg.gather [hbm4b:s9+s6], $0x80, v4, vm0, $0xb8;
	[tilespmem:$0x18400] =	vst v63  }
0xbd: {  	v3 =	vadd.s32 v1, v3;
	s4 =	simm.s32 $0x5400  }
0xbe: {  	[tilespmem:s4], [sflag:$0x1] =	stream.indirect_vreg.gather [hbm4b:s10+s6], $0x80, v4, vm0, $0xb8;
	[tilespmem:$0x18400] =	vst v63  }
0xbf: {  	s4 =	simm.s32 $0x5C00  }
0xc0: {  	[tilespmem:s4], [sflag:$0x1] =	stream.indirect_vreg.gather [hbm4b:s11+s6], $0x80, v4, vm0, $0xb8;
	[tilespmem:$0x18400] =	vst v63  }
0xc1: {  	s4 =	simm.s32 $0x6400  }
0xc2: {  	[tilespmem:s4], [sflag:$0x1] =	stream.indirect_vreg.gather [hbm4b:s5+s6], $0x80, v3, vm0, $0xb8;
	[tilespmem:$0x18400] =	vst v63  }
0xc3: {  	s4 =	simm.s32 $0x6C00  }
0xc4: {  	[tilespmem:s4], [sflag:$0x1] =	stream.indirect_vreg.gather [hbm4b:s9+s6], $0x80, v3, vm0, $0xb8;
	[tilespmem:$0x18400] =	vst v63  }
0xc5: {  	s4 =	simm.s32 $0x7400  }
0xc6: {  	[tilespmem:s4], [sflag:$0x1] =	stream.indirect_vreg.gather [hbm4b:s10+s6], $0x80, v3, vm0, $0xb8;
	[tilespmem:$0x18400] =	vst v63  }
0xc7: {  	s4 =	simm.s32 $0x7C00  }
0xc8: {  	[tilespmem:s4], [sflag:$0x1] =	stream.indirect_vreg.gather [hbm4b:s11+s6], $0x80, v3, vm0, $0xb8;
	[tilespmem:$0x18400] =	vst v63  }
0xc9: {  	_ =	swait.ge [sflag:s31], $0x8000  }
0xca: {  	[sflag:s31] =	ssyncset.done $0x0  }
0xcb: {  	s3 =	rddreg [dreg:$0xf];
	[sflag:s31] =	ssyncadd.s32 $0xFFFF8000  }
0xcc: {  	[hbm4b:s3+s6] =	stream.linear.scatter [tilespmem:s30], [sflag:$0x4], $0x8000, $0x38;
	[tilespmem:$0x18400] =	vst v63  }
0xcd: {  	s4 =	rddreg [dreg:$0x10]  }
0xce: {  	[hbm4b:s4+s6] =	stream.linear.scatter [tilespmem:s30], [sflag:$0x4], $0x8000, $0x38;
	[tilespmem:$0x18400] =	vst v63  }
0xcf: {  	v3 =	vld [tilespmem:$0x80];
	_ =	sdelay $0x4  }
0xd0: {  	v26 =	vshll.u32 v3, $0x3  }
0xd1: {  	v3 =	vand.u32 $0x7, v3;
	v4 =	vand.u32 $0xFFFFFFC0, v26  }
0xd2: {  	v3 =	vor.u32 v3, v4  }
0xd3: {  	v4 =	vperm.xlane v3, v0;
	_ =	sdelay $0x1  }
0xd4: {  	v4 =	vadd.s32 v1, v4;
	_ =	sdelay $0x4  }
0xd5: {  	[tilespmem:s7], [sflag:$0x2] =	stream.indirect_vreg.gather [hbm4b:s5+s6], $0x80, v4, vm0, $0xb8;
	[tilespmem:$0x18400] =	vst v63  }
0xd6: {  	s4 =	simm.s32 $0x8C00;
	v3 =	vperm.xlane v3, v2  }
0xd7: {  	[tilespmem:s4], [sflag:$0x2] =	stream.indirect_vreg.gather [hbm4b:s9+s6], $0x80, v4, vm0, $0xb8;
	[tilespmem:$0x18400] =	vst v63  }
0xd8: {  	v3 =	vadd.s32 v1, v3;
	s4 =	simm.s32 $0x9400  }
0xd9: {  	[tilespmem:s4], [sflag:$0x2] =	stream.indirect_vreg.gather [hbm4b:s10+s6], $0x80, v4, vm0, $0xb8;
	[tilespmem:$0x18400] =	vst v63  }
0xda: {  	s4 =	simm.s32 $0x9C00  }
0xdb: {  	[tilespmem:s4], [sflag:$0x2] =	stream.indirect_vreg.gather [hbm4b:s11+s6], $0x80, v4, vm0, $0xb8;
	[tilespmem:$0x18400] =	vst v63  }
0xdc: {  	s4 =	simm.s32 $0xA400  }
0xdd: {  	[tilespmem:s4], [sflag:$0x2] =	stream.indirect_vreg.gather [hbm4b:s5+s6], $0x80, v3, vm0, $0xb8;
	[tilespmem:$0x18400] =	vst v63  }
0xde: {  	s4 =	simm.s32 $0xAC00  }
0xdf: {  	[tilespmem:s4], [sflag:$0x2] =	stream.indirect_vreg.gather [hbm4b:s9+s6], $0x80, v3, vm0, $0xb8;
	[tilespmem:$0x18400] =	vst v63  }
0xe0: {  	s4 =	simm.s32 $0xB400  }
0xe1: {  	[tilespmem:s4], [sflag:$0x2] =	stream.indirect_vreg.gather [hbm4b:s10+s6], $0x80, v3, vm0, $0xb8;
	[tilespmem:$0x18400] =	vst v63  }
0xe2: {  	s4 =	simm.s32 $0xBC00  }
0xe3: {  	[tilespmem:s4], [sflag:$0x2] =	stream.indirect_vreg.gather [hbm4b:s11+s6], $0x80, v3, vm0, $0xb8;
	[tilespmem:$0x18400] =	vst v63  }
0xe4: {  	v3 =	vld [tilespmem:$0x90];
	_ =	sdelay $0x4  }
0xe5: {  	v27 =	vshll.u32 v3, $0x3  }
0xe6: {  	v3 =	vand.u32 $0x7, v3;
	v4 =	vand.u32 $0xFFFFFFC0, v27  }
0xe7: {  	v3 =	vor.u32 v3, v4  }
0xe8: {  	v4 =	vperm.xlane v3, v0;
	_ =	sdelay $0x1  }
0xe9: {  	v4 =	vadd.s32 v1, v4;
	_ =	sdelay $0x3  }
0xea: {  	s4 =	simm.s32 $0xC400  }
0xeb: {  	[tilespmem:s4], [sflag:$0x2] =	stream.indirect_vreg.gather [hbm4b:s5+s6], $0x80, v4, vm0, $0xb8;
	[tilespmem:$0x18400] =	vst v63  }
0xec: {  	v3 =	vperm.xlane v3, v2;
	s4 =	simm.s32 $0xCC00  }
0xed: {  	[tilespmem:s4], [sflag:$0x2] =	stream.indirect_vreg.gather [hbm4b:s9+s6], $0x80, v4, vm0, $0xb8;
	[tilespmem:$0x18400] =	vst v63  }
0xee: {  	v3 =	vadd.s32 v1, v3;
	s4 =	simm.s32 $0xD400  }
0xef: {  	[tilespmem:s4], [sflag:$0x2] =	stream.indirect_vreg.gather [hbm4b:s10+s6], $0x80, v4, vm0, $0xb8;
	[tilespmem:$0x18400] =	vst v63  }
0xf0: {  	s4 =	simm.s32 $0xDC00  }
0xf1: {  	[tilespmem:s4], [sflag:$0x2] =	stream.indirect_vreg.gather [hbm4b:s11+s6], $0x80, v4, vm0, $0xb8;
	[tilespmem:$0x18400] =	vst v63  }
0xf2: {  	s4 =	simm.s32 $0xE400  }
0xf3: {  	[tilespmem:s4], [sflag:$0x2] =	stream.indirect_vreg.gather [hbm4b:s5+s6], $0x80, v3, vm0, $0xb8;
	[tilespmem:$0x18400] =	vst v63  }
0xf4: {  	s4 =	simm.s32 $0xEC00  }
0xf5: {  	[tilespmem:s4], [sflag:$0x2] =	stream.indirect_vreg.gather [hbm4b:s9+s6], $0x80, v3, vm0, $0xb8;
	[tilespmem:$0x18400] =	vst v63  }
0xf6: {  	s4 =	simm.s32 $0xF400  }
0xf7: {  	[tilespmem:s4], [sflag:$0x2] =	stream.indirect_vreg.gather [hbm4b:s10+s6], $0x80, v3, vm0, $0xb8;
	[tilespmem:$0x18400] =	vst v63  }
0xf8: {  	s4 =	simm.s32 $0xFC00  }
0xf9: {  	[tilespmem:s4], [sflag:$0x2] =	stream.indirect_vreg.gather [hbm4b:s11+s6], $0x80, v3, vm0, $0xb8;
	[tilespmem:$0x18400] =	vst v63  }
0xfa: {  	_ =	swait.ge [sflag:s8], $0x8000  }
0xfb: {  	[sflag:s8] =	ssyncset.done $0x0  }
0xfc: {  	s3 =	rddreg [dreg:$0x11];
	[sflag:s8] =	ssyncadd.s32 $0xFFFF8000  }
0xfd: {  	[hbm4b:s3+s6] =	stream.linear.scatter [tilespmem:s7], [sflag:$0x5], $0x8000, $0x38;
	[tilespmem:$0x18400] =	vst v63  }
0xfe: {  	s4 =	rddreg [dreg:$0x12]  }
0xff: {  	[hbm4b:s4+s6] =	stream.linear.scatter [tilespmem:s7], [sflag:$0x5], $0x8000, $0x38;
	[tilespmem:$0x18400] =	vst v63  }
0x100: {  	v3 =	vld [tilespmem:$0x100];
	_ =	sdelay $0x4  }
0x101: {  	v28 =	vshll.u32 v3, $0x3  }
0x102: {  	v3 =	vand.u32 $0x7, v3;
	v4 =	vand.u32 $0xFFFFFFC0, v28  }
0x103: {  	v3 =	vor.u32 v3, v4  }
0x104: {  	v4 =	vperm.xlane v3, v0;
	_ =	sdelay $0x1  }
0x105: {  	v4 =	vadd.s32 v1, v4;
	_ =	sdelay $0x4  }
0x106: {  	[tilespmem:s29], [sflag:$0x3] =	stream.indirect_vreg.gather [hbm4b:s5+s6], $0x80, v4, vm0, $0xb8;
	[tilespmem:$0x18400] =	vst v63  }
0x107: {  	s4 =	simm.s32 $0x10C00;
	v3 =	vperm.xlane v3, v2  }
0x108: {  	[tilespmem:s4], [sflag:$0x3] =	stream.indirect_vreg.gather [hbm4b:s9+s6], $0x80, v4, vm0, $0xb8;
	[tilespmem:$0x18400] =	vst v63  }
0x109: {  	v3 =	vadd.s32 v1, v3;
	s4 =	simm.s32 $0x11400  }
0x10a: {  	[tilespmem:s4], [sflag:$0x3] =	stream.indirect_vreg.gather [hbm4b:s10+s6], $0x80, v4, vm0, $0xb8;
	[tilespmem:$0x18400] =	vst v63  }
0x10b: {  	s4 =	simm.s32 $0x11C00  }
0x10c: {  	[tilespmem:s4], [sflag:$0x3] =	stream.indirect_vreg.gather [hbm4b:s11+s6], $0x80, v4, vm0, $0xb8;
	[tilespmem:$0x18400] =	vst v63  }
0x10d: {  	s4 =	simm.s32 $0x12400  }
0x10e: {  	[tilespmem:s4], [sflag:$0x3] =	stream.indirect_vreg.gather [hbm4b:s5+s6], $0x80, v3, vm0, $0xb8;
	[tilespmem:$0x18400] =	vst v63  }
0x10f: {  	s4 =	simm.s32 $0x12C00  }
0x110: {  	[tilespmem:s4], [sflag:$0x3] =	stream.indirect_vreg.gather [hbm4b:s9+s6], $0x80, v3, vm0, $0xb8;
	[tilespmem:$0x18400] =	vst v63  }
0x111: {  	s4 =	simm.s32 $0x13400  }
0x112: {  	[tilespmem:s4], [sflag:$0x3] =	stream.indirect_vreg.gather [hbm4b:s10+s6], $0x80, v3, vm0, $0xb8;
	[tilespmem:$0x18400] =	vst v63  }
0x113: {  	s4 =	simm.s32 $0x13C00  }
0x114: {  	[tilespmem:s4], [sflag:$0x3] =	stream.indirect_vreg.gather [hbm4b:s11+s6], $0x80, v3, vm0, $0xb8;
	[tilespmem:$0x18400] =	vst v63  }
0x115: {  	v3 =	vld [tilespmem:$0x110];
	_ =	sdelay $0x4  }
0x116: {  	v29 =	vshll.u32 v3, $0x3  }
0x117: {  	v3 =	vand.u32 $0x7, v3;
	v4 =	vand.u32 $0xFFFFFFC0, v29  }
0x118: {  	v3 =	vor.u32 v3, v4  }
0x119: {  	v4 =	vperm.xlane v3, v0;
	_ =	sdelay $0x1  }
0x11a: {  	v4 =	vadd.s32 v1, v4;
	_ =	sdelay $0x3  }
0x11b: {  	s4 =	simm.s32 $0x14400  }
0x11c: {  	[tilespmem:s4], [sflag:$0x3] =	stream.indirect_vreg.gather [hbm4b:s5+s6], $0x80, v4, vm0, $0xb8;
	[tilespmem:$0x18400] =	vst v63  }
0x11d: {  	v3 =	vperm.xlane v3, v2;
	s4 =	simm.s32 $0x14C00  }
0x11e: {  	[tilespmem:s4], [sflag:$0x3] =	stream.indirect_vreg.gather [hbm4b:s9+s6], $0x80, v4, vm0, $0xb8;
	[tilespmem:$0x18400] =	vst v63  }
0x11f: {  	v3 =	vadd.s32 v1, v3;
	s4 =	simm.s32 $0x15400  }
0x120: {  	[tilespmem:s4], [sflag:$0x3] =	stream.indirect_vreg.gather [hbm4b:s10+s6], $0x80, v4, vm0, $0xb8;
	[tilespmem:$0x18400] =	vst v63  }
0x121: {  	s4 =	simm.s32 $0x15C00  }
0x122: {  	[tilespmem:s4], [sflag:$0x3] =	stream.indirect_vreg.gather [hbm4b:s11+s6], $0x80, v4, vm0, $0xb8;
	[tilespmem:$0x18400] =	vst v63  }
0x123: {  	s4 =	simm.s32 $0x16400  }
0x124: {  	[tilespmem:s4], [sflag:$0x3] =	stream.indirect_vreg.gather [hbm4b:s5+s6], $0x80, v3, vm0, $0xb8;
	[tilespmem:$0x18400] =	vst v63  }
0x125: {  	s4 =	simm.s32 $0x16C00  }
0x126: {  	[tilespmem:s4], [sflag:$0x3] =	stream.indirect_vreg.gather [hbm4b:s9+s6], $0x80, v3, vm0, $0xb8;
	[tilespmem:$0x18400] =	vst v63  }
0x127: {  	s4 =	simm.s32 $0x17400  }
0x128: {  	[tilespmem:s4], [sflag:$0x3] =	stream.indirect_vreg.gather [hbm4b:s10+s6], $0x80, v3, vm0, $0xb8;
	[tilespmem:$0x18400] =	vst v63  }
0x129: {  	s4 =	simm.s32 $0x17C00  }
0x12a: {  	[tilespmem:s4], [sflag:$0x3] =	stream.indirect_vreg.gather [hbm4b:s11+s6], $0x80, v3, vm0, $0xb8;
	[tilespmem:$0x18400] =	vst v63  }
0x12b: {  	_ =	swait.ge [sflag:s25], $0x8000  }
0x12c: {  	[sflag:s25] =	ssyncset.done $0x0  }
0x12d: {  	s3 =	rddreg [dreg:$0x13];
	[sflag:s25] =	ssyncadd.s32 $0xFFFF8000  }
0x12e: {  	[hbm4b:s3+s6] =	stream.linear.scatter [tilespmem:s29], [sflag:$0x6], $0x8000, $0x38;
	[tilespmem:$0x18400] =	vst v63  }
0x12f: {  	s4 =	rddreg [dreg:$0x14]  }
0x130: {  	[hbm4b:s4+s6] =	stream.linear.scatter [tilespmem:s29], [sflag:$0x6], $0x8000, $0x38;
	[tilespmem:$0x18400] =	vst v63  }
0x131: {  	_ =	swait.ge [sflag:s0], $0x8000  }
0x132: {  	[sflag:s0] =	ssyncset.done $0x0  }
0x133: {  	[sflag:s0] =	ssyncadd.s32 $0xFFFF8000  }
0x134: {  	_ =	swait.ge [sflag:s0], $0x8000  }
0x135: {  	[sflag:s0] =	ssyncset.done $0x0  }
0x136: {  	[sflag:s0] =	ssyncadd.s32 $0xFFFF8000  }
0x137: {  	v3 =	vld [tilespmem:$0x180];
	_ =	sdelay $0x4  }
0x138: {  	v30 =	vshll.u32 v3, $0x3  }
0x139: {  	v3 =	vand.u32 $0x7, v3;
	v4 =	vand.u32 $0xFFFFFFC0, v30  }
0x13a: {  	v3 =	vor.u32 v3, v4  }
0x13b: {  	v4 =	vperm.xlane v3, v0;
	_ =	sdelay $0x1  }
0x13c: {  	v4 =	vadd.s32 v1, v4;
	_ =	sdelay $0x4  }
0x13d: {  	[tilespmem:s30], [sflag:$0x1] =	stream.indirect_vreg.gather [hbm4b:s5+s6], $0x80, v4, vm0, $0xb8;
	[tilespmem:$0x18400] =	vst v63  }
0x13e: {  	s4 =	simm.s32 $0xC00;
	v3 =	vperm.xlane v3, v2  }
0x13f: {  	[tilespmem:s4], [sflag:$0x1] =	stream.indirect_vreg.gather [hbm4b:s9+s6], $0x80, v4, vm0, $0xb8;
	[tilespmem:$0x18400] =	vst v63  }
0x140: {  	v3 =	vadd.s32 v1, v3;
	s4 =	simm.s32 $0x1400  }
0x141: {  	[tilespmem:s4], [sflag:$0x1] =	stream.indirect_vreg.gather [hbm4b:s10+s6], $0x80, v4, vm0, $0xb8;
	[tilespmem:$0x18400] =	vst v63  }
0x142: {  	s4 =	simm.s32 $0x1C00  }
0x143: {  	[tilespmem:s4], [sflag:$0x1] =	stream.indirect_vreg.gather [hbm4b:s11+s6], $0x80, v4, vm0, $0xb8;
	[tilespmem:$0x18400] =	vst v63  }
0x144: {  	s4 =	simm.s32 $0x2400  }
0x145: {  	[tilespmem:s4], [sflag:$0x1] =	stream.indirect_vreg.gather [hbm4b:s5+s6], $0x80, v3, vm0, $0xb8;
	[tilespmem:$0x18400] =	vst v63  }
0x146: {  	s4 =	simm.s32 $0x2C00  }
0x147: {  	[tilespmem:s4], [sflag:$0x1] =	stream.indirect_vreg.gather [hbm4b:s9+s6], $0x80, v3, vm0, $0xb8;
	[tilespmem:$0x18400] =	vst v63  }
0x148: {  	s4 =	simm.s32 $0x3400  }
0x149: {  	[tilespmem:s4], [sflag:$0x1] =	stream.indirect_vreg.gather [hbm4b:s10+s6], $0x80, v3, vm0, $0xb8;
	[tilespmem:$0x18400] =	vst v63  }
0x14a: {  	s4 =	simm.s32 $0x3C00  }
0x14b: {  	[tilespmem:s4], [sflag:$0x1] =	stream.indirect_vreg.gather [hbm4b:s11+s6], $0x80, v3, vm0, $0xb8;
	[tilespmem:$0x18400] =	vst v63  }
0x14c: {  	v3 =	vld [tilespmem:$0x190];
	_ =	sdelay $0x4  }
0x14d: {  	v31 =	vshll.u32 v3, $0x3  }
0x14e: {  	v3 =	vand.u32 $0x7, v3;
	v4 =	vand.u32 $0xFFFFFFC0, v31  }
0x14f: {  	v3 =	vor.u32 v3, v4  }
0x150: {  	v4 =	vperm.xlane v3, v0;
	_ =	sdelay $0x1  }
0x151: {  	v4 =	vadd.s32 v1, v4;
	_ =	sdelay $0x3  }
0x152: {  	s4 =	simm.s32 $0x4400  }
0x153: {  	[tilespmem:s4], [sflag:$0x1] =	stream.indirect_vreg.gather [hbm4b:s5+s6], $0x80, v4, vm0, $0xb8;
	[tilespmem:$0x18400] =	vst v63  }
0x154: {  	v3 =	vperm.xlane v3, v2;
	s4 =	simm.s32 $0x4C00  }
0x155: {  	[tilespmem:s4], [sflag:$0x1] =	stream.indirect_vreg.gather [hbm4b:s9+s6], $0x80, v4, vm0, $0xb8;
	[tilespmem:$0x18400] =	vst v63  }
0x156: {  	v3 =	vadd.s32 v1, v3;
	s4 =	simm.s32 $0x5400  }
0x157: {  	[tilespmem:s4], [sflag:$0x1] =	stream.indirect_vreg.gather [hbm4b:s10+s6], $0x80, v4, vm0, $0xb8;
	[tilespmem:$0x18400] =	vst v63  }
0x158: {  	s4 =	simm.s32 $0x5C00  }
0x159: {  	[tilespmem:s4], [sflag:$0x1] =	stream.indirect_vreg.gather [hbm4b:s11+s6], $0x80, v4, vm0, $0xb8;
	[tilespmem:$0x18400] =	vst v63  }
0x15a: {  	s4 =	simm.s32 $0x6400  }
0x15b: {  	[tilespmem:s4], [sflag:$0x1] =	stream.indirect_vreg.gather [hbm4b:s5+s6], $0x80, v3, vm0, $0xb8;
	[tilespmem:$0x18400] =	vst v63  }
0x15c: {  	s4 =	simm.s32 $0x6C00  }
0x15d: {  	[tilespmem:s4], [sflag:$0x1] =	stream.indirect_vreg.gather [hbm4b:s9+s6], $0x80, v3, vm0, $0xb8;
	[tilespmem:$0x18400] =	vst v63  }
0x15e: {  	s4 =	simm.s32 $0x7400  }
0x15f: {  	[tilespmem:s4], [sflag:$0x1] =	stream.indirect_vreg.gather [hbm4b:s10+s6], $0x80, v3, vm0, $0xb8;
	[tilespmem:$0x18400] =	vst v63  }
0x160: {  	s4 =	simm.s32 $0x7C00  }
0x161: {  	[tilespmem:s4], [sflag:$0x1] =	stream.indirect_vreg.gather [hbm4b:s11+s6], $0x80, v3, vm0, $0xb8;
	[tilespmem:$0x18400] =	vst v63  }
0x162: {  	_ =	swait.ge [sflag:s31], $0x8000  }
0x163: {  	[sflag:s31] =	ssyncset.done $0x0  }
0x164: {  	s3 =	rddreg [dreg:$0x15];
	[sflag:s31] =	ssyncadd.s32 $0xFFFF8000  }
0x165: {  	[hbm4b:s3+s6] =	stream.linear.scatter [tilespmem:s30], [sflag:$0x4], $0x8000, $0x38;
	[tilespmem:$0x18400] =	vst v63  }
0x166: {  	s4 =	rddreg [dreg:$0x16]  }
0x167: {  	[hbm4b:s4+s6] =	stream.linear.scatter [tilespmem:s30], [sflag:$0x4], $0x8000, $0x38;
	[tilespmem:$0x18400] =	vst v63  }
0x168: {  	_ =	swait.ge [sflag:s1], $0x8000  }
0x169: {  	[sflag:s1] =	ssyncset.done $0x0  }
0x16a: {  	[sflag:s1] =	ssyncadd.s32 $0xFFFF8000  }
0x16b: {  	_ =	swait.ge [sflag:s1], $0x8000  }
0x16c: {  	[sflag:s1] =	ssyncset.done $0x0  }
0x16d: {  	[sflag:s1] =	ssyncadd.s32 $0xFFFF8000  }
0x16e: {  	v3 =	vld [tilespmem:$0x200];
	_ =	sdelay $0x4  }
0x16f: {  	v32 =	vshll.u32 v3, $0x3  }
0x170: {  	v3 =	vand.u32 $0x7, v3;
	v4 =	vand.u32 $0xFFFFFFC0, v32  }
0x171: {  	v3 =	vor.u32 v3, v4  }
0x172: {  	v4 =	vperm.xlane v3, v0;
	_ =	sdelay $0x1  }
0x173: {  	v4 =	vadd.s32 v1, v4;
	_ =	sdelay $0x4  }
0x174: {  	[tilespmem:s7], [sflag:$0x2] =	stream.indirect_vreg.gather [hbm4b:s5+s6], $0x80, v4, vm0, $0xb8;
	[tilespmem:$0x18400] =	vst v63  }
0x175: {  	s4 =	simm.s32 $0x8C00;
	v3 =	vperm.xlane v3, v2  }
0x176: {  	[tilespmem:s4], [sflag:$0x2] =	stream.indirect_vreg.gather [hbm4b:s9+s6], $0x80, v4, vm0, $0xb8;
	[tilespmem:$0x18400] =	vst v63  }
0x177: {  	v3 =	vadd.s32 v1, v3;
	s4 =	simm.s32 $0x9400  }
0x178: {  	[tilespmem:s4], [sflag:$0x2] =	stream.indirect_vreg.gather [hbm4b:s10+s6], $0x80, v4, vm0, $0xb8;
	[tilespmem:$0x18400] =	vst v63  }
0x179: {  	s4 =	simm.s32 $0x9C00  }
0x17a: {  	[tilespmem:s4], [sflag:$0x2] =	stream.indirect_vreg.gather [hbm4b:s11+s6], $0x80, v4, vm0, $0xb8;
	[tilespmem:$0x18400] =	vst v63  }
0x17b: {  	s4 =	simm.s32 $0xA400  }
0x17c: {  	[tilespmem:s4], [sflag:$0x2] =	stream.indirect_vreg.gather [hbm4b:s5+s6], $0x80, v3, vm0, $0xb8;
	[tilespmem:$0x18400] =	vst v63  }
0x17d: {  	s4 =	simm.s32 $0xAC00  }
0x17e: {  	[tilespmem:s4], [sflag:$0x2] =	stream.indirect_vreg.gather [hbm4b:s9+s6], $0x80, v3, vm0, $0xb8;
	[tilespmem:$0x18400] =	vst v63  }
0x17f: {  	s4 =	simm.s32 $0xB400  }
0x180: {  	[tilespmem:s4], [sflag:$0x2] =	stream.indirect_vreg.gather [hbm4b:s10+s6], $0x80, v3, vm0, $0xb8;
	[tilespmem:$0x18400] =	vst v63  }
0x181: {  	s4 =	simm.s32 $0xBC00  }
0x182: {  	[tilespmem:s4], [sflag:$0x2] =	stream.indirect_vreg.gather [hbm4b:s11+s6], $0x80, v3, vm0, $0xb8;
	[tilespmem:$0x18400] =	vst v63  }
0x183: {  	v3 =	vld [tilespmem:$0x210];
	_ =	sdelay $0x4  }
0x184: {  	v33 =	vshll.u32 v3, $0x3  }
0x185: {  	v3 =	vand.u32 $0x7, v3;
	v4 =	vand.u32 $0xFFFFFFC0, v33  }
0x186: {  	v3 =	vor.u32 v3, v4  }
0x187: {  	v4 =	vperm.xlane v3, v0;
	_ =	sdelay $0x1  }
0x188: {  	v4 =	vadd.s32 v1, v4;
	_ =	sdelay $0x3  }
0x189: {  	s4 =	simm.s32 $0xC400  }
0x18a: {  	[tilespmem:s4], [sflag:$0x2] =	stream.indirect_vreg.gather [hbm4b:s5+s6], $0x80, v4, vm0, $0xb8;
	[tilespmem:$0x18400] =	vst v63  }
0x18b: {  	v3 =	vperm.xlane v3, v2;
	s4 =	simm.s32 $0xCC00  }
0x18c: {  	[tilespmem:s4], [sflag:$0x2] =	stream.indirect_vreg.gather [hbm4b:s9+s6], $0x80, v4, vm0, $0xb8;
	[tilespmem:$0x18400] =	vst v63  }
0x18d: {  	v3 =	vadd.s32 v1, v3;
	s4 =	simm.s32 $0xD400  }
0x18e: {  	[tilespmem:s4], [sflag:$0x2] =	stream.indirect_vreg.gather [hbm4b:s10+s6], $0x80, v4, vm0, $0xb8;
	[tilespmem:$0x18400] =	vst v63  }
0x18f: {  	s4 =	simm.s32 $0xDC00  }
0x190: {  	[tilespmem:s4], [sflag:$0x2] =	stream.indirect_vreg.gather [hbm4b:s11+s6], $0x80, v4, vm0, $0xb8;
	[tilespmem:$0x18400] =	vst v63  }
0x191: {  	s4 =	simm.s32 $0xE400  }
0x192: {  	[tilespmem:s4], [sflag:$0x2] =	stream.indirect_vreg.gather [hbm4b:s5+s6], $0x80, v3, vm0, $0xb8;
	[tilespmem:$0x18400] =	vst v63  }
0x193: {  	s4 =	simm.s32 $0xEC00  }
0x194: {  	[tilespmem:s4], [sflag:$0x2] =	stream.indirect_vreg.gather [hbm4b:s9+s6], $0x80, v3, vm0, $0xb8;
	[tilespmem:$0x18400] =	vst v63  }
0x195: {  	s4 =	simm.s32 $0xF400  }
0x196: {  	[tilespmem:s4], [sflag:$0x2] =	stream.indirect_vreg.gather [hbm4b:s10+s6], $0x80, v3, vm0, $0xb8;
	[tilespmem:$0x18400] =	vst v63  }
0x197: {  	s4 =	simm.s32 $0xFC00  }
0x198: {  	[tilespmem:s4], [sflag:$0x2] =	stream.indirect_vreg.gather [hbm4b:s11+s6], $0x80, v3, vm0, $0xb8;
	[tilespmem:$0x18400] =	vst v63  }
0x199: {  	_ =	swait.ge [sflag:s8], $0x8000  }
0x19a: {  	[sflag:s8] =	ssyncset.done $0x0  }
0x19b: {  	s3 =	rddreg [dreg:$0x17];
	[sflag:s8] =	ssyncadd.s32 $0xFFFF8000  }
0x19c: {  	[hbm4b:s3+s6] =	stream.linear.scatter [tilespmem:s7], [sflag:$0x5], $0x8000, $0x38;
	[tilespmem:$0x18400] =	vst v63  }
0x19d: {  	s4 =	rddreg [dreg:$0x18]  }
0x19e: {  	[hbm4b:s4+s6] =	stream.linear.scatter [tilespmem:s7], [sflag:$0x5], $0x8000, $0x38;
	[tilespmem:$0x18400] =	vst v63  }
0x19f: {  	_ =	swait.ge [sflag:s2], $0x8000  }
0x1a0: {  	[sflag:s2] =	ssyncset.done $0x0  }
0x1a1: {  	[sflag:s2] =	ssyncadd.s32 $0xFFFF8000  }
0x1a2: {  	_ =	swait.ge [sflag:s2], $0x8000  }
0x1a3: {  	[sflag:s2] =	ssyncset.done $0x0  }
0x1a4: {  	[sflag:s2] =	ssyncadd.s32 $0xFFFF8000  }
0x1a5: {  	v3 =	vld [tilespmem:$0x280];
	_ =	sdelay $0x4  }
0x1a6: {  	v34 =	vshll.u32 v3, $0x3  }
0x1a7: {  	v3 =	vand.u32 $0x7, v3;
	v4 =	vand.u32 $0xFFFFFFC0, v34  }
0x1a8: {  	v3 =	vor.u32 v3, v4  }
0x1a9: {  	v4 =	vperm.xlane v3, v0;
	_ =	sdelay $0x1  }
0x1aa: {  	v4 =	vadd.s32 v1, v4;
	_ =	sdelay $0x4  }
0x1ab: {  	[tilespmem:s29], [sflag:$0x3] =	stream.indirect_vreg.gather [hbm4b:s5+s6], $0x80, v4, vm0, $0xb8;
	[tilespmem:$0x18400] =	vst v63  }
0x1ac: {  	s4 =	simm.s32 $0x10C00;
	v3 =	vperm.xlane v3, v2  }
0x1ad: {  	[tilespmem:s4], [sflag:$0x3] =	stream.indirect_vreg.gather [hbm4b:s9+s6], $0x80, v4, vm0, $0xb8;
	[tilespmem:$0x18400] =	vst v63  }
0x1ae: {  	v3 =	vadd.s32 v1, v3;
	s4 =	simm.s32 $0x11400  }
0x1af: {  	[tilespmem:s4], [sflag:$0x3] =	stream.indirect_vreg.gather [hbm4b:s10+s6], $0x80, v4, vm0, $0xb8;
	[tilespmem:$0x18400] =	vst v63  }
0x1b0: {  	s4 =	simm.s32 $0x11C00  }
0x1b1: {  	[tilespmem:s4], [sflag:$0x3] =	stream.indirect_vreg.gather [hbm4b:s11+s6], $0x80, v4, vm0, $0xb8;
	[tilespmem:$0x18400] =	vst v63  }
0x1b2: {  	s4 =	simm.s32 $0x12400  }
0x1b3: {  	[tilespmem:s4], [sflag:$0x3] =	stream.indirect_vreg.gather [hbm4b:s5+s6], $0x80, v3, vm0, $0xb8;
	[tilespmem:$0x18400] =	vst v63  }
0x1b4: {  	s4 =	simm.s32 $0x12C00  }
0x1b5: {  	[tilespmem:s4], [sflag:$0x3] =	stream.indirect_vreg.gather [hbm4b:s9+s6], $0x80, v3, vm0, $0xb8;
	[tilespmem:$0x18400] =	vst v63  }
0x1b6: {  	s4 =	simm.s32 $0x13400  }
0x1b7: {  	[tilespmem:s4], [sflag:$0x3] =	stream.indirect_vreg.gather [hbm4b:s10+s6], $0x80, v3, vm0, $0xb8;
	[tilespmem:$0x18400] =	vst v63  }
0x1b8: {  	s4 =	simm.s32 $0x13C00  }
0x1b9: {  	[tilespmem:s4], [sflag:$0x3] =	stream.indirect_vreg.gather [hbm4b:s11+s6], $0x80, v3, vm0, $0xb8;
	[tilespmem:$0x18400] =	vst v63  }
0x1ba: {  	v3 =	vld [tilespmem:$0x290];
	_ =	sdelay $0x4  }
0x1bb: {  	v35 =	vshll.u32 v3, $0x3  }
0x1bc: {  	v3 =	vand.u32 $0x7, v3;
	v4 =	vand.u32 $0xFFFFFFC0, v35  }
0x1bd: {  	v3 =	vor.u32 v3, v4  }
0x1be: {  	v4 =	vperm.xlane v3, v0;
	_ =	sdelay $0x1  }
0x1bf: {  	v4 =	vadd.s32 v1, v4;
	_ =	sdelay $0x3  }
0x1c0: {  	s4 =	simm.s32 $0x14400  }
0x1c1: {  	[tilespmem:s4], [sflag:$0x3] =	stream.indirect_vreg.gather [hbm4b:s5+s6], $0x80, v4, vm0, $0xb8;
	[tilespmem:$0x18400] =	vst v63  }
0x1c2: {  	v3 =	vperm.xlane v3, v2;
	s4 =	simm.s32 $0x14C00  }
0x1c3: {  	[tilespmem:s4], [sflag:$0x3] =	stream.indirect_vreg.gather [hbm4b:s9+s6], $0x80, v4, vm0, $0xb8;
	[tilespmem:$0x18400] =	vst v63  }
0x1c4: {  	v3 =	vadd.s32 v1, v3;
	s4 =	simm.s32 $0x15400  }
0x1c5: {  	[tilespmem:s4], [sflag:$0x3] =	stream.indirect_vreg.gather [hbm4b:s10+s6], $0x80, v4, vm0, $0xb8;
	[tilespmem:$0x18400] =	vst v63  }
0x1c6: {  	s4 =	simm.s32 $0x15C00  }
0x1c7: {  	[tilespmem:s4], [sflag:$0x3] =	stream.indirect_vreg.gather [hbm4b:s11+s6], $0x80, v4, vm0, $0xb8;
	[tilespmem:$0x18400] =	vst v63  }
0x1c8: {  	s4 =	simm.s32 $0x16400  }
0x1c9: {  	[tilespmem:s4], [sflag:$0x3] =	stream.indirect_vreg.gather [hbm4b:s5+s6], $0x80, v3, vm0, $0xb8;
	[tilespmem:$0x18400] =	vst v63  }
0x1ca: {  	s4 =	simm.s32 $0x16C00  }
0x1cb: {  	[tilespmem:s4], [sflag:$0x3] =	stream.indirect_vreg.gather [hbm4b:s9+s6], $0x80, v3, vm0, $0xb8;
	[tilespmem:$0x18400] =	vst v63  }
0x1cc: {  	s4 =	simm.s32 $0x17400  }
0x1cd: {  	[tilespmem:s4], [sflag:$0x3] =	stream.indirect_vreg.gather [hbm4b:s10+s6], $0x80, v3, vm0, $0xb8;
	[tilespmem:$0x18400] =	vst v63  }
0x1ce: {  	s4 =	simm.s32 $0x17C00  }
0x1cf: {  	[tilespmem:s4], [sflag:$0x3] =	stream.indirect_vreg.gather [hbm4b:s11+s6], $0x80, v3, vm0, $0xb8;
	[tilespmem:$0x18400] =	vst v63  }
0x1d0: {  	_ =	swait.ge [sflag:s25], $0x8000  }
0x1d1: {  	[sflag:s25] =	ssyncset.done $0x0  }
0x1d2: {  	s3 =	rddreg [dreg:$0x19];
	[sflag:s25] =	ssyncadd.s32 $0xFFFF8000  }
0x1d3: {  	[hbm4b:s3+s6] =	stream.linear.scatter [tilespmem:s29], [sflag:$0x6], $0x8000, $0x38;
	[tilespmem:$0x18400] =	vst v63  }
0x1d4: {  	s4 =	rddreg [dreg:$0x1a]  }
0x1d5: {  	[hbm4b:s4+s6] =	stream.linear.scatter [tilespmem:s29], [sflag:$0x6], $0x8000, $0x38;
	[tilespmem:$0x18400] =	vst v63  }
0x1d6: {  	_ =	swait.ge [sflag:s0], $0x8000  }
0x1d7: {  	[sflag:s0] =	ssyncset.done $0x0  }
0x1d8: {  	[sflag:s0] =	ssyncadd.s32 $0xFFFF8000  }
0x1d9: {  	_ =	swait.ge [sflag:s0], $0x8000  }
0x1da: {  	[sflag:s0] =	ssyncset.done $0x0  }
0x1db: {  	[sflag:s0] =	ssyncadd.s32 $0xFFFF8000  }
0x1dc: {  	v3 =	vld [tilespmem:$0x300];
	_ =	sdelay $0x4  }
0x1dd: {  	v36 =	vshll.u32 v3, $0x3  }
0x1de: {  	v3 =	vand.u32 $0x7, v3;
	v4 =	vand.u32 $0xFFFFFFC0, v36  }
0x1df: {  	v3 =	vor.u32 v3, v4  }
0x1e0: {  	v4 =	vperm.xlane v3, v0;
	_ =	sdelay $0x1  }
0x1e1: {  	v4 =	vadd.s32 v1, v4;
	_ =	sdelay $0x4  }
0x1e2: {  	[tilespmem:s30], [sflag:$0x1] =	stream.indirect_vreg.gather [hbm4b:s5+s6], $0x80, v4, vm0, $0xb8;
	[tilespmem:$0x18400] =	vst v63  }
0x1e3: {  	s4 =	simm.s32 $0xC00;
	v3 =	vperm.xlane v3, v2  }
0x1e4: {  	[tilespmem:s4], [sflag:$0x1] =	stream.indirect_vreg.gather [hbm4b:s9+s6], $0x80, v4, vm0, $0xb8;
	[tilespmem:$0x18400] =	vst v63  }
0x1e5: {  	v3 =	vadd.s32 v1, v3;
	s4 =	simm.s32 $0x1400  }
0x1e6: {  	[tilespmem:s4], [sflag:$0x1] =	stream.indirect_vreg.gather [hbm4b:s10+s6], $0x80, v4, vm0, $0xb8;
	[tilespmem:$0x18400] =	vst v63  }
0x1e7: {  	s4 =	simm.s32 $0x1C00  }
0x1e8: {  	[tilespmem:s4], [sflag:$0x1] =	stream.indirect_vreg.gather [hbm4b:s11+s6], $0x80, v4, vm0, $0xb8;
	[tilespmem:$0x18400] =	vst v63  }
0x1e9: {  	s4 =	simm.s32 $0x2400  }
0x1ea: {  	[tilespmem:s4], [sflag:$0x1] =	stream.indirect_vreg.gather [hbm4b:s5+s6], $0x80, v3, vm0, $0xb8;
	[tilespmem:$0x18400] =	vst v63  }
0x1eb: {  	s4 =	simm.s32 $0x2C00  }
0x1ec: {  	[tilespmem:s4], [sflag:$0x1] =	stream.indirect_vreg.gather [hbm4b:s9+s6], $0x80, v3, vm0, $0xb8;
	[tilespmem:$0x18400] =	vst v63  }
0x1ed: {  	s4 =	simm.s32 $0x3400  }
0x1ee: {  	[tilespmem:s4], [sflag:$0x1] =	stream.indirect_vreg.gather [hbm4b:s10+s6], $0x80, v3, vm0, $0xb8;
	[tilespmem:$0x18400] =	vst v63  }
0x1ef: {  	s4 =	simm.s32 $0x3C00  }
0x1f0: {  	[tilespmem:s4], [sflag:$0x1] =	stream.indirect_vreg.gather [hbm4b:s11+s6], $0x80, v3, vm0, $0xb8;
	[tilespmem:$0x18400] =	vst v63  }
0x1f1: {  	v3 =	vld [tilespmem:$0x310];
	_ =	sdelay $0x4  }
0x1f2: {  	v37 =	vshll.u32 v3, $0x3  }
0x1f3: {  	v3 =	vand.u32 $0x7, v3;
	v4 =	vand.u32 $0xFFFFFFC0, v37  }
0x1f4: {  	v3 =	vor.u32 v3, v4  }
0x1f5: {  	v4 =	vperm.xlane v3, v0;
	_ =	sdelay $0x1  }
0x1f6: {  	v4 =	vadd.s32 v1, v4;
	_ =	sdelay $0x3  }
0x1f7: {  	s4 =	simm.s32 $0x4400  }
0x1f8: {  	[tilespmem:s4], [sflag:$0x1] =	stream.indirect_vreg.gather [hbm4b:s5+s6], $0x80, v4, vm0, $0xb8;
	[tilespmem:$0x18400] =	vst v63  }
0x1f9: {  	v3 =	vperm.xlane v3, v2;
	s4 =	simm.s32 $0x4C00  }
0x1fa: {  	[tilespmem:s4], [sflag:$0x1] =	stream.indirect_vreg.gather [hbm4b:s9+s6], $0x80, v4, vm0, $0xb8;
	[tilespmem:$0x18400] =	vst v63  }
0x1fb: {  	v3 =	vadd.s32 v1, v3;
	s4 =	simm.s32 $0x5400  }
0x1fc: {  	[tilespmem:s4], [sflag:$0x1] =	stream.indirect_vreg.gather [hbm4b:s10+s6], $0x80, v4, vm0, $0xb8;
	[tilespmem:$0x18400] =	vst v63  }
0x1fd: {  	s4 =	simm.s32 $0x5C00  }
0x1fe: {  	[tilespmem:s4], [sflag:$0x1] =	stream.indirect_vreg.gather [hbm4b:s11+s6], $0x80, v4, vm0, $0xb8;
	[tilespmem:$0x18400] =	vst v63  }
0x1ff: {  	s4 =	simm.s32 $0x6400  }
0x200: {  	[tilespmem:s4], [sflag:$0x1] =	stream.indirect_vreg.gather [hbm4b:s5+s6], $0x80, v3, vm0, $0xb8;
	[tilespmem:$0x18400] =	vst v63  }
0x201: {  	s4 =	simm.s32 $0x6C00  }
0x202: {  	[tilespmem:s4], [sflag:$0x1] =	stream.indirect_vreg.gather [hbm4b:s9+s6], $0x80, v3, vm0, $0xb8;
	[tilespmem:$0x18400] =	vst v63  }
0x203: {  	s4 =	simm.s32 $0x7400  }
0x204: {  	[tilespmem:s4], [sflag:$0x1] =	stream.indirect_vreg.gather [hbm4b:s10+s6], $0x80, v3, vm0, $0xb8;
	[tilespmem:$0x18400] =	vst v63  }
0x205: {  	s4 =	simm.s32 $0x7C00  }
0x206: {  	[tilespmem:s4], [sflag:$0x1] =	stream.indirect_vreg.gather [hbm4b:s11+s6], $0x80, v3, vm0, $0xb8;
	[tilespmem:$0x18400] =	vst v63  }
0x207: {  	_ =	swait.ge [sflag:s31], $0x8000  }
0x208: {  	[sflag:s31] =	ssyncset.done $0x0  }
0x209: {  	s3 =	rddreg [dreg:$0x1b];
	[sflag:s31] =	ssyncadd.s32 $0xFFFF8000  }
0x20a: {  	[hbm4b:s3+s6] =	stream.linear.scatter [tilespmem:s30], [sflag:$0x4], $0x8000, $0x38;
	[tilespmem:$0x18400] =	vst v63  }
0x20b: {  	s4 =	rddreg [dreg:$0x1c]  }
0x20c: {  	[hbm4b:s4+s6] =	stream.linear.scatter [tilespmem:s30], [sflag:$0x4], $0x8000, $0x38;
	[tilespmem:$0x18400] =	vst v63  }
0x20d: {  	_ =	swait.ge [sflag:s1], $0x8000  }
0x20e: {  	[sflag:s1] =	ssyncset.done $0x0  }
0x20f: {  	[sflag:s1] =	ssyncadd.s32 $0xFFFF8000  }
0x210: {  	_ =	swait.ge [sflag:s1], $0x8000  }
0x211: {  	[sflag:s1] =	ssyncset.done $0x0  }
0x212: {  	[sflag:s1] =	ssyncadd.s32 $0xFFFF8000  }
0x213: {  	v3 =	vld [tilespmem:$0x380];
	_ =	sdelay $0x4  }
0x214: {  	v38 =	vshll.u32 v3, $0x3  }
0x215: {  	v3 =	vand.u32 $0x7, v3;
	v4 =	vand.u32 $0xFFFFFFC0, v38  }
0x216: {  	v3 =	vor.u32 v3, v4  }
0x217: {  	v4 =	vperm.xlane v3, v0;
	_ =	sdelay $0x1  }
0x218: {  	v4 =	vadd.s32 v1, v4;
	_ =	sdelay $0x4  }
0x219: {  	[tilespmem:s7], [sflag:$0x2] =	stream.indirect_vreg.gather [hbm4b:s5+s6], $0x80, v4, vm0, $0xb8;
	[tilespmem:$0x18400] =	vst v63  }
0x21a: {  	s4 =	simm.s32 $0x8C00;
	v3 =	vperm.xlane v3, v2  }
0x21b: {  	[tilespmem:s4], [sflag:$0x2] =	stream.indirect_vreg.gather [hbm4b:s9+s6], $0x80, v4, vm0, $0xb8;
	[tilespmem:$0x18400] =	vst v63  }
0x21c: {  	v3 =	vadd.s32 v1, v3;
	s4 =	simm.s32 $0x9400  }
0x21d: {  	[tilespmem:s4], [sflag:$0x2] =	stream.indirect_vreg.gather [hbm4b:s10+s6], $0x80, v4, vm0, $0xb8;
	[tilespmem:$0x18400] =	vst v63  }
0x21e: {  	s4 =	simm.s32 $0x9C00  }
0x21f: {  	[tilespmem:s4], [sflag:$0x2] =	stream.indirect_vreg.gather [hbm4b:s11+s6], $0x80, v4, vm0, $0xb8;
	[tilespmem:$0x18400] =	vst v63  }
0x220: {  	s4 =	simm.s32 $0xA400  }
0x221: {  	[tilespmem:s4], [sflag:$0x2] =	stream.indirect_vreg.gather [hbm4b:s5+s6], $0x80, v3, vm0, $0xb8;
	[tilespmem:$0x18400] =	vst v63  }
0x222: {  	s4 =	simm.s32 $0xAC00  }
0x223: {  	[tilespmem:s4], [sflag:$0x2] =	stream.indirect_vreg.gather [hbm4b:s9+s6], $0x80, v3, vm0, $0xb8;
	[tilespmem:$0x18400] =	vst v63  }
0x224: {  	s4 =	simm.s32 $0xB400  }
0x225: {  	[tilespmem:s4], [sflag:$0x2] =	stream.indirect_vreg.gather [hbm4b:s10+s6], $0x80, v3, vm0, $0xb8;
	[tilespmem:$0x18400] =	vst v63  }
0x226: {  	s4 =	simm.s32 $0xBC00  }
0x227: {  	[tilespmem:s4], [sflag:$0x2] =	stream.indirect_vreg.gather [hbm4b:s11+s6], $0x80, v3, vm0, $0xb8;
	[tilespmem:$0x18400] =	vst v63  }
0x228: {  	v3 =	vld [tilespmem:$0x390];
	_ =	sdelay $0x4  }
0x229: {  	v39 =	vshll.u32 v3, $0x3  }
0x22a: {  	v3 =	vand.u32 $0x7, v3;
	v4 =	vand.u32 $0xFFFFFFC0, v39  }
0x22b: {  	v3 =	vor.u32 v3, v4  }
0x22c: {  	v4 =	vperm.xlane v3, v0;
	_ =	sdelay $0x1  }
0x22d: {  	v4 =	vadd.s32 v1, v4;
	_ =	sdelay $0x3  }
0x22e: {  	s4 =	simm.s32 $0xC400  }
0x22f: {  	[tilespmem:s4], [sflag:$0x2] =	stream.indirect_vreg.gather [hbm4b:s5+s6], $0x80, v4, vm0, $0xb8;
	[tilespmem:$0x18400] =	vst v63  }
0x230: {  	v3 =	vperm.xlane v3, v2;
	s4 =	simm.s32 $0xCC00  }
0x231: {  	[tilespmem:s4], [sflag:$0x2] =	stream.indirect_vreg.gather [hbm4b:s9+s6], $0x80, v4, vm0, $0xb8;
	[tilespmem:$0x18400] =	vst v63  }
0x232: {  	v3 =	vadd.s32 v1, v3;
	s4 =	simm.s32 $0xD400  }
0x233: {  	[tilespmem:s4], [sflag:$0x2] =	stream.indirect_vreg.gather [hbm4b:s10+s6], $0x80, v4, vm0, $0xb8;
	[tilespmem:$0x18400] =	vst v63  }
0x234: {  	s4 =	simm.s32 $0xDC00  }
0x235: {  	[tilespmem:s4], [sflag:$0x2] =	stream.indirect_vreg.gather [hbm4b:s11+s6], $0x80, v4, vm0, $0xb8;
	[tilespmem:$0x18400] =	vst v63  }
0x236: {  	s4 =	simm.s32 $0xE400  }
0x237: {  	[tilespmem:s4], [sflag:$0x2] =	stream.indirect_vreg.gather [hbm4b:s5+s6], $0x80, v3, vm0, $0xb8;
	[tilespmem:$0x18400] =	vst v63  }
0x238: {  	s5 =	simm.s32 $0xEC00  }
0x239: {  	[tilespmem:s5], [sflag:$0x2] =	stream.indirect_vreg.gather [hbm4b:s9+s6], $0x80, v3, vm0, $0xb8;
	[tilespmem:$0x18400] =	vst v63  }
0x23a: {  	s4 =	simm.s32 $0xF400  }
0x23b: {  	[tilespmem:s4], [sflag:$0x2] =	stream.indirect_vreg.gather [hbm4b:s10+s6], $0x80, v3, vm0, $0xb8;
	[tilespmem:$0x18400] =	vst v63  }
0x23c: {  	s5 =	simm.s32 $0xFC00  }
0x23d: {  	[tilespmem:s5], [sflag:$0x2] =	stream.indirect_vreg.gather [hbm4b:s11+s6], $0x80, v3, vm0, $0xb8;
	[tilespmem:$0x18400] =	vst v63  }
0x23e: {  	_ =	swait.ge [sflag:s8], $0x8000  }
0x23f: {  	[sflag:s8] =	ssyncset.done $0x0  }
0x240: {  	s4 =	rddreg [dreg:$0x1d];
	[sflag:s8] =	ssyncadd.s32 $0xFFFF8000  }
0x241: {  	[hbm4b:s4+s6] =	stream.linear.scatter [tilespmem:s7], [sflag:$0x5], $0x8000, $0x38;
	[tilespmem:$0x18400] =	vst v63  }
0x242: {  	s5 =	rddreg [dreg:$0x1e]  }
0x243: {  	[hbm4b:s5+s6] =	stream.linear.scatter [tilespmem:s7], [sflag:$0x5], $0x8000, $0x38;
	[tilespmem:$0x18400] =	vst v63  }
0x244: {  	_ =	swait.ge [sflag:s2], $0x8000  }
0x245: {  	[sflag:s2] =	ssyncset.done $0x0  }
0x246: {  	[sflag:s2] =	ssyncadd.s32 $0xFFFF8000  }
0x247: {  	_ =	swait.ge [sflag:s2], $0x8000  }
0x248: {  	[sflag:s2] =	ssyncset.done $0x0  }
0x249: {  	[sflag:s2] =	ssyncadd.s32 $0xFFFF8000  }
0x24a: {  	v3 =	vld [tilespmem:$0x0];
	_ =	sdelay $0x4  }
0x24b: {  	v40 =	vshll.u32 v3, $0x3  }
0x24c: {  	v3 =	vand.u32 $0x7, v3;
	v4 =	vand.u32 $0xFFFFFFC0, v40  }
0x24d: {  	v3 =	vor.u32 v3, v4  }
0x24e: {  	v4 =	vperm.xlane v3, v0;
	_ =	sdelay $0x1  }
0x24f: {  	v4 =	vadd.s32 v1, v4;
	_ =	sdelay $0x3  }
0x250: {  	s5 =	rddreg [dreg:$0x2]  }
0x251: {  	[tilespmem:s29], [sflag:$0x3] =	stream.indirect_vreg.gather [hbm4b:s5+s6], $0x80, v4, vm0, $0xb8;
	[tilespmem:$0x18400] =	vst v63  }
0x252: {  	s4 =	simm.s32 $0x10C00;
	v3 =	vperm.xlane v3, v2  }
0x253: {  	[tilespmem:s4], [sflag:$0x3] =	stream.indirect_vreg.gather [hbm4b:s12+s6], $0x80, v4, vm0, $0xb8;
	[tilespmem:$0x18400] =	vst v63  }
0x254: {  	v3 =	vadd.s32 v1, v3;
	s4 =	simm.s32 $0x11400  }
0x255: {  	[tilespmem:s4], [sflag:$0x3] =	stream.indirect_vreg.gather [hbm4b:s13+s6], $0x80, v4, vm0, $0xb8;
	[tilespmem:$0x18400] =	vst v63  }
0x256: {  	s4 =	simm.s32 $0x11C00  }
0x257: {  	[tilespmem:s4], [sflag:$0x3] =	stream.indirect_vreg.gather [hbm4b:s14+s6], $0x80, v4, vm0, $0xb8;
	[tilespmem:$0x18400] =	vst v63  }
0x258: {  	s4 =	simm.s32 $0x12400  }
0x259: {  	[tilespmem:s4], [sflag:$0x3] =	stream.indirect_vreg.gather [hbm4b:s5+s6], $0x80, v3, vm0, $0xb8;
	[tilespmem:$0x18400] =	vst v63  }
0x25a: {  	s4 =	simm.s32 $0x12C00  }
0x25b: {  	[tilespmem:s4], [sflag:$0x3] =	stream.indirect_vreg.gather [hbm4b:s12+s6], $0x80, v3, vm0, $0xb8;
	[tilespmem:$0x18400] =	vst v63  }
0x25c: {  	s4 =	simm.s32 $0x13400  }
0x25d: {  	[tilespmem:s4], [sflag:$0x3] =	stream.indirect_vreg.gather [hbm4b:s13+s6], $0x80, v3, vm0, $0xb8;
	[tilespmem:$0x18400] =	vst v63  }
0x25e: {  	s4 =	simm.s32 $0x13C00  }
0x25f: {  	[tilespmem:s4], [sflag:$0x3] =	stream.indirect_vreg.gather [hbm4b:s14+s6], $0x80, v3, vm0, $0xb8;
	[tilespmem:$0x18400] =	vst v63  }
0x260: {  	v3 =	vld [tilespmem:$0x10];
	_ =	sdelay $0x4  }
0x261: {  	v41 =	vshll.u32 v3, $0x3  }
0x262: {  	v3 =	vand.u32 $0x7, v3;
	v4 =	vand.u32 $0xFFFFFFC0, v41  }
0x263: {  	v3 =	vor.u32 v3, v4  }
0x264: {  	v4 =	vperm.xlane v3, v0;
	_ =	sdelay $0x1  }
0x265: {  	v4 =	vadd.s32 v1, v4;
	_ =	sdelay $0x3  }
0x266: {  	s4 =	simm.s32 $0x14400  }
0x267: {  	[tilespmem:s4], [sflag:$0x3] =	stream.indirect_vreg.gather [hbm4b:s5+s6], $0x80, v4, vm0, $0xb8;
	[tilespmem:$0x18400] =	vst v63  }
0x268: {  	v3 =	vperm.xlane v3, v2;
	s4 =	simm.s32 $0x14C00  }
0x269: {  	[tilespmem:s4], [sflag:$0x3] =	stream.indirect_vreg.gather [hbm4b:s12+s6], $0x80, v4, vm0, $0xb8;
	[tilespmem:$0x18400] =	vst v63  }
0x26a: {  	v3 =	vadd.s32 v1, v3;
	s4 =	simm.s32 $0x15400  }
0x26b: {  	[tilespmem:s4], [sflag:$0x3] =	stream.indirect_vreg.gather [hbm4b:s13+s6], $0x80, v4, vm0, $0xb8;
	[tilespmem:$0x18400] =	vst v63  }
0x26c: {  	s4 =	simm.s32 $0x15C00  }
0x26d: {  	[tilespmem:s4], [sflag:$0x3] =	stream.indirect_vreg.gather [hbm4b:s14+s6], $0x80, v4, vm0, $0xb8;
	[tilespmem:$0x18400] =	vst v63  }
0x26e: {  	s4 =	simm.s32 $0x16400  }
0x26f: {  	[tilespmem:s4], [sflag:$0x3] =	stream.indirect_vreg.gather [hbm4b:s5+s6], $0x80, v3, vm0, $0xb8;
	[tilespmem:$0x18400] =	vst v63  }
0x270: {  	s4 =	simm.s32 $0x16C00  }
0x271: {  	[tilespmem:s4], [sflag:$0x3] =	stream.indirect_vreg.gather [hbm4b:s12+s6], $0x80, v3, vm0, $0xb8;
	[tilespmem:$0x18400] =	vst v63  }
0x272: {  	s4 =	simm.s32 $0x17400  }
0x273: {  	[tilespmem:s4], [sflag:$0x3] =	stream.indirect_vreg.gather [hbm4b:s13+s6], $0x80, v3, vm0, $0xb8;
	[tilespmem:$0x18400] =	vst v63  }
0x274: {  	s4 =	simm.s32 $0x17C00  }
0x275: {  	[tilespmem:s4], [sflag:$0x3] =	stream.indirect_vreg.gather [hbm4b:s14+s6], $0x80, v3, vm0, $0xb8;
	[tilespmem:$0x18400] =	vst v63  }
0x276: {  	_ =	swait.ge [sflag:s25], $0x8000  }
0x277: {  	s3 =	rddreg [dreg:$0x1f];
	[sflag:s25] =	ssyncset.done $0x0  }
0x278: {  	s4 =	sld [smem:$0x7AF];
	[sflag:s25] =	ssyncadd.s32 $0xFFFF8000  }
0x279: {  	[hbm4b:s3+s6] =	stream.linear.scatter [tilespmem:s29], [sflag:$0x6], $0x8000, $0x38;
	[tilespmem:$0x18400] =	vst v63  }
0x27a: {  	_ = 	snop  }
0x27b: {  	[hbm4b:s4+s6] =	stream.linear.scatter [tilespmem:s29], [sflag:$0x6], $0x8000, $0x38;
	[tilespmem:$0x18400] =	vst v63  }
0x27c: {  	_ =	swait.ge [sflag:s0], $0x8000  }
0x27d: {  	[sflag:s0] =	ssyncset.done $0x0  }
0x27e: {  	[sflag:s0] =	ssyncadd.s32 $0xFFFF8000  }
0x27f: {  	_ =	swait.ge [sflag:s0], $0x8000  }
0x280: {  	[sflag:s0] =	ssyncset.done $0x0  }
0x281: {  	[sflag:s0] =	ssyncadd.s32 $0xFFFF8000  }
0x282: {  	v3 =	vld [tilespmem:$0x80];
	_ =	sdelay $0x4  }
0x283: {  	v42 =	vshll.u32 v3, $0x3  }
0x284: {  	v3 =	vand.u32 $0x7, v3;
	v4 =	vand.u32 $0xFFFFFFC0, v42  }
0x285: {  	v3 =	vor.u32 v3, v4  }
0x286: {  	v4 =	vperm.xlane v3, v0;
	_ =	sdelay $0x1  }
0x287: {  	v4 =	vadd.s32 v1, v4;
	_ =	sdelay $0x4  }
0x288: {  	[tilespmem:s30], [sflag:$0x1] =	stream.indirect_vreg.gather [hbm4b:s5+s6], $0x80, v4, vm0, $0xb8;
	[tilespmem:$0x18400] =	vst v63  }
0x289: {  	s4 =	simm.s32 $0xC00;
	v3 =	vperm.xlane v3, v2  }
0x28a: {  	[tilespmem:s4], [sflag:$0x1] =	stream.indirect_vreg.gather [hbm4b:s12+s6], $0x80, v4, vm0, $0xb8;
	[tilespmem:$0x18400] =	vst v63  }
0x28b: {  	v3 =	vadd.s32 v1, v3;
	s4 =	simm.s32 $0x1400  }
0x28c: {  	[tilespmem:s4], [sflag:$0x1] =	stream.indirect_vreg.gather [hbm4b:s13+s6], $0x80, v4, vm0, $0xb8;
	[tilespmem:$0x18400] =	vst v63  }
0x28d: {  	s4 =	simm.s32 $0x1C00  }
0x28e: {  	[tilespmem:s4], [sflag:$0x1] =	stream.indirect_vreg.gather [hbm4b:s14+s6], $0x80, v4, vm0, $0xb8;
	[tilespmem:$0x18400] =	vst v63  }
0x28f: {  	s4 =	simm.s32 $0x2400  }
0x290: {  	[tilespmem:s4], [sflag:$0x1] =	stream.indirect_vreg.gather [hbm4b:s5+s6], $0x80, v3, vm0, $0xb8;
	[tilespmem:$0x18400] =	vst v63  }
0x291: {  	s4 =	simm.s32 $0x2C00  }
0x292: {  	[tilespmem:s4], [sflag:$0x1] =	stream.indirect_vreg.gather [hbm4b:s12+s6], $0x80, v3, vm0, $0xb8;
	[tilespmem:$0x18400] =	vst v63  }
0x293: {  	s4 =	simm.s32 $0x3400  }
0x294: {  	[tilespmem:s4], [sflag:$0x1] =	stream.indirect_vreg.gather [hbm4b:s13+s6], $0x80, v3, vm0, $0xb8;
	[tilespmem:$0x18400] =	vst v63  }
0x295: {  	s4 =	simm.s32 $0x3C00  }
0x296: {  	[tilespmem:s4], [sflag:$0x1] =	stream.indirect_vreg.gather [hbm4b:s14+s6], $0x80, v3, vm0, $0xb8;
	[tilespmem:$0x18400] =	vst v63  }
0x297: {  	v3 =	vld [tilespmem:$0x90];
	_ =	sdelay $0x4  }
0x298: {  	v43 =	vshll.u32 v3, $0x3  }
0x299: {  	v3 =	vand.u32 $0x7, v3;
	v4 =	vand.u32 $0xFFFFFFC0, v43  }
0x29a: {  	v3 =	vor.u32 v3, v4  }
0x29b: {  	v4 =	vperm.xlane v3, v0;
	_ =	sdelay $0x1  }
0x29c: {  	v4 =	vadd.s32 v1, v4;
	_ =	sdelay $0x3  }
0x29d: {  	s4 =	simm.s32 $0x4400  }
0x29e: {  	[tilespmem:s4], [sflag:$0x1] =	stream.indirect_vreg.gather [hbm4b:s5+s6], $0x80, v4, vm0, $0xb8;
	[tilespmem:$0x18400] =	vst v63  }
0x29f: {  	v3 =	vperm.xlane v3, v2;
	s4 =	simm.s32 $0x4C00  }
0x2a0: {  	[tilespmem:s4], [sflag:$0x1] =	stream.indirect_vreg.gather [hbm4b:s12+s6], $0x80, v4, vm0, $0xb8;
	[tilespmem:$0x18400] =	vst v63  }
0x2a1: {  	v3 =	vadd.s32 v1, v3;
	s4 =	simm.s32 $0x5400  }
0x2a2: {  	[tilespmem:s4], [sflag:$0x1] =	stream.indirect_vreg.gather [hbm4b:s13+s6], $0x80, v4, vm0, $0xb8;
	[tilespmem:$0x18400] =	vst v63  }
0x2a3: {  	s4 =	simm.s32 $0x5C00  }
0x2a4: {  	[tilespmem:s4], [sflag:$0x1] =	stream.indirect_vreg.gather [hbm4b:s14+s6], $0x80, v4, vm0, $0xb8;
	[tilespmem:$0x18400] =	vst v63  }
0x2a5: {  	s4 =	simm.s32 $0x6400  }
0x2a6: {  	[tilespmem:s4], [sflag:$0x1] =	stream.indirect_vreg.gather [hbm4b:s5+s6], $0x80, v3, vm0, $0xb8;
	[tilespmem:$0x18400] =	vst v63  }
0x2a7: {  	s4 =	simm.s32 $0x6C00  }
0x2a8: {  	[tilespmem:s4], [sflag:$0x1] =	stream.indirect_vreg.gather [hbm4b:s12+s6], $0x80, v3, vm0, $0xb8;
	[tilespmem:$0x18400] =	vst v63  }
0x2a9: {  	s4 =	simm.s32 $0x7400  }
0x2aa: {  	[tilespmem:s4], [sflag:$0x1] =	stream.indirect_vreg.gather [hbm4b:s13+s6], $0x80, v3, vm0, $0xb8;
	[tilespmem:$0x18400] =	vst v63  }
0x2ab: {  	s4 =	simm.s32 $0x7C00  }
0x2ac: {  	[tilespmem:s4], [sflag:$0x1] =	stream.indirect_vreg.gather [hbm4b:s14+s6], $0x80, v3, vm0, $0xb8;
	[tilespmem:$0x18400] =	vst v63  }
0x2ad: {  	_ =	swait.ge [sflag:s31], $0x8000  }
0x2ae: {  	s3 =	sld [smem:$0x7B0]  }
0x2af: {  	[sflag:s31] =	ssyncset.done $0x0  }
0x2b0: {  	s4 =	sld [smem:$0x7B1];
	[sflag:s31] =	ssyncadd.s32 $0xFFFF8000  }
0x2b1: {  	[hbm4b:s3+s6] =	stream.linear.scatter [tilespmem:s30], [sflag:$0x4], $0x8000, $0x38;
	[tilespmem:$0x18400] =	vst v63  }
0x2b2: {  	_ = 	snop  }
0x2b3: {  	[hbm4b:s4+s6] =	stream.linear.scatter [tilespmem:s30], [sflag:$0x4], $0x8000, $0x38;
	[tilespmem:$0x18400] =	vst v63  }
0x2b4: {  	_ =	swait.ge [sflag:s1], $0x8000  }
0x2b5: {  	[sflag:s1] =	ssyncset.done $0x0  }
0x2b6: {  	[sflag:s1] =	ssyncadd.s32 $0xFFFF8000  }
0x2b7: {  	_ =	swait.ge [sflag:s1], $0x8000  }
0x2b8: {  	[sflag:s1] =	ssyncset.done $0x0  }
0x2b9: {  	[sflag:s1] =	ssyncadd.s32 $0xFFFF8000  }
0x2ba: {  	v3 =	vld [tilespmem:$0x100];
	_ =	sdelay $0x4  }
0x2bb: {  	v44 =	vshll.u32 v3, $0x3  }
0x2bc: {  	v3 =	vand.u32 $0x7, v3;
	v4 =	vand.u32 $0xFFFFFFC0, v44  }
0x2bd: {  	v3 =	vor.u32 v3, v4  }
0x2be: {  	v4 =	vperm.xlane v3, v0;
	_ =	sdelay $0x1  }
0x2bf: {  	v4 =	vadd.s32 v1, v4;
	_ =	sdelay $0x4  }
0x2c0: {  	[tilespmem:s7], [sflag:$0x2] =	stream.indirect_vreg.gather [hbm4b:s5+s6], $0x80, v4, vm0, $0xb8;
	[tilespmem:$0x18400] =	vst v63  }
0x2c1: {  	s4 =	simm.s32 $0x8C00;
	v3 =	vperm.xlane v3, v2  }
0x2c2: {  	[tilespmem:s4], [sflag:$0x2] =	stream.indirect_vreg.gather [hbm4b:s12+s6], $0x80, v4, vm0, $0xb8;
	[tilespmem:$0x18400] =	vst v63  }
0x2c3: {  	v3 =	vadd.s32 v1, v3;
	s4 =	simm.s32 $0x9400  }
0x2c4: {  	[tilespmem:s4], [sflag:$0x2] =	stream.indirect_vreg.gather [hbm4b:s13+s6], $0x80, v4, vm0, $0xb8;
	[tilespmem:$0x18400] =	vst v63  }
0x2c5: {  	s4 =	simm.s32 $0x9C00  }
0x2c6: {  	[tilespmem:s4], [sflag:$0x2] =	stream.indirect_vreg.gather [hbm4b:s14+s6], $0x80, v4, vm0, $0xb8;
	[tilespmem:$0x18400] =	vst v63  }
0x2c7: {  	s4 =	simm.s32 $0xA400  }
0x2c8: {  	[tilespmem:s4], [sflag:$0x2] =	stream.indirect_vreg.gather [hbm4b:s5+s6], $0x80, v3, vm0, $0xb8;
	[tilespmem:$0x18400] =	vst v63  }
0x2c9: {  	s4 =	simm.s32 $0xAC00  }
0x2ca: {  	[tilespmem:s4], [sflag:$0x2] =	stream.indirect_vreg.gather [hbm4b:s12+s6], $0x80, v3, vm0, $0xb8;
	[tilespmem:$0x18400] =	vst v63  }
0x2cb: {  	s4 =	simm.s32 $0xB400  }
0x2cc: {  	[tilespmem:s4], [sflag:$0x2] =	stream.indirect_vreg.gather [hbm4b:s13+s6], $0x80, v3, vm0, $0xb8;
	[tilespmem:$0x18400] =	vst v63  }
0x2cd: {  	s4 =	simm.s32 $0xBC00  }
0x2ce: {  	[tilespmem:s4], [sflag:$0x2] =	stream.indirect_vreg.gather [hbm4b:s14+s6], $0x80, v3, vm0, $0xb8;
	[tilespmem:$0x18400] =	vst v63  }
0x2cf: {  	v3 =	vld [tilespmem:$0x110];
	_ =	sdelay $0x4  }
0x2d0: {  	v45 =	vshll.u32 v3, $0x3  }
0x2d1: {  	v3 =	vand.u32 $0x7, v3;
	v4 =	vand.u32 $0xFFFFFFC0, v45  }
0x2d2: {  	v3 =	vor.u32 v3, v4  }
0x2d3: {  	v4 =	vperm.xlane v3, v0;
	_ =	sdelay $0x1  }
0x2d4: {  	v4 =	vadd.s32 v1, v4;
	_ =	sdelay $0x3  }
0x2d5: {  	s4 =	simm.s32 $0xC400  }
0x2d6: {  	[tilespmem:s4], [sflag:$0x2] =	stream.indirect_vreg.gather [hbm4b:s5+s6], $0x80, v4, vm0, $0xb8;
	[tilespmem:$0x18400] =	vst v63  }
0x2d7: {  	v3 =	vperm.xlane v3, v2;
	s4 =	simm.s32 $0xCC00  }
0x2d8: {  	[tilespmem:s4], [sflag:$0x2] =	stream.indirect_vreg.gather [hbm4b:s12+s6], $0x80, v4, vm0, $0xb8;
	[tilespmem:$0x18400] =	vst v63  }
0x2d9: {  	v3 =	vadd.s32 v1, v3;
	s4 =	simm.s32 $0xD400  }
0x2da: {  	[tilespmem:s4], [sflag:$0x2] =	stream.indirect_vreg.gather [hbm4b:s13+s6], $0x80, v4, vm0, $0xb8;
	[tilespmem:$0x18400] =	vst v63  }
0x2db: {  	s4 =	simm.s32 $0xDC00  }
0x2dc: {  	[tilespmem:s4], [sflag:$0x2] =	stream.indirect_vreg.gather [hbm4b:s14+s6], $0x80, v4, vm0, $0xb8;
	[tilespmem:$0x18400] =	vst v63  }
0x2dd: {  	s4 =	simm.s32 $0xE400  }
0x2de: {  	[tilespmem:s4], [sflag:$0x2] =	stream.indirect_vreg.gather [hbm4b:s5+s6], $0x80, v3, vm0, $0xb8;
	[tilespmem:$0x18400] =	vst v63  }
0x2df: {  	s4 =	simm.s32 $0xEC00  }
0x2e0: {  	[tilespmem:s4], [sflag:$0x2] =	stream.indirect_vreg.gather [hbm4b:s12+s6], $0x80, v3, vm0, $0xb8;
	[tilespmem:$0x18400] =	vst v63  }
0x2e1: {  	s4 =	simm.s32 $0xF400  }
0x2e2: {  	[tilespmem:s4], [sflag:$0x2] =	stream.indirect_vreg.gather [hbm4b:s13+s6], $0x80, v3, vm0, $0xb8;
	[tilespmem:$0x18400] =	vst v63  }
0x2e3: {  	s4 =	simm.s32 $0xFC00  }
0x2e4: {  	[tilespmem:s4], [sflag:$0x2] =	stream.indirect_vreg.gather [hbm4b:s14+s6], $0x80, v3, vm0, $0xb8;
	[tilespmem:$0x18400] =	vst v63  }
0x2e5: {  	_ =	swait.ge [sflag:s8], $0x8000  }
0x2e6: {  	s3 =	sld [smem:$0x7B2]  }
0x2e7: {  	[sflag:s8] =	ssyncset.done $0x0  }
0x2e8: {  	s4 =	sld [smem:$0x7B3];
	[sflag:s8] =	ssyncadd.s32 $0xFFFF8000  }
0x2e9: {  	[hbm4b:s3+s6] =	stream.linear.scatter [tilespmem:s7], [sflag:$0x5], $0x8000, $0x38;
	[tilespmem:$0x18400] =	vst v63  }
0x2ea: {  	_ = 	snop  }
0x2eb: {  	[hbm4b:s4+s6] =	stream.linear.scatter [tilespmem:s7], [sflag:$0x5], $0x8000, $0x38;
	[tilespmem:$0x18400] =	vst v63  }
0x2ec: {  	_ =	swait.ge [sflag:s2], $0x8000  }
0x2ed: {  	[sflag:s2] =	ssyncset.done $0x0  }
0x2ee: {  	[sflag:s2] =	ssyncadd.s32 $0xFFFF8000  }
0x2ef: {  	_ =	swait.ge [sflag:s2], $0x8000  }
0x2f0: {  	[sflag:s2] =	ssyncset.done $0x0  }
0x2f1: {  	[sflag:s2] =	ssyncadd.s32 $0xFFFF8000  }
0x2f2: {  	v3 =	vld [tilespmem:$0x180];
	_ =	sdelay $0x4  }
0x2f3: {  	v46 =	vshll.u32 v3, $0x3  }
0x2f4: {  	v3 =	vand.u32 $0x7, v3;
	v4 =	vand.u32 $0xFFFFFFC0, v46  }
0x2f5: {  	v3 =	vor.u32 v3, v4  }
0x2f6: {  	v4 =	vperm.xlane v3, v0;
	_ =	sdelay $0x1  }
0x2f7: {  	v4 =	vadd.s32 v1, v4;
	_ =	sdelay $0x4  }
0x2f8: {  	[tilespmem:s29], [sflag:$0x3] =	stream.indirect_vreg.gather [hbm4b:s5+s6], $0x80, v4, vm0, $0xb8;
	[tilespmem:$0x18400] =	vst v63  }
0x2f9: {  	s4 =	simm.s32 $0x10C00;
	v3 =	vperm.xlane v3, v2  }
0x2fa: {  	[tilespmem:s4], [sflag:$0x3] =	stream.indirect_vreg.gather [hbm4b:s12+s6], $0x80, v4, vm0, $0xb8;
	[tilespmem:$0x18400] =	vst v63  }
0x2fb: {  	v3 =	vadd.s32 v1, v3;
	s4 =	simm.s32 $0x11400  }
0x2fc: {  	[tilespmem:s4], [sflag:$0x3] =	stream.indirect_vreg.gather [hbm4b:s13+s6], $0x80, v4, vm0, $0xb8;
	[tilespmem:$0x18400] =	vst v63  }
0x2fd: {  	s4 =	simm.s32 $0x11C00  }
0x2fe: {  	[tilespmem:s4], [sflag:$0x3] =	stream.indirect_vreg.gather [hbm4b:s14+s6], $0x80, v4, vm0, $0xb8;
	[tilespmem:$0x18400] =	vst v63  }
0x2ff: {  	s4 =	simm.s32 $0x12400  }
0x300: {  	[tilespmem:s4], [sflag:$0x3] =	stream.indirect_vreg.gather [hbm4b:s5+s6], $0x80, v3, vm0, $0xb8;
	[tilespmem:$0x18400] =	vst v63  }
0x301: {  	s4 =	simm.s32 $0x12C00  }
0x302: {  	[tilespmem:s4], [sflag:$0x3] =	stream.indirect_vreg.gather [hbm4b:s12+s6], $0x80, v3, vm0, $0xb8;
	[tilespmem:$0x18400] =	vst v63  }
0x303: {  	s4 =	simm.s32 $0x13400  }
0x304: {  	[tilespmem:s4], [sflag:$0x3] =	stream.indirect_vreg.gather [hbm4b:s13+s6], $0x80, v3, vm0, $0xb8;
	[tilespmem:$0x18400] =	vst v63  }
0x305: {  	s4 =	simm.s32 $0x13C00  }
0x306: {  	[tilespmem:s4], [sflag:$0x3] =	stream.indirect_vreg.gather [hbm4b:s14+s6], $0x80, v3, vm0, $0xb8;
	[tilespmem:$0x18400] =	vst v63  }
0x307: {  	v3 =	vld [tilespmem:$0x190];
	_ =	sdelay $0x4  }
0x308: {  	v47 =	vshll.u32 v3, $0x3  }
0x309: {  	v3 =	vand.u32 $0x7, v3;
	v4 =	vand.u32 $0xFFFFFFC0, v47  }
0x30a: {  	v3 =	vor.u32 v3, v4  }
0x30b: {  	v4 =	vperm.xlane v3, v0;
	_ =	sdelay $0x1  }
0x30c: {  	v4 =	vadd.s32 v1, v4;
	_ =	sdelay $0x3  }
0x30d: {  	s4 =	simm.s32 $0x14400  }
0x30e: {  	[tilespmem:s4], [sflag:$0x3] =	stream.indirect_vreg.gather [hbm4b:s5+s6], $0x80, v4, vm0, $0xb8;
	[tilespmem:$0x18400] =	vst v63  }
0x30f: {  	v3 =	vperm.xlane v3, v2;
	s4 =	simm.s32 $0x14C00  }
0x310: {  	[tilespmem:s4], [sflag:$0x3] =	stream.indirect_vreg.gather [hbm4b:s12+s6], $0x80, v4, vm0, $0xb8;
	[tilespmem:$0x18400] =	vst v63  }
0x311: {  	v3 =	vadd.s32 v1, v3;
	s4 =	simm.s32 $0x15400  }
0x312: {  	[tilespmem:s4], [sflag:$0x3] =	stream.indirect_vreg.gather [hbm4b:s13+s6], $0x80, v4, vm0, $0xb8;
	[tilespmem:$0x18400] =	vst v63  }
0x313: {  	s4 =	simm.s32 $0x15C00  }
0x314: {  	[tilespmem:s4], [sflag:$0x3] =	stream.indirect_vreg.gather [hbm4b:s14+s6], $0x80, v4, vm0, $0xb8;
	[tilespmem:$0x18400] =	vst v63  }
0x315: {  	s4 =	simm.s32 $0x16400  }
0x316: {  	[tilespmem:s4], [sflag:$0x3] =	stream.indirect_vreg.gather [hbm4b:s5+s6], $0x80, v3, vm0, $0xb8;
	[tilespmem:$0x18400] =	vst v63  }
0x317: {  	s4 =	simm.s32 $0x16C00  }
0x318: {  	[tilespmem:s4], [sflag:$0x3] =	stream.indirect_vreg.gather [hbm4b:s12+s6], $0x80, v3, vm0, $0xb8;
	[tilespmem:$0x18400] =	vst v63  }
0x319: {  	s4 =	simm.s32 $0x17400  }
0x31a: {  	[tilespmem:s4], [sflag:$0x3] =	stream.indirect_vreg.gather [hbm4b:s13+s6], $0x80, v3, vm0, $0xb8;
	[tilespmem:$0x18400] =	vst v63  }
0x31b: {  	s4 =	simm.s32 $0x17C00  }
0x31c: {  	[tilespmem:s4], [sflag:$0x3] =	stream.indirect_vreg.gather [hbm4b:s14+s6], $0x80, v3, vm0, $0xb8;
	[tilespmem:$0x18400] =	vst v63  }
0x31d: {  	_ =	swait.ge [sflag:s25], $0x8000  }
0x31e: {  	s3 =	sld [smem:$0x7B4]  }
0x31f: {  	[sflag:s25] =	ssyncset.done $0x0  }
0x320: {  	s4 =	sld [smem:$0x7B5];
	[sflag:s25] =	ssyncadd.s32 $0xFFFF8000  }
0x321: {  	[hbm4b:s3+s6] =	stream.linear.scatter [tilespmem:s29], [sflag:$0x6], $0x8000, $0x38;
	[tilespmem:$0x18400] =	vst v63  }
0x322: {  	_ = 	snop  }
0x323: {  	[hbm4b:s4+s6] =	stream.linear.scatter [tilespmem:s29], [sflag:$0x6], $0x8000, $0x38;
	[tilespmem:$0x18400] =	vst v63  }
0x324: {  	_ =	swait.ge [sflag:s0], $0x8000  }
0x325: {  	[sflag:s0] =	ssyncset.done $0x0  }
0x326: {  	[sflag:s0] =	ssyncadd.s32 $0xFFFF8000  }
0x327: {  	_ =	swait.ge [sflag:s0], $0x8000  }
0x328: {  	[sflag:s0] =	ssyncset.done $0x0  }
0x329: {  	[sflag:s0] =	ssyncadd.s32 $0xFFFF8000  }
0x32a: {  	v3 =	vld [tilespmem:$0x200];
	_ =	sdelay $0x4  }
0x32b: {  	v48 =	vshll.u32 v3, $0x3  }
0x32c: {  	v3 =	vand.u32 $0x7, v3;
	v4 =	vand.u32 $0xFFFFFFC0, v48  }
0x32d: {  	v3 =	vor.u32 v3, v4  }
0x32e: {  	v4 =	vperm.xlane v3, v0;
	_ =	sdelay $0x1  }
0x32f: {  	v4 =	vadd.s32 v1, v4;
	_ =	sdelay $0x4  }
0x330: {  	[tilespmem:s30], [sflag:$0x1] =	stream.indirect_vreg.gather [hbm4b:s5+s6], $0x80, v4, vm0, $0xb8;
	[tilespmem:$0x18400] =	vst v63  }
0x331: {  	s4 =	simm.s32 $0xC00;
	v3 =	vperm.xlane v3, v2  }
0x332: {  	[tilespmem:s4], [sflag:$0x1] =	stream.indirect_vreg.gather [hbm4b:s12+s6], $0x80, v4, vm0, $0xb8;
	[tilespmem:$0x18400] =	vst v63  }
0x333: {  	v3 =	vadd.s32 v1, v3;
	s4 =	simm.s32 $0x1400  }
0x334: {  	[tilespmem:s4], [sflag:$0x1] =	stream.indirect_vreg.gather [hbm4b:s13+s6], $0x80, v4, vm0, $0xb8;
	[tilespmem:$0x18400] =	vst v63  }
0x335: {  	s4 =	simm.s32 $0x1C00  }
0x336: {  	[tilespmem:s4], [sflag:$0x1] =	stream.indirect_vreg.gather [hbm4b:s14+s6], $0x80, v4, vm0, $0xb8;
	[tilespmem:$0x18400] =	vst v63  }
0x337: {  	s4 =	simm.s32 $0x2400  }
0x338: {  	[tilespmem:s4], [sflag:$0x1] =	stream.indirect_vreg.gather [hbm4b:s5+s6], $0x80, v3, vm0, $0xb8;
	[tilespmem:$0x18400] =	vst v63  }
0x339: {  	s4 =	simm.s32 $0x2C00  }
0x33a: {  	[tilespmem:s4], [sflag:$0x1] =	stream.indirect_vreg.gather [hbm4b:s12+s6], $0x80, v3, vm0, $0xb8;
	[tilespmem:$0x18400] =	vst v63  }
0x33b: {  	s4 =	simm.s32 $0x3400  }
0x33c: {  	[tilespmem:s4], [sflag:$0x1] =	stream.indirect_vreg.gather [hbm4b:s13+s6], $0x80, v3, vm0, $0xb8;
	[tilespmem:$0x18400] =	vst v63  }
0x33d: {  	s4 =	simm.s32 $0x3C00  }
0x33e: {  	[tilespmem:s4], [sflag:$0x1] =	stream.indirect_vreg.gather [hbm4b:s14+s6], $0x80, v3, vm0, $0xb8;
	[tilespmem:$0x18400] =	vst v63  }
0x33f: {  	v3 =	vld [tilespmem:$0x210];
	_ =	sdelay $0x4  }
0x340: {  	v49 =	vshll.u32 v3, $0x3  }
0x341: {  	v3 =	vand.u32 $0x7, v3;
	v4 =	vand.u32 $0xFFFFFFC0, v49  }
0x342: {  	v3 =	vor.u32 v3, v4  }
0x343: {  	v4 =	vperm.xlane v3, v0;
	_ =	sdelay $0x1  }
0x344: {  	v4 =	vadd.s32 v1, v4;
	_ =	sdelay $0x3  }
0x345: {  	s4 =	simm.s32 $0x4400  }
0x346: {  	[tilespmem:s4], [sflag:$0x1] =	stream.indirect_vreg.gather [hbm4b:s5+s6], $0x80, v4, vm0, $0xb8;
	[tilespmem:$0x18400] =	vst v63  }
0x347: {  	v3 =	vperm.xlane v3, v2;
	s4 =	simm.s32 $0x4C00  }
0x348: {  	[tilespmem:s4], [sflag:$0x1] =	stream.indirect_vreg.gather [hbm4b:s12+s6], $0x80, v4, vm0, $0xb8;
	[tilespmem:$0x18400] =	vst v63  }
0x349: {  	v3 =	vadd.s32 v1, v3;
	s4 =	simm.s32 $0x5400  }
0x34a: {  	[tilespmem:s4], [sflag:$0x1] =	stream.indirect_vreg.gather [hbm4b:s13+s6], $0x80, v4, vm0, $0xb8;
	[tilespmem:$0x18400] =	vst v63  }
0x34b: {  	s4 =	simm.s32 $0x5C00  }
0x34c: {  	[tilespmem:s4], [sflag:$0x1] =	stream.indirect_vreg.gather [hbm4b:s14+s6], $0x80, v4, vm0, $0xb8;
	[tilespmem:$0x18400] =	vst v63  }
0x34d: {  	s4 =	simm.s32 $0x6400  }
0x34e: {  	[tilespmem:s4], [sflag:$0x1] =	stream.indirect_vreg.gather [hbm4b:s5+s6], $0x80, v3, vm0, $0xb8;
	[tilespmem:$0x18400] =	vst v63  }
0x34f: {  	s4 =	simm.s32 $0x6C00  }
0x350: {  	[tilespmem:s4], [sflag:$0x1] =	stream.indirect_vreg.gather [hbm4b:s12+s6], $0x80, v3, vm0, $0xb8;
	[tilespmem:$0x18400] =	vst v63  }
0x351: {  	s4 =	simm.s32 $0x7400  }
0x352: {  	[tilespmem:s4], [sflag:$0x1] =	stream.indirect_vreg.gather [hbm4b:s13+s6], $0x80, v3, vm0, $0xb8;
	[tilespmem:$0x18400] =	vst v63  }
0x353: {  	s4 =	simm.s32 $0x7C00  }
0x354: {  	[tilespmem:s4], [sflag:$0x1] =	stream.indirect_vreg.gather [hbm4b:s14+s6], $0x80, v3, vm0, $0xb8;
	[tilespmem:$0x18400] =	vst v63  }
0x355: {  	_ =	swait.ge [sflag:s31], $0x8000  }
0x356: {  	s3 =	sld [smem:$0x7B6];
	[sflag:s31] =	ssyncset.done $0x0  }
0x357: {  	[sflag:s31] =	ssyncadd.s32 $0xFFFF8000  }
0x358: {  	s4 =	sld [smem:$0x7B7]  }
0x359: {  	[hbm4b:s3+s6] =	stream.linear.scatter [tilespmem:s30], [sflag:$0x4], $0x8000, $0x38;
	[tilespmem:$0x18400] =	vst v63  }
0x35a: {  	_ = 	snop  }
0x35b: {  	[hbm4b:s4+s6] =	stream.linear.scatter [tilespmem:s30], [sflag:$0x4], $0x8000, $0x38;
	[tilespmem:$0x18400] =	vst v63  }
0x35c: {  	_ =	swait.ge [sflag:s1], $0x8000  }
0x35d: {  	[sflag:s1] =	ssyncset.done $0x0  }
0x35e: {  	[sflag:s1] =	ssyncadd.s32 $0xFFFF8000  }
0x35f: {  	_ =	swait.ge [sflag:s1], $0x8000  }
0x360: {  	[sflag:s1] =	ssyncset.done $0x0  }
0x361: {  	[sflag:s1] =	ssyncadd.s32 $0xFFFF8000  }
0x362: {  	v3 =	vld [tilespmem:$0x280];
	_ =	sdelay $0x4  }
0x363: {  	v50 =	vshll.u32 v3, $0x3  }
0x364: {  	v3 =	vand.u32 $0x7, v3;
	v4 =	vand.u32 $0xFFFFFFC0, v50  }
0x365: {  	v3 =	vor.u32 v3, v4  }
0x366: {  	v4 =	vperm.xlane v3, v0;
	_ =	sdelay $0x1  }
0x367: {  	v4 =	vadd.s32 v1, v4;
	_ =	sdelay $0x4  }
0x368: {  	[tilespmem:s7], [sflag:$0x2] =	stream.indirect_vreg.gather [hbm4b:s5+s6], $0x80, v4, vm0, $0xb8;
	[tilespmem:$0x18400] =	vst v63  }
0x369: {  	s4 =	simm.s32 $0x8C00;
	v3 =	vperm.xlane v3, v2  }
0x36a: {  	[tilespmem:s4], [sflag:$0x2] =	stream.indirect_vreg.gather [hbm4b:s12+s6], $0x80, v4, vm0, $0xb8;
	[tilespmem:$0x18400] =	vst v63  }
0x36b: {  	v3 =	vadd.s32 v1, v3;
	s4 =	simm.s32 $0x9400  }
0x36c: {  	[tilespmem:s4], [sflag:$0x2] =	stream.indirect_vreg.gather [hbm4b:s13+s6], $0x80, v4, vm0, $0xb8;
	[tilespmem:$0x18400] =	vst v63  }
0x36d: {  	s4 =	simm.s32 $0x9C00  }
0x36e: {  	[tilespmem:s4], [sflag:$0x2] =	stream.indirect_vreg.gather [hbm4b:s14+s6], $0x80, v4, vm0, $0xb8;
	[tilespmem:$0x18400] =	vst v63  }
0x36f: {  	s4 =	simm.s32 $0xA400  }
0x370: {  	[tilespmem:s4], [sflag:$0x2] =	stream.indirect_vreg.gather [hbm4b:s5+s6], $0x80, v3, vm0, $0xb8;
	[tilespmem:$0x18400] =	vst v63  }
0x371: {  	s4 =	simm.s32 $0xAC00  }
0x372: {  	[tilespmem:s4], [sflag:$0x2] =	stream.indirect_vreg.gather [hbm4b:s12+s6], $0x80, v3, vm0, $0xb8;
	[tilespmem:$0x18400] =	vst v63  }
0x373: {  	s4 =	simm.s32 $0xB400  }
0x374: {  	[tilespmem:s4], [sflag:$0x2] =	stream.indirect_vreg.gather [hbm4b:s13+s6], $0x80, v3, vm0, $0xb8;
	[tilespmem:$0x18400] =	vst v63  }
0x375: {  	s4 =	simm.s32 $0xBC00  }
0x376: {  	[tilespmem:s4], [sflag:$0x2] =	stream.indirect_vreg.gather [hbm4b:s14+s6], $0x80, v3, vm0, $0xb8;
	[tilespmem:$0x18400] =	vst v63  }
0x377: {  	v3 =	vld [tilespmem:$0x290];
	_ =	sdelay $0x4  }
0x378: {  	v51 =	vshll.u32 v3, $0x3  }
0x379: {  	v3 =	vand.u32 $0x7, v3;
	v4 =	vand.u32 $0xFFFFFFC0, v51  }
0x37a: {  	v3 =	vor.u32 v3, v4  }
0x37b: {  	v4 =	vperm.xlane v3, v0;
	_ =	sdelay $0x1  }
0x37c: {  	v4 =	vadd.s32 v1, v4;
	_ =	sdelay $0x3  }
0x37d: {  	s4 =	simm.s32 $0xC400  }
0x37e: {  	[tilespmem:s4], [sflag:$0x2] =	stream.indirect_vreg.gather [hbm4b:s5+s6], $0x80, v4, vm0, $0xb8;
	[tilespmem:$0x18400] =	vst v63  }
0x37f: {  	v3 =	vperm.xlane v3, v2;
	s4 =	simm.s32 $0xCC00  }
0x380: {  	[tilespmem:s4], [sflag:$0x2] =	stream.indirect_vreg.gather [hbm4b:s12+s6], $0x80, v4, vm0, $0xb8;
	[tilespmem:$0x18400] =	vst v63  }
0x381: {  	v3 =	vadd.s32 v1, v3;
	s4 =	simm.s32 $0xD400  }
0x382: {  	[tilespmem:s4], [sflag:$0x2] =	stream.indirect_vreg.gather [hbm4b:s13+s6], $0x80, v4, vm0, $0xb8;
	[tilespmem:$0x18400] =	vst v63  }
0x383: {  	s4 =	simm.s32 $0xDC00  }
0x384: {  	[tilespmem:s4], [sflag:$0x2] =	stream.indirect_vreg.gather [hbm4b:s14+s6], $0x80, v4, vm0, $0xb8;
	[tilespmem:$0x18400] =	vst v63  }
0x385: {  	s4 =	simm.s32 $0xE400  }
0x386: {  	[tilespmem:s4], [sflag:$0x2] =	stream.indirect_vreg.gather [hbm4b:s5+s6], $0x80, v3, vm0, $0xb8;
	[tilespmem:$0x18400] =	vst v63  }
0x387: {  	s4 =	simm.s32 $0xEC00  }
0x388: {  	[tilespmem:s4], [sflag:$0x2] =	stream.indirect_vreg.gather [hbm4b:s12+s6], $0x80, v3, vm0, $0xb8;
	[tilespmem:$0x18400] =	vst v63  }
0x389: {  	s4 =	simm.s32 $0xF400  }
0x38a: {  	[tilespmem:s4], [sflag:$0x2] =	stream.indirect_vreg.gather [hbm4b:s13+s6], $0x80, v3, vm0, $0xb8;
	[tilespmem:$0x18400] =	vst v63  }
0x38b: {  	s4 =	simm.s32 $0xFC00  }
0x38c: {  	[tilespmem:s4], [sflag:$0x2] =	stream.indirect_vreg.gather [hbm4b:s14+s6], $0x80, v3, vm0, $0xb8;
	[tilespmem:$0x18400] =	vst v63  }
0x38d: {  	_ =	swait.ge [sflag:s8], $0x8000  }
0x38e: {  	s3 =	sld [smem:$0x7B8]  }
0x38f: {  	[sflag:s8] =	ssyncset.done $0x0  }
0x390: {  	s4 =	sld [smem:$0x7B9];
	[sflag:s8] =	ssyncadd.s32 $0xFFFF8000  }
0x391: {  	[hbm4b:s3+s6] =	stream.linear.scatter [tilespmem:s7], [sflag:$0x5], $0x8000, $0x38;
	[tilespmem:$0x18400] =	vst v63  }
0x392: {  	_ = 	snop  }
0x393: {  	[hbm4b:s4+s6] =	stream.linear.scatter [tilespmem:s7], [sflag:$0x5], $0x8000, $0x38;
	[tilespmem:$0x18400] =	vst v63  }
0x394: {  	_ =	swait.ge [sflag:s2], $0x8000  }
0x395: {  	[sflag:s2] =	ssyncset.done $0x0  }
0x396: {  	[sflag:s2] =	ssyncadd.s32 $0xFFFF8000  }
0x397: {  	_ =	swait.ge [sflag:s2], $0x8000  }
0x398: {  	[sflag:s2] =	ssyncset.done $0x0  }
0x399: {  	[sflag:s2] =	ssyncadd.s32 $0xFFFF8000  }
0x39a: {  	v3 =	vld [tilespmem:$0x300];
	_ =	sdelay $0x4  }
0x39b: {  	v52 =	vshll.u32 v3, $0x3  }
0x39c: {  	v3 =	vand.u32 $0x7, v3;
	v4 =	vand.u32 $0xFFFFFFC0, v52  }
0x39d: {  	v3 =	vor.u32 v3, v4  }
0x39e: {  	v4 =	vperm.xlane v3, v0;
	_ =	sdelay $0x1  }
0x39f: {  	v4 =	vadd.s32 v1, v4;
	_ =	sdelay $0x4  }
0x3a0: {  	[tilespmem:s29], [sflag:$0x3] =	stream.indirect_vreg.gather [hbm4b:s5+s6], $0x80, v4, vm0, $0xb8;
	[tilespmem:$0x18400] =	vst v63  }
0x3a1: {  	s4 =	simm.s32 $0x10C00;
	v3 =	vperm.xlane v3, v2  }
0x3a2: {  	[tilespmem:s4], [sflag:$0x3] =	stream.indirect_vreg.gather [hbm4b:s12+s6], $0x80, v4, vm0, $0xb8;
	[tilespmem:$0x18400] =	vst v63  }
0x3a3: {  	v3 =	vadd.s32 v1, v3;
	s4 =	simm.s32 $0x11400  }
0x3a4: {  	[tilespmem:s4], [sflag:$0x3] =	stream.indirect_vreg.gather [hbm4b:s13+s6], $0x80, v4, vm0, $0xb8;
	[tilespmem:$0x18400] =	vst v63  }
0x3a5: {  	s4 =	simm.s32 $0x11C00  }
0x3a6: {  	[tilespmem:s4], [sflag:$0x3] =	stream.indirect_vreg.gather [hbm4b:s14+s6], $0x80, v4, vm0, $0xb8;
	[tilespmem:$0x18400] =	vst v63  }
0x3a7: {  	s4 =	simm.s32 $0x12400  }
0x3a8: {  	[tilespmem:s4], [sflag:$0x3] =	stream.indirect_vreg.gather [hbm4b:s5+s6], $0x80, v3, vm0, $0xb8;
	[tilespmem:$0x18400] =	vst v63  }
0x3a9: {  	s4 =	simm.s32 $0x12C00  }
0x3aa: {  	[tilespmem:s4], [sflag:$0x3] =	stream.indirect_vreg.gather [hbm4b:s12+s6], $0x80, v3, vm0, $0xb8;
	[tilespmem:$0x18400] =	vst v63  }
0x3ab: {  	s4 =	simm.s32 $0x13400  }
0x3ac: {  	[tilespmem:s4], [sflag:$0x3] =	stream.indirect_vreg.gather [hbm4b:s13+s6], $0x80, v3, vm0, $0xb8;
	[tilespmem:$0x18400] =	vst v63  }
0x3ad: {  	s4 =	simm.s32 $0x13C00  }
0x3ae: {  	[tilespmem:s4], [sflag:$0x3] =	stream.indirect_vreg.gather [hbm4b:s14+s6], $0x80, v3, vm0, $0xb8;
	[tilespmem:$0x18400] =	vst v63  }
0x3af: {  	v3 =	vld [tilespmem:$0x310];
	_ =	sdelay $0x4  }
0x3b0: {  	v53 =	vshll.u32 v3, $0x3  }
0x3b1: {  	v3 =	vand.u32 $0x7, v3;
	v4 =	vand.u32 $0xFFFFFFC0, v53  }
0x3b2: {  	v3 =	vor.u32 v3, v4  }
0x3b3: {  	v4 =	vperm.xlane v3, v0;
	_ =	sdelay $0x1  }
0x3b4: {  	v4 =	vadd.s32 v1, v4;
	_ =	sdelay $0x3  }
0x3b5: {  	s4 =	simm.s32 $0x14400  }
0x3b6: {  	[tilespmem:s4], [sflag:$0x3] =	stream.indirect_vreg.gather [hbm4b:s5+s6], $0x80, v4, vm0, $0xb8;
	[tilespmem:$0x18400] =	vst v63  }
0x3b7: {  	v3 =	vperm.xlane v3, v2;
	s4 =	simm.s32 $0x14C00  }
0x3b8: {  	[tilespmem:s4], [sflag:$0x3] =	stream.indirect_vreg.gather [hbm4b:s12+s6], $0x80, v4, vm0, $0xb8;
	[tilespmem:$0x18400] =	vst v63  }
0x3b9: {  	v3 =	vadd.s32 v1, v3;
	s4 =	simm.s32 $0x15400  }
0x3ba: {  	[tilespmem:s4], [sflag:$0x3] =	stream.indirect_vreg.gather [hbm4b:s13+s6], $0x80, v4, vm0, $0xb8;
	[tilespmem:$0x18400] =	vst v63  }
0x3bb: {  	s4 =	simm.s32 $0x15C00  }
0x3bc: {  	[tilespmem:s4], [sflag:$0x3] =	stream.indirect_vreg.gather [hbm4b:s14+s6], $0x80, v4, vm0, $0xb8;
	[tilespmem:$0x18400] =	vst v63  }
0x3bd: {  	s4 =	simm.s32 $0x16400  }
0x3be: {  	[tilespmem:s4], [sflag:$0x3] =	stream.indirect_vreg.gather [hbm4b:s5+s6], $0x80, v3, vm0, $0xb8;
	[tilespmem:$0x18400] =	vst v63  }
0x3bf: {  	s4 =	simm.s32 $0x16C00  }
0x3c0: {  	[tilespmem:s4], [sflag:$0x3] =	stream.indirect_vreg.gather [hbm4b:s12+s6], $0x80, v3, vm0, $0xb8;
	[tilespmem:$0x18400] =	vst v63  }
0x3c1: {  	s4 =	simm.s32 $0x17400  }
0x3c2: {  	[tilespmem:s4], [sflag:$0x3] =	stream.indirect_vreg.gather [hbm4b:s13+s6], $0x80, v3, vm0, $0xb8;
	[tilespmem:$0x18400] =	vst v63  }
0x3c3: {  	s4 =	simm.s32 $0x17C00  }
0x3c4: {  	[tilespmem:s4], [sflag:$0x3] =	stream.indirect_vreg.gather [hbm4b:s14+s6], $0x80, v3, vm0, $0xb8;
	[tilespmem:$0x18400] =	vst v63  }
0x3c5: {  	_ =	swait.ge [sflag:s25], $0x8000  }
0x3c6: {  	s3 =	sld [smem:$0x7BA]  }
0x3c7: {  	[sflag:s25] =	ssyncset.done $0x0  }
0x3c8: {  	s4 =	sld [smem:$0x7BB];
	[sflag:s25] =	ssyncadd.s32 $0xFFFF8000  }
0x3c9: {  	[hbm4b:s3+s6] =	stream.linear.scatter [tilespmem:s29], [sflag:$0x6], $0x8000, $0x38;
	[tilespmem:$0x18400] =	vst v63  }
0x3ca: {  	_ = 	snop  }
0x3cb: {  	[hbm4b:s4+s6] =	stream.linear.scatter [tilespmem:s29], [sflag:$0x6], $0x8000, $0x38;
	[tilespmem:$0x18400] =	vst v63  }
0x3cc: {  	_ =	swait.ge [sflag:s0], $0x8000  }
0x3cd: {  	[sflag:s0] =	ssyncset.done $0x0  }
0x3ce: {  	[sflag:s0] =	ssyncadd.s32 $0xFFFF8000  }
0x3cf: {  	_ =	swait.ge [sflag:s0], $0x8000  }
0x3d0: {  	[sflag:s0] =	ssyncset.done $0x0  }
0x3d1: {  	[sflag:s0] =	ssyncadd.s32 $0xFFFF8000  }
0x3d2: {  	v3 =	vld [tilespmem:$0x380];
	_ =	sdelay $0x4  }
0x3d3: {  	v54 =	vshll.u32 v3, $0x3  }
0x3d4: {  	v3 =	vand.u32 $0x7, v3;
	v4 =	vand.u32 $0xFFFFFFC0, v54  }
0x3d5: {  	v3 =	vor.u32 v3, v4  }
0x3d6: {  	v4 =	vperm.xlane v3, v0;
	_ =	sdelay $0x1  }
0x3d7: {  	v4 =	vadd.s32 v1, v4;
	_ =	sdelay $0x4  }
0x3d8: {  	[tilespmem:s30], [sflag:$0x1] =	stream.indirect_vreg.gather [hbm4b:s5+s6], $0x80, v4, vm0, $0xb8;
	[tilespmem:$0x18400] =	vst v63  }
0x3d9: {  	s4 =	simm.s32 $0xC00;
	v3 =	vperm.xlane v3, v2  }
0x3da: {  	[tilespmem:s4], [sflag:$0x1] =	stream.indirect_vreg.gather [hbm4b:s12+s6], $0x80, v4, vm0, $0xb8;
	[tilespmem:$0x18400] =	vst v63  }
0x3db: {  	v3 =	vadd.s32 v1, v3;
	s4 =	simm.s32 $0x1400  }
0x3dc: {  	[tilespmem:s4], [sflag:$0x1] =	stream.indirect_vreg.gather [hbm4b:s13+s6], $0x80, v4, vm0, $0xb8;
	[tilespmem:$0x18400] =	vst v63  }
0x3dd: {  	s4 =	simm.s32 $0x1C00  }
0x3de: {  	[tilespmem:s4], [sflag:$0x1] =	stream.indirect_vreg.gather [hbm4b:s14+s6], $0x80, v4, vm0, $0xb8;
	[tilespmem:$0x18400] =	vst v63  }
0x3df: {  	s4 =	simm.s32 $0x2400  }
0x3e0: {  	[tilespmem:s4], [sflag:$0x1] =	stream.indirect_vreg.gather [hbm4b:s5+s6], $0x80, v3, vm0, $0xb8;
	[tilespmem:$0x18400] =	vst v63  }
0x3e1: {  	s4 =	simm.s32 $0x2C00  }
0x3e2: {  	[tilespmem:s4], [sflag:$0x1] =	stream.indirect_vreg.gather [hbm4b:s12+s6], $0x80, v3, vm0, $0xb8;
	[tilespmem:$0x18400] =	vst v63  }
0x3e3: {  	s4 =	simm.s32 $0x3400  }
0x3e4: {  	[tilespmem:s4], [sflag:$0x1] =	stream.indirect_vreg.gather [hbm4b:s13+s6], $0x80, v3, vm0, $0xb8;
	[tilespmem:$0x18400] =	vst v63  }
0x3e5: {  	s4 =	simm.s32 $0x3C00  }
0x3e6: {  	[tilespmem:s4], [sflag:$0x1] =	stream.indirect_vreg.gather [hbm4b:s14+s6], $0x80, v3, vm0, $0xb8;
	[tilespmem:$0x18400] =	vst v63  }
0x3e7: {  	v3 =	vld [tilespmem:$0x390];
	_ =	sdelay $0x4  }
0x3e8: {  	v55 =	vshll.u32 v3, $0x3  }
0x3e9: {  	v3 =	vand.u32 $0x7, v3;
	v4 =	vand.u32 $0xFFFFFFC0, v55  }
0x3ea: {  	v3 =	vor.u32 v3, v4  }
0x3eb: {  	v4 =	vperm.xlane v3, v0;
	_ =	sdelay $0x1  }
0x3ec: {  	v4 =	vadd.s32 v1, v4;
	_ =	sdelay $0x3  }
0x3ed: {  	s4 =	simm.s32 $0x4400  }
0x3ee: {  	[tilespmem:s4], [sflag:$0x1] =	stream.indirect_vreg.gather [hbm4b:s5+s6], $0x80, v4, vm0, $0xb8;
	[tilespmem:$0x18400] =	vst v63  }
0x3ef: {  	v3 =	vperm.xlane v3, v2;
	s4 =	simm.s32 $0x4C00  }
0x3f0: {  	[tilespmem:s4], [sflag:$0x1] =	stream.indirect_vreg.gather [hbm4b:s12+s6], $0x80, v4, vm0, $0xb8;
	[tilespmem:$0x18400] =	vst v63  }
0x3f1: {  	v3 =	vadd.s32 v1, v3;
	s4 =	simm.s32 $0x5400  }
0x3f2: {  	[tilespmem:s4], [sflag:$0x1] =	stream.indirect_vreg.gather [hbm4b:s13+s6], $0x80, v4, vm0, $0xb8;
	[tilespmem:$0x18400] =	vst v63  }
0x3f3: {  	s4 =	simm.s32 $0x5C00  }
0x3f4: {  	[tilespmem:s4], [sflag:$0x1] =	stream.indirect_vreg.gather [hbm4b:s14+s6], $0x80, v4, vm0, $0xb8;
	[tilespmem:$0x18400] =	vst v63  }
0x3f5: {  	s4 =	simm.s32 $0x6400  }
0x3f6: {  	[tilespmem:s4], [sflag:$0x1] =	stream.indirect_vreg.gather [hbm4b:s5+s6], $0x80, v3, vm0, $0xb8;
	[tilespmem:$0x18400] =	vst v63  }
0x3f7: {  	s5 =	simm.s32 $0x6C00  }
0x3f8: {  	[tilespmem:s5], [sflag:$0x1] =	stream.indirect_vreg.gather [hbm4b:s12+s6], $0x80, v3, vm0, $0xb8;
	[tilespmem:$0x18400] =	vst v63  }
0x3f9: {  	s4 =	simm.s32 $0x7400  }
0x3fa: {  	[tilespmem:s4], [sflag:$0x1] =	stream.indirect_vreg.gather [hbm4b:s13+s6], $0x80, v3, vm0, $0xb8;
	[tilespmem:$0x18400] =	vst v63  }
0x3fb: {  	s5 =	simm.s32 $0x7C00  }
0x3fc: {  	[tilespmem:s5], [sflag:$0x1] =	stream.indirect_vreg.gather [hbm4b:s14+s6], $0x80, v3, vm0, $0xb8;
	[tilespmem:$0x18400] =	vst v63  }
0x3fd: {  	_ =	swait.ge [sflag:s31], $0x8000  }
0x3fe: {  	s4 =	sld [smem:$0x7BC]  }
0x3ff: {  	[sflag:s31] =	ssyncset.done $0x0  }
0x400: {  	s5 =	sld [smem:$0x7BD];
	[sflag:s31] =	ssyncadd.s32 $0xFFFF8000  }
0x401: {  	[hbm4b:s4+s6] =	stream.linear.scatter [tilespmem:s30], [sflag:$0x4], $0x8000, $0x38;
	[tilespmem:$0x18400] =	vst v63  }
0x402: {  	_ = 	snop  }
0x403: {  	[hbm4b:s5+s6] =	stream.linear.scatter [tilespmem:s30], [sflag:$0x4], $0x8000, $0x38;
	[tilespmem:$0x18400] =	vst v63  }
0x404: {  	_ =	swait.ge [sflag:s1], $0x8000  }
0x405: {  	[sflag:s1] =	ssyncset.done $0x0  }
0x406: {  	[sflag:s1] =	ssyncadd.s32 $0xFFFF8000  }
0x407: {  	_ =	swait.ge [sflag:s1], $0x8000  }
0x408: {  	[sflag:s1] =	ssyncset.done $0x0  }
0x409: {  	[sflag:s1] =	ssyncadd.s32 $0xFFFF8000  }
0x40a: {  	v3 =	vld [tilespmem:$0x0];
	_ =	sdelay $0x4  }
0x40b: {  	v56 =	vshll.u32 v3, $0x3  }
0x40c: {  	v3 =	vand.u32 $0x7, v3;
	v4 =	vand.u32 $0xFFFFFFC0, v56  }
0x40d: {  	v3 =	vor.u32 v3, v4  }
0x40e: {  	v4 =	vperm.xlane v3, v0;
	_ =	sdelay $0x1  }
0x40f: {  	v4 =	vadd.s32 v1, v4;
	_ =	sdelay $0x3  }
0x410: {  	s5 =	rddreg [dreg:$0x3]  }
0x411: {  	[tilespmem:s7], [sflag:$0x2] =	stream.indirect_vreg.gather [hbm4b:s5+s6], $0x80, v4, vm0, $0xb8;
	[tilespmem:$0x18400] =	vst v63  }
0x412: {  	s4 =	simm.s32 $0x8C00;
	v3 =	vperm.xlane v3, v2  }
0x413: {  	[tilespmem:s4], [sflag:$0x2] =	stream.indirect_vreg.gather [hbm4b:s15+s6], $0x80, v4, vm0, $0xb8;
	[tilespmem:$0x18400] =	vst v63  }
0x414: {  	v3 =	vadd.s32 v1, v3;
	s4 =	simm.s32 $0x9400  }
0x415: {  	[tilespmem:s4], [sflag:$0x2] =	stream.indirect_vreg.gather [hbm4b:s16+s6], $0x80, v4, vm0, $0xb8;
	[tilespmem:$0x18400] =	vst v63  }
0x416: {  	s4 =	simm.s32 $0x9C00  }
0x417: {  	[tilespmem:s4], [sflag:$0x2] =	stream.indirect_vreg.gather [hbm4b:s17+s6], $0x80, v4, vm0, $0xb8;
	[tilespmem:$0x18400] =	vst v63  }
0x418: {  	s4 =	simm.s32 $0xA400  }
0x419: {  	[tilespmem:s4], [sflag:$0x2] =	stream.indirect_vreg.gather [hbm4b:s5+s6], $0x80, v3, vm0, $0xb8;
	[tilespmem:$0x18400] =	vst v63  }
0x41a: {  	s4 =	simm.s32 $0xAC00  }
0x41b: {  	[tilespmem:s4], [sflag:$0x2] =	stream.indirect_vreg.gather [hbm4b:s15+s6], $0x80, v3, vm0, $0xb8;
	[tilespmem:$0x18400] =	vst v63  }
0x41c: {  	s4 =	simm.s32 $0xB400  }
0x41d: {  	[tilespmem:s4], [sflag:$0x2] =	stream.indirect_vreg.gather [hbm4b:s16+s6], $0x80, v3, vm0, $0xb8;
	[tilespmem:$0x18400] =	vst v63  }
0x41e: {  	s4 =	simm.s32 $0xBC00  }
0x41f: {  	[tilespmem:s4], [sflag:$0x2] =	stream.indirect_vreg.gather [hbm4b:s17+s6], $0x80, v3, vm0, $0xb8;
	[tilespmem:$0x18400] =	vst v63  }
0x420: {  	v3 =	vld [tilespmem:$0x10];
	_ =	sdelay $0x4  }
0x421: {  	v57 =	vshll.u32 v3, $0x3  }
0x422: {  	v3 =	vand.u32 $0x7, v3;
	v4 =	vand.u32 $0xFFFFFFC0, v57  }
0x423: {  	v3 =	vor.u32 v3, v4  }
0x424: {  	v4 =	vperm.xlane v3, v0;
	_ =	sdelay $0x1  }
0x425: {  	v4 =	vadd.s32 v1, v4;
	_ =	sdelay $0x3  }
0x426: {  	s4 =	simm.s32 $0xC400  }
0x427: {  	[tilespmem:s4], [sflag:$0x2] =	stream.indirect_vreg.gather [hbm4b:s5+s6], $0x80, v4, vm0, $0xb8;
	[tilespmem:$0x18400] =	vst v63  }
0x428: {  	v3 =	vperm.xlane v3, v2;
	s4 =	simm.s32 $0xCC00  }
0x429: {  	[tilespmem:s4], [sflag:$0x2] =	stream.indirect_vreg.gather [hbm4b:s15+s6], $0x80, v4, vm0, $0xb8;
	[tilespmem:$0x18400] =	vst v63  }
0x42a: {  	v3 =	vadd.s32 v1, v3;
	s4 =	simm.s32 $0xD400  }
0x42b: {  	[tilespmem:s4], [sflag:$0x2] =	stream.indirect_vreg.gather [hbm4b:s16+s6], $0x80, v4, vm0, $0xb8;
	[tilespmem:$0x18400] =	vst v63  }
0x42c: {  	s4 =	simm.s32 $0xDC00  }
0x42d: {  	[tilespmem:s4], [sflag:$0x2] =	stream.indirect_vreg.gather [hbm4b:s17+s6], $0x80, v4, vm0, $0xb8;
	[tilespmem:$0x18400] =	vst v63  }
0x42e: {  	s4 =	simm.s32 $0xE400  }
0x42f: {  	[tilespmem:s4], [sflag:$0x2] =	stream.indirect_vreg.gather [hbm4b:s5+s6], $0x80, v3, vm0, $0xb8;
	[tilespmem:$0x18400] =	vst v63  }
0x430: {  	s4 =	simm.s32 $0xEC00  }
0x431: {  	[tilespmem:s4], [sflag:$0x2] =	stream.indirect_vreg.gather [hbm4b:s15+s6], $0x80, v3, vm0, $0xb8;
	[tilespmem:$0x18400] =	vst v63  }
0x432: {  	s4 =	simm.s32 $0xF400  }
0x433: {  	[tilespmem:s4], [sflag:$0x2] =	stream.indirect_vreg.gather [hbm4b:s16+s6], $0x80, v3, vm0, $0xb8;
	[tilespmem:$0x18400] =	vst v63  }
0x434: {  	s4 =	simm.s32 $0xFC00  }
0x435: {  	[tilespmem:s4], [sflag:$0x2] =	stream.indirect_vreg.gather [hbm4b:s17+s6], $0x80, v3, vm0, $0xb8;
	[tilespmem:$0x18400] =	vst v63  }
0x436: {  	_ =	swait.ge [sflag:s8], $0x8000  }
0x437: {  	s3 =	sld [smem:$0x7BE]  }
0x438: {  	[sflag:s8] =	ssyncset.done $0x0  }
0x439: {  	s4 =	sld [smem:$0x7BF];
	[sflag:s8] =	ssyncadd.s32 $0xFFFF8000  }
0x43a: {  	[hbm4b:s3+s6] =	stream.linear.scatter [tilespmem:s7], [sflag:$0x5], $0x8000, $0x38;
	[tilespmem:$0x18400] =	vst v63  }
0x43b: {  	_ = 	snop  }
0x43c: {  	[hbm4b:s4+s6] =	stream.linear.scatter [tilespmem:s7], [sflag:$0x5], $0x8000, $0x38;
	[tilespmem:$0x18400] =	vst v63  }
0x43d: {  	_ =	swait.ge [sflag:s2], $0x8000  }
0x43e: {  	[sflag:s2] =	ssyncset.done $0x0  }
0x43f: {  	[sflag:s2] =	ssyncadd.s32 $0xFFFF8000  }
0x440: {  	_ =	swait.ge [sflag:s2], $0x8000  }
0x441: {  	[sflag:s2] =	ssyncset.done $0x0  }
0x442: {  	[sflag:s2] =	ssyncadd.s32 $0xFFFF8000  }
0x443: {  	v3 =	vld [tilespmem:$0x80];
	_ =	sdelay $0x4  }
0x444: {  	v58 =	vshll.u32 v3, $0x3  }
0x445: {  	v3 =	vand.u32 $0x7, v3;
	v4 =	vand.u32 $0xFFFFFFC0, v58  }
0x446: {  	v3 =	vor.u32 v3, v4  }
0x447: {  	v4 =	vperm.xlane v3, v0;
	_ =	sdelay $0x1  }
0x448: {  	v4 =	vadd.s32 v1, v4;
	_ =	sdelay $0x4  }
0x449: {  	[tilespmem:s29], [sflag:$0x3] =	stream.indirect_vreg.gather [hbm4b:s5+s6], $0x80, v4, vm0, $0xb8;
	[tilespmem:$0x18400] =	vst v63  }
0x44a: {  	s4 =	simm.s32 $0x10C00;
	v3 =	vperm.xlane v3, v2  }
0x44b: {  	[tilespmem:s4], [sflag:$0x3] =	stream.indirect_vreg.gather [hbm4b:s15+s6], $0x80, v4, vm0, $0xb8;
	[tilespmem:$0x18400] =	vst v63  }
0x44c: {  	v3 =	vadd.s32 v1, v3;
	s4 =	simm.s32 $0x11400  }
0x44d: {  	[tilespmem:s4], [sflag:$0x3] =	stream.indirect_vreg.gather [hbm4b:s16+s6], $0x80, v4, vm0, $0xb8;
	[tilespmem:$0x18400] =	vst v63  }
0x44e: {  	s4 =	simm.s32 $0x11C00  }
0x44f: {  	[tilespmem:s4], [sflag:$0x3] =	stream.indirect_vreg.gather [hbm4b:s17+s6], $0x80, v4, vm0, $0xb8;
	[tilespmem:$0x18400] =	vst v63  }
0x450: {  	s4 =	simm.s32 $0x12400  }
0x451: {  	[tilespmem:s4], [sflag:$0x3] =	stream.indirect_vreg.gather [hbm4b:s5+s6], $0x80, v3, vm0, $0xb8;
	[tilespmem:$0x18400] =	vst v63  }
0x452: {  	s4 =	simm.s32 $0x12C00  }
0x453: {  	[tilespmem:s4], [sflag:$0x3] =	stream.indirect_vreg.gather [hbm4b:s15+s6], $0x80, v3, vm0, $0xb8;
	[tilespmem:$0x18400] =	vst v63  }
0x454: {  	s4 =	simm.s32 $0x13400  }
0x455: {  	[tilespmem:s4], [sflag:$0x3] =	stream.indirect_vreg.gather [hbm4b:s16+s6], $0x80, v3, vm0, $0xb8;
	[tilespmem:$0x18400] =	vst v63  }
0x456: {  	s4 =	simm.s32 $0x13C00  }
0x457: {  	[tilespmem:s4], [sflag:$0x3] =	stream.indirect_vreg.gather [hbm4b:s17+s6], $0x80, v3, vm0, $0xb8;
	[tilespmem:$0x18400] =	vst v63  }
0x458: {  	v3 =	vld [tilespmem:$0x90];
	_ =	sdelay $0x4  }
0x459: {  	v59 =	vshll.u32 v3, $0x3  }
0x45a: {  	v3 =	vand.u32 $0x7, v3;
	v4 =	vand.u32 $0xFFFFFFC0, v59  }
0x45b: {  	v3 =	vor.u32 v3, v4  }
0x45c: {  	v4 =	vperm.xlane v3, v0;
	_ =	sdelay $0x1  }
0x45d: {  	v4 =	vadd.s32 v1, v4;
	_ =	sdelay $0x3  }
0x45e: {  	s4 =	simm.s32 $0x14400  }
0x45f: {  	[tilespmem:s4], [sflag:$0x3] =	stream.indirect_vreg.gather [hbm4b:s5+s6], $0x80, v4, vm0, $0xb8;
	[tilespmem:$0x18400] =	vst v63  }
0x460: {  	v3 =	vperm.xlane v3, v2;
	s4 =	simm.s32 $0x14C00  }
0x461: {  	[tilespmem:s4], [sflag:$0x3] =	stream.indirect_vreg.gather [hbm4b:s15+s6], $0x80, v4, vm0, $0xb8;
	[tilespmem:$0x18400] =	vst v63  }
0x462: {  	v3 =	vadd.s32 v1, v3;
	s4 =	simm.s32 $0x15400  }
0x463: {  	[tilespmem:s4], [sflag:$0x3] =	stream.indirect_vreg.gather [hbm4b:s16+s6], $0x80, v4, vm0, $0xb8;
	[tilespmem:$0x18400] =	vst v63  }
0x464: {  	s4 =	simm.s32 $0x15C00  }
0x465: {  	[tilespmem:s4], [sflag:$0x3] =	stream.indirect_vreg.gather [hbm4b:s17+s6], $0x80, v4, vm0, $0xb8;
	[tilespmem:$0x18400] =	vst v63  }
0x466: {  	s4 =	simm.s32 $0x16400  }
0x467: {  	[tilespmem:s4], [sflag:$0x3] =	stream.indirect_vreg.gather [hbm4b:s5+s6], $0x80, v3, vm0, $0xb8;
	[tilespmem:$0x18400] =	vst v63  }
0x468: {  	s4 =	simm.s32 $0x16C00  }
0x469: {  	[tilespmem:s4], [sflag:$0x3] =	stream.indirect_vreg.gather [hbm4b:s15+s6], $0x80, v3, vm0, $0xb8;
	[tilespmem:$0x18400] =	vst v63  }
0x46a: {  	s4 =	simm.s32 $0x17400  }
0x46b: {  	[tilespmem:s4], [sflag:$0x3] =	stream.indirect_vreg.gather [hbm4b:s16+s6], $0x80, v3, vm0, $0xb8;
	[tilespmem:$0x18400] =	vst v63  }
0x46c: {  	s4 =	simm.s32 $0x17C00  }
0x46d: {  	[tilespmem:s4], [sflag:$0x3] =	stream.indirect_vreg.gather [hbm4b:s17+s6], $0x80, v3, vm0, $0xb8;
	[tilespmem:$0x18400] =	vst v63  }
0x46e: {  	_ =	swait.ge [sflag:s25], $0x8000  }
0x46f: {  	s3 =	sld [smem:$0x7C0]  }
0x470: {  	[sflag:s25] =	ssyncset.done $0x0  }
0x471: {  	s4 =	sld [smem:$0x7C1];
	[sflag:s25] =	ssyncadd.s32 $0xFFFF8000  }
0x472: {  	[hbm4b:s3+s6] =	stream.linear.scatter [tilespmem:s29], [sflag:$0x6], $0x8000, $0x38;
	[tilespmem:$0x18400] =	vst v63  }
0x473: {  	_ = 	snop  }
0x474: {  	[hbm4b:s4+s6] =	stream.linear.scatter [tilespmem:s29], [sflag:$0x6], $0x8000, $0x38;
	[tilespmem:$0x18400] =	vst v63  }
0x475: {  	_ =	swait.ge [sflag:s0], $0x8000  }
0x476: {  	[sflag:s0] =	ssyncset.done $0x0  }
0x477: {  	[sflag:s0] =	ssyncadd.s32 $0xFFFF8000  }
0x478: {  	_ =	swait.ge [sflag:s0], $0x8000  }
0x479: {  	[sflag:s0] =	ssyncset.done $0x0  }
0x47a: {  	[sflag:s0] =	ssyncadd.s32 $0xFFFF8000  }
0x47b: {  	v3 =	vld [tilespmem:$0x100];
	_ =	sdelay $0x4  }
0x47c: {  	v60 =	vshll.u32 v3, $0x3  }
0x47d: {  	v3 =	vand.u32 $0x7, v3;
	v4 =	vand.u32 $0xFFFFFFC0, v60  }
0x47e: {  	v3 =	vor.u32 v3, v4  }
0x47f: {  	v4 =	vperm.xlane v3, v0;
	_ =	sdelay $0x1  }
0x480: {  	v4 =	vadd.s32 v1, v4;
	_ =	sdelay $0x4  }
0x481: {  	[tilespmem:s30], [sflag:$0x1] =	stream.indirect_vreg.gather [hbm4b:s5+s6], $0x80, v4, vm0, $0xb8;
	[tilespmem:$0x18400] =	vst v63  }
0x482: {  	s4 =	simm.s32 $0xC00;
	v3 =	vperm.xlane v3, v2  }
0x483: {  	[tilespmem:s4], [sflag:$0x1] =	stream.indirect_vreg.gather [hbm4b:s15+s6], $0x80, v4, vm0, $0xb8;
	[tilespmem:$0x18400] =	vst v63  }
0x484: {  	v3 =	vadd.s32 v1, v3;
	s4 =	simm.s32 $0x1400  }
0x485: {  	[tilespmem:s4], [sflag:$0x1] =	stream.indirect_vreg.gather [hbm4b:s16+s6], $0x80, v4, vm0, $0xb8;
	[tilespmem:$0x18400] =	vst v63  }
0x486: {  	s4 =	simm.s32 $0x1C00  }
0x487: {  	[tilespmem:s4], [sflag:$0x1] =	stream.indirect_vreg.gather [hbm4b:s17+s6], $0x80, v4, vm0, $0xb8;
	[tilespmem:$0x18400] =	vst v63  }
0x488: {  	s4 =	simm.s32 $0x2400  }
0x489: {  	[tilespmem:s4], [sflag:$0x1] =	stream.indirect_vreg.gather [hbm4b:s5+s6], $0x80, v3, vm0, $0xb8;
	[tilespmem:$0x18400] =	vst v63  }
0x48a: {  	s4 =	simm.s32 $0x2C00  }
0x48b: {  	[tilespmem:s4], [sflag:$0x1] =	stream.indirect_vreg.gather [hbm4b:s15+s6], $0x80, v3, vm0, $0xb8;
	[tilespmem:$0x18400] =	vst v63  }
0x48c: {  	s4 =	simm.s32 $0x3400  }
0x48d: {  	[tilespmem:s4], [sflag:$0x1] =	stream.indirect_vreg.gather [hbm4b:s16+s6], $0x80, v3, vm0, $0xb8;
	[tilespmem:$0x18400] =	vst v63  }
0x48e: {  	s4 =	simm.s32 $0x3C00  }
0x48f: {  	[tilespmem:s4], [sflag:$0x1] =	stream.indirect_vreg.gather [hbm4b:s17+s6], $0x80, v3, vm0, $0xb8;
	[tilespmem:$0x18400] =	vst v63  }
0x490: {  	v3 =	vld [tilespmem:$0x110];
	_ =	sdelay $0x4  }
0x491: {  	v61 =	vshll.u32 v3, $0x3  }
0x492: {  	v3 =	vand.u32 $0x7, v3;
	v4 =	vand.u32 $0xFFFFFFC0, v61  }
0x493: {  	v3 =	vor.u32 v3, v4  }
0x494: {  	v4 =	vperm.xlane v3, v0;
	_ =	sdelay $0x1  }
0x495: {  	v4 =	vadd.s32 v1, v4;
	_ =	sdelay $0x3  }
0x496: {  	s4 =	simm.s32 $0x4400  }
0x497: {  	[tilespmem:s4], [sflag:$0x1] =	stream.indirect_vreg.gather [hbm4b:s5+s6], $0x80, v4, vm0, $0xb8;
	[tilespmem:$0x18400] =	vst v63  }
0x498: {  	v3 =	vperm.xlane v3, v2;
	s4 =	simm.s32 $0x4C00  }
0x499: {  	[tilespmem:s4], [sflag:$0x1] =	stream.indirect_vreg.gather [hbm4b:s15+s6], $0x80, v4, vm0, $0xb8;
	[tilespmem:$0x18400] =	vst v63  }
0x49a: {  	v3 =	vadd.s32 v1, v3;
	s4 =	simm.s32 $0x5400  }
0x49b: {  	[tilespmem:s4], [sflag:$0x1] =	stream.indirect_vreg.gather [hbm4b:s16+s6], $0x80, v4, vm0, $0xb8;
	[tilespmem:$0x18400] =	vst v63  }
0x49c: {  	s4 =	simm.s32 $0x5C00  }
0x49d: {  	[tilespmem:s4], [sflag:$0x1] =	stream.indirect_vreg.gather [hbm4b:s17+s6], $0x80, v4, vm0, $0xb8;
	[tilespmem:$0x18400] =	vst v63  }
0x49e: {  	s4 =	simm.s32 $0x6400  }
0x49f: {  	[tilespmem:s4], [sflag:$0x1] =	stream.indirect_vreg.gather [hbm4b:s5+s6], $0x80, v3, vm0, $0xb8;
	[tilespmem:$0x18400] =	vst v63  }
0x4a0: {  	s4 =	simm.s32 $0x6C00  }
0x4a1: {  	[tilespmem:s4], [sflag:$0x1] =	stream.indirect_vreg.gather [hbm4b:s15+s6], $0x80, v3, vm0, $0xb8;
	[tilespmem:$0x18400] =	vst v63  }
0x4a2: {  	s4 =	simm.s32 $0x7400  }
0x4a3: {  	[tilespmem:s4], [sflag:$0x1] =	stream.indirect_vreg.gather [hbm4b:s16+s6], $0x80, v3, vm0, $0xb8;
	[tilespmem:$0x18400] =	vst v63  }
0x4a4: {  	s4 =	simm.s32 $0x7C00  }
0x4a5: {  	[tilespmem:s4], [sflag:$0x1] =	stream.indirect_vreg.gather [hbm4b:s17+s6], $0x80, v3, vm0, $0xb8;
	[tilespmem:$0x18400] =	vst v63  }
0x4a6: {  	_ =	swait.ge [sflag:s31], $0x8000  }
0x4a7: {  	s3 =	sld [smem:$0x7C2]  }
0x4a8: {  	[sflag:s31] =	ssyncset.done $0x0  }
0x4a9: {  	s4 =	sld [smem:$0x7C3];
	[sflag:s31] =	ssyncadd.s32 $0xFFFF8000  }
0x4aa: {  	[hbm4b:s3+s6] =	stream.linear.scatter [tilespmem:s30], [sflag:$0x4], $0x8000, $0x38;
	[tilespmem:$0x18400] =	vst v63  }
0x4ab: {  	_ = 	snop  }
0x4ac: {  	[hbm4b:s4+s6] =	stream.linear.scatter [tilespmem:s30], [sflag:$0x4], $0x8000, $0x38;
	[tilespmem:$0x18400] =	vst v63  }
0x4ad: {  	_ =	swait.ge [sflag:s1], $0x8000  }
0x4ae: {  	[sflag:s1] =	ssyncset.done $0x0  }
0x4af: {  	[sflag:s1] =	ssyncadd.s32 $0xFFFF8000  }
0x4b0: {  	_ =	swait.ge [sflag:s1], $0x8000  }
0x4b1: {  	[sflag:s1] =	ssyncset.done $0x0  }
0x4b2: {  	[sflag:s1] =	ssyncadd.s32 $0xFFFF8000  }
0x4b3: {  	v3 =	vld [tilespmem:$0x180];
	_ =	sdelay $0x4  }
0x4b4: {  	v62 =	vshll.u32 v3, $0x3  }
0x4b5: {  	v3 =	vand.u32 $0x7, v3;
	v4 =	vand.u32 $0xFFFFFFC0, v62  }
0x4b6: {  	v3 =	vor.u32 v3, v4  }
0x4b7: {  	v4 =	vperm.xlane v3, v0;
	_ =	sdelay $0x1  }
0x4b8: {  	v4 =	vadd.s32 v1, v4;
	_ =	sdelay $0x4  }
0x4b9: {  	[tilespmem:s7], [sflag:$0x2] =	stream.indirect_vreg.gather [hbm4b:s5+s6], $0x80, v4, vm0, $0xb8;
	[tilespmem:$0x18400] =	vst v63  }
0x4ba: {  	s4 =	simm.s32 $0x8C00;
	v3 =	vperm.xlane v3, v2  }
0x4bb: {  	[tilespmem:s4], [sflag:$0x2] =	stream.indirect_vreg.gather [hbm4b:s15+s6], $0x80, v4, vm0, $0xb8;
	[tilespmem:$0x18400] =	vst v63  }
0x4bc: {  	v3 =	vadd.s32 v1, v3;
	s4 =	simm.s32 $0x9400  }
0x4bd: {  	[tilespmem:s4], [sflag:$0x2] =	stream.indirect_vreg.gather [hbm4b:s16+s6], $0x80, v4, vm0, $0xb8;
	[tilespmem:$0x18400] =	vst v63  }
0x4be: {  	s4 =	simm.s32 $0x9C00  }
0x4bf: {  	[tilespmem:s4], [sflag:$0x2] =	stream.indirect_vreg.gather [hbm4b:s17+s6], $0x80, v4, vm0, $0xb8;
	[tilespmem:$0x18400] =	vst v63  }
0x4c0: {  	s4 =	simm.s32 $0xA400  }
0x4c1: {  	[tilespmem:s4], [sflag:$0x2] =	stream.indirect_vreg.gather [hbm4b:s5+s6], $0x80, v3, vm0, $0xb8;
	[tilespmem:$0x18400] =	vst v63  }
0x4c2: {  	s4 =	simm.s32 $0xAC00  }
0x4c3: {  	[tilespmem:s4], [sflag:$0x2] =	stream.indirect_vreg.gather [hbm4b:s15+s6], $0x80, v3, vm0, $0xb8;
	[tilespmem:$0x18400] =	vst v63  }
0x4c4: {  	s4 =	simm.s32 $0xB400  }
0x4c5: {  	[tilespmem:s4], [sflag:$0x2] =	stream.indirect_vreg.gather [hbm4b:s16+s6], $0x80, v3, vm0, $0xb8;
	[tilespmem:$0x18400] =	vst v63  }
0x4c6: {  	s4 =	simm.s32 $0xBC00  }
0x4c7: {  	[tilespmem:s4], [sflag:$0x2] =	stream.indirect_vreg.gather [hbm4b:s17+s6], $0x80, v3, vm0, $0xb8;
	[tilespmem:$0x18400] =	vst v63  }
0x4c8: {  	v3 =	vld [tilespmem:$0x190];
	_ =	sdelay $0x4  }
0x4c9: {  	v63 =	vshll.u32 v3, $0x3  }
0x4ca: {  	v3 =	vand.u32 $0x7, v3;
	v4 =	vand.u32 $0xFFFFFFC0, v63  }
0x4cb: {  	v3 =	vor.u32 v3, v4  }
0x4cc: {  	v4 =	vperm.xlane v3, v0;
	_ =	sdelay $0x1  }
0x4cd: {  	v4 =	vadd.s32 v1, v4;
	_ =	sdelay $0x3  }
0x4ce: {  	s4 =	simm.s32 $0xC400  }
0x4cf: {  	[tilespmem:s4], [sflag:$0x2] =	stream.indirect_vreg.gather [hbm4b:s5+s6], $0x80, v4, vm0, $0xb8;
	[tilespmem:$0x18400] =	vst v63  }
0x4d0: {  	v3 =	vperm.xlane v3, v2;
	s4 =	simm.s32 $0xCC00  }
0x4d1: {  	[tilespmem:s4], [sflag:$0x2] =	stream.indirect_vreg.gather [hbm4b:s15+s6], $0x80, v4, vm0, $0xb8;
	[tilespmem:$0x18400] =	vst v63  }
0x4d2: {  	v3 =	vadd.s32 v1, v3;
	s4 =	simm.s32 $0xD400  }
0x4d3: {  	[tilespmem:s4], [sflag:$0x2] =	stream.indirect_vreg.gather [hbm4b:s16+s6], $0x80, v4, vm0, $0xb8;
	[tilespmem:$0x18400] =	vst v63  }
0x4d4: {  	s4 =	simm.s32 $0xDC00  }
0x4d5: {  	[tilespmem:s4], [sflag:$0x2] =	stream.indirect_vreg.gather [hbm4b:s17+s6], $0x80, v4, vm0, $0xb8;
	[tilespmem:$0x18400] =	vst v63  }
0x4d6: {  	s4 =	simm.s32 $0xE400  }
0x4d7: {  	[tilespmem:s4], [sflag:$0x2] =	stream.indirect_vreg.gather [hbm4b:s5+s6], $0x80, v3, vm0, $0xb8;
	[tilespmem:$0x18400] =	vst v63  }
0x4d8: {  	s4 =	simm.s32 $0xEC00  }
0x4d9: {  	[tilespmem:s4], [sflag:$0x2] =	stream.indirect_vreg.gather [hbm4b:s15+s6], $0x80, v3, vm0, $0xb8;
	[tilespmem:$0x18400] =	vst v63  }
0x4da: {  	s4 =	simm.s32 $0xF400  }
0x4db: {  	[tilespmem:s4], [sflag:$0x2] =	stream.indirect_vreg.gather [hbm4b:s16+s6], $0x80, v3, vm0, $0xb8;
	[tilespmem:$0x18400] =	vst v63  }
0x4dc: {  	s4 =	simm.s32 $0xFC00  }
0x4dd: {  	[tilespmem:s4], [sflag:$0x2] =	stream.indirect_vreg.gather [hbm4b:s17+s6], $0x80, v3, vm0, $0xb8;
	[tilespmem:$0x18400] =	vst v63  }
0x4de: {  	_ =	swait.ge [sflag:s8], $0x8000  }
0x4df: {  	s3 =	sld [smem:$0x7C4]  }
0x4e0: {  	[sflag:s8] =	ssyncset.done $0x0  }
0x4e1: {  	s4 =	sld [smem:$0x7C5];
	[sflag:s8] =	ssyncadd.s32 $0xFFFF8000  }
0x4e2: {  	[hbm4b:s3+s6] =	stream.linear.scatter [tilespmem:s7], [sflag:$0x5], $0x8000, $0x38;
	[tilespmem:$0x18400] =	vst v63  }
0x4e3: {  	_ = 	snop  }
0x4e4: {  	[hbm4b:s4+s6] =	stream.linear.scatter [tilespmem:s7], [sflag:$0x5], $0x8000, $0x38;
	[tilespmem:$0x18400] =	vst v63  }
0x4e5: {  	_ =	swait.ge [sflag:s2], $0x8000  }
0x4e6: {  	[sflag:s2] =	ssyncset.done $0x0  }
0x4e7: {  	[sflag:s2] =	ssyncadd.s32 $0xFFFF8000  }
0x4e8: {  	_ =	swait.ge [sflag:s2], $0x8000  }
0x4e9: {  	[sflag:s2] =	ssyncset.done $0x0  }
0x4ea: {  	[sflag:s2] =	ssyncadd.s32 $0xFFFF8000  }
0x4eb: {  	v3 =	vld [tilespmem:$0x200];
	_ =	sdelay $0x4  }
0x4ec: {  	v8 =	vshll.u32 v3, $0x3  }
0x4ed: {  	v3 =	vand.u32 $0x7, v3;
	v4 =	vand.u32 $0xFFFFFFC0, v8  }
0x4ee: {  	v3 =	vor.u32 v3, v4  }
0x4ef: {  	v4 =	vperm.xlane v3, v0;
	_ =	sdelay $0x1  }
0x4f0: {  	v4 =	vadd.s32 v1, v4;
	_ =	sdelay $0x4  }
0x4f1: {  	[tilespmem:s29], [sflag:$0x3] =	stream.indirect_vreg.gather [hbm4b:s5+s6], $0x80, v4, vm0, $0xb8;
	[tilespmem:$0x18400] =	vst v63  }
0x4f2: {  	s4 =	simm.s32 $0x10C00;
	v3 =	vperm.xlane v3, v2  }
0x4f3: {  	[tilespmem:s4], [sflag:$0x3] =	stream.indirect_vreg.gather [hbm4b:s15+s6], $0x80, v4, vm0, $0xb8;
	[tilespmem:$0x18400] =	vst v63  }
0x4f4: {  	v3 =	vadd.s32 v1, v3;
	s4 =	simm.s32 $0x11400  }
0x4f5: {  	[tilespmem:s4], [sflag:$0x3] =	stream.indirect_vreg.gather [hbm4b:s16+s6], $0x80, v4, vm0, $0xb8;
	[tilespmem:$0x18400] =	vst v63  }
0x4f6: {  	s4 =	simm.s32 $0x11C00  }
0x4f7: {  	[tilespmem:s4], [sflag:$0x3] =	stream.indirect_vreg.gather [hbm4b:s17+s6], $0x80, v4, vm0, $0xb8;
	[tilespmem:$0x18400] =	vst v63  }
0x4f8: {  	s4 =	simm.s32 $0x12400  }
0x4f9: {  	[tilespmem:s4], [sflag:$0x3] =	stream.indirect_vreg.gather [hbm4b:s5+s6], $0x80, v3, vm0, $0xb8;
	[tilespmem:$0x18400] =	vst v63  }
0x4fa: {  	s4 =	simm.s32 $0x12C00  }
0x4fb: {  	[tilespmem:s4], [sflag:$0x3] =	stream.indirect_vreg.gather [hbm4b:s15+s6], $0x80, v3, vm0, $0xb8;
	[tilespmem:$0x18400] =	vst v63  }
0x4fc: {  	s4 =	simm.s32 $0x13400  }
0x4fd: {  	[tilespmem:s4], [sflag:$0x3] =	stream.indirect_vreg.gather [hbm4b:s16+s6], $0x80, v3, vm0, $0xb8;
	[tilespmem:$0x18400] =	vst v63  }
0x4fe: {  	s4 =	simm.s32 $0x13C00  }
0x4ff: {  	[tilespmem:s4], [sflag:$0x3] =	stream.indirect_vreg.gather [hbm4b:s17+s6], $0x80, v3, vm0, $0xb8;
	[tilespmem:$0x18400] =	vst v63  }
0x500: {  	v3 =	vld [tilespmem:$0x210];
	_ =	sdelay $0x4  }
0x501: {  	v9 =	vshll.u32 v3, $0x3  }
0x502: {  	v3 =	vand.u32 $0x7, v3;
	v4 =	vand.u32 $0xFFFFFFC0, v9  }
0x503: {  	v3 =	vor.u32 v3, v4  }
0x504: {  	v4 =	vperm.xlane v3, v0;
	_ =	sdelay $0x1  }
0x505: {  	v4 =	vadd.s32 v1, v4;
	_ =	sdelay $0x3  }
0x506: {  	s4 =	simm.s32 $0x14400  }
0x507: {  	[tilespmem:s4], [sflag:$0x3] =	stream.indirect_vreg.gather [hbm4b:s5+s6], $0x80, v4, vm0, $0xb8;
	[tilespmem:$0x18400] =	vst v63  }
0x508: {  	v3 =	vperm.xlane v3, v2;
	s4 =	simm.s32 $0x14C00  }
0x509: {  	[tilespmem:s4], [sflag:$0x3] =	stream.indirect_vreg.gather [hbm4b:s15+s6], $0x80, v4, vm0, $0xb8;
	[tilespmem:$0x18400] =	vst v63  }
0x50a: {  	v3 =	vadd.s32 v1, v3;
	s4 =	simm.s32 $0x15400  }
0x50b: {  	[tilespmem:s4], [sflag:$0x3] =	stream.indirect_vreg.gather [hbm4b:s16+s6], $0x80, v4, vm0, $0xb8;
	[tilespmem:$0x18400] =	vst v63  }
0x50c: {  	s4 =	simm.s32 $0x15C00  }
0x50d: {  	[tilespmem:s4], [sflag:$0x3] =	stream.indirect_vreg.gather [hbm4b:s17+s6], $0x80, v4, vm0, $0xb8;
	[tilespmem:$0x18400] =	vst v63  }
0x50e: {  	s4 =	simm.s32 $0x16400  }
0x50f: {  	[tilespmem:s4], [sflag:$0x3] =	stream.indirect_vreg.gather [hbm4b:s5+s6], $0x80, v3, vm0, $0xb8;
	[tilespmem:$0x18400] =	vst v63  }
0x510: {  	s4 =	simm.s32 $0x16C00  }
0x511: {  	[tilespmem:s4], [sflag:$0x3] =	stream.indirect_vreg.gather [hbm4b:s15+s6], $0x80, v3, vm0, $0xb8;
	[tilespmem:$0x18400] =	vst v63  }
0x512: {  	s4 =	simm.s32 $0x17400  }
0x513: {  	[tilespmem:s4], [sflag:$0x3] =	stream.indirect_vreg.gather [hbm4b:s16+s6], $0x80, v3, vm0, $0xb8;
	[tilespmem:$0x18400] =	vst v63  }
0x514: {  	s4 =	simm.s32 $0x17C00  }
0x515: {  	[tilespmem:s4], [sflag:$0x3] =	stream.indirect_vreg.gather [hbm4b:s17+s6], $0x80, v3, vm0, $0xb8;
	[tilespmem:$0x18400] =	vst v63  }
0x516: {  	_ =	swait.ge [sflag:s25], $0x8000  }
0x517: {  	s3 =	sld [smem:$0x7C6]  }
0x518: {  	[sflag:s25] =	ssyncset.done $0x0  }
0x519: {  	s4 =	sld [smem:$0x7C7];
	[sflag:s25] =	ssyncadd.s32 $0xFFFF8000  }
0x51a: {  	[hbm4b:s3+s6] =	stream.linear.scatter [tilespmem:s29], [sflag:$0x6], $0x8000, $0x38;
	[tilespmem:$0x18400] =	vst v63  }
0x51b: {  	_ = 	snop  }
0x51c: {  	[hbm4b:s4+s6] =	stream.linear.scatter [tilespmem:s29], [sflag:$0x6], $0x8000, $0x38;
	[tilespmem:$0x18400] =	vst v63  }
0x51d: {  	_ =	swait.ge [sflag:s0], $0x8000  }
0x51e: {  	[sflag:s0] =	ssyncset.done $0x0  }
0x51f: {  	[sflag:s0] =	ssyncadd.s32 $0xFFFF8000  }
0x520: {  	_ =	swait.ge [sflag:s0], $0x8000  }
0x521: {  	[sflag:s0] =	ssyncset.done $0x0  }
0x522: {  	[sflag:s0] =	ssyncadd.s32 $0xFFFF8000  }
0x523: {  	v3 =	vld [tilespmem:$0x280];
	_ =	sdelay $0x4  }
0x524: {  	v10 =	vshll.u32 v3, $0x3  }
0x525: {  	v3 =	vand.u32 $0x7, v3;
	v4 =	vand.u32 $0xFFFFFFC0, v10  }
0x526: {  	v3 =	vor.u32 v3, v4  }
0x527: {  	v4 =	vperm.xlane v3, v0;
	_ =	sdelay $0x1  }
0x528: {  	v4 =	vadd.s32 v1, v4;
	_ =	sdelay $0x4  }
0x529: {  	[tilespmem:s30], [sflag:$0x1] =	stream.indirect_vreg.gather [hbm4b:s5+s6], $0x80, v4, vm0, $0xb8;
	[tilespmem:$0x18400] =	vst v63  }
0x52a: {  	s4 =	simm.s32 $0xC00;
	v3 =	vperm.xlane v3, v2  }
0x52b: {  	[tilespmem:s4], [sflag:$0x1] =	stream.indirect_vreg.gather [hbm4b:s15+s6], $0x80, v4, vm0, $0xb8;
	[tilespmem:$0x18400] =	vst v63  }
0x52c: {  	v3 =	vadd.s32 v1, v3;
	s4 =	simm.s32 $0x1400  }
0x52d: {  	[tilespmem:s4], [sflag:$0x1] =	stream.indirect_vreg.gather [hbm4b:s16+s6], $0x80, v4, vm0, $0xb8;
	[tilespmem:$0x18400] =	vst v63  }
0x52e: {  	s4 =	simm.s32 $0x1C00  }
0x52f: {  	[tilespmem:s4], [sflag:$0x1] =	stream.indirect_vreg.gather [hbm4b:s17+s6], $0x80, v4, vm0, $0xb8;
	[tilespmem:$0x18400] =	vst v63  }
0x530: {  	s4 =	simm.s32 $0x2400  }
0x531: {  	[tilespmem:s4], [sflag:$0x1] =	stream.indirect_vreg.gather [hbm4b:s5+s6], $0x80, v3, vm0, $0xb8;
	[tilespmem:$0x18400] =	vst v63  }
0x532: {  	s4 =	simm.s32 $0x2C00  }
0x533: {  	[tilespmem:s4], [sflag:$0x1] =	stream.indirect_vreg.gather [hbm4b:s15+s6], $0x80, v3, vm0, $0xb8;
	[tilespmem:$0x18400] =	vst v63  }
0x534: {  	s4 =	simm.s32 $0x3400  }
0x535: {  	[tilespmem:s4], [sflag:$0x1] =	stream.indirect_vreg.gather [hbm4b:s16+s6], $0x80, v3, vm0, $0xb8;
	[tilespmem:$0x18400] =	vst v63  }
0x536: {  	s4 =	simm.s32 $0x3C00  }
0x537: {  	[tilespmem:s4], [sflag:$0x1] =	stream.indirect_vreg.gather [hbm4b:s17+s6], $0x80, v3, vm0, $0xb8;
	[tilespmem:$0x18400] =	vst v63  }
0x538: {  	v3 =	vld [tilespmem:$0x290];
	_ =	sdelay $0x4  }
0x539: {  	v11 =	vshll.u32 v3, $0x3  }
0x53a: {  	v3 =	vand.u32 $0x7, v3;
	v4 =	vand.u32 $0xFFFFFFC0, v11  }
0x53b: {  	v3 =	vor.u32 v3, v4  }
0x53c: {  	v4 =	vperm.xlane v3, v0;
	_ =	sdelay $0x1  }
0x53d: {  	v4 =	vadd.s32 v1, v4;
	_ =	sdelay $0x3  }
0x53e: {  	s4 =	simm.s32 $0x4400  }
0x53f: {  	[tilespmem:s4], [sflag:$0x1] =	stream.indirect_vreg.gather [hbm4b:s5+s6], $0x80, v4, vm0, $0xb8;
	[tilespmem:$0x18400] =	vst v63  }
0x540: {  	v3 =	vperm.xlane v3, v2;
	s4 =	simm.s32 $0x4C00  }
0x541: {  	[tilespmem:s4], [sflag:$0x1] =	stream.indirect_vreg.gather [hbm4b:s15+s6], $0x80, v4, vm0, $0xb8;
	[tilespmem:$0x18400] =	vst v63  }
0x542: {  	v3 =	vadd.s32 v1, v3;
	s4 =	simm.s32 $0x5400  }
0x543: {  	[tilespmem:s4], [sflag:$0x1] =	stream.indirect_vreg.gather [hbm4b:s16+s6], $0x80, v4, vm0, $0xb8;
	[tilespmem:$0x18400] =	vst v63  }
0x544: {  	s4 =	simm.s32 $0x5C00  }
0x545: {  	[tilespmem:s4], [sflag:$0x1] =	stream.indirect_vreg.gather [hbm4b:s17+s6], $0x80, v4, vm0, $0xb8;
	[tilespmem:$0x18400] =	vst v63  }
0x546: {  	s4 =	simm.s32 $0x6400  }
0x547: {  	[tilespmem:s4], [sflag:$0x1] =	stream.indirect_vreg.gather [hbm4b:s5+s6], $0x80, v3, vm0, $0xb8;
	[tilespmem:$0x18400] =	vst v63  }
0x548: {  	s4 =	simm.s32 $0x6C00  }
0x549: {  	[tilespmem:s4], [sflag:$0x1] =	stream.indirect_vreg.gather [hbm4b:s15+s6], $0x80, v3, vm0, $0xb8;
	[tilespmem:$0x18400] =	vst v63  }
0x54a: {  	s4 =	simm.s32 $0x7400  }
0x54b: {  	[tilespmem:s4], [sflag:$0x1] =	stream.indirect_vreg.gather [hbm4b:s16+s6], $0x80, v3, vm0, $0xb8;
	[tilespmem:$0x18400] =	vst v63  }
0x54c: {  	s4 =	simm.s32 $0x7C00  }
0x54d: {  	[tilespmem:s4], [sflag:$0x1] =	stream.indirect_vreg.gather [hbm4b:s17+s6], $0x80, v3, vm0, $0xb8;
	[tilespmem:$0x18400] =	vst v63  }
0x54e: {  	_ =	swait.ge [sflag:s31], $0x8000  }
0x54f: {  	s3 =	sld [smem:$0x7C8]  }
0x550: {  	[sflag:s31] =	ssyncset.done $0x0  }
0x551: {  	s4 =	sld [smem:$0x7C9];
	[sflag:s31] =	ssyncadd.s32 $0xFFFF8000  }
0x552: {  	[hbm4b:s3+s6] =	stream.linear.scatter [tilespmem:s30], [sflag:$0x4], $0x8000, $0x38;
	[tilespmem:$0x18400] =	vst v63  }
0x553: {  	_ = 	snop  }
0x554: {  	[hbm4b:s4+s6] =	stream.linear.scatter [tilespmem:s30], [sflag:$0x4], $0x8000, $0x38;
	[tilespmem:$0x18400] =	vst v63  }
0x555: {  	_ =	swait.ge [sflag:s1], $0x8000  }
0x556: {  	[sflag:s1] =	ssyncset.done $0x0  }
0x557: {  	[sflag:s1] =	ssyncadd.s32 $0xFFFF8000  }
0x558: {  	_ =	swait.ge [sflag:s1], $0x8000  }
0x559: {  	[sflag:s1] =	ssyncset.done $0x0  }
0x55a: {  	[sflag:s1] =	ssyncadd.s32 $0xFFFF8000  }
0x55b: {  	v3 =	vld [tilespmem:$0x300];
	_ =	sdelay $0x4  }
0x55c: {  	v12 =	vshll.u32 v3, $0x3  }
0x55d: {  	v3 =	vand.u32 $0x7, v3;
	v4 =	vand.u32 $0xFFFFFFC0, v12  }
0x55e: {  	v3 =	vor.u32 v3, v4  }
0x55f: {  	v4 =	vperm.xlane v3, v0;
	_ =	sdelay $0x1  }
0x560: {  	v4 =	vadd.s32 v1, v4;
	_ =	sdelay $0x4  }
0x561: {  	[tilespmem:s7], [sflag:$0x2] =	stream.indirect_vreg.gather [hbm4b:s5+s6], $0x80, v4, vm0, $0xb8;
	[tilespmem:$0x18400] =	vst v63  }
0x562: {  	s4 =	simm.s32 $0x8C00;
	v3 =	vperm.xlane v3, v2  }
0x563: {  	[tilespmem:s4], [sflag:$0x2] =	stream.indirect_vreg.gather [hbm4b:s15+s6], $0x80, v4, vm0, $0xb8;
	[tilespmem:$0x18400] =	vst v63  }
0x564: {  	v3 =	vadd.s32 v1, v3;
	s4 =	simm.s32 $0x9400  }
0x565: {  	[tilespmem:s4], [sflag:$0x2] =	stream.indirect_vreg.gather [hbm4b:s16+s6], $0x80, v4, vm0, $0xb8;
	[tilespmem:$0x18400] =	vst v63  }
0x566: {  	s4 =	simm.s32 $0x9C00  }
0x567: {  	[tilespmem:s4], [sflag:$0x2] =	stream.indirect_vreg.gather [hbm4b:s17+s6], $0x80, v4, vm0, $0xb8;
	[tilespmem:$0x18400] =	vst v63  }
0x568: {  	s4 =	simm.s32 $0xA400  }
0x569: {  	[tilespmem:s4], [sflag:$0x2] =	stream.indirect_vreg.gather [hbm4b:s5+s6], $0x80, v3, vm0, $0xb8;
	[tilespmem:$0x18400] =	vst v63  }
0x56a: {  	s4 =	simm.s32 $0xAC00  }
0x56b: {  	[tilespmem:s4], [sflag:$0x2] =	stream.indirect_vreg.gather [hbm4b:s15+s6], $0x80, v3, vm0, $0xb8;
	[tilespmem:$0x18400] =	vst v63  }
0x56c: {  	s4 =	simm.s32 $0xB400  }
0x56d: {  	[tilespmem:s4], [sflag:$0x2] =	stream.indirect_vreg.gather [hbm4b:s16+s6], $0x80, v3, vm0, $0xb8;
	[tilespmem:$0x18400] =	vst v63  }
0x56e: {  	s4 =	simm.s32 $0xBC00  }
0x56f: {  	[tilespmem:s4], [sflag:$0x2] =	stream.indirect_vreg.gather [hbm4b:s17+s6], $0x80, v3, vm0, $0xb8;
	[tilespmem:$0x18400] =	vst v63  }
0x570: {  	v3 =	vld [tilespmem:$0x310];
	_ =	sdelay $0x4  }
0x571: {  	v13 =	vshll.u32 v3, $0x3  }
0x572: {  	v3 =	vand.u32 $0x7, v3;
	v4 =	vand.u32 $0xFFFFFFC0, v13  }
0x573: {  	v3 =	vor.u32 v3, v4  }
0x574: {  	v4 =	vperm.xlane v3, v0;
	_ =	sdelay $0x1  }
0x575: {  	v4 =	vadd.s32 v1, v4;
	_ =	sdelay $0x3  }
0x576: {  	s4 =	simm.s32 $0xC400  }
0x577: {  	[tilespmem:s4], [sflag:$0x2] =	stream.indirect_vreg.gather [hbm4b:s5+s6], $0x80, v4, vm0, $0xb8;
	[tilespmem:$0x18400] =	vst v63  }
0x578: {  	v3 =	vperm.xlane v3, v2;
	s4 =	simm.s32 $0xCC00  }
0x579: {  	[tilespmem:s4], [sflag:$0x2] =	stream.indirect_vreg.gather [hbm4b:s15+s6], $0x80, v4, vm0, $0xb8;
	[tilespmem:$0x18400] =	vst v63  }
0x57a: {  	v3 =	vadd.s32 v1, v3;
	s4 =	simm.s32 $0xD400  }
0x57b: {  	[tilespmem:s4], [sflag:$0x2] =	stream.indirect_vreg.gather [hbm4b:s16+s6], $0x80, v4, vm0, $0xb8;
	[tilespmem:$0x18400] =	vst v63  }
0x57c: {  	s4 =	simm.s32 $0xDC00  }
0x57d: {  	[tilespmem:s4], [sflag:$0x2] =	stream.indirect_vreg.gather [hbm4b:s17+s6], $0x80, v4, vm0, $0xb8;
	[tilespmem:$0x18400] =	vst v63  }
0x57e: {  	s4 =	simm.s32 $0xE400  }
0x57f: {  	[tilespmem:s4], [sflag:$0x2] =	stream.indirect_vreg.gather [hbm4b:s5+s6], $0x80, v3, vm0, $0xb8;
	[tilespmem:$0x18400] =	vst v63  }
0x580: {  	s4 =	simm.s32 $0xEC00  }
0x581: {  	[tilespmem:s4], [sflag:$0x2] =	stream.indirect_vreg.gather [hbm4b:s15+s6], $0x80, v3, vm0, $0xb8;
	[tilespmem:$0x18400] =	vst v63  }
0x582: {  	s4 =	simm.s32 $0xF400  }
0x583: {  	[tilespmem:s4], [sflag:$0x2] =	stream.indirect_vreg.gather [hbm4b:s16+s6], $0x80, v3, vm0, $0xb8;
	[tilespmem:$0x18400] =	vst v63  }
0x584: {  	s4 =	simm.s32 $0xFC00  }
0x585: {  	[tilespmem:s4], [sflag:$0x2] =	stream.indirect_vreg.gather [hbm4b:s17+s6], $0x80, v3, vm0, $0xb8;
	[tilespmem:$0x18400] =	vst v63  }
0x586: {  	_ =	swait.ge [sflag:s8], $0x8000  }
0x587: {  	s3 =	sld [smem:$0x7CA]  }
0x588: {  	[sflag:s8] =	ssyncset.done $0x0  }
0x589: {  	s4 =	sld [smem:$0x7CB];
	[sflag:s8] =	ssyncadd.s32 $0xFFFF8000  }
0x58a: {  	[hbm4b:s3+s6] =	stream.linear.scatter [tilespmem:s7], [sflag:$0x5], $0x8000, $0x38;
	[tilespmem:$0x18400] =	vst v63  }
0x58b: {  	_ = 	snop  }
0x58c: {  	[hbm4b:s4+s6] =	stream.linear.scatter [tilespmem:s7], [sflag:$0x5], $0x8000, $0x38;
	[tilespmem:$0x18400] =	vst v63  }
0x58d: {  	_ =	swait.ge [sflag:s2], $0x8000  }
0x58e: {  	[sflag:s2] =	ssyncset.done $0x0  }
0x58f: {  	[sflag:s2] =	ssyncadd.s32 $0xFFFF8000  }
0x590: {  	_ =	swait.ge [sflag:s2], $0x8000  }
0x591: {  	[sflag:s2] =	ssyncset.done $0x0  }
0x592: {  	[sflag:s2] =	ssyncadd.s32 $0xFFFF8000  }
0x593: {  	v3 =	vld [tilespmem:$0x380];
	_ =	sdelay $0x4  }
0x594: {  	v14 =	vshll.u32 v3, $0x3  }
0x595: {  	v3 =	vand.u32 $0x7, v3;
	v4 =	vand.u32 $0xFFFFFFC0, v14  }
0x596: {  	v3 =	vor.u32 v3, v4  }
0x597: {  	v4 =	vperm.xlane v3, v0;
	_ =	sdelay $0x1  }
0x598: {  	v4 =	vadd.s32 v1, v4;
	_ =	sdelay $0x4  }
0x599: {  	[tilespmem:s29], [sflag:$0x3] =	stream.indirect_vreg.gather [hbm4b:s5+s6], $0x80, v4, vm0, $0xb8;
	[tilespmem:$0x18400] =	vst v63  }
0x59a: {  	s4 =	simm.s32 $0x10C00;
	v3 =	vperm.xlane v3, v2  }
0x59b: {  	[tilespmem:s4], [sflag:$0x3] =	stream.indirect_vreg.gather [hbm4b:s15+s6], $0x80, v4, vm0, $0xb8;
	[tilespmem:$0x18400] =	vst v63  }
0x59c: {  	v3 =	vadd.s32 v1, v3;
	s4 =	simm.s32 $0x11400  }
0x59d: {  	[tilespmem:s4], [sflag:$0x3] =	stream.indirect_vreg.gather [hbm4b:s16+s6], $0x80, v4, vm0, $0xb8;
	[tilespmem:$0x18400] =	vst v63  }
0x59e: {  	s4 =	simm.s32 $0x11C00  }
0x59f: {  	[tilespmem:s4], [sflag:$0x3] =	stream.indirect_vreg.gather [hbm4b:s17+s6], $0x80, v4, vm0, $0xb8;
	[tilespmem:$0x18400] =	vst v63  }
0x5a0: {  	s4 =	simm.s32 $0x12400  }
0x5a1: {  	[tilespmem:s4], [sflag:$0x3] =	stream.indirect_vreg.gather [hbm4b:s5+s6], $0x80, v3, vm0, $0xb8;
	[tilespmem:$0x18400] =	vst v63  }
0x5a2: {  	s4 =	simm.s32 $0x12C00  }
0x5a3: {  	[tilespmem:s4], [sflag:$0x3] =	stream.indirect_vreg.gather [hbm4b:s15+s6], $0x80, v3, vm0, $0xb8;
	[tilespmem:$0x18400] =	vst v63  }
0x5a4: {  	s4 =	simm.s32 $0x13400  }
0x5a5: {  	[tilespmem:s4], [sflag:$0x3] =	stream.indirect_vreg.gather [hbm4b:s16+s6], $0x80, v3, vm0, $0xb8;
	[tilespmem:$0x18400] =	vst v63  }
0x5a6: {  	s4 =	simm.s32 $0x13C00  }
0x5a7: {  	[tilespmem:s4], [sflag:$0x3] =	stream.indirect_vreg.gather [hbm4b:s17+s6], $0x80, v3, vm0, $0xb8;
	[tilespmem:$0x18400] =	vst v63  }
0x5a8: {  	v3 =	vld [tilespmem:$0x390];
	_ =	sdelay $0x4  }
0x5a9: {  	v15 =	vshll.u32 v3, $0x3  }
0x5aa: {  	v3 =	vand.u32 $0x7, v3;
	v4 =	vand.u32 $0xFFFFFFC0, v15  }
0x5ab: {  	v3 =	vor.u32 v3, v4  }
0x5ac: {  	v4 =	vperm.xlane v3, v0;
	_ =	sdelay $0x1  }
0x5ad: {  	v4 =	vadd.s32 v1, v4;
	_ =	sdelay $0x3  }
0x5ae: {  	s4 =	simm.s32 $0x14400  }
0x5af: {  	[tilespmem:s4], [sflag:$0x3] =	stream.indirect_vreg.gather [hbm4b:s5+s6], $0x80, v4, vm0, $0xb8;
	[tilespmem:$0x18400] =	vst v63  }
0x5b0: {  	v3 =	vperm.xlane v3, v2;
	s4 =	simm.s32 $0x14C00  }
0x5b1: {  	[tilespmem:s4], [sflag:$0x3] =	stream.indirect_vreg.gather [hbm4b:s15+s6], $0x80, v4, vm0, $0xb8;
	[tilespmem:$0x18400] =	vst v63  }
0x5b2: {  	v3 =	vadd.s32 v1, v3;
	s4 =	simm.s32 $0x15400  }
0x5b3: {  	[tilespmem:s4], [sflag:$0x3] =	stream.indirect_vreg.gather [hbm4b:s16+s6], $0x80, v4, vm0, $0xb8;
	[tilespmem:$0x18400] =	vst v63  }
0x5b4: {  	s4 =	simm.s32 $0x15C00  }
0x5b5: {  	[tilespmem:s4], [sflag:$0x3] =	stream.indirect_vreg.gather [hbm4b:s17+s6], $0x80, v4, vm0, $0xb8;
	[tilespmem:$0x18400] =	vst v63  }
0x5b6: {  	s4 =	simm.s32 $0x16400  }
0x5b7: {  	[tilespmem:s4], [sflag:$0x3] =	stream.indirect_vreg.gather [hbm4b:s5+s6], $0x80, v3, vm0, $0xb8;
	[tilespmem:$0x18400] =	vst v63  }
0x5b8: {  	s5 =	simm.s32 $0x16C00  }
0x5b9: {  	[tilespmem:s5], [sflag:$0x3] =	stream.indirect_vreg.gather [hbm4b:s15+s6], $0x80, v3, vm0, $0xb8;
	[tilespmem:$0x18400] =	vst v63  }
0x5ba: {  	s4 =	simm.s32 $0x17400  }
0x5bb: {  	[tilespmem:s4], [sflag:$0x3] =	stream.indirect_vreg.gather [hbm4b:s16+s6], $0x80, v3, vm0, $0xb8;
	[tilespmem:$0x18400] =	vst v63  }
0x5bc: {  	s5 =	simm.s32 $0x17C00  }
0x5bd: {  	[tilespmem:s5], [sflag:$0x3] =	stream.indirect_vreg.gather [hbm4b:s17+s6], $0x80, v3, vm0, $0xb8;
	[tilespmem:$0x18400] =	vst v63  }
0x5be: {  	_ =	swait.ge [sflag:s25], $0x8000  }
0x5bf: {  	s4 =	sld [smem:$0x7CC]  }
0x5c0: {  	[sflag:s25] =	ssyncset.done $0x0  }
0x5c1: {  	s5 =	sld [smem:$0x7CD];
	[sflag:s25] =	ssyncadd.s32 $0xFFFF8000  }
0x5c2: {  	[hbm4b:s4+s6] =	stream.linear.scatter [tilespmem:s29], [sflag:$0x6], $0x8000, $0x38;
	[tilespmem:$0x18400] =	vst v63  }
0x5c3: {  	_ = 	snop  }
0x5c4: {  	[hbm4b:s5+s6] =	stream.linear.scatter [tilespmem:s29], [sflag:$0x6], $0x8000, $0x38;
	[tilespmem:$0x18400] =	vst v63  }
0x5c5: {  	_ =	swait.ge [sflag:s0], $0x8000  }
0x5c6: {  	[sflag:s0] =	ssyncset.done $0x0  }
0x5c7: {  	[sflag:s0] =	ssyncadd.s32 $0xFFFF8000  }
0x5c8: {  	_ =	swait.ge [sflag:s0], $0x8000  }
0x5c9: {  	[sflag:s0] =	ssyncset.done $0x0  }
0x5ca: {  	[sflag:s0] =	ssyncadd.s32 $0xFFFF8000  }
0x5cb: {  	v3 =	vld [tilespmem:$0x0];
	_ =	sdelay $0x4  }
0x5cc: {  	v16 =	vshll.u32 v3, $0x3  }
0x5cd: {  	v3 =	vand.u32 $0x7, v3;
	v4 =	vand.u32 $0xFFFFFFC0, v16  }
0x5ce: {  	v3 =	vor.u32 v3, v4  }
0x5cf: {  	v4 =	vperm.xlane v3, v0;
	_ =	sdelay $0x1  }
0x5d0: {  	v4 =	vadd.s32 v1, v4;
	_ =	sdelay $0x3  }
0x5d1: {  	s5 =	rddreg [dreg:$0x4]  }
0x5d2: {  	[tilespmem:s30], [sflag:$0x1] =	stream.indirect_vreg.gather [hbm4b:s5+s6], $0x80, v4, vm0, $0xb8;
	[tilespmem:$0x18400] =	vst v63  }
0x5d3: {  	s4 =	simm.s32 $0xC00;
	v3 =	vperm.xlane v3, v2  }
0x5d4: {  	[tilespmem:s4], [sflag:$0x1] =	stream.indirect_vreg.gather [hbm4b:s18+s6], $0x80, v4, vm0, $0xb8;
	[tilespmem:$0x18400] =	vst v63  }
0x5d5: {  	v3 =	vadd.s32 v1, v3;
	s4 =	simm.s32 $0x1400  }
0x5d6: {  	[tilespmem:s4], [sflag:$0x1] =	stream.indirect_vreg.gather [hbm4b:s19+s6], $0x80, v4, vm0, $0xb8;
	[tilespmem:$0x18400] =	vst v63  }
0x5d7: {  	s4 =	simm.s32 $0x1C00  }
0x5d8: {  	[tilespmem:s4], [sflag:$0x1] =	stream.indirect_vreg.gather [hbm4b:s20+s6], $0x80, v4, vm0, $0xb8;
	[tilespmem:$0x18400] =	vst v63  }
0x5d9: {  	s4 =	simm.s32 $0x2400  }
0x5da: {  	[tilespmem:s4], [sflag:$0x1] =	stream.indirect_vreg.gather [hbm4b:s5+s6], $0x80, v3, vm0, $0xb8;
	[tilespmem:$0x18400] =	vst v63  }
0x5db: {  	s4 =	simm.s32 $0x2C00  }
0x5dc: {  	[tilespmem:s4], [sflag:$0x1] =	stream.indirect_vreg.gather [hbm4b:s18+s6], $0x80, v3, vm0, $0xb8;
	[tilespmem:$0x18400] =	vst v63  }
0x5dd: {  	s4 =	simm.s32 $0x3400  }
0x5de: {  	[tilespmem:s4], [sflag:$0x1] =	stream.indirect_vreg.gather [hbm4b:s19+s6], $0x80, v3, vm0, $0xb8;
	[tilespmem:$0x18400] =	vst v63  }
0x5df: {  	s4 =	simm.s32 $0x3C00  }
0x5e0: {  	[tilespmem:s4], [sflag:$0x1] =	stream.indirect_vreg.gather [hbm4b:s20+s6], $0x80, v3, vm0, $0xb8;
	[tilespmem:$0x18400] =	vst v63  }
0x5e1: {  	v3 =	vld [tilespmem:$0x10];
	_ =	sdelay $0x4  }
0x5e2: {  	v17 =	vshll.u32 v3, $0x3  }
0x5e3: {  	v3 =	vand.u32 $0x7, v3;
	v4 =	vand.u32 $0xFFFFFFC0, v17  }
0x5e4: {  	v3 =	vor.u32 v3, v4  }
0x5e5: {  	v4 =	vperm.xlane v3, v0;
	_ =	sdelay $0x1  }
0x5e6: {  	v4 =	vadd.s32 v1, v4;
	_ =	sdelay $0x3  }
0x5e7: {  	s4 =	simm.s32 $0x4400  }
0x5e8: {  	[tilespmem:s4], [sflag:$0x1] =	stream.indirect_vreg.gather [hbm4b:s5+s6], $0x80, v4, vm0, $0xb8;
	[tilespmem:$0x18400] =	vst v63  }
0x5e9: {  	v3 =	vperm.xlane v3, v2;
	s4 =	simm.s32 $0x4C00  }
0x5ea: {  	[tilespmem:s4], [sflag:$0x1] =	stream.indirect_vreg.gather [hbm4b:s18+s6], $0x80, v4, vm0, $0xb8;
	[tilespmem:$0x18400] =	vst v63  }
0x5eb: {  	v3 =	vadd.s32 v1, v3;
	s4 =	simm.s32 $0x5400  }
0x5ec: {  	[tilespmem:s4], [sflag:$0x1] =	stream.indirect_vreg.gather [hbm4b:s19+s6], $0x80, v4, vm0, $0xb8;
	[tilespmem:$0x18400] =	vst v63  }
0x5ed: {  	s4 =	simm.s32 $0x5C00  }
0x5ee: {  	[tilespmem:s4], [sflag:$0x1] =	stream.indirect_vreg.gather [hbm4b:s20+s6], $0x80, v4, vm0, $0xb8;
	[tilespmem:$0x18400] =	vst v63  }
0x5ef: {  	s4 =	simm.s32 $0x6400  }
0x5f0: {  	[tilespmem:s4], [sflag:$0x1] =	stream.indirect_vreg.gather [hbm4b:s5+s6], $0x80, v3, vm0, $0xb8;
	[tilespmem:$0x18400] =	vst v63  }
0x5f1: {  	s4 =	simm.s32 $0x6C00  }
0x5f2: {  	[tilespmem:s4], [sflag:$0x1] =	stream.indirect_vreg.gather [hbm4b:s18+s6], $0x80, v3, vm0, $0xb8;
	[tilespmem:$0x18400] =	vst v63  }
0x5f3: {  	s4 =	simm.s32 $0x7400  }
0x5f4: {  	[tilespmem:s4], [sflag:$0x1] =	stream.indirect_vreg.gather [hbm4b:s19+s6], $0x80, v3, vm0, $0xb8;
	[tilespmem:$0x18400] =	vst v63  }
0x5f5: {  	s4 =	simm.s32 $0x7C00  }
0x5f6: {  	[tilespmem:s4], [sflag:$0x1] =	stream.indirect_vreg.gather [hbm4b:s20+s6], $0x80, v3, vm0, $0xb8;
	[tilespmem:$0x18400] =	vst v63  }
0x5f7: {  	_ =	swait.ge [sflag:s31], $0x8000  }
0x5f8: {  	s3 =	sld [smem:$0x7CE]  }
0x5f9: {  	[sflag:s31] =	ssyncset.done $0x0  }
0x5fa: {  	s4 =	sld [smem:$0x7CF];
	[sflag:s31] =	ssyncadd.s32 $0xFFFF8000  }
0x5fb: {  	[hbm4b:s3+s6] =	stream.linear.scatter [tilespmem:s30], [sflag:$0x4], $0x8000, $0x38;
	[tilespmem:$0x18400] =	vst v63  }
0x5fc: {  	_ = 	snop  }
0x5fd: {  	[hbm4b:s4+s6] =	stream.linear.scatter [tilespmem:s30], [sflag:$0x4], $0x8000, $0x38;
	[tilespmem:$0x18400] =	vst v63  }
0x5fe: {  	_ =	swait.ge [sflag:s1], $0x8000  }
0x5ff: {  	[sflag:s1] =	ssyncset.done $0x0  }
0x600: {  	[sflag:s1] =	ssyncadd.s32 $0xFFFF8000  }
0x601: {  	_ =	swait.ge [sflag:s1], $0x8000  }
0x602: {  	[sflag:s1] =	ssyncset.done $0x0  }
0x603: {  	[sflag:s1] =	ssyncadd.s32 $0xFFFF8000  }
0x604: {  	v3 =	vld [tilespmem:$0x80];
	_ =	sdelay $0x4  }
0x605: {  	v18 =	vshll.u32 v3, $0x3  }
0x606: {  	v3 =	vand.u32 $0x7, v3;
	v4 =	vand.u32 $0xFFFFFFC0, v18  }
0x607: {  	v3 =	vor.u32 v3, v4  }
0x608: {  	v4 =	vperm.xlane v3, v0;
	_ =	sdelay $0x1  }
0x609: {  	v4 =	vadd.s32 v1, v4;
	_ =	sdelay $0x4  }
0x60a: {  	[tilespmem:s7], [sflag:$0x2] =	stream.indirect_vreg.gather [hbm4b:s5+s6], $0x80, v4, vm0, $0xb8;
	[tilespmem:$0x18400] =	vst v63  }
0x60b: {  	s4 =	simm.s32 $0x8C00;
	v3 =	vperm.xlane v3, v2  }
0x60c: {  	[tilespmem:s4], [sflag:$0x2] =	stream.indirect_vreg.gather [hbm4b:s18+s6], $0x80, v4, vm0, $0xb8;
	[tilespmem:$0x18400] =	vst v63  }
0x60d: {  	v3 =	vadd.s32 v1, v3;
	s4 =	simm.s32 $0x9400  }
0x60e: {  	[tilespmem:s4], [sflag:$0x2] =	stream.indirect_vreg.gather [hbm4b:s19+s6], $0x80, v4, vm0, $0xb8;
	[tilespmem:$0x18400] =	vst v63  }
0x60f: {  	s4 =	simm.s32 $0x9C00  }
0x610: {  	[tilespmem:s4], [sflag:$0x2] =	stream.indirect_vreg.gather [hbm4b:s20+s6], $0x80, v4, vm0, $0xb8;
	[tilespmem:$0x18400] =	vst v63  }
0x611: {  	s4 =	simm.s32 $0xA400  }
0x612: {  	[tilespmem:s4], [sflag:$0x2] =	stream.indirect_vreg.gather [hbm4b:s5+s6], $0x80, v3, vm0, $0xb8;
	[tilespmem:$0x18400] =	vst v63  }
0x613: {  	s4 =	simm.s32 $0xAC00  }
0x614: {  	[tilespmem:s4], [sflag:$0x2] =	stream.indirect_vreg.gather [hbm4b:s18+s6], $0x80, v3, vm0, $0xb8;
	[tilespmem:$0x18400] =	vst v63  }
0x615: {  	s4 =	simm.s32 $0xB400  }
0x616: {  	[tilespmem:s4], [sflag:$0x2] =	stream.indirect_vreg.gather [hbm4b:s19+s6], $0x80, v3, vm0, $0xb8;
	[tilespmem:$0x18400] =	vst v63  }
0x617: {  	s4 =	simm.s32 $0xBC00  }
0x618: {  	[tilespmem:s4], [sflag:$0x2] =	stream.indirect_vreg.gather [hbm4b:s20+s6], $0x80, v3, vm0, $0xb8;
	[tilespmem:$0x18400] =	vst v63  }
0x619: {  	v3 =	vld [tilespmem:$0x90];
	_ =	sdelay $0x4  }
0x61a: {  	v19 =	vshll.u32 v3, $0x3  }
0x61b: {  	v3 =	vand.u32 $0x7, v3;
	v4 =	vand.u32 $0xFFFFFFC0, v19  }
0x61c: {  	v3 =	vor.u32 v3, v4  }
0x61d: {  	v4 =	vperm.xlane v3, v0;
	_ =	sdelay $0x1  }
0x61e: {  	v4 =	vadd.s32 v1, v4;
	_ =	sdelay $0x3  }
0x61f: {  	s4 =	simm.s32 $0xC400  }
0x620: {  	[tilespmem:s4], [sflag:$0x2] =	stream.indirect_vreg.gather [hbm4b:s5+s6], $0x80, v4, vm0, $0xb8;
	[tilespmem:$0x18400] =	vst v63  }
0x621: {  	v3 =	vperm.xlane v3, v2;
	s4 =	simm.s32 $0xCC00  }
0x622: {  	[tilespmem:s4], [sflag:$0x2] =	stream.indirect_vreg.gather [hbm4b:s18+s6], $0x80, v4, vm0, $0xb8;
	[tilespmem:$0x18400] =	vst v63  }
0x623: {  	v3 =	vadd.s32 v1, v3;
	s4 =	simm.s32 $0xD400  }
0x624: {  	[tilespmem:s4], [sflag:$0x2] =	stream.indirect_vreg.gather [hbm4b:s19+s6], $0x80, v4, vm0, $0xb8;
	[tilespmem:$0x18400] =	vst v63  }
0x625: {  	s4 =	simm.s32 $0xDC00  }
0x626: {  	[tilespmem:s4], [sflag:$0x2] =	stream.indirect_vreg.gather [hbm4b:s20+s6], $0x80, v4, vm0, $0xb8;
	[tilespmem:$0x18400] =	vst v63  }
0x627: {  	s4 =	simm.s32 $0xE400  }
0x628: {  	[tilespmem:s4], [sflag:$0x2] =	stream.indirect_vreg.gather [hbm4b:s5+s6], $0x80, v3, vm0, $0xb8;
	[tilespmem:$0x18400] =	vst v63  }
0x629: {  	s4 =	simm.s32 $0xEC00  }
0x62a: {  	[tilespmem:s4], [sflag:$0x2] =	stream.indirect_vreg.gather [hbm4b:s18+s6], $0x80, v3, vm0, $0xb8;
	[tilespmem:$0x18400] =	vst v63  }
0x62b: {  	s4 =	simm.s32 $0xF400  }
0x62c: {  	[tilespmem:s4], [sflag:$0x2] =	stream.indirect_vreg.gather [hbm4b:s19+s6], $0x80, v3, vm0, $0xb8;
	[tilespmem:$0x18400] =	vst v63  }
0x62d: {  	s4 =	simm.s32 $0xFC00  }
0x62e: {  	[tilespmem:s4], [sflag:$0x2] =	stream.indirect_vreg.gather [hbm4b:s20+s6], $0x80, v3, vm0, $0xb8;
	[tilespmem:$0x18400] =	vst v63  }
0x62f: {  	_ =	swait.ge [sflag:s8], $0x8000  }
0x630: {  	s3 =	sld [smem:$0x7D0]  }
0x631: {  	[sflag:s8] =	ssyncset.done $0x0  }
0x632: {  	s4 =	sld [smem:$0x7D1];
	[sflag:s8] =	ssyncadd.s32 $0xFFFF8000  }
0x633: {  	[hbm4b:s3+s6] =	stream.linear.scatter [tilespmem:s7], [sflag:$0x5], $0x8000, $0x38;
	[tilespmem:$0x18400] =	vst v63  }
0x634: {  	_ = 	snop  }
0x635: {  	[hbm4b:s4+s6] =	stream.linear.scatter [tilespmem:s7], [sflag:$0x5], $0x8000, $0x38;
	[tilespmem:$0x18400] =	vst v63  }
0x636: {  	_ =	swait.ge [sflag:s2], $0x8000  }
0x637: {  	[sflag:s2] =	ssyncset.done $0x0  }
0x638: {  	[sflag:s2] =	ssyncadd.s32 $0xFFFF8000  }
0x639: {  	_ =	swait.ge [sflag:s2], $0x8000  }
0x63a: {  	[sflag:s2] =	ssyncset.done $0x0  }
0x63b: {  	[sflag:s2] =	ssyncadd.s32 $0xFFFF8000  }
0x63c: {  	v3 =	vld [tilespmem:$0x100];
	_ =	sdelay $0x4  }
0x63d: {  	v20 =	vshll.u32 v3, $0x3  }
0x63e: {  	v3 =	vand.u32 $0x7, v3;
	v4 =	vand.u32 $0xFFFFFFC0, v20  }
0x63f: {  	v3 =	vor.u32 v3, v4  }
0x640: {  	v4 =	vperm.xlane v3, v0;
	_ =	sdelay $0x1  }
0x641: {  	v4 =	vadd.s32 v1, v4;
	_ =	sdelay $0x4  }
0x642: {  	[tilespmem:s29], [sflag:$0x3] =	stream.indirect_vreg.gather [hbm4b:s5+s6], $0x80, v4, vm0, $0xb8;
	[tilespmem:$0x18400] =	vst v63  }
0x643: {  	s4 =	simm.s32 $0x10C00;
	v3 =	vperm.xlane v3, v2  }
0x644: {  	[tilespmem:s4], [sflag:$0x3] =	stream.indirect_vreg.gather [hbm4b:s18+s6], $0x80, v4, vm0, $0xb8;
	[tilespmem:$0x18400] =	vst v63  }
0x645: {  	v3 =	vadd.s32 v1, v3;
	s4 =	simm.s32 $0x11400  }
0x646: {  	[tilespmem:s4], [sflag:$0x3] =	stream.indirect_vreg.gather [hbm4b:s19+s6], $0x80, v4, vm0, $0xb8;
	[tilespmem:$0x18400] =	vst v63  }
0x647: {  	s4 =	simm.s32 $0x11C00  }
0x648: {  	[tilespmem:s4], [sflag:$0x3] =	stream.indirect_vreg.gather [hbm4b:s20+s6], $0x80, v4, vm0, $0xb8;
	[tilespmem:$0x18400] =	vst v63  }
0x649: {  	s4 =	simm.s32 $0x12400  }
0x64a: {  	[tilespmem:s4], [sflag:$0x3] =	stream.indirect_vreg.gather [hbm4b:s5+s6], $0x80, v3, vm0, $0xb8;
	[tilespmem:$0x18400] =	vst v63  }
0x64b: {  	s4 =	simm.s32 $0x12C00  }
0x64c: {  	[tilespmem:s4], [sflag:$0x3] =	stream.indirect_vreg.gather [hbm4b:s18+s6], $0x80, v3, vm0, $0xb8;
	[tilespmem:$0x18400] =	vst v63  }
0x64d: {  	s4 =	simm.s32 $0x13400  }
0x64e: {  	[tilespmem:s4], [sflag:$0x3] =	stream.indirect_vreg.gather [hbm4b:s19+s6], $0x80, v3, vm0, $0xb8;
	[tilespmem:$0x18400] =	vst v63  }
0x64f: {  	s4 =	simm.s32 $0x13C00  }
0x650: {  	[tilespmem:s4], [sflag:$0x3] =	stream.indirect_vreg.gather [hbm4b:s20+s6], $0x80, v3, vm0, $0xb8;
	[tilespmem:$0x18400] =	vst v63  }
0x651: {  	v3 =	vld [tilespmem:$0x110];
	_ =	sdelay $0x4  }
0x652: {  	v21 =	vshll.u32 v3, $0x3  }
0x653: {  	v3 =	vand.u32 $0x7, v3;
	v4 =	vand.u32 $0xFFFFFFC0, v21  }
0x654: {  	v3 =	vor.u32 v3, v4  }
0x655: {  	v4 =	vperm.xlane v3, v0;
	_ =	sdelay $0x1  }
0x656: {  	v4 =	vadd.s32 v1, v4;
	_ =	sdelay $0x3  }
0x657: {  	s4 =	simm.s32 $0x14400  }
0x658: {  	[tilespmem:s4], [sflag:$0x3] =	stream.indirect_vreg.gather [hbm4b:s5+s6], $0x80, v4, vm0, $0xb8;
	[tilespmem:$0x18400] =	vst v63  }
0x659: {  	v3 =	vperm.xlane v3, v2;
	s4 =	simm.s32 $0x14C00  }
0x65a: {  	[tilespmem:s4], [sflag:$0x3] =	stream.indirect_vreg.gather [hbm4b:s18+s6], $0x80, v4, vm0, $0xb8;
	[tilespmem:$0x18400] =	vst v63  }
0x65b: {  	v3 =	vadd.s32 v1, v3;
	s4 =	simm.s32 $0x15400  }
0x65c: {  	[tilespmem:s4], [sflag:$0x3] =	stream.indirect_vreg.gather [hbm4b:s19+s6], $0x80, v4, vm0, $0xb8;
	[tilespmem:$0x18400] =	vst v63  }
0x65d: {  	s4 =	simm.s32 $0x15C00  }
0x65e: {  	[tilespmem:s4], [sflag:$0x3] =	stream.indirect_vreg.gather [hbm4b:s20+s6], $0x80, v4, vm0, $0xb8;
	[tilespmem:$0x18400] =	vst v63  }
0x65f: {  	s4 =	simm.s32 $0x16400  }
0x660: {  	[tilespmem:s4], [sflag:$0x3] =	stream.indirect_vreg.gather [hbm4b:s5+s6], $0x80, v3, vm0, $0xb8;
	[tilespmem:$0x18400] =	vst v63  }
0x661: {  	s4 =	simm.s32 $0x16C00  }
0x662: {  	[tilespmem:s4], [sflag:$0x3] =	stream.indirect_vreg.gather [hbm4b:s18+s6], $0x80, v3, vm0, $0xb8;
	[tilespmem:$0x18400] =	vst v63  }
0x663: {  	s4 =	simm.s32 $0x17400  }
0x664: {  	[tilespmem:s4], [sflag:$0x3] =	stream.indirect_vreg.gather [hbm4b:s19+s6], $0x80, v3, vm0, $0xb8;
	[tilespmem:$0x18400] =	vst v63  }
0x665: {  	s4 =	simm.s32 $0x17C00  }
0x666: {  	[tilespmem:s4], [sflag:$0x3] =	stream.indirect_vreg.gather [hbm4b:s20+s6], $0x80, v3, vm0, $0xb8;
	[tilespmem:$0x18400] =	vst v63  }
0x667: {  	_ =	swait.ge [sflag:s25], $0x8000  }
0x668: {  	s3 =	sld [smem:$0x7D2]  }
0x669: {  	[sflag:s25] =	ssyncset.done $0x0  }
0x66a: {  	s4 =	sld [smem:$0x7D3];
	[sflag:s25] =	ssyncadd.s32 $0xFFFF8000  }
0x66b: {  	[hbm4b:s3+s6] =	stream.linear.scatter [tilespmem:s29], [sflag:$0x6], $0x8000, $0x38;
	[tilespmem:$0x18400] =	vst v63  }
0x66c: {  	_ = 	snop  }
0x66d: {  	[hbm4b:s4+s6] =	stream.linear.scatter [tilespmem:s29], [sflag:$0x6], $0x8000, $0x38;
	[tilespmem:$0x18400] =	vst v63  }
0x66e: {  	_ =	swait.ge [sflag:s0], $0x8000  }
0x66f: {  	[sflag:s0] =	ssyncset.done $0x0  }
0x670: {  	[sflag:s0] =	ssyncadd.s32 $0xFFFF8000  }
0x671: {  	_ =	swait.ge [sflag:s0], $0x8000  }
0x672: {  	[sflag:s0] =	ssyncset.done $0x0  }
0x673: {  	[sflag:s0] =	ssyncadd.s32 $0xFFFF8000  }
0x674: {  	v3 =	vld [tilespmem:$0x180];
	_ =	sdelay $0x4  }
0x675: {  	v22 =	vshll.u32 v3, $0x3  }
0x676: {  	v3 =	vand.u32 $0x7, v3;
	v4 =	vand.u32 $0xFFFFFFC0, v22  }
0x677: {  	v3 =	vor.u32 v3, v4  }
0x678: {  	v4 =	vperm.xlane v3, v0;
	_ =	sdelay $0x1  }
0x679: {  	v4 =	vadd.s32 v1, v4;
	_ =	sdelay $0x4  }
0x67a: {  	[tilespmem:s30], [sflag:$0x1] =	stream.indirect_vreg.gather [hbm4b:s5+s6], $0x80, v4, vm0, $0xb8;
	[tilespmem:$0x18400] =	vst v63  }
0x67b: {  	s4 =	simm.s32 $0xC00;
	v3 =	vperm.xlane v3, v2  }
0x67c: {  	[tilespmem:s4], [sflag:$0x1] =	stream.indirect_vreg.gather [hbm4b:s18+s6], $0x80, v4, vm0, $0xb8;
	[tilespmem:$0x18400] =	vst v63  }
0x67d: {  	v3 =	vadd.s32 v1, v3;
	s4 =	simm.s32 $0x1400  }
0x67e: {  	[tilespmem:s4], [sflag:$0x1] =	stream.indirect_vreg.gather [hbm4b:s19+s6], $0x80, v4, vm0, $0xb8;
	[tilespmem:$0x18400] =	vst v63  }
0x67f: {  	s4 =	simm.s32 $0x1C00  }
0x680: {  	[tilespmem:s4], [sflag:$0x1] =	stream.indirect_vreg.gather [hbm4b:s20+s6], $0x80, v4, vm0, $0xb8;
	[tilespmem:$0x18400] =	vst v63  }
0x681: {  	s4 =	simm.s32 $0x2400  }
0x682: {  	[tilespmem:s4], [sflag:$0x1] =	stream.indirect_vreg.gather [hbm4b:s5+s6], $0x80, v3, vm0, $0xb8;
	[tilespmem:$0x18400] =	vst v63  }
0x683: {  	s4 =	simm.s32 $0x2C00  }
0x684: {  	[tilespmem:s4], [sflag:$0x1] =	stream.indirect_vreg.gather [hbm4b:s18+s6], $0x80, v3, vm0, $0xb8;
	[tilespmem:$0x18400] =	vst v63  }
0x685: {  	s4 =	simm.s32 $0x3400  }
0x686: {  	[tilespmem:s4], [sflag:$0x1] =	stream.indirect_vreg.gather [hbm4b:s19+s6], $0x80, v3, vm0, $0xb8;
	[tilespmem:$0x18400] =	vst v63  }
0x687: {  	s4 =	simm.s32 $0x3C00  }
0x688: {  	[tilespmem:s4], [sflag:$0x1] =	stream.indirect_vreg.gather [hbm4b:s20+s6], $0x80, v3, vm0, $0xb8;
	[tilespmem:$0x18400] =	vst v63  }
0x689: {  	v3 =	vld [tilespmem:$0x190];
	_ =	sdelay $0x4  }
0x68a: {  	v23 =	vshll.u32 v3, $0x3  }
0x68b: {  	v3 =	vand.u32 $0x7, v3;
	v4 =	vand.u32 $0xFFFFFFC0, v23  }
0x68c: {  	v3 =	vor.u32 v3, v4  }
0x68d: {  	v4 =	vperm.xlane v3, v0;
	_ =	sdelay $0x1  }
0x68e: {  	v4 =	vadd.s32 v1, v4;
	_ =	sdelay $0x3  }
0x68f: {  	s4 =	simm.s32 $0x4400  }
0x690: {  	[tilespmem:s4], [sflag:$0x1] =	stream.indirect_vreg.gather [hbm4b:s5+s6], $0x80, v4, vm0, $0xb8;
	[tilespmem:$0x18400] =	vst v63  }
0x691: {  	v3 =	vperm.xlane v3, v2;
	s4 =	simm.s32 $0x4C00  }
0x692: {  	[tilespmem:s4], [sflag:$0x1] =	stream.indirect_vreg.gather [hbm4b:s18+s6], $0x80, v4, vm0, $0xb8;
	[tilespmem:$0x18400] =	vst v63  }
0x693: {  	v3 =	vadd.s32 v1, v3;
	s4 =	simm.s32 $0x5400  }
0x694: {  	[tilespmem:s4], [sflag:$0x1] =	stream.indirect_vreg.gather [hbm4b:s19+s6], $0x80, v4, vm0, $0xb8;
	[tilespmem:$0x18400] =	vst v63  }
0x695: {  	s4 =	simm.s32 $0x5C00  }
0x696: {  	[tilespmem:s4], [sflag:$0x1] =	stream.indirect_vreg.gather [hbm4b:s20+s6], $0x80, v4, vm0, $0xb8;
	[tilespmem:$0x18400] =	vst v63  }
0x697: {  	s4 =	simm.s32 $0x6400  }
0x698: {  	[tilespmem:s4], [sflag:$0x1] =	stream.indirect_vreg.gather [hbm4b:s5+s6], $0x80, v3, vm0, $0xb8;
	[tilespmem:$0x18400] =	vst v63  }
0x699: {  	s4 =	simm.s32 $0x6C00  }
0x69a: {  	[tilespmem:s4], [sflag:$0x1] =	stream.indirect_vreg.gather [hbm4b:s18+s6], $0x80, v3, vm0, $0xb8;
	[tilespmem:$0x18400] =	vst v63  }
0x69b: {  	s4 =	simm.s32 $0x7400  }
0x69c: {  	[tilespmem:s4], [sflag:$0x1] =	stream.indirect_vreg.gather [hbm4b:s19+s6], $0x80, v3, vm0, $0xb8;
	[tilespmem:$0x18400] =	vst v63  }
0x69d: {  	s4 =	simm.s32 $0x7C00  }
0x69e: {  	[tilespmem:s4], [sflag:$0x1] =	stream.indirect_vreg.gather [hbm4b:s20+s6], $0x80, v3, vm0, $0xb8;
	[tilespmem:$0x18400] =	vst v63  }
0x69f: {  	_ =	swait.ge [sflag:s31], $0x8000  }
0x6a0: {  	s3 =	sld [smem:$0x7D4]  }
0x6a1: {  	[sflag:s31] =	ssyncset.done $0x0  }
0x6a2: {  	s4 =	sld [smem:$0x7D5];
	[sflag:s31] =	ssyncadd.s32 $0xFFFF8000  }
0x6a3: {  	[hbm4b:s3+s6] =	stream.linear.scatter [tilespmem:s30], [sflag:$0x4], $0x8000, $0x38;
	[tilespmem:$0x18400] =	vst v63  }
0x6a4: {  	_ = 	snop  }
0x6a5: {  	[hbm4b:s4+s6] =	stream.linear.scatter [tilespmem:s30], [sflag:$0x4], $0x8000, $0x38;
	[tilespmem:$0x18400] =	vst v63  }
0x6a6: {  	_ =	swait.ge [sflag:s1], $0x8000  }
0x6a7: {  	[sflag:s1] =	ssyncset.done $0x0  }
0x6a8: {  	[sflag:s1] =	ssyncadd.s32 $0xFFFF8000  }
0x6a9: {  	_ =	swait.ge [sflag:s1], $0x8000  }
0x6aa: {  	[sflag:s1] =	ssyncset.done $0x0  }
0x6ab: {  	[sflag:s1] =	ssyncadd.s32 $0xFFFF8000  }
0x6ac: {  	v3 =	vld [tilespmem:$0x200];
	_ =	sdelay $0x4  }
0x6ad: {  	v24 =	vshll.u32 v3, $0x3  }
0x6ae: {  	v3 =	vand.u32 $0x7, v3;
	v4 =	vand.u32 $0xFFFFFFC0, v24  }
0x6af: {  	v3 =	vor.u32 v3, v4  }
0x6b0: {  	v4 =	vperm.xlane v3, v0;
	_ =	sdelay $0x1  }
0x6b1: {  	v4 =	vadd.s32 v1, v4;
	_ =	sdelay $0x4  }
0x6b2: {  	[tilespmem:s7], [sflag:$0x2] =	stream.indirect_vreg.gather [hbm4b:s5+s6], $0x80, v4, vm0, $0xb8;
	[tilespmem:$0x18400] =	vst v63  }
0x6b3: {  	s4 =	simm.s32 $0x8C00;
	v3 =	vperm.xlane v3, v2  }
0x6b4: {  	[tilespmem:s4], [sflag:$0x2] =	stream.indirect_vreg.gather [hbm4b:s18+s6], $0x80, v4, vm0, $0xb8;
	[tilespmem:$0x18400] =	vst v63  }
0x6b5: {  	v3 =	vadd.s32 v1, v3;
	s4 =	simm.s32 $0x9400  }
0x6b6: {  	[tilespmem:s4], [sflag:$0x2] =	stream.indirect_vreg.gather [hbm4b:s19+s6], $0x80, v4, vm0, $0xb8;
	[tilespmem:$0x18400] =	vst v63  }
0x6b7: {  	s4 =	simm.s32 $0x9C00  }
0x6b8: {  	[tilespmem:s4], [sflag:$0x2] =	stream.indirect_vreg.gather [hbm4b:s20+s6], $0x80, v4, vm0, $0xb8;
	[tilespmem:$0x18400] =	vst v63  }
0x6b9: {  	s4 =	simm.s32 $0xA400  }
0x6ba: {  	[tilespmem:s4], [sflag:$0x2] =	stream.indirect_vreg.gather [hbm4b:s5+s6], $0x80, v3, vm0, $0xb8;
	[tilespmem:$0x18400] =	vst v63  }
0x6bb: {  	s4 =	simm.s32 $0xAC00  }
0x6bc: {  	[tilespmem:s4], [sflag:$0x2] =	stream.indirect_vreg.gather [hbm4b:s18+s6], $0x80, v3, vm0, $0xb8;
	[tilespmem:$0x18400] =	vst v63  }
0x6bd: {  	s4 =	simm.s32 $0xB400  }
0x6be: {  	[tilespmem:s4], [sflag:$0x2] =	stream.indirect_vreg.gather [hbm4b:s19+s6], $0x80, v3, vm0, $0xb8;
	[tilespmem:$0x18400] =	vst v63  }
0x6bf: {  	s4 =	simm.s32 $0xBC00  }
0x6c0: {  	[tilespmem:s4], [sflag:$0x2] =	stream.indirect_vreg.gather [hbm4b:s20+s6], $0x80, v3, vm0, $0xb8;
	[tilespmem:$0x18400] =	vst v63  }
0x6c1: {  	v3 =	vld [tilespmem:$0x210];
	_ =	sdelay $0x4  }
0x6c2: {  	v25 =	vshll.u32 v3, $0x3  }
0x6c3: {  	v3 =	vand.u32 $0x7, v3;
	v4 =	vand.u32 $0xFFFFFFC0, v25  }
0x6c4: {  	v3 =	vor.u32 v3, v4  }
0x6c5: {  	v4 =	vperm.xlane v3, v0;
	_ =	sdelay $0x1  }
0x6c6: {  	v4 =	vadd.s32 v1, v4;
	_ =	sdelay $0x3  }
0x6c7: {  	s4 =	simm.s32 $0xC400  }
0x6c8: {  	[tilespmem:s4], [sflag:$0x2] =	stream.indirect_vreg.gather [hbm4b:s5+s6], $0x80, v4, vm0, $0xb8;
	[tilespmem:$0x18400] =	vst v63  }
0x6c9: {  	v3 =	vperm.xlane v3, v2;
	s4 =	simm.s32 $0xCC00  }
0x6ca: {  	[tilespmem:s4], [sflag:$0x2] =	stream.indirect_vreg.gather [hbm4b:s18+s6], $0x80, v4, vm0, $0xb8;
	[tilespmem:$0x18400] =	vst v63  }
0x6cb: {  	v3 =	vadd.s32 v1, v3;
	s4 =	simm.s32 $0xD400  }
0x6cc: {  	[tilespmem:s4], [sflag:$0x2] =	stream.indirect_vreg.gather [hbm4b:s19+s6], $0x80, v4, vm0, $0xb8;
	[tilespmem:$0x18400] =	vst v63  }
0x6cd: {  	s4 =	simm.s32 $0xDC00  }
0x6ce: {  	[tilespmem:s4], [sflag:$0x2] =	stream.indirect_vreg.gather [hbm4b:s20+s6], $0x80, v4, vm0, $0xb8;
	[tilespmem:$0x18400] =	vst v63  }
0x6cf: {  	s4 =	simm.s32 $0xE400  }
0x6d0: {  	[tilespmem:s4], [sflag:$0x2] =	stream.indirect_vreg.gather [hbm4b:s5+s6], $0x80, v3, vm0, $0xb8;
	[tilespmem:$0x18400] =	vst v63  }
0x6d1: {  	s4 =	simm.s32 $0xEC00  }
0x6d2: {  	[tilespmem:s4], [sflag:$0x2] =	stream.indirect_vreg.gather [hbm4b:s18+s6], $0x80, v3, vm0, $0xb8;
	[tilespmem:$0x18400] =	vst v63  }
0x6d3: {  	s4 =	simm.s32 $0xF400  }
0x6d4: {  	[tilespmem:s4], [sflag:$0x2] =	stream.indirect_vreg.gather [hbm4b:s19+s6], $0x80, v3, vm0, $0xb8;
	[tilespmem:$0x18400] =	vst v63  }
0x6d5: {  	s4 =	simm.s32 $0xFC00  }
0x6d6: {  	[tilespmem:s4], [sflag:$0x2] =	stream.indirect_vreg.gather [hbm4b:s20+s6], $0x80, v3, vm0, $0xb8;
	[tilespmem:$0x18400] =	vst v63  }
0x6d7: {  	_ =	swait.ge [sflag:s8], $0x8000  }
0x6d8: {  	s3 =	sld [smem:$0x7D6]  }
0x6d9: {  	[sflag:s8] =	ssyncset.done $0x0  }
0x6da: {  	s4 =	sld [smem:$0x7D7];
	[sflag:s8] =	ssyncadd.s32 $0xFFFF8000  }
0x6db: {  	[hbm4b:s3+s6] =	stream.linear.scatter [tilespmem:s7], [sflag:$0x5], $0x8000, $0x38;
	[tilespmem:$0x18400] =	vst v63  }
0x6dc: {  	_ = 	snop  }
0x6dd: {  	[hbm4b:s4+s6] =	stream.linear.scatter [tilespmem:s7], [sflag:$0x5], $0x8000, $0x38;
	[tilespmem:$0x18400] =	vst v63  }
0x6de: {  	_ =	swait.ge [sflag:s2], $0x8000  }
0x6df: {  	[sflag:s2] =	ssyncset.done $0x0  }
0x6e0: {  	[sflag:s2] =	ssyncadd.s32 $0xFFFF8000  }
0x6e1: {  	_ =	swait.ge [sflag:s2], $0x8000  }
0x6e2: {  	[sflag:s2] =	ssyncset.done $0x0  }
0x6e3: {  	[sflag:s2] =	ssyncadd.s32 $0xFFFF8000  }
0x6e4: {  	v3 =	vld [tilespmem:$0x280];
	_ =	sdelay $0x4  }
0x6e5: {  	v26 =	vshll.u32 v3, $0x3  }
0x6e6: {  	v3 =	vand.u32 $0x7, v3;
	v4 =	vand.u32 $0xFFFFFFC0, v26  }
0x6e7: {  	v3 =	vor.u32 v3, v4  }
0x6e8: {  	v4 =	vperm.xlane v3, v0;
	_ =	sdelay $0x1  }
0x6e9: {  	v4 =	vadd.s32 v1, v4;
	_ =	sdelay $0x4  }
0x6ea: {  	[tilespmem:s29], [sflag:$0x3] =	stream.indirect_vreg.gather [hbm4b:s5+s6], $0x80, v4, vm0, $0xb8;
	[tilespmem:$0x18400] =	vst v63  }
0x6eb: {  	s4 =	simm.s32 $0x10C00;
	v3 =	vperm.xlane v3, v2  }
0x6ec: {  	[tilespmem:s4], [sflag:$0x3] =	stream.indirect_vreg.gather [hbm4b:s18+s6], $0x80, v4, vm0, $0xb8;
	[tilespmem:$0x18400] =	vst v63  }
0x6ed: {  	v3 =	vadd.s32 v1, v3;
	s4 =	simm.s32 $0x11400  }
0x6ee: {  	[tilespmem:s4], [sflag:$0x3] =	stream.indirect_vreg.gather [hbm4b:s19+s6], $0x80, v4, vm0, $0xb8;
	[tilespmem:$0x18400] =	vst v63  }
0x6ef: {  	s4 =	simm.s32 $0x11C00  }
0x6f0: {  	[tilespmem:s4], [sflag:$0x3] =	stream.indirect_vreg.gather [hbm4b:s20+s6], $0x80, v4, vm0, $0xb8;
	[tilespmem:$0x18400] =	vst v63  }
0x6f1: {  	s4 =	simm.s32 $0x12400  }
0x6f2: {  	[tilespmem:s4], [sflag:$0x3] =	stream.indirect_vreg.gather [hbm4b:s5+s6], $0x80, v3, vm0, $0xb8;
	[tilespmem:$0x18400] =	vst v63  }
0x6f3: {  	s4 =	simm.s32 $0x12C00  }
0x6f4: {  	[tilespmem:s4], [sflag:$0x3] =	stream.indirect_vreg.gather [hbm4b:s18+s6], $0x80, v3, vm0, $0xb8;
	[tilespmem:$0x18400] =	vst v63  }
0x6f5: {  	s4 =	simm.s32 $0x13400  }
0x6f6: {  	[tilespmem:s4], [sflag:$0x3] =	stream.indirect_vreg.gather [hbm4b:s19+s6], $0x80, v3, vm0, $0xb8;
	[tilespmem:$0x18400] =	vst v63  }
0x6f7: {  	s4 =	simm.s32 $0x13C00  }
0x6f8: {  	[tilespmem:s4], [sflag:$0x3] =	stream.indirect_vreg.gather [hbm4b:s20+s6], $0x80, v3, vm0, $0xb8;
	[tilespmem:$0x18400] =	vst v63  }
0x6f9: {  	v3 =	vld [tilespmem:$0x290];
	_ =	sdelay $0x4  }
0x6fa: {  	v27 =	vshll.u32 v3, $0x3  }
0x6fb: {  	v3 =	vand.u32 $0x7, v3;
	v4 =	vand.u32 $0xFFFFFFC0, v27  }
0x6fc: {  	v3 =	vor.u32 v3, v4  }
0x6fd: {  	v4 =	vperm.xlane v3, v0;
	_ =	sdelay $0x1  }
0x6fe: {  	v4 =	vadd.s32 v1, v4;
	_ =	sdelay $0x3  }
0x6ff: {  	s4 =	simm.s32 $0x14400  }
0x700: {  	[tilespmem:s4], [sflag:$0x3] =	stream.indirect_vreg.gather [hbm4b:s5+s6], $0x80, v4, vm0, $0xb8;
	[tilespmem:$0x18400] =	vst v63  }
0x701: {  	v3 =	vperm.xlane v3, v2;
	s4 =	simm.s32 $0x14C00  }
0x702: {  	[tilespmem:s4], [sflag:$0x3] =	stream.indirect_vreg.gather [hbm4b:s18+s6], $0x80, v4, vm0, $0xb8;
	[tilespmem:$0x18400] =	vst v63  }
0x703: {  	v3 =	vadd.s32 v1, v3;
	s4 =	simm.s32 $0x15400  }
0x704: {  	[tilespmem:s4], [sflag:$0x3] =	stream.indirect_vreg.gather [hbm4b:s19+s6], $0x80, v4, vm0, $0xb8;
	[tilespmem:$0x18400] =	vst v63  }
0x705: {  	s4 =	simm.s32 $0x15C00  }
0x706: {  	[tilespmem:s4], [sflag:$0x3] =	stream.indirect_vreg.gather [hbm4b:s20+s6], $0x80, v4, vm0, $0xb8;
	[tilespmem:$0x18400] =	vst v63  }
0x707: {  	s4 =	simm.s32 $0x16400  }
0x708: {  	[tilespmem:s4], [sflag:$0x3] =	stream.indirect_vreg.gather [hbm4b:s5+s6], $0x80, v3, vm0, $0xb8;
	[tilespmem:$0x18400] =	vst v63  }
0x709: {  	s4 =	simm.s32 $0x16C00  }
0x70a: {  	[tilespmem:s4], [sflag:$0x3] =	stream.indirect_vreg.gather [hbm4b:s18+s6], $0x80, v3, vm0, $0xb8;
	[tilespmem:$0x18400] =	vst v63  }
0x70b: {  	s4 =	simm.s32 $0x17400  }
0x70c: {  	[tilespmem:s4], [sflag:$0x3] =	stream.indirect_vreg.gather [hbm4b:s19+s6], $0x80, v3, vm0, $0xb8;
	[tilespmem:$0x18400] =	vst v63  }
0x70d: {  	s4 =	simm.s32 $0x17C00  }
0x70e: {  	[tilespmem:s4], [sflag:$0x3] =	stream.indirect_vreg.gather [hbm4b:s20+s6], $0x80, v3, vm0, $0xb8;
	[tilespmem:$0x18400] =	vst v63  }
0x70f: {  	_ =	swait.ge [sflag:s25], $0x8000  }
0x710: {  	s3 =	sld [smem:$0x7D8]  }
0x711: {  	[sflag:s25] =	ssyncset.done $0x0  }
0x712: {  	s4 =	sld [smem:$0x7D9];
	[sflag:s25] =	ssyncadd.s32 $0xFFFF8000  }
0x713: {  	[hbm4b:s3+s6] =	stream.linear.scatter [tilespmem:s29], [sflag:$0x6], $0x8000, $0x38;
	[tilespmem:$0x18400] =	vst v63  }
0x714: {  	_ = 	snop  }
0x715: {  	[hbm4b:s4+s6] =	stream.linear.scatter [tilespmem:s29], [sflag:$0x6], $0x8000, $0x38;
	[tilespmem:$0x18400] =	vst v63  }
0x716: {  	_ =	swait.ge [sflag:s0], $0x8000  }
0x717: {  	[sflag:s0] =	ssyncset.done $0x0  }
0x718: {  	[sflag:s0] =	ssyncadd.s32 $0xFFFF8000  }
0x719: {  	_ =	swait.ge [sflag:s0], $0x8000  }
0x71a: {  	[sflag:s0] =	ssyncset.done $0x0  }
0x71b: {  	[sflag:s0] =	ssyncadd.s32 $0xFFFF8000  }
0x71c: {  	v3 =	vld [tilespmem:$0x300];
	_ =	sdelay $0x4  }
0x71d: {  	v28 =	vshll.u32 v3, $0x3  }
0x71e: {  	v3 =	vand.u32 $0x7, v3;
	v4 =	vand.u32 $0xFFFFFFC0, v28  }
0x71f: {  	v3 =	vor.u32 v3, v4  }
0x720: {  	v4 =	vperm.xlane v3, v0;
	_ =	sdelay $0x1  }
0x721: {  	v4 =	vadd.s32 v1, v4;
	_ =	sdelay $0x4  }
0x722: {  	[tilespmem:s30], [sflag:$0x1] =	stream.indirect_vreg.gather [hbm4b:s5+s6], $0x80, v4, vm0, $0xb8;
	[tilespmem:$0x18400] =	vst v63  }
0x723: {  	s4 =	simm.s32 $0xC00;
	v3 =	vperm.xlane v3, v2  }
0x724: {  	[tilespmem:s4], [sflag:$0x1] =	stream.indirect_vreg.gather [hbm4b:s18+s6], $0x80, v4, vm0, $0xb8;
	[tilespmem:$0x18400] =	vst v63  }
0x725: {  	v3 =	vadd.s32 v1, v3;
	s4 =	simm.s32 $0x1400  }
0x726: {  	[tilespmem:s4], [sflag:$0x1] =	stream.indirect_vreg.gather [hbm4b:s19+s6], $0x80, v4, vm0, $0xb8;
	[tilespmem:$0x18400] =	vst v63  }
0x727: {  	s4 =	simm.s32 $0x1C00  }
0x728: {  	[tilespmem:s4], [sflag:$0x1] =	stream.indirect_vreg.gather [hbm4b:s20+s6], $0x80, v4, vm0, $0xb8;
	[tilespmem:$0x18400] =	vst v63  }
0x729: {  	s4 =	simm.s32 $0x2400  }
0x72a: {  	[tilespmem:s4], [sflag:$0x1] =	stream.indirect_vreg.gather [hbm4b:s5+s6], $0x80, v3, vm0, $0xb8;
	[tilespmem:$0x18400] =	vst v63  }
0x72b: {  	s4 =	simm.s32 $0x2C00  }
0x72c: {  	[tilespmem:s4], [sflag:$0x1] =	stream.indirect_vreg.gather [hbm4b:s18+s6], $0x80, v3, vm0, $0xb8;
	[tilespmem:$0x18400] =	vst v63  }
0x72d: {  	s4 =	simm.s32 $0x3400  }
0x72e: {  	[tilespmem:s4], [sflag:$0x1] =	stream.indirect_vreg.gather [hbm4b:s19+s6], $0x80, v3, vm0, $0xb8;
	[tilespmem:$0x18400] =	vst v63  }
0x72f: {  	s4 =	simm.s32 $0x3C00  }
0x730: {  	[tilespmem:s4], [sflag:$0x1] =	stream.indirect_vreg.gather [hbm4b:s20+s6], $0x80, v3, vm0, $0xb8;
	[tilespmem:$0x18400] =	vst v63  }
0x731: {  	v3 =	vld [tilespmem:$0x310];
	_ =	sdelay $0x4  }
0x732: {  	v29 =	vshll.u32 v3, $0x3  }
0x733: {  	v3 =	vand.u32 $0x7, v3;
	v4 =	vand.u32 $0xFFFFFFC0, v29  }
0x734: {  	v3 =	vor.u32 v3, v4  }
0x735: {  	v4 =	vperm.xlane v3, v0;
	_ =	sdelay $0x1  }
0x736: {  	v4 =	vadd.s32 v1, v4;
	_ =	sdelay $0x3  }
0x737: {  	s4 =	simm.s32 $0x4400  }
0x738: {  	[tilespmem:s4], [sflag:$0x1] =	stream.indirect_vreg.gather [hbm4b:s5+s6], $0x80, v4, vm0, $0xb8;
	[tilespmem:$0x18400] =	vst v63  }
0x739: {  	v3 =	vperm.xlane v3, v2;
	s4 =	simm.s32 $0x4C00  }
0x73a: {  	[tilespmem:s4], [sflag:$0x1] =	stream.indirect_vreg.gather [hbm4b:s18+s6], $0x80, v4, vm0, $0xb8;
	[tilespmem:$0x18400] =	vst v63  }
0x73b: {  	v3 =	vadd.s32 v1, v3;
	s4 =	simm.s32 $0x5400  }
0x73c: {  	[tilespmem:s4], [sflag:$0x1] =	stream.indirect_vreg.gather [hbm4b:s19+s6], $0x80, v4, vm0, $0xb8;
	[tilespmem:$0x18400] =	vst v63  }
0x73d: {  	s4 =	simm.s32 $0x5C00  }
0x73e: {  	[tilespmem:s4], [sflag:$0x1] =	stream.indirect_vreg.gather [hbm4b:s20+s6], $0x80, v4, vm0, $0xb8;
	[tilespmem:$0x18400] =	vst v63  }
0x73f: {  	s4 =	simm.s32 $0x6400  }
0x740: {  	[tilespmem:s4], [sflag:$0x1] =	stream.indirect_vreg.gather [hbm4b:s5+s6], $0x80, v3, vm0, $0xb8;
	[tilespmem:$0x18400] =	vst v63  }
0x741: {  	s4 =	simm.s32 $0x6C00  }
0x742: {  	[tilespmem:s4], [sflag:$0x1] =	stream.indirect_vreg.gather [hbm4b:s18+s6], $0x80, v3, vm0, $0xb8;
	[tilespmem:$0x18400] =	vst v63  }
0x743: {  	s4 =	simm.s32 $0x7400  }
0x744: {  	[tilespmem:s4], [sflag:$0x1] =	stream.indirect_vreg.gather [hbm4b:s19+s6], $0x80, v3, vm0, $0xb8;
	[tilespmem:$0x18400] =	vst v63  }
0x745: {  	s4 =	simm.s32 $0x7C00  }
0x746: {  	[tilespmem:s4], [sflag:$0x1] =	stream.indirect_vreg.gather [hbm4b:s20+s6], $0x80, v3, vm0, $0xb8;
	[tilespmem:$0x18400] =	vst v63  }
0x747: {  	_ =	swait.ge [sflag:s31], $0x8000  }
0x748: {  	s3 =	sld [smem:$0x7DA]  }
0x749: {  	[sflag:s31] =	ssyncset.done $0x0  }
0x74a: {  	s4 =	sld [smem:$0x7DB];
	[sflag:s31] =	ssyncadd.s32 $0xFFFF8000  }
0x74b: {  	[hbm4b:s3+s6] =	stream.linear.scatter [tilespmem:s30], [sflag:$0x4], $0x8000, $0x38;
	[tilespmem:$0x18400] =	vst v63  }
0x74c: {  	_ = 	snop  }
0x74d: {  	[hbm4b:s4+s6] =	stream.linear.scatter [tilespmem:s30], [sflag:$0x4], $0x8000, $0x38;
	[tilespmem:$0x18400] =	vst v63  }
0x74e: {  	_ =	swait.ge [sflag:s1], $0x8000  }
0x74f: {  	[sflag:s1] =	ssyncset.done $0x0  }
0x750: {  	[sflag:s1] =	ssyncadd.s32 $0xFFFF8000  }
0x751: {  	_ =	swait.ge [sflag:s1], $0x8000  }
0x752: {  	[sflag:s1] =	ssyncset.done $0x0  }
0x753: {  	[sflag:s1] =	ssyncadd.s32 $0xFFFF8000  }
0x754: {  	v3 =	vld [tilespmem:$0x380];
	_ =	sdelay $0x4  }
0x755: {  	v30 =	vshll.u32 v3, $0x3  }
0x756: {  	v3 =	vand.u32 $0x7, v3;
	v4 =	vand.u32 $0xFFFFFFC0, v30  }
0x757: {  	v3 =	vor.u32 v3, v4  }
0x758: {  	v4 =	vperm.xlane v3, v0;
	_ =	sdelay $0x1  }
0x759: {  	v4 =	vadd.s32 v1, v4;
	_ =	sdelay $0x4  }
0x75a: {  	[tilespmem:s7], [sflag:$0x2] =	stream.indirect_vreg.gather [hbm4b:s5+s6], $0x80, v4, vm0, $0xb8;
	[tilespmem:$0x18400] =	vst v63  }
0x75b: {  	s4 =	simm.s32 $0x8C00;
	v3 =	vperm.xlane v3, v2  }
0x75c: {  	[tilespmem:s4], [sflag:$0x2] =	stream.indirect_vreg.gather [hbm4b:s18+s6], $0x80, v4, vm0, $0xb8;
	[tilespmem:$0x18400] =	vst v63  }
0x75d: {  	v3 =	vadd.s32 v1, v3;
	s4 =	simm.s32 $0x9400  }
0x75e: {  	[tilespmem:s4], [sflag:$0x2] =	stream.indirect_vreg.gather [hbm4b:s19+s6], $0x80, v4, vm0, $0xb8;
	[tilespmem:$0x18400] =	vst v63  }
0x75f: {  	s4 =	simm.s32 $0x9C00  }
0x760: {  	[tilespmem:s4], [sflag:$0x2] =	stream.indirect_vreg.gather [hbm4b:s20+s6], $0x80, v4, vm0, $0xb8;
	[tilespmem:$0x18400] =	vst v63  }
0x761: {  	s4 =	simm.s32 $0xA400  }
0x762: {  	[tilespmem:s4], [sflag:$0x2] =	stream.indirect_vreg.gather [hbm4b:s5+s6], $0x80, v3, vm0, $0xb8;
	[tilespmem:$0x18400] =	vst v63  }
0x763: {  	s4 =	simm.s32 $0xAC00  }
0x764: {  	[tilespmem:s4], [sflag:$0x2] =	stream.indirect_vreg.gather [hbm4b:s18+s6], $0x80, v3, vm0, $0xb8;
	[tilespmem:$0x18400] =	vst v63  }
0x765: {  	s4 =	simm.s32 $0xB400  }
0x766: {  	[tilespmem:s4], [sflag:$0x2] =	stream.indirect_vreg.gather [hbm4b:s19+s6], $0x80, v3, vm0, $0xb8;
	[tilespmem:$0x18400] =	vst v63  }
0x767: {  	s4 =	simm.s32 $0xBC00  }
0x768: {  	[tilespmem:s4], [sflag:$0x2] =	stream.indirect_vreg.gather [hbm4b:s20+s6], $0x80, v3, vm0, $0xb8;
	[tilespmem:$0x18400] =	vst v63  }
0x769: {  	v3 =	vld [tilespmem:$0x390];
	_ =	sdelay $0x4  }
0x76a: {  	v31 =	vshll.u32 v3, $0x3  }
0x76b: {  	v3 =	vand.u32 $0x7, v3;
	v4 =	vand.u32 $0xFFFFFFC0, v31  }
0x76c: {  	v3 =	vor.u32 v3, v4  }
0x76d: {  	v4 =	vperm.xlane v3, v0;
	_ =	sdelay $0x1  }
0x76e: {  	v4 =	vadd.s32 v1, v4;
	_ =	sdelay $0x3  }
0x76f: {  	s4 =	simm.s32 $0xC400  }
0x770: {  	[tilespmem:s4], [sflag:$0x2] =	stream.indirect_vreg.gather [hbm4b:s5+s6], $0x80, v4, vm0, $0xb8;
	[tilespmem:$0x18400] =	vst v63  }
0x771: {  	v3 =	vperm.xlane v3, v2;
	s4 =	simm.s32 $0xCC00  }
0x772: {  	[tilespmem:s4], [sflag:$0x2] =	stream.indirect_vreg.gather [hbm4b:s18+s6], $0x80, v4, vm0, $0xb8;
	[tilespmem:$0x18400] =	vst v63  }
0x773: {  	v3 =	vadd.s32 v1, v3;
	s4 =	simm.s32 $0xD400  }
0x774: {  	[tilespmem:s4], [sflag:$0x2] =	stream.indirect_vreg.gather [hbm4b:s19+s6], $0x80, v4, vm0, $0xb8;
	[tilespmem:$0x18400] =	vst v63  }
0x775: {  	s4 =	simm.s32 $0xDC00  }
0x776: {  	[tilespmem:s4], [sflag:$0x2] =	stream.indirect_vreg.gather [hbm4b:s20+s6], $0x80, v4, vm0, $0xb8;
	[tilespmem:$0x18400] =	vst v63  }
0x777: {  	s4 =	simm.s32 $0xE400  }
0x778: {  	[tilespmem:s4], [sflag:$0x2] =	stream.indirect_vreg.gather [hbm4b:s5+s6], $0x80, v3, vm0, $0xb8;
	[tilespmem:$0x18400] =	vst v63  }
0x779: {  	s5 =	simm.s32 $0xEC00  }
0x77a: {  	[tilespmem:s5], [sflag:$0x2] =	stream.indirect_vreg.gather [hbm4b:s18+s6], $0x80, v3, vm0, $0xb8;
	[tilespmem:$0x18400] =	vst v63  }
0x77b: {  	s4 =	simm.s32 $0xF400  }
0x77c: {  	[tilespmem:s4], [sflag:$0x2] =	stream.indirect_vreg.gather [hbm4b:s19+s6], $0x80, v3, vm0, $0xb8;
	[tilespmem:$0x18400] =	vst v63  }
0x77d: {  	s5 =	simm.s32 $0xFC00  }
0x77e: {  	[tilespmem:s5], [sflag:$0x2] =	stream.indirect_vreg.gather [hbm4b:s20+s6], $0x80, v3, vm0, $0xb8;
	[tilespmem:$0x18400] =	vst v63  }
0x77f: {  	_ =	swait.ge [sflag:s8], $0x8000  }
0x780: {  	s4 =	sld [smem:$0x7DC]  }
0x781: {  	[sflag:s8] =	ssyncset.done $0x0  }
0x782: {  	s5 =	sld [smem:$0x7DD];
	[sflag:s8] =	ssyncadd.s32 $0xFFFF8000  }
0x783: {  	[hbm4b:s4+s6] =	stream.linear.scatter [tilespmem:s7], [sflag:$0x5], $0x8000, $0x38;
	[tilespmem:$0x18400] =	vst v63  }
0x784: {  	_ = 	snop  }
0x785: {  	[hbm4b:s5+s6] =	stream.linear.scatter [tilespmem:s7], [sflag:$0x5], $0x8000, $0x38;
	[tilespmem:$0x18400] =	vst v63  }
0x786: {  	_ =	swait.ge [sflag:s2], $0x8000  }
0x787: {  	[sflag:s2] =	ssyncset.done $0x0  }
0x788: {  	[sflag:s2] =	ssyncadd.s32 $0xFFFF8000  }
0x789: {  	_ =	swait.ge [sflag:s2], $0x8000  }
0x78a: {  	[sflag:s2] =	ssyncset.done $0x0  }
0x78b: {  	[sflag:s2] =	ssyncadd.s32 $0xFFFF8000  }
0x78c: {  	v3 =	vld [tilespmem:$0x0];
	_ =	sdelay $0x4  }
0x78d: {  	v32 =	vshll.u32 v3, $0x3  }
0x78e: {  	v3 =	vand.u32 $0x7, v3;
	v4 =	vand.u32 $0xFFFFFFC0, v32  }
0x78f: {  	v3 =	vor.u32 v3, v4  }
0x790: {  	v4 =	vperm.xlane v3, v0;
	_ =	sdelay $0x1  }
0x791: {  	v4 =	vadd.s32 v1, v4;
	_ =	sdelay $0x3  }
0x792: {  	s5 =	rddreg [dreg:$0x5]  }
0x793: {  	[tilespmem:s29], [sflag:$0x3] =	stream.indirect_vreg.gather [hbm4b:s5+s6], $0x80, v4, vm0, $0xb8;
	[tilespmem:$0x18400] =	vst v63  }
0x794: {  	s4 =	simm.s32 $0x10C00;
	v3 =	vperm.xlane v3, v2  }
0x795: {  	[tilespmem:s4], [sflag:$0x3] =	stream.indirect_vreg.gather [hbm4b:s21+s6], $0x80, v4, vm0, $0xb8;
	[tilespmem:$0x18400] =	vst v63  }
0x796: {  	v3 =	vadd.s32 v1, v3;
	s4 =	simm.s32 $0x11400  }
0x797: {  	[tilespmem:s4], [sflag:$0x3] =	stream.indirect_vreg.gather [hbm4b:s22+s6], $0x80, v4, vm0, $0xb8;
	[tilespmem:$0x18400] =	vst v63  }
0x798: {  	s4 =	simm.s32 $0x11C00  }
0x799: {  	[tilespmem:s4], [sflag:$0x3] =	stream.indirect_vreg.gather [hbm4b:s23+s6], $0x80, v4, vm0, $0xb8;
	[tilespmem:$0x18400] =	vst v63  }
0x79a: {  	s4 =	simm.s32 $0x12400  }
0x79b: {  	[tilespmem:s4], [sflag:$0x3] =	stream.indirect_vreg.gather [hbm4b:s5+s6], $0x80, v3, vm0, $0xb8;
	[tilespmem:$0x18400] =	vst v63  }
0x79c: {  	s4 =	simm.s32 $0x12C00  }
0x79d: {  	[tilespmem:s4], [sflag:$0x3] =	stream.indirect_vreg.gather [hbm4b:s21+s6], $0x80, v3, vm0, $0xb8;
	[tilespmem:$0x18400] =	vst v63  }
0x79e: {  	s4 =	simm.s32 $0x13400  }
0x79f: {  	[tilespmem:s4], [sflag:$0x3] =	stream.indirect_vreg.gather [hbm4b:s22+s6], $0x80, v3, vm0, $0xb8;
	[tilespmem:$0x18400] =	vst v63  }
0x7a0: {  	s4 =	simm.s32 $0x13C00  }
0x7a1: {  	[tilespmem:s4], [sflag:$0x3] =	stream.indirect_vreg.gather [hbm4b:s23+s6], $0x80, v3, vm0, $0xb8;
	[tilespmem:$0x18400] =	vst v63  }
0x7a2: {  	v3 =	vld [tilespmem:$0x10];
	_ =	sdelay $0x4  }
0x7a3: {  	v33 =	vshll.u32 v3, $0x3  }
0x7a4: {  	v3 =	vand.u32 $0x7, v3;
	v4 =	vand.u32 $0xFFFFFFC0, v33  }
0x7a5: {  	v3 =	vor.u32 v3, v4  }
0x7a6: {  	v4 =	vperm.xlane v3, v0;
	_ =	sdelay $0x1  }
0x7a7: {  	v4 =	vadd.s32 v1, v4;
	_ =	sdelay $0x3  }
0x7a8: {  	s4 =	simm.s32 $0x14400  }
0x7a9: {  	[tilespmem:s4], [sflag:$0x3] =	stream.indirect_vreg.gather [hbm4b:s5+s6], $0x80, v4, vm0, $0xb8;
	[tilespmem:$0x18400] =	vst v63  }
0x7aa: {  	v3 =	vperm.xlane v3, v2;
	s4 =	simm.s32 $0x14C00  }
0x7ab: {  	[tilespmem:s4], [sflag:$0x3] =	stream.indirect_vreg.gather [hbm4b:s21+s6], $0x80, v4, vm0, $0xb8;
	[tilespmem:$0x18400] =	vst v63  }
0x7ac: {  	v3 =	vadd.s32 v1, v3;
	s4 =	simm.s32 $0x15400  }
0x7ad: {  	[tilespmem:s4], [sflag:$0x3] =	stream.indirect_vreg.gather [hbm4b:s22+s6], $0x80, v4, vm0, $0xb8;
	[tilespmem:$0x18400] =	vst v63  }
0x7ae: {  	s4 =	simm.s32 $0x15C00  }
0x7af: {  	[tilespmem:s4], [sflag:$0x3] =	stream.indirect_vreg.gather [hbm4b:s23+s6], $0x80, v4, vm0, $0xb8;
	[tilespmem:$0x18400] =	vst v63  }
0x7b0: {  	s4 =	simm.s32 $0x16400  }
0x7b1: {  	[tilespmem:s4], [sflag:$0x3] =	stream.indirect_vreg.gather [hbm4b:s5+s6], $0x80, v3, vm0, $0xb8;
	[tilespmem:$0x18400] =	vst v63  }
0x7b2: {  	s4 =	simm.s32 $0x16C00  }
0x7b3: {  	[tilespmem:s4], [sflag:$0x3] =	stream.indirect_vreg.gather [hbm4b:s21+s6], $0x80, v3, vm0, $0xb8;
	[tilespmem:$0x18400] =	vst v63  }
0x7b4: {  	s4 =	simm.s32 $0x17400  }
0x7b5: {  	[tilespmem:s4], [sflag:$0x3] =	stream.indirect_vreg.gather [hbm4b:s22+s6], $0x80, v3, vm0, $0xb8;
	[tilespmem:$0x18400] =	vst v63  }
0x7b6: {  	s4 =	simm.s32 $0x17C00  }
0x7b7: {  	[tilespmem:s4], [sflag:$0x3] =	stream.indirect_vreg.gather [hbm4b:s23+s6], $0x80, v3, vm0, $0xb8;
	[tilespmem:$0x18400] =	vst v63  }
0x7b8: {  	_ =	swait.ge [sflag:s25], $0x8000  }
0x7b9: {  	s3 =	sld [smem:$0x7DE]  }
0x7ba: {  	[sflag:s25] =	ssyncset.done $0x0  }
0x7bb: {  	s4 =	sld [smem:$0x7DF];
	[sflag:s25] =	ssyncadd.s32 $0xFFFF8000  }
0x7bc: {  	[hbm4b:s3+s6] =	stream.linear.scatter [tilespmem:s29], [sflag:$0x6], $0x8000, $0x38;
	[tilespmem:$0x18400] =	vst v63  }
0x7bd: {  	_ = 	snop  }
0x7be: {  	[hbm4b:s4+s6] =	stream.linear.scatter [tilespmem:s29], [sflag:$0x6], $0x8000, $0x38;
	[tilespmem:$0x18400] =	vst v63  }
0x7bf: {  	_ =	swait.ge [sflag:s0], $0x8000  }
0x7c0: {  	[sflag:s0] =	ssyncset.done $0x0  }
0x7c1: {  	[sflag:s0] =	ssyncadd.s32 $0xFFFF8000  }
0x7c2: {  	_ =	swait.ge [sflag:s0], $0x8000  }
0x7c3: {  	[sflag:s0] =	ssyncset.done $0x0  }
0x7c4: {  	[sflag:s0] =	ssyncadd.s32 $0xFFFF8000  }
0x7c5: {  	v3 =	vld [tilespmem:$0x80];
	_ =	sdelay $0x4  }
0x7c6: {  	v34 =	vshll.u32 v3, $0x3  }
0x7c7: {  	v3 =	vand.u32 $0x7, v3;
	v4 =	vand.u32 $0xFFFFFFC0, v34  }
0x7c8: {  	v3 =	vor.u32 v3, v4  }
0x7c9: {  	v4 =	vperm.xlane v3, v0;
	_ =	sdelay $0x1  }
0x7ca: {  	v4 =	vadd.s32 v1, v4;
	_ =	sdelay $0x4  }
0x7cb: {  	[tilespmem:s30], [sflag:$0x1] =	stream.indirect_vreg.gather [hbm4b:s5+s6], $0x80, v4, vm0, $0xb8;
	[tilespmem:$0x18400] =	vst v63  }
0x7cc: {  	s4 =	simm.s32 $0xC00;
	v3 =	vperm.xlane v3, v2  }
0x7cd: {  	[tilespmem:s4], [sflag:$0x1] =	stream.indirect_vreg.gather [hbm4b:s21+s6], $0x80, v4, vm0, $0xb8;
	[tilespmem:$0x18400] =	vst v63  }
0x7ce: {  	v3 =	vadd.s32 v1, v3;
	s4 =	simm.s32 $0x1400  }
0x7cf: {  	[tilespmem:s4], [sflag:$0x1] =	stream.indirect_vreg.gather [hbm4b:s22+s6], $0x80, v4, vm0, $0xb8;
	[tilespmem:$0x18400] =	vst v63  }
0x7d0: {  	s4 =	simm.s32 $0x1C00  }
0x7d1: {  	[tilespmem:s4], [sflag:$0x1] =	stream.indirect_vreg.gather [hbm4b:s23+s6], $0x80, v4, vm0, $0xb8;
	[tilespmem:$0x18400] =	vst v63  }
0x7d2: {  	s4 =	simm.s32 $0x2400  }
0x7d3: {  	[tilespmem:s4], [sflag:$0x1] =	stream.indirect_vreg.gather [hbm4b:s5+s6], $0x80, v3, vm0, $0xb8;
	[tilespmem:$0x18400] =	vst v63  }
0x7d4: {  	s4 =	simm.s32 $0x2C00  }
0x7d5: {  	[tilespmem:s4], [sflag:$0x1] =	stream.indirect_vreg.gather [hbm4b:s21+s6], $0x80, v3, vm0, $0xb8;
	[tilespmem:$0x18400] =	vst v63  }
0x7d6: {  	s4 =	simm.s32 $0x3400  }
0x7d7: {  	[tilespmem:s4], [sflag:$0x1] =	stream.indirect_vreg.gather [hbm4b:s22+s6], $0x80, v3, vm0, $0xb8;
	[tilespmem:$0x18400] =	vst v63  }
0x7d8: {  	s4 =	simm.s32 $0x3C00  }
0x7d9: {  	[tilespmem:s4], [sflag:$0x1] =	stream.indirect_vreg.gather [hbm4b:s23+s6], $0x80, v3, vm0, $0xb8;
	[tilespmem:$0x18400] =	vst v63  }
0x7da: {  	v3 =	vld [tilespmem:$0x90];
	_ =	sdelay $0x4  }
0x7db: {  	v35 =	vshll.u32 v3, $0x3  }
0x7dc: {  	v3 =	vand.u32 $0x7, v3;
	v4 =	vand.u32 $0xFFFFFFC0, v35  }
0x7dd: {  	v3 =	vor.u32 v3, v4  }
0x7de: {  	v4 =	vperm.xlane v3, v0;
	_ =	sdelay $0x1  }
0x7df: {  	v4 =	vadd.s32 v1, v4;
	_ =	sdelay $0x3  }
0x7e0: {  	s4 =	simm.s32 $0x4400  }
0x7e1: {  	[tilespmem:s4], [sflag:$0x1] =	stream.indirect_vreg.gather [hbm4b:s5+s6], $0x80, v4, vm0, $0xb8;
	[tilespmem:$0x18400] =	vst v63  }
0x7e2: {  	v3 =	vperm.xlane v3, v2;
	s4 =	simm.s32 $0x4C00  }
0x7e3: {  	[tilespmem:s4], [sflag:$0x1] =	stream.indirect_vreg.gather [hbm4b:s21+s6], $0x80, v4, vm0, $0xb8;
	[tilespmem:$0x18400] =	vst v63  }
0x7e4: {  	v3 =	vadd.s32 v1, v3;
	s4 =	simm.s32 $0x5400  }
0x7e5: {  	[tilespmem:s4], [sflag:$0x1] =	stream.indirect_vreg.gather [hbm4b:s22+s6], $0x80, v4, vm0, $0xb8;
	[tilespmem:$0x18400] =	vst v63  }
0x7e6: {  	s4 =	simm.s32 $0x5C00  }
0x7e7: {  	[tilespmem:s4], [sflag:$0x1] =	stream.indirect_vreg.gather [hbm4b:s23+s6], $0x80, v4, vm0, $0xb8;
	[tilespmem:$0x18400] =	vst v63  }
0x7e8: {  	s4 =	simm.s32 $0x6400  }
0x7e9: {  	[tilespmem:s4], [sflag:$0x1] =	stream.indirect_vreg.gather [hbm4b:s5+s6], $0x80, v3, vm0, $0xb8;
	[tilespmem:$0x18400] =	vst v63  }
0x7ea: {  	s4 =	simm.s32 $0x6C00  }
0x7eb: {  	[tilespmem:s4], [sflag:$0x1] =	stream.indirect_vreg.gather [hbm4b:s21+s6], $0x80, v3, vm0, $0xb8;
	[tilespmem:$0x18400] =	vst v63  }
0x7ec: {  	s4 =	simm.s32 $0x7400  }
0x7ed: {  	[tilespmem:s4], [sflag:$0x1] =	stream.indirect_vreg.gather [hbm4b:s22+s6], $0x80, v3, vm0, $0xb8;
	[tilespmem:$0x18400] =	vst v63  }
0x7ee: {  	s4 =	simm.s32 $0x7C00  }
0x7ef: {  	[tilespmem:s4], [sflag:$0x1] =	stream.indirect_vreg.gather [hbm4b:s23+s6], $0x80, v3, vm0, $0xb8;
	[tilespmem:$0x18400] =	vst v63  }
0x7f0: {  	_ =	swait.ge [sflag:s31], $0x8000  }
0x7f1: {  	s3 =	sld [smem:$0x7E0]  }
0x7f2: {  	[sflag:s31] =	ssyncset.done $0x0  }
0x7f3: {  	s4 =	sld [smem:$0x7E1];
	[sflag:s31] =	ssyncadd.s32 $0xFFFF8000  }
0x7f4: {  	[hbm4b:s3+s6] =	stream.linear.scatter [tilespmem:s30], [sflag:$0x4], $0x8000, $0x38;
	[tilespmem:$0x18400] =	vst v63  }
0x7f5: {  	_ = 	snop  }
0x7f6: {  	[hbm4b:s4+s6] =	stream.linear.scatter [tilespmem:s30], [sflag:$0x4], $0x8000, $0x38;
	[tilespmem:$0x18400] =	vst v63  }
0x7f7: {  	_ =	swait.ge [sflag:s1], $0x8000  }
0x7f8: {  	[sflag:s1] =	ssyncset.done $0x0  }
0x7f9: {  	[sflag:s1] =	ssyncadd.s32 $0xFFFF8000  }
0x7fa: {  	_ =	swait.ge [sflag:s1], $0x8000  }
0x7fb: {  	[sflag:s1] =	ssyncset.done $0x0  }
0x7fc: {  	[sflag:s1] =	ssyncadd.s32 $0xFFFF8000  }
0x7fd: {  	v3 =	vld [tilespmem:$0x100];
	_ =	sdelay $0x4  }
0x7fe: {  	v36 =	vshll.u32 v3, $0x3  }
0x7ff: {  	v3 =	vand.u32 $0x7, v3;
	v4 =	vand.u32 $0xFFFFFFC0, v36  }
0x800: {  	v3 =	vor.u32 v3, v4  }
0x801: {  	v4 =	vperm.xlane v3, v0;
	_ =	sdelay $0x1  }
0x802: {  	v4 =	vadd.s32 v1, v4;
	_ =	sdelay $0x4  }
0x803: {  	[tilespmem:s7], [sflag:$0x2] =	stream.indirect_vreg.gather [hbm4b:s5+s6], $0x80, v4, vm0, $0xb8;
	[tilespmem:$0x18400] =	vst v63  }
0x804: {  	s4 =	simm.s32 $0x8C00;
	v3 =	vperm.xlane v3, v2  }
0x805: {  	[tilespmem:s4], [sflag:$0x2] =	stream.indirect_vreg.gather [hbm4b:s21+s6], $0x80, v4, vm0, $0xb8;
	[tilespmem:$0x18400] =	vst v63  }
0x806: {  	v3 =	vadd.s32 v1, v3;
	s4 =	simm.s32 $0x9400  }
0x807: {  	[tilespmem:s4], [sflag:$0x2] =	stream.indirect_vreg.gather [hbm4b:s22+s6], $0x80, v4, vm0, $0xb8;
	[tilespmem:$0x18400] =	vst v63  }
0x808: {  	s4 =	simm.s32 $0x9C00  }
0x809: {  	[tilespmem:s4], [sflag:$0x2] =	stream.indirect_vreg.gather [hbm4b:s23+s6], $0x80, v4, vm0, $0xb8;
	[tilespmem:$0x18400] =	vst v63  }
0x80a: {  	s4 =	simm.s32 $0xA400  }
0x80b: {  	[tilespmem:s4], [sflag:$0x2] =	stream.indirect_vreg.gather [hbm4b:s5+s6], $0x80, v3, vm0, $0xb8;
	[tilespmem:$0x18400] =	vst v63  }
0x80c: {  	s4 =	simm.s32 $0xAC00  }
0x80d: {  	[tilespmem:s4], [sflag:$0x2] =	stream.indirect_vreg.gather [hbm4b:s21+s6], $0x80, v3, vm0, $0xb8;
	[tilespmem:$0x18400] =	vst v63  }
0x80e: {  	s4 =	simm.s32 $0xB400  }
0x80f: {  	[tilespmem:s4], [sflag:$0x2] =	stream.indirect_vreg.gather [hbm4b:s22+s6], $0x80, v3, vm0, $0xb8;
	[tilespmem:$0x18400] =	vst v63  }
0x810: {  	s4 =	simm.s32 $0xBC00  }
0x811: {  	[tilespmem:s4], [sflag:$0x2] =	stream.indirect_vreg.gather [hbm4b:s23+s6], $0x80, v3, vm0, $0xb8;
	[tilespmem:$0x18400] =	vst v63  }
0x812: {  	v3 =	vld [tilespmem:$0x110];
	_ =	sdelay $0x4  }
0x813: {  	v37 =	vshll.u32 v3, $0x3  }
0x814: {  	v3 =	vand.u32 $0x7, v3;
	v4 =	vand.u32 $0xFFFFFFC0, v37  }
0x815: {  	v3 =	vor.u32 v3, v4  }
0x816: {  	v4 =	vperm.xlane v3, v0;
	_ =	sdelay $0x1  }
0x817: {  	v4 =	vadd.s32 v1, v4;
	_ =	sdelay $0x3  }
0x818: {  	s4 =	simm.s32 $0xC400  }
0x819: {  	[tilespmem:s4], [sflag:$0x2] =	stream.indirect_vreg.gather [hbm4b:s5+s6], $0x80, v4, vm0, $0xb8;
	[tilespmem:$0x18400] =	vst v63  }
0x81a: {  	v3 =	vperm.xlane v3, v2;
	s4 =	simm.s32 $0xCC00  }
0x81b: {  	[tilespmem:s4], [sflag:$0x2] =	stream.indirect_vreg.gather [hbm4b:s21+s6], $0x80, v4, vm0, $0xb8;
	[tilespmem:$0x18400] =	vst v63  }
0x81c: {  	v3 =	vadd.s32 v1, v3;
	s4 =	simm.s32 $0xD400  }
0x81d: {  	[tilespmem:s4], [sflag:$0x2] =	stream.indirect_vreg.gather [hbm4b:s22+s6], $0x80, v4, vm0, $0xb8;
	[tilespmem:$0x18400] =	vst v63  }
0x81e: {  	s4 =	simm.s32 $0xDC00  }
0x81f: {  	[tilespmem:s4], [sflag:$0x2] =	stream.indirect_vreg.gather [hbm4b:s23+s6], $0x80, v4, vm0, $0xb8;
	[tilespmem:$0x18400] =	vst v63  }
0x820: {  	s4 =	simm.s32 $0xE400  }
0x821: {  	[tilespmem:s4], [sflag:$0x2] =	stream.indirect_vreg.gather [hbm4b:s5+s6], $0x80, v3, vm0, $0xb8;
	[tilespmem:$0x18400] =	vst v63  }
0x822: {  	s4 =	simm.s32 $0xEC00  }
0x823: {  	[tilespmem:s4], [sflag:$0x2] =	stream.indirect_vreg.gather [hbm4b:s21+s6], $0x80, v3, vm0, $0xb8;
	[tilespmem:$0x18400] =	vst v63  }
0x824: {  	s4 =	simm.s32 $0xF400  }
0x825: {  	[tilespmem:s4], [sflag:$0x2] =	stream.indirect_vreg.gather [hbm4b:s22+s6], $0x80, v3, vm0, $0xb8;
	[tilespmem:$0x18400] =	vst v63  }
0x826: {  	s4 =	simm.s32 $0xFC00  }
0x827: {  	[tilespmem:s4], [sflag:$0x2] =	stream.indirect_vreg.gather [hbm4b:s23+s6], $0x80, v3, vm0, $0xb8;
	[tilespmem:$0x18400] =	vst v63  }
0x828: {  	_ =	swait.ge [sflag:s8], $0x8000  }
0x829: {  	s3 =	sld [smem:$0x7E2]  }
0x82a: {  	[sflag:s8] =	ssyncset.done $0x0  }
0x82b: {  	s4 =	sld [smem:$0x7E3];
	[sflag:s8] =	ssyncadd.s32 $0xFFFF8000  }
0x82c: {  	[hbm4b:s3+s6] =	stream.linear.scatter [tilespmem:s7], [sflag:$0x5], $0x8000, $0x38;
	[tilespmem:$0x18400] =	vst v63  }
0x82d: {  	_ = 	snop  }
0x82e: {  	[hbm4b:s4+s6] =	stream.linear.scatter [tilespmem:s7], [sflag:$0x5], $0x8000, $0x38;
	[tilespmem:$0x18400] =	vst v63  }
0x82f: {  	_ =	swait.ge [sflag:s2], $0x8000  }
0x830: {  	[sflag:s2] =	ssyncset.done $0x0  }
0x831: {  	[sflag:s2] =	ssyncadd.s32 $0xFFFF8000  }
0x832: {  	_ =	swait.ge [sflag:s2], $0x8000  }
0x833: {  	[sflag:s2] =	ssyncset.done $0x0  }
0x834: {  	[sflag:s2] =	ssyncadd.s32 $0xFFFF8000  }
0x835: {  	v3 =	vld [tilespmem:$0x180];
	_ =	sdelay $0x4  }
0x836: {  	v38 =	vshll.u32 v3, $0x3  }
0x837: {  	v3 =	vand.u32 $0x7, v3;
	v4 =	vand.u32 $0xFFFFFFC0, v38  }
0x838: {  	v3 =	vor.u32 v3, v4  }
0x839: {  	v4 =	vperm.xlane v3, v0;
	_ =	sdelay $0x1  }
0x83a: {  	v4 =	vadd.s32 v1, v4;
	_ =	sdelay $0x4  }
0x83b: {  	[tilespmem:s29], [sflag:$0x3] =	stream.indirect_vreg.gather [hbm4b:s5+s6], $0x80, v4, vm0, $0xb8;
	[tilespmem:$0x18400] =	vst v63  }
0x83c: {  	s4 =	simm.s32 $0x10C00;
	v3 =	vperm.xlane v3, v2  }
0x83d: {  	[tilespmem:s4], [sflag:$0x3] =	stream.indirect_vreg.gather [hbm4b:s21+s6], $0x80, v4, vm0, $0xb8;
	[tilespmem:$0x18400] =	vst v63  }
0x83e: {  	v3 =	vadd.s32 v1, v3;
	s4 =	simm.s32 $0x11400  }
0x83f: {  	[tilespmem:s4], [sflag:$0x3] =	stream.indirect_vreg.gather [hbm4b:s22+s6], $0x80, v4, vm0, $0xb8;
	[tilespmem:$0x18400] =	vst v63  }
0x840: {  	s4 =	simm.s32 $0x11C00  }
0x841: {  	[tilespmem:s4], [sflag:$0x3] =	stream.indirect_vreg.gather [hbm4b:s23+s6], $0x80, v4, vm0, $0xb8;
	[tilespmem:$0x18400] =	vst v63  }
0x842: {  	s4 =	simm.s32 $0x12400  }
0x843: {  	[tilespmem:s4], [sflag:$0x3] =	stream.indirect_vreg.gather [hbm4b:s5+s6], $0x80, v3, vm0, $0xb8;
	[tilespmem:$0x18400] =	vst v63  }
0x844: {  	s4 =	simm.s32 $0x12C00  }
0x845: {  	[tilespmem:s4], [sflag:$0x3] =	stream.indirect_vreg.gather [hbm4b:s21+s6], $0x80, v3, vm0, $0xb8;
	[tilespmem:$0x18400] =	vst v63  }
0x846: {  	s4 =	simm.s32 $0x13400  }
0x847: {  	[tilespmem:s4], [sflag:$0x3] =	stream.indirect_vreg.gather [hbm4b:s22+s6], $0x80, v3, vm0, $0xb8;
	[tilespmem:$0x18400] =	vst v63  }
0x848: {  	s4 =	simm.s32 $0x13C00  }
0x849: {  	[tilespmem:s4], [sflag:$0x3] =	stream.indirect_vreg.gather [hbm4b:s23+s6], $0x80, v3, vm0, $0xb8;
	[tilespmem:$0x18400] =	vst v63  }
0x84a: {  	v3 =	vld [tilespmem:$0x190];
	_ =	sdelay $0x4  }
0x84b: {  	v39 =	vshll.u32 v3, $0x3  }
0x84c: {  	v3 =	vand.u32 $0x7, v3;
	v4 =	vand.u32 $0xFFFFFFC0, v39  }
0x84d: {  	v3 =	vor.u32 v3, v4  }
0x84e: {  	v4 =	vperm.xlane v3, v0;
	_ =	sdelay $0x1  }
0x84f: {  	v4 =	vadd.s32 v1, v4;
	_ =	sdelay $0x3  }
0x850: {  	s4 =	simm.s32 $0x14400  }
0x851: {  	[tilespmem:s4], [sflag:$0x3] =	stream.indirect_vreg.gather [hbm4b:s5+s6], $0x80, v4, vm0, $0xb8;
	[tilespmem:$0x18400] =	vst v63  }
0x852: {  	v3 =	vperm.xlane v3, v2;
	s4 =	simm.s32 $0x14C00  }
0x853: {  	[tilespmem:s4], [sflag:$0x3] =	stream.indirect_vreg.gather [hbm4b:s21+s6], $0x80, v4, vm0, $0xb8;
	[tilespmem:$0x18400] =	vst v63  }
0x854: {  	v3 =	vadd.s32 v1, v3;
	s4 =	simm.s32 $0x15400  }
0x855: {  	[tilespmem:s4], [sflag:$0x3] =	stream.indirect_vreg.gather [hbm4b:s22+s6], $0x80, v4, vm0, $0xb8;
	[tilespmem:$0x18400] =	vst v63  }
0x856: {  	s4 =	simm.s32 $0x15C00  }
0x857: {  	[tilespmem:s4], [sflag:$0x3] =	stream.indirect_vreg.gather [hbm4b:s23+s6], $0x80, v4, vm0, $0xb8;
	[tilespmem:$0x18400] =	vst v63  }
0x858: {  	s4 =	simm.s32 $0x16400  }
0x859: {  	[tilespmem:s4], [sflag:$0x3] =	stream.indirect_vreg.gather [hbm4b:s5+s6], $0x80, v3, vm0, $0xb8;
	[tilespmem:$0x18400] =	vst v63  }
0x85a: {  	s4 =	simm.s32 $0x16C00  }
0x85b: {  	[tilespmem:s4], [sflag:$0x3] =	stream.indirect_vreg.gather [hbm4b:s21+s6], $0x80, v3, vm0, $0xb8;
	[tilespmem:$0x18400] =	vst v63  }
0x85c: {  	s4 =	simm.s32 $0x17400  }
0x85d: {  	[tilespmem:s4], [sflag:$0x3] =	stream.indirect_vreg.gather [hbm4b:s22+s6], $0x80, v3, vm0, $0xb8;
	[tilespmem:$0x18400] =	vst v63  }
0x85e: {  	s4 =	simm.s32 $0x17C00  }
0x85f: {  	[tilespmem:s4], [sflag:$0x3] =	stream.indirect_vreg.gather [hbm4b:s23+s6], $0x80, v3, vm0, $0xb8;
	[tilespmem:$0x18400] =	vst v63  }
0x860: {  	_ =	swait.ge [sflag:s25], $0x8000  }
0x861: {  	s3 =	sld [smem:$0x7E4]  }
0x862: {  	[sflag:s25] =	ssyncset.done $0x0  }
0x863: {  	s4 =	sld [smem:$0x7E5];
	[sflag:s25] =	ssyncadd.s32 $0xFFFF8000  }
0x864: {  	[hbm4b:s3+s6] =	stream.linear.scatter [tilespmem:s29], [sflag:$0x6], $0x8000, $0x38;
	[tilespmem:$0x18400] =	vst v63  }
0x865: {  	_ = 	snop  }
0x866: {  	[hbm4b:s4+s6] =	stream.linear.scatter [tilespmem:s29], [sflag:$0x6], $0x8000, $0x38;
	[tilespmem:$0x18400] =	vst v63  }
0x867: {  	_ =	swait.ge [sflag:s0], $0x8000  }
0x868: {  	[sflag:s0] =	ssyncset.done $0x0  }
0x869: {  	[sflag:s0] =	ssyncadd.s32 $0xFFFF8000  }
0x86a: {  	_ =	swait.ge [sflag:s0], $0x8000  }
0x86b: {  	[sflag:s0] =	ssyncset.done $0x0  }
0x86c: {  	[sflag:s0] =	ssyncadd.s32 $0xFFFF8000  }
0x86d: {  	v3 =	vld [tilespmem:$0x200];
	_ =	sdelay $0x4  }
0x86e: {  	v40 =	vshll.u32 v3, $0x3  }
0x86f: {  	v3 =	vand.u32 $0x7, v3;
	v4 =	vand.u32 $0xFFFFFFC0, v40  }
0x870: {  	v3 =	vor.u32 v3, v4  }
0x871: {  	v4 =	vperm.xlane v3, v0;
	_ =	sdelay $0x1  }
0x872: {  	v4 =	vadd.s32 v1, v4;
	_ =	sdelay $0x4  }
0x873: {  	[tilespmem:s30], [sflag:$0x1] =	stream.indirect_vreg.gather [hbm4b:s5+s6], $0x80, v4, vm0, $0xb8;
	[tilespmem:$0x18400] =	vst v63  }
0x874: {  	s4 =	simm.s32 $0xC00;
	v3 =	vperm.xlane v3, v2  }
0x875: {  	[tilespmem:s4], [sflag:$0x1] =	stream.indirect_vreg.gather [hbm4b:s21+s6], $0x80, v4, vm0, $0xb8;
	[tilespmem:$0x18400] =	vst v63  }
0x876: {  	v3 =	vadd.s32 v1, v3;
	s4 =	simm.s32 $0x1400  }
0x877: {  	[tilespmem:s4], [sflag:$0x1] =	stream.indirect_vreg.gather [hbm4b:s22+s6], $0x80, v4, vm0, $0xb8;
	[tilespmem:$0x18400] =	vst v63  }
0x878: {  	s4 =	simm.s32 $0x1C00  }
0x879: {  	[tilespmem:s4], [sflag:$0x1] =	stream.indirect_vreg.gather [hbm4b:s23+s6], $0x80, v4, vm0, $0xb8;
	[tilespmem:$0x18400] =	vst v63  }
0x87a: {  	s4 =	simm.s32 $0x2400  }
0x87b: {  	[tilespmem:s4], [sflag:$0x1] =	stream.indirect_vreg.gather [hbm4b:s5+s6], $0x80, v3, vm0, $0xb8;
	[tilespmem:$0x18400] =	vst v63  }
0x87c: {  	s4 =	simm.s32 $0x2C00  }
0x87d: {  	[tilespmem:s4], [sflag:$0x1] =	stream.indirect_vreg.gather [hbm4b:s21+s6], $0x80, v3, vm0, $0xb8;
	[tilespmem:$0x18400] =	vst v63  }
0x87e: {  	s4 =	simm.s32 $0x3400  }
0x87f: {  	[tilespmem:s4], [sflag:$0x1] =	stream.indirect_vreg.gather [hbm4b:s22+s6], $0x80, v3, vm0, $0xb8;
	[tilespmem:$0x18400] =	vst v63  }
0x880: {  	s4 =	simm.s32 $0x3C00  }
0x881: {  	[tilespmem:s4], [sflag:$0x1] =	stream.indirect_vreg.gather [hbm4b:s23+s6], $0x80, v3, vm0, $0xb8;
	[tilespmem:$0x18400] =	vst v63  }
0x882: {  	v3 =	vld [tilespmem:$0x210];
	_ =	sdelay $0x4  }
0x883: {  	v41 =	vshll.u32 v3, $0x3  }
0x884: {  	v3 =	vand.u32 $0x7, v3;
	v4 =	vand.u32 $0xFFFFFFC0, v41  }
0x885: {  	v3 =	vor.u32 v3, v4  }
0x886: {  	v4 =	vperm.xlane v3, v0;
	_ =	sdelay $0x1  }
0x887: {  	v4 =	vadd.s32 v1, v4;
	_ =	sdelay $0x3  }
0x888: {  	s4 =	simm.s32 $0x4400  }
0x889: {  	[tilespmem:s4], [sflag:$0x1] =	stream.indirect_vreg.gather [hbm4b:s5+s6], $0x80, v4, vm0, $0xb8;
	[tilespmem:$0x18400] =	vst v63  }
0x88a: {  	v3 =	vperm.xlane v3, v2;
	s4 =	simm.s32 $0x4C00  }
0x88b: {  	[tilespmem:s4], [sflag:$0x1] =	stream.indirect_vreg.gather [hbm4b:s21+s6], $0x80, v4, vm0, $0xb8;
	[tilespmem:$0x18400] =	vst v63  }
0x88c: {  	v3 =	vadd.s32 v1, v3;
	s4 =	simm.s32 $0x5400  }
0x88d: {  	[tilespmem:s4], [sflag:$0x1] =	stream.indirect_vreg.gather [hbm4b:s22+s6], $0x80, v4, vm0, $0xb8;
	[tilespmem:$0x18400] =	vst v63  }
0x88e: {  	s4 =	simm.s32 $0x5C00  }
0x88f: {  	[tilespmem:s4], [sflag:$0x1] =	stream.indirect_vreg.gather [hbm4b:s23+s6], $0x80, v4, vm0, $0xb8;
	[tilespmem:$0x18400] =	vst v63  }
0x890: {  	s4 =	simm.s32 $0x6400  }
0x891: {  	[tilespmem:s4], [sflag:$0x1] =	stream.indirect_vreg.gather [hbm4b:s5+s6], $0x80, v3, vm0, $0xb8;
	[tilespmem:$0x18400] =	vst v63  }
0x892: {  	s4 =	simm.s32 $0x6C00  }
0x893: {  	[tilespmem:s4], [sflag:$0x1] =	stream.indirect_vreg.gather [hbm4b:s21+s6], $0x80, v3, vm0, $0xb8;
	[tilespmem:$0x18400] =	vst v63  }
0x894: {  	s4 =	simm.s32 $0x7400  }
0x895: {  	[tilespmem:s4], [sflag:$0x1] =	stream.indirect_vreg.gather [hbm4b:s22+s6], $0x80, v3, vm0, $0xb8;
	[tilespmem:$0x18400] =	vst v63  }
0x896: {  	s4 =	simm.s32 $0x7C00  }
0x897: {  	[tilespmem:s4], [sflag:$0x1] =	stream.indirect_vreg.gather [hbm4b:s23+s6], $0x80, v3, vm0, $0xb8;
	[tilespmem:$0x18400] =	vst v63  }
0x898: {  	_ =	swait.ge [sflag:s31], $0x8000  }
0x899: {  	s3 =	sld [smem:$0x7E6]  }
0x89a: {  	[sflag:s31] =	ssyncset.done $0x0  }
0x89b: {  	s4 =	sld [smem:$0x7E7];
	[sflag:s31] =	ssyncadd.s32 $0xFFFF8000  }
0x89c: {  	[hbm4b:s3+s6] =	stream.linear.scatter [tilespmem:s30], [sflag:$0x4], $0x8000, $0x38;
	[tilespmem:$0x18400] =	vst v63  }
0x89d: {  	_ = 	snop  }
0x89e: {  	[hbm4b:s4+s6] =	stream.linear.scatter [tilespmem:s30], [sflag:$0x4], $0x8000, $0x38;
	[tilespmem:$0x18400] =	vst v63  }
0x89f: {  	_ =	swait.ge [sflag:s1], $0x8000  }
0x8a0: {  	[sflag:s1] =	ssyncset.done $0x0  }
0x8a1: {  	[sflag:s1] =	ssyncadd.s32 $0xFFFF8000  }
0x8a2: {  	_ =	swait.ge [sflag:s1], $0x8000  }
0x8a3: {  	[sflag:s1] =	ssyncset.done $0x0  }
0x8a4: {  	[sflag:s1] =	ssyncadd.s32 $0xFFFF8000  }
0x8a5: {  	v3 =	vld [tilespmem:$0x280];
	_ =	sdelay $0x4  }
0x8a6: {  	v42 =	vshll.u32 v3, $0x3  }
0x8a7: {  	v3 =	vand.u32 $0x7, v3;
	v4 =	vand.u32 $0xFFFFFFC0, v42  }
0x8a8: {  	v3 =	vor.u32 v3, v4  }
0x8a9: {  	v4 =	vperm.xlane v3, v0;
	_ =	sdelay $0x1  }
0x8aa: {  	v4 =	vadd.s32 v1, v4;
	_ =	sdelay $0x4  }
0x8ab: {  	[tilespmem:s7], [sflag:$0x2] =	stream.indirect_vreg.gather [hbm4b:s5+s6], $0x80, v4, vm0, $0xb8;
	[tilespmem:$0x18400] =	vst v63  }
0x8ac: {  	s4 =	simm.s32 $0x8C00;
	v3 =	vperm.xlane v3, v2  }
0x8ad: {  	[tilespmem:s4], [sflag:$0x2] =	stream.indirect_vreg.gather [hbm4b:s21+s6], $0x80, v4, vm0, $0xb8;
	[tilespmem:$0x18400] =	vst v63  }
0x8ae: {  	v3 =	vadd.s32 v1, v3;
	s4 =	simm.s32 $0x9400  }
0x8af: {  	[tilespmem:s4], [sflag:$0x2] =	stream.indirect_vreg.gather [hbm4b:s22+s6], $0x80, v4, vm0, $0xb8;
	[tilespmem:$0x18400] =	vst v63  }
0x8b0: {  	s4 =	simm.s32 $0x9C00  }
0x8b1: {  	[tilespmem:s4], [sflag:$0x2] =	stream.indirect_vreg.gather [hbm4b:s23+s6], $0x80, v4, vm0, $0xb8;
	[tilespmem:$0x18400] =	vst v63  }
0x8b2: {  	s4 =	simm.s32 $0xA400  }
0x8b3: {  	[tilespmem:s4], [sflag:$0x2] =	stream.indirect_vreg.gather [hbm4b:s5+s6], $0x80, v3, vm0, $0xb8;
	[tilespmem:$0x18400] =	vst v63  }
0x8b4: {  	s4 =	simm.s32 $0xAC00  }
0x8b5: {  	[tilespmem:s4], [sflag:$0x2] =	stream.indirect_vreg.gather [hbm4b:s21+s6], $0x80, v3, vm0, $0xb8;
	[tilespmem:$0x18400] =	vst v63  }
0x8b6: {  	s4 =	simm.s32 $0xB400  }
0x8b7: {  	[tilespmem:s4], [sflag:$0x2] =	stream.indirect_vreg.gather [hbm4b:s22+s6], $0x80, v3, vm0, $0xb8;
	[tilespmem:$0x18400] =	vst v63  }
0x8b8: {  	s4 =	simm.s32 $0xBC00  }
0x8b9: {  	[tilespmem:s4], [sflag:$0x2] =	stream.indirect_vreg.gather [hbm4b:s23+s6], $0x80, v3, vm0, $0xb8;
	[tilespmem:$0x18400] =	vst v63  }
0x8ba: {  	v3 =	vld [tilespmem:$0x290];
	_ =	sdelay $0x4  }
0x8bb: {  	v43 =	vshll.u32 v3, $0x3  }
0x8bc: {  	v3 =	vand.u32 $0x7, v3;
	v4 =	vand.u32 $0xFFFFFFC0, v43  }
0x8bd: {  	v3 =	vor.u32 v3, v4  }
0x8be: {  	v4 =	vperm.xlane v3, v0;
	_ =	sdelay $0x1  }
0x8bf: {  	v4 =	vadd.s32 v1, v4;
	_ =	sdelay $0x3  }
0x8c0: {  	s4 =	simm.s32 $0xC400  }
0x8c1: {  	[tilespmem:s4], [sflag:$0x2] =	stream.indirect_vreg.gather [hbm4b:s5+s6], $0x80, v4, vm0, $0xb8;
	[tilespmem:$0x18400] =	vst v63  }
0x8c2: {  	v3 =	vperm.xlane v3, v2;
	s4 =	simm.s32 $0xCC00  }
0x8c3: {  	[tilespmem:s4], [sflag:$0x2] =	stream.indirect_vreg.gather [hbm4b:s21+s6], $0x80, v4, vm0, $0xb8;
	[tilespmem:$0x18400] =	vst v63  }
0x8c4: {  	v3 =	vadd.s32 v1, v3;
	s4 =	simm.s32 $0xD400  }
0x8c5: {  	[tilespmem:s4], [sflag:$0x2] =	stream.indirect_vreg.gather [hbm4b:s22+s6], $0x80, v4, vm0, $0xb8;
	[tilespmem:$0x18400] =	vst v63  }
0x8c6: {  	s4 =	simm.s32 $0xDC00  }
0x8c7: {  	[tilespmem:s4], [sflag:$0x2] =	stream.indirect_vreg.gather [hbm4b:s23+s6], $0x80, v4, vm0, $0xb8;
	[tilespmem:$0x18400] =	vst v63  }
0x8c8: {  	s4 =	simm.s32 $0xE400  }
0x8c9: {  	[tilespmem:s4], [sflag:$0x2] =	stream.indirect_vreg.gather [hbm4b:s5+s6], $0x80, v3, vm0, $0xb8;
	[tilespmem:$0x18400] =	vst v63  }
0x8ca: {  	s4 =	simm.s32 $0xEC00  }
0x8cb: {  	[tilespmem:s4], [sflag:$0x2] =	stream.indirect_vreg.gather [hbm4b:s21+s6], $0x80, v3, vm0, $0xb8;
	[tilespmem:$0x18400] =	vst v63  }
0x8cc: {  	s4 =	simm.s32 $0xF400  }
0x8cd: {  	[tilespmem:s4], [sflag:$0x2] =	stream.indirect_vreg.gather [hbm4b:s22+s6], $0x80, v3, vm0, $0xb8;
	[tilespmem:$0x18400] =	vst v63  }
0x8ce: {  	s4 =	simm.s32 $0xFC00  }
0x8cf: {  	[tilespmem:s4], [sflag:$0x2] =	stream.indirect_vreg.gather [hbm4b:s23+s6], $0x80, v3, vm0, $0xb8;
	[tilespmem:$0x18400] =	vst v63  }
0x8d0: {  	_ =	swait.ge [sflag:s8], $0x8000  }
0x8d1: {  	s3 =	sld [smem:$0x7E8]  }
0x8d2: {  	[sflag:s8] =	ssyncset.done $0x0  }
0x8d3: {  	s4 =	sld [smem:$0x7E9];
	[sflag:s8] =	ssyncadd.s32 $0xFFFF8000  }
0x8d4: {  	[hbm4b:s3+s6] =	stream.linear.scatter [tilespmem:s7], [sflag:$0x5], $0x8000, $0x38;
	[tilespmem:$0x18400] =	vst v63  }
0x8d5: {  	_ = 	snop  }
0x8d6: {  	[hbm4b:s4+s6] =	stream.linear.scatter [tilespmem:s7], [sflag:$0x5], $0x8000, $0x38;
	[tilespmem:$0x18400] =	vst v63  }
0x8d7: {  	_ =	swait.ge [sflag:s2], $0x8000  }
0x8d8: {  	[sflag:s2] =	ssyncset.done $0x0  }
0x8d9: {  	[sflag:s2] =	ssyncadd.s32 $0xFFFF8000  }
0x8da: {  	_ =	swait.ge [sflag:s2], $0x8000  }
0x8db: {  	[sflag:s2] =	ssyncset.done $0x0  }
0x8dc: {  	[sflag:s2] =	ssyncadd.s32 $0xFFFF8000  }
0x8dd: {  	v3 =	vld [tilespmem:$0x300];
	_ =	sdelay $0x4  }
0x8de: {  	v44 =	vshll.u32 v3, $0x3  }
0x8df: {  	v3 =	vand.u32 $0x7, v3;
	v4 =	vand.u32 $0xFFFFFFC0, v44  }
0x8e0: {  	v3 =	vor.u32 v3, v4  }
0x8e1: {  	v4 =	vperm.xlane v3, v0;
	_ =	sdelay $0x1  }
0x8e2: {  	v4 =	vadd.s32 v1, v4;
	_ =	sdelay $0x4  }
0x8e3: {  	[tilespmem:s29], [sflag:$0x3] =	stream.indirect_vreg.gather [hbm4b:s5+s6], $0x80, v4, vm0, $0xb8;
	[tilespmem:$0x18400] =	vst v63  }
0x8e4: {  	s4 =	simm.s32 $0x10C00;
	v3 =	vperm.xlane v3, v2  }
0x8e5: {  	[tilespmem:s4], [sflag:$0x3] =	stream.indirect_vreg.gather [hbm4b:s21+s6], $0x80, v4, vm0, $0xb8;
	[tilespmem:$0x18400] =	vst v63  }
0x8e6: {  	v3 =	vadd.s32 v1, v3;
	s4 =	simm.s32 $0x11400  }
0x8e7: {  	[tilespmem:s4], [sflag:$0x3] =	stream.indirect_vreg.gather [hbm4b:s22+s6], $0x80, v4, vm0, $0xb8;
	[tilespmem:$0x18400] =	vst v63  }
0x8e8: {  	s4 =	simm.s32 $0x11C00  }
0x8e9: {  	[tilespmem:s4], [sflag:$0x3] =	stream.indirect_vreg.gather [hbm4b:s23+s6], $0x80, v4, vm0, $0xb8;
	[tilespmem:$0x18400] =	vst v63  }
0x8ea: {  	s4 =	simm.s32 $0x12400  }
0x8eb: {  	[tilespmem:s4], [sflag:$0x3] =	stream.indirect_vreg.gather [hbm4b:s5+s6], $0x80, v3, vm0, $0xb8;
	[tilespmem:$0x18400] =	vst v63  }
0x8ec: {  	s4 =	simm.s32 $0x12C00  }
0x8ed: {  	[tilespmem:s4], [sflag:$0x3] =	stream.indirect_vreg.gather [hbm4b:s21+s6], $0x80, v3, vm0, $0xb8;
	[tilespmem:$0x18400] =	vst v63  }
0x8ee: {  	s4 =	simm.s32 $0x13400  }
0x8ef: {  	[tilespmem:s4], [sflag:$0x3] =	stream.indirect_vreg.gather [hbm4b:s22+s6], $0x80, v3, vm0, $0xb8;
	[tilespmem:$0x18400] =	vst v63  }
0x8f0: {  	s4 =	simm.s32 $0x13C00  }
0x8f1: {  	[tilespmem:s4], [sflag:$0x3] =	stream.indirect_vreg.gather [hbm4b:s23+s6], $0x80, v3, vm0, $0xb8;
	[tilespmem:$0x18400] =	vst v63  }
0x8f2: {  	v3 =	vld [tilespmem:$0x310];
	_ =	sdelay $0x4  }
0x8f3: {  	v45 =	vshll.u32 v3, $0x3  }
0x8f4: {  	v3 =	vand.u32 $0x7, v3;
	v4 =	vand.u32 $0xFFFFFFC0, v45  }
0x8f5: {  	v3 =	vor.u32 v3, v4  }
0x8f6: {  	v4 =	vperm.xlane v3, v0;
	_ =	sdelay $0x1  }
0x8f7: {  	v4 =	vadd.s32 v1, v4;
	_ =	sdelay $0x3  }
0x8f8: {  	s4 =	simm.s32 $0x14400  }
0x8f9: {  	[tilespmem:s4], [sflag:$0x3] =	stream.indirect_vreg.gather [hbm4b:s5+s6], $0x80, v4, vm0, $0xb8;
	[tilespmem:$0x18400] =	vst v63  }
0x8fa: {  	v3 =	vperm.xlane v3, v2;
	s4 =	simm.s32 $0x14C00  }
0x8fb: {  	[tilespmem:s4], [sflag:$0x3] =	stream.indirect_vreg.gather [hbm4b:s21+s6], $0x80, v4, vm0, $0xb8;
	[tilespmem:$0x18400] =	vst v63  }
0x8fc: {  	v3 =	vadd.s32 v1, v3;
	s4 =	simm.s32 $0x15400  }
0x8fd: {  	[tilespmem:s4], [sflag:$0x3] =	stream.indirect_vreg.gather [hbm4b:s22+s6], $0x80, v4, vm0, $0xb8;
	[tilespmem:$0x18400] =	vst v63  }
0x8fe: {  	s4 =	simm.s32 $0x15C00  }
0x8ff: {  	[tilespmem:s4], [sflag:$0x3] =	stream.indirect_vreg.gather [hbm4b:s23+s6], $0x80, v4, vm0, $0xb8;
	[tilespmem:$0x18400] =	vst v63  }
0x900: {  	s4 =	simm.s32 $0x16400  }
0x901: {  	[tilespmem:s4], [sflag:$0x3] =	stream.indirect_vreg.gather [hbm4b:s5+s6], $0x80, v3, vm0, $0xb8;
	[tilespmem:$0x18400] =	vst v63  }
0x902: {  	s4 =	simm.s32 $0x16C00  }
0x903: {  	[tilespmem:s4], [sflag:$0x3] =	stream.indirect_vreg.gather [hbm4b:s21+s6], $0x80, v3, vm0, $0xb8;
	[tilespmem:$0x18400] =	vst v63  }
0x904: {  	s4 =	simm.s32 $0x17400  }
0x905: {  	[tilespmem:s4], [sflag:$0x3] =	stream.indirect_vreg.gather [hbm4b:s22+s6], $0x80, v3, vm0, $0xb8;
	[tilespmem:$0x18400] =	vst v63  }
0x906: {  	s4 =	simm.s32 $0x17C00  }
0x907: {  	[tilespmem:s4], [sflag:$0x3] =	stream.indirect_vreg.gather [hbm4b:s23+s6], $0x80, v3, vm0, $0xb8;
	[tilespmem:$0x18400] =	vst v63  }
0x908: {  	_ =	swait.ge [sflag:s25], $0x8000  }
0x909: {  	s3 =	sld [smem:$0x7EA]  }
0x90a: {  	[sflag:s25] =	ssyncset.done $0x0  }
0x90b: {  	s4 =	sld [smem:$0x7EB];
	[sflag:s25] =	ssyncadd.s32 $0xFFFF8000  }
0x90c: {  	[hbm4b:s3+s6] =	stream.linear.scatter [tilespmem:s29], [sflag:$0x6], $0x8000, $0x38;
	[tilespmem:$0x18400] =	vst v63  }
0x90d: {  	_ = 	snop  }
0x90e: {  	[hbm4b:s4+s6] =	stream.linear.scatter [tilespmem:s29], [sflag:$0x6], $0x8000, $0x38;
	[tilespmem:$0x18400] =	vst v63  }
0x90f: {  	_ =	swait.ge [sflag:s0], $0x8000  }
0x910: {  	[sflag:s0] =	ssyncset.done $0x0  }
0x911: {  	[sflag:s0] =	ssyncadd.s32 $0xFFFF8000  }
0x912: {  	_ =	swait.ge [sflag:s0], $0x8000  }
0x913: {  	[sflag:s0] =	ssyncset.done $0x0  }
0x914: {  	[sflag:s0] =	ssyncadd.s32 $0xFFFF8000  }
0x915: {  	v3 =	vld [tilespmem:$0x380];
	_ =	sdelay $0x4  }
0x916: {  	v46 =	vshll.u32 v3, $0x3  }
0x917: {  	v3 =	vand.u32 $0x7, v3;
	v4 =	vand.u32 $0xFFFFFFC0, v46  }
0x918: {  	v3 =	vor.u32 v3, v4  }
0x919: {  	v4 =	vperm.xlane v3, v0;
	_ =	sdelay $0x1  }
0x91a: {  	v4 =	vadd.s32 v1, v4;
	_ =	sdelay $0x4  }
0x91b: {  	[tilespmem:s30], [sflag:$0x1] =	stream.indirect_vreg.gather [hbm4b:s5+s6], $0x80, v4, vm0, $0xb8;
	[tilespmem:$0x18400] =	vst v63  }
0x91c: {  	s4 =	simm.s32 $0xC00;
	v3 =	vperm.xlane v3, v2  }
0x91d: {  	[tilespmem:s4], [sflag:$0x1] =	stream.indirect_vreg.gather [hbm4b:s21+s6], $0x80, v4, vm0, $0xb8;
	[tilespmem:$0x18400] =	vst v63  }
0x91e: {  	v3 =	vadd.s32 v1, v3;
	s4 =	simm.s32 $0x1400  }
0x91f: {  	[tilespmem:s4], [sflag:$0x1] =	stream.indirect_vreg.gather [hbm4b:s22+s6], $0x80, v4, vm0, $0xb8;
	[tilespmem:$0x18400] =	vst v63  }
0x920: {  	s4 =	simm.s32 $0x1C00  }
0x921: {  	[tilespmem:s4], [sflag:$0x1] =	stream.indirect_vreg.gather [hbm4b:s23+s6], $0x80, v4, vm0, $0xb8;
	[tilespmem:$0x18400] =	vst v63  }
0x922: {  	s4 =	simm.s32 $0x2400  }
0x923: {  	[tilespmem:s4], [sflag:$0x1] =	stream.indirect_vreg.gather [hbm4b:s5+s6], $0x80, v3, vm0, $0xb8;
	[tilespmem:$0x18400] =	vst v63  }
0x924: {  	s4 =	simm.s32 $0x2C00  }
0x925: {  	[tilespmem:s4], [sflag:$0x1] =	stream.indirect_vreg.gather [hbm4b:s21+s6], $0x80, v3, vm0, $0xb8;
	[tilespmem:$0x18400] =	vst v63  }
0x926: {  	s4 =	simm.s32 $0x3400  }
0x927: {  	[tilespmem:s4], [sflag:$0x1] =	stream.indirect_vreg.gather [hbm4b:s22+s6], $0x80, v3, vm0, $0xb8;
	[tilespmem:$0x18400] =	vst v63  }
0x928: {  	s4 =	simm.s32 $0x3C00  }
0x929: {  	[tilespmem:s4], [sflag:$0x1] =	stream.indirect_vreg.gather [hbm4b:s23+s6], $0x80, v3, vm0, $0xb8;
	[tilespmem:$0x18400] =	vst v63  }
0x92a: {  	v3 =	vld [tilespmem:$0x390];
	_ =	sdelay $0x4  }
0x92b: {  	v47 =	vshll.u32 v3, $0x3  }
0x92c: {  	v3 =	vand.u32 $0x7, v3;
	v4 =	vand.u32 $0xFFFFFFC0, v47  }
0x92d: {  	v3 =	vor.u32 v3, v4  }
0x92e: {  	v4 =	vperm.xlane v3, v0;
	_ =	sdelay $0x1  }
0x92f: {  	v4 =	vadd.s32 v1, v4;
	_ =	sdelay $0x3  }
0x930: {  	s4 =	simm.s32 $0x4400  }
0x931: {  	[tilespmem:s4], [sflag:$0x1] =	stream.indirect_vreg.gather [hbm4b:s5+s6], $0x80, v4, vm0, $0xb8;
	[tilespmem:$0x18400] =	vst v63  }
0x932: {  	v3 =	vperm.xlane v3, v2;
	s4 =	simm.s32 $0x4C00  }
0x933: {  	[tilespmem:s4], [sflag:$0x1] =	stream.indirect_vreg.gather [hbm4b:s21+s6], $0x80, v4, vm0, $0xb8;
	[tilespmem:$0x18400] =	vst v63  }
0x934: {  	v3 =	vadd.s32 v1, v3;
	s4 =	simm.s32 $0x5400  }
0x935: {  	[tilespmem:s4], [sflag:$0x1] =	stream.indirect_vreg.gather [hbm4b:s22+s6], $0x80, v4, vm0, $0xb8;
	[tilespmem:$0x18400] =	vst v63  }
0x936: {  	s4 =	simm.s32 $0x5C00  }
0x937: {  	[tilespmem:s4], [sflag:$0x1] =	stream.indirect_vreg.gather [hbm4b:s23+s6], $0x80, v4, vm0, $0xb8;
	[tilespmem:$0x18400] =	vst v63  }
0x938: {  	s4 =	simm.s32 $0x6400  }
0x939: {  	[tilespmem:s4], [sflag:$0x1] =	stream.indirect_vreg.gather [hbm4b:s5+s6], $0x80, v3, vm0, $0xb8;
	[tilespmem:$0x18400] =	vst v63  }
0x93a: {  	s5 =	simm.s32 $0x6C00  }
0x93b: {  	[tilespmem:s5], [sflag:$0x1] =	stream.indirect_vreg.gather [hbm4b:s21+s6], $0x80, v3, vm0, $0xb8;
	[tilespmem:$0x18400] =	vst v63  }
0x93c: {  	s4 =	simm.s32 $0x7400  }
0x93d: {  	[tilespmem:s4], [sflag:$0x1] =	stream.indirect_vreg.gather [hbm4b:s22+s6], $0x80, v3, vm0, $0xb8;
	[tilespmem:$0x18400] =	vst v63  }
0x93e: {  	s5 =	simm.s32 $0x7C00  }
0x93f: {  	[tilespmem:s5], [sflag:$0x1] =	stream.indirect_vreg.gather [hbm4b:s23+s6], $0x80, v3, vm0, $0xb8;
	[tilespmem:$0x18400] =	vst v63  }
0x940: {  	_ =	swait.ge [sflag:s31], $0x8000  }
0x941: {  	s4 =	sld [smem:$0x7EC]  }
0x942: {  	[sflag:s31] =	ssyncset.done $0x0  }
0x943: {  	s5 =	sld [smem:$0x7ED];
	[sflag:s31] =	ssyncadd.s32 $0xFFFF8000  }
0x944: {  	[hbm4b:s4+s6] =	stream.linear.scatter [tilespmem:s30], [sflag:$0x4], $0x8000, $0x38;
	[tilespmem:$0x18400] =	vst v63  }
0x945: {  	_ = 	snop  }
0x946: {  	[hbm4b:s5+s6] =	stream.linear.scatter [tilespmem:s30], [sflag:$0x4], $0x8000, $0x38;
	[tilespmem:$0x18400] =	vst v63  }
0x947: {  	_ =	swait.ge [sflag:s1], $0x8000  }
0x948: {  	[sflag:s1] =	ssyncset.done $0x0  }
0x949: {  	[sflag:s1] =	ssyncadd.s32 $0xFFFF8000  }
0x94a: {  	_ =	swait.ge [sflag:s1], $0x8000  }
0x94b: {  	[sflag:s1] =	ssyncset.done $0x0  }
0x94c: {  	[sflag:s1] =	ssyncadd.s32 $0xFFFF8000  }
0x94d: {  	v3 =	vld [tilespmem:$0x0];
	_ =	sdelay $0x4  }
0x94e: {  	v48 =	vshll.u32 v3, $0x3  }
0x94f: {  	v3 =	vand.u32 $0x7, v3;
	v4 =	vand.u32 $0xFFFFFFC0, v48  }
0x950: {  	v3 =	vor.u32 v3, v4  }
0x951: {  	v4 =	vperm.xlane v3, v0;
	_ =	sdelay $0x1  }
0x952: {  	v4 =	vadd.s32 v1, v4;
	_ =	sdelay $0x3  }
0x953: {  	s5 =	rddreg [dreg:$0x6]  }
0x954: {  	[tilespmem:s7], [sflag:$0x2] =	stream.indirect_vreg.gather [hbm4b:s5+s6], $0x80, v4, vm0, $0xb8;
	[tilespmem:$0x18400] =	vst v63  }
0x955: {  	s4 =	simm.s32 $0x8C00;
	v3 =	vperm.xlane v3, v2  }
0x956: {  	[tilespmem:s4], [sflag:$0x2] =	stream.indirect_vreg.gather [hbm4b:s24+s6], $0x80, v4, vm0, $0xb8;
	[tilespmem:$0x18400] =	vst v63  }
0x957: {  	v3 =	vadd.s32 v1, v3;
	s4 =	simm.s32 $0x9400  }
0x958: {  	[tilespmem:s4], [sflag:$0x2] =	stream.indirect_vreg.gather [hbm4b:s26+s6], $0x80, v4, vm0, $0xb8;
	[tilespmem:$0x18400] =	vst v63  }
0x959: {  	s4 =	simm.s32 $0x9C00  }
0x95a: {  	[tilespmem:s4], [sflag:$0x2] =	stream.indirect_vreg.gather [hbm4b:s28+s6], $0x80, v4, vm0, $0xb8;
	[tilespmem:$0x18400] =	vst v63  }
0x95b: {  	s4 =	simm.s32 $0xA400  }
0x95c: {  	[tilespmem:s4], [sflag:$0x2] =	stream.indirect_vreg.gather [hbm4b:s5+s6], $0x80, v3, vm0, $0xb8;
	[tilespmem:$0x18400] =	vst v63  }
0x95d: {  	s4 =	simm.s32 $0xAC00  }
0x95e: {  	[tilespmem:s4], [sflag:$0x2] =	stream.indirect_vreg.gather [hbm4b:s24+s6], $0x80, v3, vm0, $0xb8;
	[tilespmem:$0x18400] =	vst v63  }
0x95f: {  	s4 =	simm.s32 $0xB400  }
0x960: {  	[tilespmem:s4], [sflag:$0x2] =	stream.indirect_vreg.gather [hbm4b:s26+s6], $0x80, v3, vm0, $0xb8;
	[tilespmem:$0x18400] =	vst v63  }
0x961: {  	s4 =	simm.s32 $0xBC00  }
0x962: {  	[tilespmem:s4], [sflag:$0x2] =	stream.indirect_vreg.gather [hbm4b:s28+s6], $0x80, v3, vm0, $0xb8;
	[tilespmem:$0x18400] =	vst v63  }
0x963: {  	v3 =	vld [tilespmem:$0x10];
	_ =	sdelay $0x4  }
0x964: {  	v49 =	vshll.u32 v3, $0x3  }
0x965: {  	v3 =	vand.u32 $0x7, v3;
	v4 =	vand.u32 $0xFFFFFFC0, v49  }
0x966: {  	v3 =	vor.u32 v3, v4  }
0x967: {  	v4 =	vperm.xlane v3, v0;
	_ =	sdelay $0x1  }
0x968: {  	v4 =	vadd.s32 v1, v4;
	_ =	sdelay $0x3  }
0x969: {  	s4 =	simm.s32 $0xC400  }
0x96a: {  	[tilespmem:s4], [sflag:$0x2] =	stream.indirect_vreg.gather [hbm4b:s5+s6], $0x80, v4, vm0, $0xb8;
	[tilespmem:$0x18400] =	vst v63  }
0x96b: {  	v3 =	vperm.xlane v3, v2;
	s4 =	simm.s32 $0xCC00  }
0x96c: {  	[tilespmem:s4], [sflag:$0x2] =	stream.indirect_vreg.gather [hbm4b:s24+s6], $0x80, v4, vm0, $0xb8;
	[tilespmem:$0x18400] =	vst v63  }
0x96d: {  	v3 =	vadd.s32 v1, v3;
	s4 =	simm.s32 $0xD400  }
0x96e: {  	[tilespmem:s4], [sflag:$0x2] =	stream.indirect_vreg.gather [hbm4b:s26+s6], $0x80, v4, vm0, $0xb8;
	[tilespmem:$0x18400] =	vst v63  }
0x96f: {  	s4 =	simm.s32 $0xDC00  }
0x970: {  	[tilespmem:s4], [sflag:$0x2] =	stream.indirect_vreg.gather [hbm4b:s28+s6], $0x80, v4, vm0, $0xb8;
	[tilespmem:$0x18400] =	vst v63  }
0x971: {  	s4 =	simm.s32 $0xE400  }
0x972: {  	[tilespmem:s4], [sflag:$0x2] =	stream.indirect_vreg.gather [hbm4b:s5+s6], $0x80, v3, vm0, $0xb8;
	[tilespmem:$0x18400] =	vst v63  }
0x973: {  	s4 =	simm.s32 $0xEC00  }
0x974: {  	[tilespmem:s4], [sflag:$0x2] =	stream.indirect_vreg.gather [hbm4b:s24+s6], $0x80, v3, vm0, $0xb8;
	[tilespmem:$0x18400] =	vst v63  }
0x975: {  	s4 =	simm.s32 $0xF400  }
0x976: {  	[tilespmem:s4], [sflag:$0x2] =	stream.indirect_vreg.gather [hbm4b:s26+s6], $0x80, v3, vm0, $0xb8;
	[tilespmem:$0x18400] =	vst v63  }
0x977: {  	s4 =	simm.s32 $0xFC00  }
0x978: {  	[tilespmem:s4], [sflag:$0x2] =	stream.indirect_vreg.gather [hbm4b:s28+s6], $0x80, v3, vm0, $0xb8;
	[tilespmem:$0x18400] =	vst v63  }
0x979: {  	_ =	swait.ge [sflag:s8], $0x8000  }
0x97a: {  	s3 =	sld [smem:$0x7EE]  }
0x97b: {  	[sflag:s8] =	ssyncset.done $0x0  }
0x97c: {  	s4 =	sld [smem:$0x7EF];
	[sflag:s8] =	ssyncadd.s32 $0xFFFF8000  }
0x97d: {  	[hbm4b:s3+s6] =	stream.linear.scatter [tilespmem:s7], [sflag:$0x5], $0x8000, $0x38;
	[tilespmem:$0x18400] =	vst v63  }
0x97e: {  	_ = 	snop  }
0x97f: {  	[hbm4b:s4+s6] =	stream.linear.scatter [tilespmem:s7], [sflag:$0x5], $0x8000, $0x38;
	[tilespmem:$0x18400] =	vst v63  }
0x980: {  	_ =	swait.ge [sflag:s2], $0x8000  }
0x981: {  	[sflag:s2] =	ssyncset.done $0x0  }
0x982: {  	[sflag:s2] =	ssyncadd.s32 $0xFFFF8000  }
0x983: {  	_ =	swait.ge [sflag:s2], $0x8000  }
0x984: {  	[sflag:s2] =	ssyncset.done $0x0  }
0x985: {  	[sflag:s2] =	ssyncadd.s32 $0xFFFF8000  }
0x986: {  	v3 =	vld [tilespmem:$0x80];
	_ =	sdelay $0x4  }
0x987: {  	v50 =	vshll.u32 v3, $0x3  }
0x988: {  	v3 =	vand.u32 $0x7, v3;
	v4 =	vand.u32 $0xFFFFFFC0, v50  }
0x989: {  	v3 =	vor.u32 v3, v4  }
0x98a: {  	v4 =	vperm.xlane v3, v0;
	_ =	sdelay $0x1  }
0x98b: {  	v4 =	vadd.s32 v1, v4;
	_ =	sdelay $0x4  }
0x98c: {  	[tilespmem:s29], [sflag:$0x3] =	stream.indirect_vreg.gather [hbm4b:s5+s6], $0x80, v4, vm0, $0xb8;
	[tilespmem:$0x18400] =	vst v63  }
0x98d: {  	s4 =	simm.s32 $0x10C00;
	v3 =	vperm.xlane v3, v2  }
0x98e: {  	[tilespmem:s4], [sflag:$0x3] =	stream.indirect_vreg.gather [hbm4b:s24+s6], $0x80, v4, vm0, $0xb8;
	[tilespmem:$0x18400] =	vst v63  }
0x98f: {  	v3 =	vadd.s32 v1, v3;
	s4 =	simm.s32 $0x11400  }
0x990: {  	[tilespmem:s4], [sflag:$0x3] =	stream.indirect_vreg.gather [hbm4b:s26+s6], $0x80, v4, vm0, $0xb8;
	[tilespmem:$0x18400] =	vst v63  }
0x991: {  	s4 =	simm.s32 $0x11C00  }
0x992: {  	[tilespmem:s4], [sflag:$0x3] =	stream.indirect_vreg.gather [hbm4b:s28+s6], $0x80, v4, vm0, $0xb8;
	[tilespmem:$0x18400] =	vst v63  }
0x993: {  	s4 =	simm.s32 $0x12400  }
0x994: {  	[tilespmem:s4], [sflag:$0x3] =	stream.indirect_vreg.gather [hbm4b:s5+s6], $0x80, v3, vm0, $0xb8;
	[tilespmem:$0x18400] =	vst v63  }
0x995: {  	s4 =	simm.s32 $0x12C00  }
0x996: {  	[tilespmem:s4], [sflag:$0x3] =	stream.indirect_vreg.gather [hbm4b:s24+s6], $0x80, v3, vm0, $0xb8;
	[tilespmem:$0x18400] =	vst v63  }
0x997: {  	s4 =	simm.s32 $0x13400  }
0x998: {  	[tilespmem:s4], [sflag:$0x3] =	stream.indirect_vreg.gather [hbm4b:s26+s6], $0x80, v3, vm0, $0xb8;
	[tilespmem:$0x18400] =	vst v63  }
0x999: {  	s4 =	simm.s32 $0x13C00  }
0x99a: {  	[tilespmem:s4], [sflag:$0x3] =	stream.indirect_vreg.gather [hbm4b:s28+s6], $0x80, v3, vm0, $0xb8;
	[tilespmem:$0x18400] =	vst v63  }
0x99b: {  	v3 =	vld [tilespmem:$0x90];
	_ =	sdelay $0x4  }
0x99c: {  	v51 =	vshll.u32 v3, $0x3  }
0x99d: {  	v3 =	vand.u32 $0x7, v3;
	v4 =	vand.u32 $0xFFFFFFC0, v51  }
0x99e: {  	v3 =	vor.u32 v3, v4  }
0x99f: {  	v4 =	vperm.xlane v3, v0;
	_ =	sdelay $0x1  }
0x9a0: {  	v4 =	vadd.s32 v1, v4;
	_ =	sdelay $0x3  }
0x9a1: {  	s4 =	simm.s32 $0x14400  }
0x9a2: {  	[tilespmem:s4], [sflag:$0x3] =	stream.indirect_vreg.gather [hbm4b:s5+s6], $0x80, v4, vm0, $0xb8;
	[tilespmem:$0x18400] =	vst v63  }
0x9a3: {  	v3 =	vperm.xlane v3, v2;
	s4 =	simm.s32 $0x14C00  }
0x9a4: {  	[tilespmem:s4], [sflag:$0x3] =	stream.indirect_vreg.gather [hbm4b:s24+s6], $0x80, v4, vm0, $0xb8;
	[tilespmem:$0x18400] =	vst v63  }
0x9a5: {  	v3 =	vadd.s32 v1, v3;
	s4 =	simm.s32 $0x15400  }
0x9a6: {  	[tilespmem:s4], [sflag:$0x3] =	stream.indirect_vreg.gather [hbm4b:s26+s6], $0x80, v4, vm0, $0xb8;
	[tilespmem:$0x18400] =	vst v63  }
0x9a7: {  	s4 =	simm.s32 $0x15C00  }
0x9a8: {  	[tilespmem:s4], [sflag:$0x3] =	stream.indirect_vreg.gather [hbm4b:s28+s6], $0x80, v4, vm0, $0xb8;
	[tilespmem:$0x18400] =	vst v63  }
0x9a9: {  	s4 =	simm.s32 $0x16400  }
0x9aa: {  	[tilespmem:s4], [sflag:$0x3] =	stream.indirect_vreg.gather [hbm4b:s5+s6], $0x80, v3, vm0, $0xb8;
	[tilespmem:$0x18400] =	vst v63  }
0x9ab: {  	s4 =	simm.s32 $0x16C00  }
0x9ac: {  	[tilespmem:s4], [sflag:$0x3] =	stream.indirect_vreg.gather [hbm4b:s24+s6], $0x80, v3, vm0, $0xb8;
	[tilespmem:$0x18400] =	vst v63  }
0x9ad: {  	s4 =	simm.s32 $0x17400  }
0x9ae: {  	[tilespmem:s4], [sflag:$0x3] =	stream.indirect_vreg.gather [hbm4b:s26+s6], $0x80, v3, vm0, $0xb8;
	[tilespmem:$0x18400] =	vst v63  }
0x9af: {  	s4 =	simm.s32 $0x17C00  }
0x9b0: {  	[tilespmem:s4], [sflag:$0x3] =	stream.indirect_vreg.gather [hbm4b:s28+s6], $0x80, v3, vm0, $0xb8;
	[tilespmem:$0x18400] =	vst v63  }
0x9b1: {  	_ =	swait.ge [sflag:s25], $0x8000  }
0x9b2: {  	s3 =	sld [smem:$0x7F0]  }
0x9b3: {  	[sflag:s25] =	ssyncset.done $0x0  }
0x9b4: {  	s4 =	sld [smem:$0x7F1];
	[sflag:s25] =	ssyncadd.s32 $0xFFFF8000  }
0x9b5: {  	[hbm4b:s3+s6] =	stream.linear.scatter [tilespmem:s29], [sflag:$0x6], $0x8000, $0x38;
	[tilespmem:$0x18400] =	vst v63  }
0x9b6: {  	_ = 	snop  }
0x9b7: {  	[hbm4b:s4+s6] =	stream.linear.scatter [tilespmem:s29], [sflag:$0x6], $0x8000, $0x38;
	[tilespmem:$0x18400] =	vst v63  }
0x9b8: {  	_ =	swait.ge [sflag:s0], $0x8000  }
0x9b9: {  	[sflag:s0] =	ssyncset.done $0x0  }
0x9ba: {  	[sflag:s0] =	ssyncadd.s32 $0xFFFF8000  }
0x9bb: {  	_ =	swait.ge [sflag:s0], $0x8000  }
0x9bc: {  	[sflag:s0] =	ssyncset.done $0x0  }
0x9bd: {  	[sflag:s0] =	ssyncadd.s32 $0xFFFF8000  }
0x9be: {  	v3 =	vld [tilespmem:$0x100];
	_ =	sdelay $0x4  }
0x9bf: {  	v52 =	vshll.u32 v3, $0x3  }
0x9c0: {  	v3 =	vand.u32 $0x7, v3;
	v4 =	vand.u32 $0xFFFFFFC0, v52  }
0x9c1: {  	v3 =	vor.u32 v3, v4  }
0x9c2: {  	v4 =	vperm.xlane v3, v0;
	_ =	sdelay $0x1  }
0x9c3: {  	v4 =	vadd.s32 v1, v4;
	_ =	sdelay $0x4  }
0x9c4: {  	[tilespmem:s30], [sflag:$0x1] =	stream.indirect_vreg.gather [hbm4b:s5+s6], $0x80, v4, vm0, $0xb8;
	[tilespmem:$0x18400] =	vst v63  }
0x9c5: {  	s4 =	simm.s32 $0xC00;
	v3 =	vperm.xlane v3, v2  }
0x9c6: {  	[tilespmem:s4], [sflag:$0x1] =	stream.indirect_vreg.gather [hbm4b:s24+s6], $0x80, v4, vm0, $0xb8;
	[tilespmem:$0x18400] =	vst v63  }
0x9c7: {  	v3 =	vadd.s32 v1, v3;
	s4 =	simm.s32 $0x1400  }
0x9c8: {  	[tilespmem:s4], [sflag:$0x1] =	stream.indirect_vreg.gather [hbm4b:s26+s6], $0x80, v4, vm0, $0xb8;
	[tilespmem:$0x18400] =	vst v63  }
0x9c9: {  	s4 =	simm.s32 $0x1C00  }
0x9ca: {  	[tilespmem:s4], [sflag:$0x1] =	stream.indirect_vreg.gather [hbm4b:s28+s6], $0x80, v4, vm0, $0xb8;
	[tilespmem:$0x18400] =	vst v63  }
0x9cb: {  	s4 =	simm.s32 $0x2400  }
0x9cc: {  	[tilespmem:s4], [sflag:$0x1] =	stream.indirect_vreg.gather [hbm4b:s5+s6], $0x80, v3, vm0, $0xb8;
	[tilespmem:$0x18400] =	vst v63  }
0x9cd: {  	s4 =	simm.s32 $0x2C00  }
0x9ce: {  	[tilespmem:s4], [sflag:$0x1] =	stream.indirect_vreg.gather [hbm4b:s24+s6], $0x80, v3, vm0, $0xb8;
	[tilespmem:$0x18400] =	vst v63  }
0x9cf: {  	s4 =	simm.s32 $0x3400  }
0x9d0: {  	[tilespmem:s4], [sflag:$0x1] =	stream.indirect_vreg.gather [hbm4b:s26+s6], $0x80, v3, vm0, $0xb8;
	[tilespmem:$0x18400] =	vst v63  }
0x9d1: {  	s4 =	simm.s32 $0x3C00  }
0x9d2: {  	[tilespmem:s4], [sflag:$0x1] =	stream.indirect_vreg.gather [hbm4b:s28+s6], $0x80, v3, vm0, $0xb8;
	[tilespmem:$0x18400] =	vst v63  }
0x9d3: {  	v3 =	vld [tilespmem:$0x110];
	_ =	sdelay $0x4  }
0x9d4: {  	v53 =	vshll.u32 v3, $0x3  }
0x9d5: {  	v3 =	vand.u32 $0x7, v3;
	v4 =	vand.u32 $0xFFFFFFC0, v53  }
0x9d6: {  	v3 =	vor.u32 v3, v4  }
0x9d7: {  	v4 =	vperm.xlane v3, v0;
	_ =	sdelay $0x1  }
0x9d8: {  	v4 =	vadd.s32 v1, v4;
	_ =	sdelay $0x3  }
0x9d9: {  	s4 =	simm.s32 $0x4400  }
0x9da: {  	[tilespmem:s4], [sflag:$0x1] =	stream.indirect_vreg.gather [hbm4b:s5+s6], $0x80, v4, vm0, $0xb8;
	[tilespmem:$0x18400] =	vst v63  }
0x9db: {  	v3 =	vperm.xlane v3, v2;
	s4 =	simm.s32 $0x4C00  }
0x9dc: {  	[tilespmem:s4], [sflag:$0x1] =	stream.indirect_vreg.gather [hbm4b:s24+s6], $0x80, v4, vm0, $0xb8;
	[tilespmem:$0x18400] =	vst v63  }
0x9dd: {  	v3 =	vadd.s32 v1, v3;
	s4 =	simm.s32 $0x5400  }
0x9de: {  	[tilespmem:s4], [sflag:$0x1] =	stream.indirect_vreg.gather [hbm4b:s26+s6], $0x80, v4, vm0, $0xb8;
	[tilespmem:$0x18400] =	vst v63  }
0x9df: {  	s4 =	simm.s32 $0x5C00  }
0x9e0: {  	[tilespmem:s4], [sflag:$0x1] =	stream.indirect_vreg.gather [hbm4b:s28+s6], $0x80, v4, vm0, $0xb8;
	[tilespmem:$0x18400] =	vst v63  }
0x9e1: {  	s4 =	simm.s32 $0x6400  }
0x9e2: {  	[tilespmem:s4], [sflag:$0x1] =	stream.indirect_vreg.gather [hbm4b:s5+s6], $0x80, v3, vm0, $0xb8;
	[tilespmem:$0x18400] =	vst v63  }
0x9e3: {  	s4 =	simm.s32 $0x6C00  }
0x9e4: {  	[tilespmem:s4], [sflag:$0x1] =	stream.indirect_vreg.gather [hbm4b:s24+s6], $0x80, v3, vm0, $0xb8;
	[tilespmem:$0x18400] =	vst v63  }
0x9e5: {  	s4 =	simm.s32 $0x7400  }
0x9e6: {  	[tilespmem:s4], [sflag:$0x1] =	stream.indirect_vreg.gather [hbm4b:s26+s6], $0x80, v3, vm0, $0xb8;
	[tilespmem:$0x18400] =	vst v63  }
0x9e7: {  	s4 =	simm.s32 $0x7C00  }
0x9e8: {  	[tilespmem:s4], [sflag:$0x1] =	stream.indirect_vreg.gather [hbm4b:s28+s6], $0x80, v3, vm0, $0xb8;
	[tilespmem:$0x18400] =	vst v63  }
0x9e9: {  	_ =	swait.ge [sflag:s31], $0x8000  }
0x9ea: {  	s3 =	sld [smem:$0x7F2]  }
0x9eb: {  	[sflag:s31] =	ssyncset.done $0x0  }
0x9ec: {  	s4 =	sld [smem:$0x7F3];
	[sflag:s31] =	ssyncadd.s32 $0xFFFF8000  }
0x9ed: {  	[hbm4b:s3+s6] =	stream.linear.scatter [tilespmem:s30], [sflag:$0x4], $0x8000, $0x38;
	[tilespmem:$0x18400] =	vst v63  }
0x9ee: {  	_ = 	snop  }
0x9ef: {  	[hbm4b:s4+s6] =	stream.linear.scatter [tilespmem:s30], [sflag:$0x4], $0x8000, $0x38;
	[tilespmem:$0x18400] =	vst v63  }
0x9f0: {  	_ =	swait.ge [sflag:s1], $0x8000  }
0x9f1: {  	[sflag:s1] =	ssyncset.done $0x0  }
0x9f2: {  	[sflag:s1] =	ssyncadd.s32 $0xFFFF8000  }
0x9f3: {  	_ =	swait.ge [sflag:s1], $0x8000  }
0x9f4: {  	[sflag:s1] =	ssyncset.done $0x0  }
0x9f5: {  	[sflag:s1] =	ssyncadd.s32 $0xFFFF8000  }
0x9f6: {  	v3 =	vld [tilespmem:$0x180];
	_ =	sdelay $0x4  }
0x9f7: {  	v54 =	vshll.u32 v3, $0x3  }
0x9f8: {  	v3 =	vand.u32 $0x7, v3;
	v4 =	vand.u32 $0xFFFFFFC0, v54  }
0x9f9: {  	v3 =	vor.u32 v3, v4  }
0x9fa: {  	v4 =	vperm.xlane v3, v0;
	_ =	sdelay $0x1  }
0x9fb: {  	v4 =	vadd.s32 v1, v4;
	_ =	sdelay $0x4  }
0x9fc: {  	[tilespmem:s7], [sflag:$0x2] =	stream.indirect_vreg.gather [hbm4b:s5+s6], $0x80, v4, vm0, $0xb8;
	[tilespmem:$0x18400] =	vst v63  }
0x9fd: {  	s4 =	simm.s32 $0x8C00;
	v3 =	vperm.xlane v3, v2  }
0x9fe: {  	[tilespmem:s4], [sflag:$0x2] =	stream.indirect_vreg.gather [hbm4b:s24+s6], $0x80, v4, vm0, $0xb8;
	[tilespmem:$0x18400] =	vst v63  }
0x9ff: {  	v3 =	vadd.s32 v1, v3;
	s4 =	simm.s32 $0x9400  }
0xa00: {  	[tilespmem:s4], [sflag:$0x2] =	stream.indirect_vreg.gather [hbm4b:s26+s6], $0x80, v4, vm0, $0xb8;
	[tilespmem:$0x18400] =	vst v63  }
0xa01: {  	s4 =	simm.s32 $0x9C00  }
0xa02: {  	[tilespmem:s4], [sflag:$0x2] =	stream.indirect_vreg.gather [hbm4b:s28+s6], $0x80, v4, vm0, $0xb8;
	[tilespmem:$0x18400] =	vst v63  }
0xa03: {  	s4 =	simm.s32 $0xA400  }
0xa04: {  	[tilespmem:s4], [sflag:$0x2] =	stream.indirect_vreg.gather [hbm4b:s5+s6], $0x80, v3, vm0, $0xb8;
	[tilespmem:$0x18400] =	vst v63  }
0xa05: {  	s4 =	simm.s32 $0xAC00  }
0xa06: {  	[tilespmem:s4], [sflag:$0x2] =	stream.indirect_vreg.gather [hbm4b:s24+s6], $0x80, v3, vm0, $0xb8;
	[tilespmem:$0x18400] =	vst v63  }
0xa07: {  	s4 =	simm.s32 $0xB400  }
0xa08: {  	[tilespmem:s4], [sflag:$0x2] =	stream.indirect_vreg.gather [hbm4b:s26+s6], $0x80, v3, vm0, $0xb8;
	[tilespmem:$0x18400] =	vst v63  }
0xa09: {  	s4 =	simm.s32 $0xBC00  }
0xa0a: {  	[tilespmem:s4], [sflag:$0x2] =	stream.indirect_vreg.gather [hbm4b:s28+s6], $0x80, v3, vm0, $0xb8;
	[tilespmem:$0x18400] =	vst v63  }
0xa0b: {  	v3 =	vld [tilespmem:$0x190];
	_ =	sdelay $0x4  }
0xa0c: {  	v55 =	vshll.u32 v3, $0x3  }
0xa0d: {  	v3 =	vand.u32 $0x7, v3;
	v4 =	vand.u32 $0xFFFFFFC0, v55  }
0xa0e: {  	v3 =	vor.u32 v3, v4  }
0xa0f: {  	v4 =	vperm.xlane v3, v0;
	_ =	sdelay $0x1  }
0xa10: {  	v4 =	vadd.s32 v1, v4;
	_ =	sdelay $0x3  }
0xa11: {  	s4 =	simm.s32 $0xC400  }
0xa12: {  	[tilespmem:s4], [sflag:$0x2] =	stream.indirect_vreg.gather [hbm4b:s5+s6], $0x80, v4, vm0, $0xb8;
	[tilespmem:$0x18400] =	vst v63  }
0xa13: {  	v3 =	vperm.xlane v3, v2;
	s4 =	simm.s32 $0xCC00  }
0xa14: {  	[tilespmem:s4], [sflag:$0x2] =	stream.indirect_vreg.gather [hbm4b:s24+s6], $0x80, v4, vm0, $0xb8;
	[tilespmem:$0x18400] =	vst v63  }
0xa15: {  	v3 =	vadd.s32 v1, v3;
	s4 =	simm.s32 $0xD400  }
0xa16: {  	[tilespmem:s4], [sflag:$0x2] =	stream.indirect_vreg.gather [hbm4b:s26+s6], $0x80, v4, vm0, $0xb8;
	[tilespmem:$0x18400] =	vst v63  }
0xa17: {  	s4 =	simm.s32 $0xDC00  }
0xa18: {  	[tilespmem:s4], [sflag:$0x2] =	stream.indirect_vreg.gather [hbm4b:s28+s6], $0x80, v4, vm0, $0xb8;
	[tilespmem:$0x18400] =	vst v63  }
0xa19: {  	s4 =	simm.s32 $0xE400  }
0xa1a: {  	[tilespmem:s4], [sflag:$0x2] =	stream.indirect_vreg.gather [hbm4b:s5+s6], $0x80, v3, vm0, $0xb8;
	[tilespmem:$0x18400] =	vst v63  }
0xa1b: {  	s4 =	simm.s32 $0xEC00  }
0xa1c: {  	[tilespmem:s4], [sflag:$0x2] =	stream.indirect_vreg.gather [hbm4b:s24+s6], $0x80, v3, vm0, $0xb8;
	[tilespmem:$0x18400] =	vst v63  }
0xa1d: {  	s4 =	simm.s32 $0xF400  }
0xa1e: {  	[tilespmem:s4], [sflag:$0x2] =	stream.indirect_vreg.gather [hbm4b:s26+s6], $0x80, v3, vm0, $0xb8;
	[tilespmem:$0x18400] =	vst v63  }
0xa1f: {  	s4 =	simm.s32 $0xFC00  }
0xa20: {  	[tilespmem:s4], [sflag:$0x2] =	stream.indirect_vreg.gather [hbm4b:s28+s6], $0x80, v3, vm0, $0xb8;
	[tilespmem:$0x18400] =	vst v63  }
0xa21: {  	_ =	swait.ge [sflag:s8], $0x8000  }
0xa22: {  	s3 =	sld [smem:$0x7F4]  }
0xa23: {  	[sflag:s8] =	ssyncset.done $0x0  }
0xa24: {  	s4 =	sld [smem:$0x7F5];
	[sflag:s8] =	ssyncadd.s32 $0xFFFF8000  }
0xa25: {  	[hbm4b:s3+s6] =	stream.linear.scatter [tilespmem:s7], [sflag:$0x5], $0x8000, $0x38;
	[tilespmem:$0x18400] =	vst v63  }
0xa26: {  	_ = 	snop  }
0xa27: {  	[hbm4b:s4+s6] =	stream.linear.scatter [tilespmem:s7], [sflag:$0x5], $0x8000, $0x38;
	[tilespmem:$0x18400] =	vst v63  }
0xa28: {  	_ =	swait.ge [sflag:s2], $0x8000  }
0xa29: {  	[sflag:s2] =	ssyncset.done $0x0  }
0xa2a: {  	[sflag:s2] =	ssyncadd.s32 $0xFFFF8000  }
0xa2b: {  	_ =	swait.ge [sflag:s2], $0x8000  }
0xa2c: {  	[sflag:s2] =	ssyncset.done $0x0  }
0xa2d: {  	[sflag:s2] =	ssyncadd.s32 $0xFFFF8000  }
0xa2e: {  	v3 =	vld [tilespmem:$0x200];
	_ =	sdelay $0x4  }
0xa2f: {  	v56 =	vshll.u32 v3, $0x3  }
0xa30: {  	v3 =	vand.u32 $0x7, v3;
	v4 =	vand.u32 $0xFFFFFFC0, v56  }
0xa31: {  	v3 =	vor.u32 v3, v4  }
0xa32: {  	v4 =	vperm.xlane v3, v0;
	_ =	sdelay $0x1  }
0xa33: {  	v4 =	vadd.s32 v1, v4;
	_ =	sdelay $0x4  }
0xa34: {  	[tilespmem:s29], [sflag:$0x3] =	stream.indirect_vreg.gather [hbm4b:s5+s6], $0x80, v4, vm0, $0xb8;
	[tilespmem:$0x18400] =	vst v63  }
0xa35: {  	s4 =	simm.s32 $0x10C00;
	v3 =	vperm.xlane v3, v2  }
0xa36: {  	[tilespmem:s4], [sflag:$0x3] =	stream.indirect_vreg.gather [hbm4b:s24+s6], $0x80, v4, vm0, $0xb8;
	[tilespmem:$0x18400] =	vst v63  }
0xa37: {  	v3 =	vadd.s32 v1, v3;
	s4 =	simm.s32 $0x11400  }
0xa38: {  	[tilespmem:s4], [sflag:$0x3] =	stream.indirect_vreg.gather [hbm4b:s26+s6], $0x80, v4, vm0, $0xb8;
	[tilespmem:$0x18400] =	vst v63  }
0xa39: {  	s4 =	simm.s32 $0x11C00  }
0xa3a: {  	[tilespmem:s4], [sflag:$0x3] =	stream.indirect_vreg.gather [hbm4b:s28+s6], $0x80, v4, vm0, $0xb8;
	[tilespmem:$0x18400] =	vst v63  }
0xa3b: {  	s4 =	simm.s32 $0x12400  }
0xa3c: {  	[tilespmem:s4], [sflag:$0x3] =	stream.indirect_vreg.gather [hbm4b:s5+s6], $0x80, v3, vm0, $0xb8;
	[tilespmem:$0x18400] =	vst v63  }
0xa3d: {  	s4 =	simm.s32 $0x12C00  }
0xa3e: {  	[tilespmem:s4], [sflag:$0x3] =	stream.indirect_vreg.gather [hbm4b:s24+s6], $0x80, v3, vm0, $0xb8;
	[tilespmem:$0x18400] =	vst v63  }
0xa3f: {  	s4 =	simm.s32 $0x13400  }
0xa40: {  	[tilespmem:s4], [sflag:$0x3] =	stream.indirect_vreg.gather [hbm4b:s26+s6], $0x80, v3, vm0, $0xb8;
	[tilespmem:$0x18400] =	vst v63  }
0xa41: {  	s4 =	simm.s32 $0x13C00  }
0xa42: {  	[tilespmem:s4], [sflag:$0x3] =	stream.indirect_vreg.gather [hbm4b:s28+s6], $0x80, v3, vm0, $0xb8;
	[tilespmem:$0x18400] =	vst v63  }
0xa43: {  	v3 =	vld [tilespmem:$0x210];
	_ =	sdelay $0x4  }
0xa44: {  	v57 =	vshll.u32 v3, $0x3  }
0xa45: {  	v3 =	vand.u32 $0x7, v3;
	v4 =	vand.u32 $0xFFFFFFC0, v57  }
0xa46: {  	v3 =	vor.u32 v3, v4  }
0xa47: {  	v4 =	vperm.xlane v3, v0;
	_ =	sdelay $0x1  }
0xa48: {  	v4 =	vadd.s32 v1, v4;
	_ =	sdelay $0x3  }
0xa49: {  	s4 =	simm.s32 $0x14400  }
0xa4a: {  	[tilespmem:s4], [sflag:$0x3] =	stream.indirect_vreg.gather [hbm4b:s5+s6], $0x80, v4, vm0, $0xb8;
	[tilespmem:$0x18400] =	vst v63  }
0xa4b: {  	v3 =	vperm.xlane v3, v2;
	s4 =	simm.s32 $0x14C00  }
0xa4c: {  	[tilespmem:s4], [sflag:$0x3] =	stream.indirect_vreg.gather [hbm4b:s24+s6], $0x80, v4, vm0, $0xb8;
	[tilespmem:$0x18400] =	vst v63  }
0xa4d: {  	v3 =	vadd.s32 v1, v3;
	s4 =	simm.s32 $0x15400  }
0xa4e: {  	[tilespmem:s4], [sflag:$0x3] =	stream.indirect_vreg.gather [hbm4b:s26+s6], $0x80, v4, vm0, $0xb8;
	[tilespmem:$0x18400] =	vst v63  }
0xa4f: {  	s4 =	simm.s32 $0x15C00  }
0xa50: {  	[tilespmem:s4], [sflag:$0x3] =	stream.indirect_vreg.gather [hbm4b:s28+s6], $0x80, v4, vm0, $0xb8;
	[tilespmem:$0x18400] =	vst v63  }
0xa51: {  	s4 =	simm.s32 $0x16400  }
0xa52: {  	[tilespmem:s4], [sflag:$0x3] =	stream.indirect_vreg.gather [hbm4b:s5+s6], $0x80, v3, vm0, $0xb8;
	[tilespmem:$0x18400] =	vst v63  }
0xa53: {  	s4 =	simm.s32 $0x16C00  }
0xa54: {  	[tilespmem:s4], [sflag:$0x3] =	stream.indirect_vreg.gather [hbm4b:s24+s6], $0x80, v3, vm0, $0xb8;
	[tilespmem:$0x18400] =	vst v63  }
0xa55: {  	s4 =	simm.s32 $0x17400  }
0xa56: {  	[tilespmem:s4], [sflag:$0x3] =	stream.indirect_vreg.gather [hbm4b:s26+s6], $0x80, v3, vm0, $0xb8;
	[tilespmem:$0x18400] =	vst v63  }
0xa57: {  	s4 =	simm.s32 $0x17C00  }
0xa58: {  	[tilespmem:s4], [sflag:$0x3] =	stream.indirect_vreg.gather [hbm4b:s28+s6], $0x80, v3, vm0, $0xb8;
	[tilespmem:$0x18400] =	vst v63  }
0xa59: {  	_ =	swait.ge [sflag:s25], $0x8000  }
0xa5a: {  	s3 =	sld [smem:$0x7F6]  }
0xa5b: {  	[sflag:s25] =	ssyncset.done $0x0  }
0xa5c: {  	s4 =	sld [smem:$0x7F7];
	[sflag:s25] =	ssyncadd.s32 $0xFFFF8000  }
0xa5d: {  	[hbm4b:s3+s6] =	stream.linear.scatter [tilespmem:s29], [sflag:$0x6], $0x8000, $0x38;
	[tilespmem:$0x18400] =	vst v63  }
0xa5e: {  	_ = 	snop  }
0xa5f: {  	[hbm4b:s4+s6] =	stream.linear.scatter [tilespmem:s29], [sflag:$0x6], $0x8000, $0x38;
	[tilespmem:$0x18400] =	vst v63  }
0xa60: {  	_ =	swait.ge [sflag:s0], $0x8000  }
0xa61: {  	[sflag:s0] =	ssyncset.done $0x0  }
0xa62: {  	[sflag:s0] =	ssyncadd.s32 $0xFFFF8000  }
0xa63: {  	_ =	swait.ge [sflag:s0], $0x8000  }
0xa64: {  	[sflag:s0] =	ssyncset.done $0x0  }
0xa65: {  	[sflag:s0] =	ssyncadd.s32 $0xFFFF8000  }
0xa66: {  	v3 =	vld [tilespmem:$0x280];
	_ =	sdelay $0x4  }
0xa67: {  	v58 =	vshll.u32 v3, $0x3  }
0xa68: {  	v3 =	vand.u32 $0x7, v3;
	v4 =	vand.u32 $0xFFFFFFC0, v58  }
0xa69: {  	v3 =	vor.u32 v3, v4  }
0xa6a: {  	v4 =	vperm.xlane v3, v0;
	_ =	sdelay $0x1  }
0xa6b: {  	v4 =	vadd.s32 v1, v4;
	_ =	sdelay $0x4  }
0xa6c: {  	[tilespmem:s30], [sflag:$0x1] =	stream.indirect_vreg.gather [hbm4b:s5+s6], $0x80, v4, vm0, $0xb8;
	[tilespmem:$0x18400] =	vst v63  }
0xa6d: {  	s4 =	simm.s32 $0xC00;
	v3 =	vperm.xlane v3, v2  }
0xa6e: {  	[tilespmem:s4], [sflag:$0x1] =	stream.indirect_vreg.gather [hbm4b:s24+s6], $0x80, v4, vm0, $0xb8;
	[tilespmem:$0x18400] =	vst v63  }
0xa6f: {  	v3 =	vadd.s32 v1, v3;
	s4 =	simm.s32 $0x1400  }
0xa70: {  	[tilespmem:s4], [sflag:$0x1] =	stream.indirect_vreg.gather [hbm4b:s26+s6], $0x80, v4, vm0, $0xb8;
	[tilespmem:$0x18400] =	vst v63  }
0xa71: {  	s4 =	simm.s32 $0x1C00  }
0xa72: {  	[tilespmem:s4], [sflag:$0x1] =	stream.indirect_vreg.gather [hbm4b:s28+s6], $0x80, v4, vm0, $0xb8;
	[tilespmem:$0x18400] =	vst v63  }
0xa73: {  	s4 =	simm.s32 $0x2400  }
0xa74: {  	[tilespmem:s4], [sflag:$0x1] =	stream.indirect_vreg.gather [hbm4b:s5+s6], $0x80, v3, vm0, $0xb8;
	[tilespmem:$0x18400] =	vst v63  }
0xa75: {  	s4 =	simm.s32 $0x2C00  }
0xa76: {  	[tilespmem:s4], [sflag:$0x1] =	stream.indirect_vreg.gather [hbm4b:s24+s6], $0x80, v3, vm0, $0xb8;
	[tilespmem:$0x18400] =	vst v63  }
0xa77: {  	s4 =	simm.s32 $0x3400  }
0xa78: {  	[tilespmem:s4], [sflag:$0x1] =	stream.indirect_vreg.gather [hbm4b:s26+s6], $0x80, v3, vm0, $0xb8;
	[tilespmem:$0x18400] =	vst v63  }
0xa79: {  	s4 =	simm.s32 $0x3C00  }
0xa7a: {  	[tilespmem:s4], [sflag:$0x1] =	stream.indirect_vreg.gather [hbm4b:s28+s6], $0x80, v3, vm0, $0xb8;
	[tilespmem:$0x18400] =	vst v63  }
0xa7b: {  	v3 =	vld [tilespmem:$0x290];
	_ =	sdelay $0x4  }
0xa7c: {  	v59 =	vshll.u32 v3, $0x3  }
0xa7d: {  	v3 =	vand.u32 $0x7, v3;
	v4 =	vand.u32 $0xFFFFFFC0, v59  }
0xa7e: {  	v3 =	vor.u32 v3, v4  }
0xa7f: {  	v4 =	vperm.xlane v3, v0;
	_ =	sdelay $0x1  }
0xa80: {  	v4 =	vadd.s32 v1, v4;
	_ =	sdelay $0x3  }
0xa81: {  	s4 =	simm.s32 $0x4400  }
0xa82: {  	[tilespmem:s4], [sflag:$0x1] =	stream.indirect_vreg.gather [hbm4b:s5+s6], $0x80, v4, vm0, $0xb8;
	[tilespmem:$0x18400] =	vst v63  }
0xa83: {  	v3 =	vperm.xlane v3, v2;
	s4 =	simm.s32 $0x4C00  }
0xa84: {  	[tilespmem:s4], [sflag:$0x1] =	stream.indirect_vreg.gather [hbm4b:s24+s6], $0x80, v4, vm0, $0xb8;
	[tilespmem:$0x18400] =	vst v63  }
0xa85: {  	v3 =	vadd.s32 v1, v3;
	s4 =	simm.s32 $0x5400  }
0xa86: {  	[tilespmem:s4], [sflag:$0x1] =	stream.indirect_vreg.gather [hbm4b:s26+s6], $0x80, v4, vm0, $0xb8;
	[tilespmem:$0x18400] =	vst v63  }
0xa87: {  	s4 =	simm.s32 $0x5C00  }
0xa88: {  	[tilespmem:s4], [sflag:$0x1] =	stream.indirect_vreg.gather [hbm4b:s28+s6], $0x80, v4, vm0, $0xb8;
	[tilespmem:$0x18400] =	vst v63  }
0xa89: {  	s4 =	simm.s32 $0x6400  }
0xa8a: {  	[tilespmem:s4], [sflag:$0x1] =	stream.indirect_vreg.gather [hbm4b:s5+s6], $0x80, v3, vm0, $0xb8;
	[tilespmem:$0x18400] =	vst v63  }
0xa8b: {  	s4 =	simm.s32 $0x6C00  }
0xa8c: {  	[tilespmem:s4], [sflag:$0x1] =	stream.indirect_vreg.gather [hbm4b:s24+s6], $0x80, v3, vm0, $0xb8;
	[tilespmem:$0x18400] =	vst v63  }
0xa8d: {  	s4 =	simm.s32 $0x7400  }
0xa8e: {  	[tilespmem:s4], [sflag:$0x1] =	stream.indirect_vreg.gather [hbm4b:s26+s6], $0x80, v3, vm0, $0xb8;
	[tilespmem:$0x18400] =	vst v63  }
0xa8f: {  	s4 =	simm.s32 $0x7C00  }
0xa90: {  	[tilespmem:s4], [sflag:$0x1] =	stream.indirect_vreg.gather [hbm4b:s28+s6], $0x80, v3, vm0, $0xb8;
	[tilespmem:$0x18400] =	vst v63  }
0xa91: {  	_ =	swait.ge [sflag:s31], $0x8000  }
0xa92: {  	s3 =	sld [smem:$0x7F8]  }
0xa93: {  	[sflag:s31] =	ssyncset.done $0x0  }
0xa94: {  	s4 =	sld [smem:$0x7F9];
	[sflag:s31] =	ssyncadd.s32 $0xFFFF8000  }
0xa95: {  	[hbm4b:s3+s6] =	stream.linear.scatter [tilespmem:s30], [sflag:$0x4], $0x8000, $0x38;
	[tilespmem:$0x18400] =	vst v63  }
0xa96: {  	_ = 	snop  }
0xa97: {  	[hbm4b:s4+s6] =	stream.linear.scatter [tilespmem:s30], [sflag:$0x4], $0x8000, $0x38;
	[tilespmem:$0x18400] =	vst v63  }
0xa98: {  	_ =	swait.ge [sflag:s1], $0x8000  }
0xa99: {  	[sflag:s1] =	ssyncset.done $0x0  }
0xa9a: {  	[sflag:s1] =	ssyncadd.s32 $0xFFFF8000  }
0xa9b: {  	_ =	swait.ge [sflag:s1], $0x8000  }
0xa9c: {  	[sflag:s1] =	ssyncset.done $0x0  }
0xa9d: {  	[sflag:s1] =	ssyncadd.s32 $0xFFFF8000  }
0xa9e: {  	v3 =	vld [tilespmem:$0x300];
	_ =	sdelay $0x4  }
0xa9f: {  	v60 =	vshll.u32 v3, $0x3  }
0xaa0: {  	v3 =	vand.u32 $0x7, v3;
	v4 =	vand.u32 $0xFFFFFFC0, v60  }
0xaa1: {  	v3 =	vor.u32 v3, v4  }
0xaa2: {  	v4 =	vperm.xlane v3, v0;
	_ =	sdelay $0x1  }
0xaa3: {  	v4 =	vadd.s32 v1, v4;
	_ =	sdelay $0x4  }
0xaa4: {  	[tilespmem:s7], [sflag:$0x2] =	stream.indirect_vreg.gather [hbm4b:s5+s6], $0x80, v4, vm0, $0xb8;
	[tilespmem:$0x18400] =	vst v63  }
0xaa5: {  	s4 =	simm.s32 $0x8C00;
	v3 =	vperm.xlane v3, v2  }
0xaa6: {  	[tilespmem:s4], [sflag:$0x2] =	stream.indirect_vreg.gather [hbm4b:s24+s6], $0x80, v4, vm0, $0xb8;
	[tilespmem:$0x18400] =	vst v63  }
0xaa7: {  	v3 =	vadd.s32 v1, v3;
	s4 =	simm.s32 $0x9400  }
0xaa8: {  	[tilespmem:s4], [sflag:$0x2] =	stream.indirect_vreg.gather [hbm4b:s26+s6], $0x80, v4, vm0, $0xb8;
	[tilespmem:$0x18400] =	vst v63  }
0xaa9: {  	s4 =	simm.s32 $0x9C00  }
0xaaa: {  	[tilespmem:s4], [sflag:$0x2] =	stream.indirect_vreg.gather [hbm4b:s28+s6], $0x80, v4, vm0, $0xb8;
	[tilespmem:$0x18400] =	vst v63  }
0xaab: {  	s4 =	simm.s32 $0xA400  }
0xaac: {  	[tilespmem:s4], [sflag:$0x2] =	stream.indirect_vreg.gather [hbm4b:s5+s6], $0x80, v3, vm0, $0xb8;
	[tilespmem:$0x18400] =	vst v63  }
0xaad: {  	s4 =	simm.s32 $0xAC00  }
0xaae: {  	[tilespmem:s4], [sflag:$0x2] =	stream.indirect_vreg.gather [hbm4b:s24+s6], $0x80, v3, vm0, $0xb8;
	[tilespmem:$0x18400] =	vst v63  }
0xaaf: {  	s4 =	simm.s32 $0xB400  }
0xab0: {  	[tilespmem:s4], [sflag:$0x2] =	stream.indirect_vreg.gather [hbm4b:s26+s6], $0x80, v3, vm0, $0xb8;
	[tilespmem:$0x18400] =	vst v63  }
0xab1: {  	s4 =	simm.s32 $0xBC00  }
0xab2: {  	[tilespmem:s4], [sflag:$0x2] =	stream.indirect_vreg.gather [hbm4b:s28+s6], $0x80, v3, vm0, $0xb8;
	[tilespmem:$0x18400] =	vst v63  }
0xab3: {  	v3 =	vld [tilespmem:$0x310];
	_ =	sdelay $0x4  }
0xab4: {  	v61 =	vshll.u32 v3, $0x3  }
0xab5: {  	v3 =	vand.u32 $0x7, v3;
	v4 =	vand.u32 $0xFFFFFFC0, v61  }
0xab6: {  	v3 =	vor.u32 v3, v4  }
0xab7: {  	v4 =	vperm.xlane v3, v0;
	_ =	sdelay $0x1  }
0xab8: {  	v4 =	vadd.s32 v1, v4;
	_ =	sdelay $0x3  }
0xab9: {  	s4 =	simm.s32 $0xC400  }
0xaba: {  	[tilespmem:s4], [sflag:$0x2] =	stream.indirect_vreg.gather [hbm4b:s5+s6], $0x80, v4, vm0, $0xb8;
	[tilespmem:$0x18400] =	vst v63  }
0xabb: {  	v3 =	vperm.xlane v3, v2;
	s4 =	simm.s32 $0xCC00  }
0xabc: {  	[tilespmem:s4], [sflag:$0x2] =	stream.indirect_vreg.gather [hbm4b:s24+s6], $0x80, v4, vm0, $0xb8;
	[tilespmem:$0x18400] =	vst v63  }
0xabd: {  	v3 =	vadd.s32 v1, v3;
	s4 =	simm.s32 $0xD400  }
0xabe: {  	[tilespmem:s4], [sflag:$0x2] =	stream.indirect_vreg.gather [hbm4b:s26+s6], $0x80, v4, vm0, $0xb8;
	[tilespmem:$0x18400] =	vst v63  }
0xabf: {  	s4 =	simm.s32 $0xDC00  }
0xac0: {  	[tilespmem:s4], [sflag:$0x2] =	stream.indirect_vreg.gather [hbm4b:s28+s6], $0x80, v4, vm0, $0xb8;
	[tilespmem:$0x18400] =	vst v63  }
0xac1: {  	s4 =	simm.s32 $0xE400  }
0xac2: {  	[tilespmem:s4], [sflag:$0x2] =	stream.indirect_vreg.gather [hbm4b:s5+s6], $0x80, v3, vm0, $0xb8;
	[tilespmem:$0x18400] =	vst v63  }
0xac3: {  	s4 =	simm.s32 $0xEC00  }
0xac4: {  	[tilespmem:s4], [sflag:$0x2] =	stream.indirect_vreg.gather [hbm4b:s24+s6], $0x80, v3, vm0, $0xb8;
	[tilespmem:$0x18400] =	vst v63  }
0xac5: {  	s4 =	simm.s32 $0xF400  }
0xac6: {  	[tilespmem:s4], [sflag:$0x2] =	stream.indirect_vreg.gather [hbm4b:s26+s6], $0x80, v3, vm0, $0xb8;
	[tilespmem:$0x18400] =	vst v63  }
0xac7: {  	s4 =	simm.s32 $0xFC00  }
0xac8: {  	[tilespmem:s4], [sflag:$0x2] =	stream.indirect_vreg.gather [hbm4b:s28+s6], $0x80, v3, vm0, $0xb8;
	[tilespmem:$0x18400] =	vst v63  }
0xac9: {  	_ =	swait.ge [sflag:s8], $0x8000  }
0xaca: {  	s3 =	sld [smem:$0x7FA]  }
0xacb: {  	[sflag:s8] =	ssyncset.done $0x0  }
0xacc: {  	s4 =	sld [smem:$0x7FB];
	[sflag:s8] =	ssyncadd.s32 $0xFFFF8000  }
0xacd: {  	[hbm4b:s3+s6] =	stream.linear.scatter [tilespmem:s7], [sflag:$0x5], $0x8000, $0x38;
	[tilespmem:$0x18400] =	vst v63  }
0xace: {  	_ = 	snop  }
0xacf: {  	[hbm4b:s4+s6] =	stream.linear.scatter [tilespmem:s7], [sflag:$0x5], $0x8000, $0x38;
	[tilespmem:$0x18400] =	vst v63  }
0xad0: {  	_ =	swait.ge [sflag:s2], $0x8000  }
0xad1: {  	[sflag:s2] =	ssyncset.done $0x0  }
0xad2: {  	[sflag:s2] =	ssyncadd.s32 $0xFFFF8000  }
0xad3: {  	_ =	swait.ge [sflag:s2], $0x8000  }
0xad4: {  	[sflag:s2] =	ssyncset.done $0x0  }
0xad5: {  	[sflag:s2] =	ssyncadd.s32 $0xFFFF8000  }
0xad6: {  	v3 =	vld [tilespmem:$0x380];
	_ =	sdelay $0x4  }
0xad7: {  	v62 =	vshll.u32 v3, $0x3  }
0xad8: {  	v3 =	vand.u32 $0x7, v3;
	v4 =	vand.u32 $0xFFFFFFC0, v62  }
0xad9: {  	v3 =	vor.u32 v3, v4  }
0xada: {  	v4 =	vperm.xlane v3, v0;
	_ =	sdelay $0x1  }
0xadb: {  	v4 =	vadd.s32 v1, v4;
	_ =	sdelay $0x4  }
0xadc: {  	[tilespmem:s29], [sflag:$0x3] =	stream.indirect_vreg.gather [hbm4b:s5+s6], $0x80, v4, vm0, $0xb8;
	[tilespmem:$0x18400] =	vst v63  }
0xadd: {  	s4 =	simm.s32 $0x10C00;
	v3 =	vperm.xlane v3, v2  }
0xade: {  	[tilespmem:s4], [sflag:$0x3] =	stream.indirect_vreg.gather [hbm4b:s24+s6], $0x80, v4, vm0, $0xb8;
	[tilespmem:$0x18400] =	vst v63  }
0xadf: {  	v3 =	vadd.s32 v1, v3;
	s4 =	simm.s32 $0x11400  }
0xae0: {  	[tilespmem:s4], [sflag:$0x3] =	stream.indirect_vreg.gather [hbm4b:s26+s6], $0x80, v4, vm0, $0xb8;
	[tilespmem:$0x18400] =	vst v63  }
0xae1: {  	s4 =	simm.s32 $0x11C00  }
0xae2: {  	[tilespmem:s4], [sflag:$0x3] =	stream.indirect_vreg.gather [hbm4b:s28+s6], $0x80, v4, vm0, $0xb8;
	[tilespmem:$0x18400] =	vst v63  }
0xae3: {  	s4 =	simm.s32 $0x12400  }
0xae4: {  	[tilespmem:s4], [sflag:$0x3] =	stream.indirect_vreg.gather [hbm4b:s5+s6], $0x80, v3, vm0, $0xb8;
	[tilespmem:$0x18400] =	vst v63  }
0xae5: {  	s4 =	simm.s32 $0x12C00  }
0xae6: {  	[tilespmem:s4], [sflag:$0x3] =	stream.indirect_vreg.gather [hbm4b:s24+s6], $0x80, v3, vm0, $0xb8;
	[tilespmem:$0x18400] =	vst v63  }
0xae7: {  	s4 =	simm.s32 $0x13400  }
0xae8: {  	[tilespmem:s4], [sflag:$0x3] =	stream.indirect_vreg.gather [hbm4b:s26+s6], $0x80, v3, vm0, $0xb8;
	[tilespmem:$0x18400] =	vst v63  }
0xae9: {  	s4 =	simm.s32 $0x13C00  }
0xaea: {  	[tilespmem:s4], [sflag:$0x3] =	stream.indirect_vreg.gather [hbm4b:s28+s6], $0x80, v3, vm0, $0xb8;
	[tilespmem:$0x18400] =	vst v63  }
0xaeb: {  	v3 =	vld [tilespmem:$0x390];
	_ =	sdelay $0x4  }
0xaec: {  	v63 =	vshll.u32 v3, $0x3  }
0xaed: {  	v3 =	vand.u32 $0x7, v3;
	v4 =	vand.u32 $0xFFFFFFC0, v63  }
0xaee: {  	v3 =	vor.u32 v3, v4  }
0xaef: {  	v4 =	vperm.xlane v3, v0;
	_ =	sdelay $0x1  }
0xaf0: {  	v4 =	vadd.s32 v1, v4;
	_ =	sdelay $0x3  }
0xaf1: {  	s4 =	simm.s32 $0x14400  }
0xaf2: {  	[tilespmem:s4], [sflag:$0x3] =	stream.indirect_vreg.gather [hbm4b:s5+s6], $0x80, v4, vm0, $0xb8;
	[tilespmem:$0x18400] =	vst v63  }
0xaf3: {  	v3 =	vperm.xlane v3, v2;
	s4 =	simm.s32 $0x14C00  }
0xaf4: {  	[tilespmem:s4], [sflag:$0x3] =	stream.indirect_vreg.gather [hbm4b:s24+s6], $0x80, v4, vm0, $0xb8;
	[tilespmem:$0x18400] =	vst v63  }
0xaf5: {  	v3 =	vadd.s32 v1, v3;
	s4 =	simm.s32 $0x15400  }
0xaf6: {  	[tilespmem:s4], [sflag:$0x3] =	stream.indirect_vreg.gather [hbm4b:s26+s6], $0x80, v4, vm0, $0xb8;
	[tilespmem:$0x18400] =	vst v63  }
0xaf7: {  	s4 =	simm.s32 $0x15C00  }
0xaf8: {  	[tilespmem:s4], [sflag:$0x3] =	stream.indirect_vreg.gather [hbm4b:s28+s6], $0x80, v4, vm0, $0xb8;
	[tilespmem:$0x18400] =	vst v63  }
0xaf9: {  	s4 =	simm.s32 $0x16400  }
0xafa: {  	[tilespmem:s4], [sflag:$0x3] =	stream.indirect_vreg.gather [hbm4b:s5+s6], $0x80, v3, vm0, $0xb8;
	[tilespmem:$0x18400] =	vst v63  }
0xafb: {  	s4 =	simm.s32 $0x16C00  }
0xafc: {  	[tilespmem:s4], [sflag:$0x3] =	stream.indirect_vreg.gather [hbm4b:s24+s6], $0x80, v3, vm0, $0xb8;
	[tilespmem:$0x18400] =	vst v63  }
0xafd: {  	s5 =	simm.s32 $0x17400  }
0xafe: {  	[tilespmem:s5], [sflag:$0x3] =	stream.indirect_vreg.gather [hbm4b:s26+s6], $0x80, v3, vm0, $0xb8;
	[tilespmem:$0x18400] =	vst v63  }
0xaff: {  	s4 =	simm.s32 $0x17C00  }
0xb00: {  	[tilespmem:s4], [sflag:$0x3] =	stream.indirect_vreg.gather [hbm4b:s28+s6], $0x80, v3, vm0, $0xb8;
	[tilespmem:$0x18400] =	vst v63  }
0xb01: {  	_ =	swait.ge [sflag:s25], $0x8000  }
0xb02: {  	s5 =	sld [smem:$0x7FC]  }
0xb03: {  	[sflag:s25] =	ssyncset.done $0x0  }
0xb04: {  	s4 =	sld [smem:$0x7FD];
	[sflag:s25] =	ssyncadd.s32 $0xFFFF8000  }
0xb05: {  	[hbm4b:s5+s6] =	stream.linear.scatter [tilespmem:s29], [sflag:$0x6], $0x8000, $0x38;
	[tilespmem:$0x18400] =	vst v63  }
0xb06: {  	_ = 	snop  }
0xb07: {  	[hbm4b:s4+s6] =	stream.linear.scatter [tilespmem:s29], [sflag:$0x6], $0x8000, $0x38;
	[tilespmem:$0x18400] =	vst v63  }
0xb08: {  	s5 =	sld [smem:$0x7AD];
	_ =	swait.ge [sflag:s0], $0x8000  }
0xb09: {  	[sflag:s0] =	ssyncset.done $0x0  }
0xb0a: {  	[sflag:s0] =	ssyncadd.s32 $0xFFFF8000  }
0xb0b: {  	_ =	swait.ge [sflag:s0], $0x8000  }
0xb0c: {  	[sflag:s0] =	ssyncset.done $0x0  }
0xb0d: {  	[sflag:s0] =	ssyncadd.s32 $0xFFFF8000  }
0xb0e: {  	_ =	swait.ge [sflag:s1], $0x8000  }
0xb0f: {  	[sflag:s1] =	ssyncset.done $0x0  }
0xb10: {  	[sflag:s1] =	ssyncadd.s32 $0xFFFF8000  }
0xb11: {  	_ =	swait.ge [sflag:s1], $0x8000  }
0xb12: {  	[sflag:s1] =	ssyncset.done $0x0  }
0xb13: {  	[sflag:s1] =	ssyncadd.s32 $0xFFFF8000  }
0xb14: {  	p0 =	sne.s32 s5, $0x1;
	_ =	swait.ge [sflag:s2], $0x8000  }
.Ltmp0:
0xb15: {  	[sflag:s2] =	ssyncset.done $0x0;
	(pc) =	sbr.rel @p0 .LBB3_1-.Ltmp0, $4  }
0xb16: {  	[sflag:s2] =	ssyncadd.s32 $0xFFFF8000  }
0xb17: {  	_ =	swait.ge [sflag:s2], $0x8000  }
0xb18: {  	[sflag:s2] =	ssyncset.done $0x0  }
0xb19: {  	s3 =	sadd.s32 $0xFFFFFFFF, s5;
	[sflag:s2] =	ssyncadd.s32 $0xFFFF8000  }
0xb1a: {  	_ =	sfence.sel $0x180000  }
0xb1b: {  	[bflag:$0x0] =	sbarrier.arrive $0xFFFF  }
0xb1c: {  	_ =	strace $0x90000047  }
0xb1d: {  	s0 =	stileid.u32;
	[bflag:$0x2] =	sbarrier.arrive $0xFFFF  }
0xb1e: {  	p0 =	sne.s32 s0, $0x0;
	s0 =	sld [smem:$0x7AE];
	_ =	sdelay $0x2  }
0xb1f: {  	s0 =	sadd.s32 @!p0 $0x100000, s0  }
0xb20: {  	[sflag:s0] =	ssyncadd.tile.s32 @!p0 $0x1;
	_ =	shalt  }
.Lfunc_end3:
_tile_overlayer_lowered:
.L_overlay_start_3:
0xb21: {  	(tag) =	ssettag $0x3  }
0xb22: {  	s0 =	rddreg [dreg:$0x0];
	s2 =	stileid.u32  }
0xb23: {  	s1 =	rddreg [dreg:$0x1];
	p0 =	sne.s32 s2, $0x0  }
0xb24: {  	s3 =	rddreg [dreg:$0x2];
	[bflag:$0x3] =	sbarrier.arrive $0xFFFF;
	s2 =	simm.s32 @!p0 $0x1C07  }
0xb25: {  	[timem:s3], [sflag:s2] =	dma.local @!p0 [hbm:s0], s1  }
0xb26: {  	s0 =	simm.s32 @!p0 $0x7  }
0xb27: {  	_ =	swait.ge @!p0 [sflag:s0], s1  }
0xb28: {  	s1 =	ssub.s32 @!p0 $0x0, s1;
	[sflag:s0] =	ssyncset.done @!p0 $0x0  }
0xb29: {  	[sflag:s0] =	ssyncadd.s32 @!p0 s1  }
0xb2a: {  	[bflag:$0x3] =	sbarrier.arrive $0xFFFF  }
0xb2b: {  	_ =	shalt  }

</sc_bundles>
